<compile_context>
chip_gen: v7x
topology: tpu7x:2x2x1
jax: 0.10.2.dev20260603
libtpu: 0.0.44.dev20260713+nightly
codegen_flags: <defaults>
</compile_context>

<pallas_src>
import functools

import jax
import jax.numpy as jnp
from jax import lax
from jax.experimental import pallas as pl
from jax.experimental.pallas import tpu as pltpu
from jax.experimental.pallas import tpu_sc as plsc

B = 16
N = 256
K = 16
H = 64
F_IN = 128
NODES = B * N
NW = 32
NPW = NODES // NW
L = 16



_MESH = plsc.VectorSubcoreMesh(core_axis_name="c", subcore_axis_name="s")


@functools.partial(
    pl.kernel,
    out_type=jax.ShapeDtypeStruct((NODES, H), jnp.float32),
    mesh=_MESH,
    scratch_types=[
        pltpu.VMEM((N, H), jnp.float32),
        pltpu.VMEM((NPW, H), jnp.float32),
        pltpu.VMEM((NPW, K), jnp.int32),
    ],
)
def _gather_sum(hidden, adj, out, h_v, out_v, adj_v):
    c = lax.axis_index("c")
    s = lax.axis_index("s")
    wid = s * 2 + c
    node0 = pl.multiple_of(wid * NPW, NPW)
    gbase = pl.multiple_of((wid // (N // NPW)) * N, N)
    pltpu.sync_copy(hidden.at[pl.ds(gbase, N)], h_v)
    pltpu.sync_copy(adj.at[pl.ds(node0, NPW)], adj_v)

    @plsc.parallel_loop(0, NPW, 1, unroll=2)
    def _node(i):
        av = adj_v[i, :]
        ks = [av[k] for k in range(K)]
        for cc in range(H // L):
            sl = pl.ds(cc * L, L)
            p = [h_v[ks[2 * t], sl] + h_v[ks[2 * t + 1], sl]
                 for t in range(K // 2)]
            q = [p[2 * t] + p[2 * t + 1] for t in range(K // 4)]
            out_v[i, sl] = (q[0] + q[1]) + (q[2] + q[3])

    pltpu.sync_copy(out_v, out.at[pl.ds(node0, NPW)])





def _bf16rt(x):
    return x.astype(jnp.bfloat16).astype(jnp.float32)


def _dot_t(x, w, precision):
    return lax.dot_general(x, w, (((1,), (1,)), ((), ())),
                           precision=precision,
                           preferred_element_type=jnp.float32)


def _encoder_body(x_ref, w_ref, b_ref, o_ref, r_ref):
    x = x_ref[...].reshape(NODES, F_IN)
    h = jnp.maximum(
        _dot_t(x, w_ref[...], lax.Precision.DEFAULT) + b_ref[...],
        0.0)
    o_ref[...] = h
    r_ref[...] = _bf16rt(h)


_encoder = pl.pallas_call(
    _encoder_body,
    out_shape=(jax.ShapeDtypeStruct((NODES, H), jnp.float32),
               jax.ShapeDtypeStruct((NODES, H), jnp.float32)),
)


def _agg_dot(a, wg):
    ah = _bf16rt(a)
    al = a - ah
    return (_dot_t(ah, wg, lax.Precision.DEFAULT)
            + _dot_t(al, wg, lax.Precision.DEFAULT))


def _combine_body(h_ref, a_ref, wn_ref, wg_ref, b_ref, o_ref, r_ref):
    h = jnp.maximum(
        h_ref[...]
        + _dot_t(h_ref[...], wn_ref[...], lax.Precision.DEFAULT)
        + _agg_dot(a_ref[...], wg_ref[...])
        + b_ref[...],
        0.0)
    o_ref[...] = h
    r_ref[...] = _bf16rt(h)


_combine = pl.pallas_call(
    _combine_body,
    out_shape=(jax.ShapeDtypeStruct((NODES, H), jnp.float32),
               jax.ShapeDtypeStruct((NODES, H), jnp.float32)),
)


def _head_body(h_ref, a_ref, wn_ref, wg_ref, b_ref, wo1_ref, bo1_ref,
               wo2_ref, bo2_ref, o_ref):
    h3 = jnp.maximum(
        h_ref[...]
        + _dot_t(h_ref[...], wn_ref[...], lax.Precision.DEFAULT)
        + _agg_dot(a_ref[...], wg_ref[...])
        + b_ref[...],
        0.0)
    ge = jnp.mean(h3.reshape(B, N, H), axis=1)
    x = jnp.maximum(
        _dot_t(ge, wo1_ref[...], lax.Precision.DEFAULT) + bo1_ref[...],
        0.0)
    o_ref[...] = (jnp.sum(_bf16rt(x) * _bf16rt(wo2_ref[...]),
                          axis=1, keepdims=True) + bo2_ref[...])


_head = pl.pallas_call(
    _head_body,
    out_shape=jax.ShapeDtypeStruct((B, 1), jnp.float32),
)


def kernel(nodes, adj_lists, W_enc, b_enc, W1, b1, W2, b2, W3, b3, Wo1, bo1,
           Wo2, bo2):
    adj2d = adj_lists.astype(jnp.int32).reshape(NODES, K)

    def _wg(W):
        return _bf16rt(W[:, H:]) * (1.0 / K)

    h, hr = _encoder(nodes, W_enc, b_enc.reshape(1, H))
    for W, b in ((W1, b1), (W2, b2)):
        agg = _gather_sum(hr, adj2d)
        h, hr = _combine(h, agg, W[:, :H], _wg(W), b.reshape(1, H))
    agg = _gather_sum(hr, adj2d)
    return _head(h, agg, W3[:, :H], _wg(W3), b3.reshape(1, H), Wo1,
                 bo1.reshape(1, H), Wo2, bo2.reshape(1, 1))

# --- scband reference (transcript-rebuilt; emitter-appended) ---
"""Pipeline reference for scband-query-plan-gnn-46540265619522 (READ-ONLY COPY).

The authoritative reference and input builder live on the scoring server;
editing this copy changes nothing except your own understanding.
"""

import jax, jax.numpy as jnp
import numpy as np

H = 64
F_IN = 128

def setup_inputs(seed: int = 0) -> dict:
    key = jax.random.key(seed)
    ks = jax.random.split(key, 16)
    nodes = jax.random.normal(ks[0], (16, 256, F_IN), dtype=jnp.float32)
    adj_lists = jax.random.randint(ks[1], (16, 256, 16), 0, 256, dtype=jnp.int64 if jax.config.jax_enable_x64 else jnp.int32)
    s = 0.05
    W_enc = jax.random.normal(ks[2], (H, F_IN), dtype=jnp.float32) * s
    b_enc = jnp.zeros((H,), dtype=jnp.float32)
    W1 = jax.random.normal(ks[3], (H, 2 * H), dtype=jnp.float32) * s
    b1 = jnp.zeros((H,), dtype=jnp.float32)
    W2 = jax.random.normal(ks[4], (H, 2 * H), dtype=jnp.float32) * s
    b2 = jnp.zeros((H,), dtype=jnp.float32)
    W3 = jax.random.normal(ks[5], (H, 2 * H), dtype=jnp.float32) * s
    b3 = jnp.zeros((H,), dtype=jnp.float32)
    Wo1 = jax.random.normal(ks[6], (H, H), dtype=jnp.float32) * s
    bo1 = jnp.zeros((H,), dtype=jnp.float32)
    Wo2 = jax.random.normal(ks[7], (1, H), dtype=jnp.float32) * s
    bo2 = jnp.zeros((1,), dtype=jnp.float32)
    return {"nodes": nodes, "adj_lists": adj_lists, "W_enc": W_enc, "b_enc": b_enc,
            "W1": W1, "b1": b1, "W2": W2, "b2": b2, "W3": W3, "b3": b3,
            "Wo1": Wo1, "bo1": bo1, "Wo2": Wo2, "bo2": bo2}

def _message_pass(hidden, adj_lists, W, b):
    # hidden: [B, N, H], adj_lists: [B, N, K]
    safe = jnp.where(adj_lists >= 0, adj_lists, 0)
    # gather neighbor features per graph: [B, N, K, H]
    neigh = jax.vmap(lambda h, a: jnp.take(h, a, axis=0))(hidden, safe)
    node_exp = jnp.broadcast_to(hidden[:, :, None, :], neigh.shape)
    combined = jnp.concatenate([node_exp, neigh], axis=-1)  # [B, N, K, 2H]
    msg = combined @ W.T + b                                 # [B, N, K, H]
    mask = (adj_lists >= 0)[..., None].astype(msg.dtype)
    s = jnp.sum(msg * mask, axis=2)
    cnt = jnp.sum(mask, axis=2)
    message = jnp.where(cnt > 0, s / jnp.maximum(cnt, 1.0), 0.0)
    return jax.nn.relu(hidden + message)

def reference(nodes, adj_lists, W_enc, b_enc, W1, b1, W2, b2, W3, b3, Wo1, bo1, Wo2, bo2):
    # node_encoder (dropout is identity in eval mode)
    hidden = jax.nn.relu(nodes @ W_enc.T + b_enc)
    hidden = _message_pass(hidden, adj_lists, W1, b1)
    hidden = _message_pass(hidden, adj_lists, W2, b2)
    hidden = _message_pass(hidden, adj_lists, W3, b3)
    graph_embedding = jnp.mean(hidden, axis=1)  # [B, H]
    x = jax.nn.relu(graph_embedding @ Wo1.T + bo1)
    x = x @ Wo2.T + bo2  # [B, 1]
    return x

if __name__ == "__main__":
    import jax
    _d = setup_inputs()
    print(jax.jit(kernel)(*tuple(_d.values())))

</pallas_src>

<mosaic_0001>
#map = affine_map<(d0, d1) -> (0, 0)>
module attributes {stable_mosaic.version = 14 : i64} {
  func.func @_gather_sum(%arg0: i32, %arg1: i32, %arg2: memref<4096x64xf32, #tpu.memory_space<hbm>>, %arg3: memref<4096x16xi32, #tpu.memory_space<hbm>>, %arg4: memref<4096x64xf32, #tpu.memory_space<hbm>>, %arg5: memref<256x64xf32, #tpu.memory_space<vmem>>, %arg6: memref<128x64xf32, #tpu.memory_space<vmem>>, %arg7: memref<128x16xi32, #tpu.memory_space<vmem>>) attributes {dimension_semantics = [#tpu.dimension_semantics<core_parallel>, #tpu.dimension_semantics<subcore_parallel>], iteration_bounds = array<i64: 2, 16>, scalar_prefetch = 0 : i64, scratch_operands = 3 : i64, tpu.core_type = #tpu.core_type<sc_vector_subcore>, window_params = [{transform_indices = #map}, {transform_indices = #map}, {transform_indices = #map}]} {
    %mul3A = arith.constant 2 : i32
    %mul3A_0 = arith.muli %arg1, %mul3A : i32
    %add3A = arith.addi %mul3A_0, %arg0 : i32
    %mul3A_1 = arith.constant 128 : i32
    %mul3A_2 = arith.muli %add3A, %mul3A_1 : i32
    %multiple_of3A = tpu.assume_multiple %mul3A_2, 128 : i32
    %jit3A = arith.constant 2 : i32
    %div3A = arith.divsi %add3A, %jit3A : i32
    %sign3A = arith.constant 0 : i32
    %sign3A_3 = arith.cmpi sgt, %add3A, %sign3A : i32
    %sign3A_4 = arith.extui %sign3A_3 : i1 to i32
    %sign3A_5 = arith.constant 0 : i32
    %sign3A_6 = arith.cmpi slt, %add3A, %sign3A_5 : i32
    %sign3A_7 = arith.extui %sign3A_6 : i1 to i32
    %sign3A_8 = arith.subi %sign3A_4, %sign3A_7 : i32
    %sign3A_9 = arith.constant 0 : i32
    %sign3A_10 = arith.cmpi sgt, %jit3A, %sign3A_9 : i32
    %sign3A_11 = arith.extui %sign3A_10 : i1 to i32
    %sign3A_12 = arith.constant 0 : i32
    %sign3A_13 = arith.cmpi slt, %jit3A, %sign3A_12 : i32
    %sign3A_14 = arith.extui %sign3A_13 : i1 to i32
    %sign3A_15 = arith.subi %sign3A_11, %sign3A_14 : i32
    %ne3A = arith.cmpi ne, %sign3A_8, %sign3A_15 : i32
    %rem3A = arith.remsi %add3A, %jit3A : i32
    %ne3A_16 = arith.constant 0 : i32
    %ne3A_17 = arith.cmpi ne, %rem3A, %ne3A_16 : i32
    %and3A = arith.andi %ne3A, %ne3A_17 : i1
    %sub3A = arith.constant 1 : i32
    %sub3A_18 = arith.subi %div3A, %sub3A : i32
    %select_n3A = arith.select %and3A, %sub3A_18, %div3A : i32
    %mul3A_19 = arith.constant 256 : i32
    %mul3A_20 = arith.muli %select_n3A, %mul3A_19 : i32
    %multiple_of3A_21 = tpu.assume_multiple %mul3A_20, 256 : i32
    "tpu.region"() ({
      %run_scoped3A = tpu.sem_alloc : memref<!tpu.dma_semaphore, #tpu.memory_space<semaphore_mem>>
      %dma_start3A = arith.constant 0 : i32
      %dma_start3A_24 = tpu.memref_slice %arg2[%multiple_of3A_21, %dma_start3A] : memref<4096x64xf32, #tpu.memory_space<hbm>> -> memref<256x64xf32, #tpu.memory_space<hbm>>
      %dma_start3A_25 = arith.constant 0 : i32
      %dma_start3A_26 = tpu.memref_slice %arg2[%multiple_of3A_21, %dma_start3A_25] : memref<4096x64xf32, #tpu.memory_space<hbm>> -> memref<256x64xf32, #tpu.memory_space<hbm>>
      tpu.enqueue_dma source(%dma_start3A_26 : memref<256x64xf32, #tpu.memory_space<hbm>>) target(%arg5 : memref<256x64xf32, #tpu.memory_space<vmem>>) target_semaphore(%run_scoped3A : memref<!tpu.dma_semaphore, #tpu.memory_space<semaphore_mem>>)
      %dma_wait3A = arith.constant 0 : i32
      %dma_wait3A_27 = tpu.memref_slice %arg2[%multiple_of3A_21, %dma_wait3A] : memref<4096x64xf32, #tpu.memory_space<hbm>> -> memref<256x64xf32, #tpu.memory_space<hbm>>
      %dma_wait3A_28 = arith.constant 0 : i32
      %dma_wait3A_29 = tpu.memref_slice %arg2[%multiple_of3A_21, %dma_wait3A_28] : memref<4096x64xf32, #tpu.memory_space<hbm>> -> memref<256x64xf32, #tpu.memory_space<hbm>>
      tpu.wait_dma2 semaphore(%run_scoped3A : memref<!tpu.dma_semaphore, #tpu.memory_space<semaphore_mem>>) src(%dma_wait3A_29 : memref<256x64xf32, #tpu.memory_space<hbm>>) dst(%arg5 : memref<256x64xf32, #tpu.memory_space<vmem>>)
      tpu.yield
    }) : () -> ()
    "tpu.region"() ({
      %run_scoped3A = tpu.sem_alloc : memref<!tpu.dma_semaphore, #tpu.memory_space<semaphore_mem>>
      %dma_start3A = arith.constant 0 : i32
      %dma_start3A_24 = tpu.memref_slice %arg3[%multiple_of3A, %dma_start3A] : memref<4096x16xi32, #tpu.memory_space<hbm>> -> memref<128x16xi32, #tpu.memory_space<hbm>>
      %dma_start3A_25 = arith.constant 0 : i32
      %dma_start3A_26 = tpu.memref_slice %arg3[%multiple_of3A, %dma_start3A_25] : memref<4096x16xi32, #tpu.memory_space<hbm>> -> memref<128x16xi32, #tpu.memory_space<hbm>>
      tpu.enqueue_dma source(%dma_start3A_26 : memref<128x16xi32, #tpu.memory_space<hbm>>) target(%arg7 : memref<128x16xi32, #tpu.memory_space<vmem>>) target_semaphore(%run_scoped3A : memref<!tpu.dma_semaphore, #tpu.memory_space<semaphore_mem>>)
      %dma_wait3A = arith.constant 0 : i32
      %dma_wait3A_27 = tpu.memref_slice %arg3[%multiple_of3A, %dma_wait3A] : memref<4096x16xi32, #tpu.memory_space<hbm>> -> memref<128x16xi32, #tpu.memory_space<hbm>>
      %dma_wait3A_28 = arith.constant 0 : i32
      %dma_wait3A_29 = tpu.memref_slice %arg3[%multiple_of3A, %dma_wait3A_28] : memref<4096x16xi32, #tpu.memory_space<hbm>> -> memref<128x16xi32, #tpu.memory_space<hbm>>
      tpu.wait_dma2 semaphore(%run_scoped3A : memref<!tpu.dma_semaphore, #tpu.memory_space<semaphore_mem>>) src(%dma_wait3A_29 : memref<128x16xi32, #tpu.memory_space<hbm>>) dst(%arg7 : memref<128x16xi32, #tpu.memory_space<vmem>>)
      tpu.yield
    }) : () -> ()
    %parallel_loop3A = arith.constant 0 : i32
    %parallel_loop3A_22 = arith.constant 128 : i32
    %parallel_loop3A_23 = arith.constant 1 : i32
    scf.for %parallel_loop3A_24 = %parallel_loop3A to %parallel_loop3A_22 step %parallel_loop3A_23  : i32 {
      %parallel_loop3A_25 = arith.index_cast %parallel_loop3A_24 : i32 to index
      %parallel_loop3A_26 = arith.constant 0 : index
      %parallel_loop3A_27 = tpu.vector_load %arg7[%parallel_loop3A_25, %parallel_loop3A_26] {strides = array<i32>} : memref<128x16xi32, #tpu.memory_space<vmem>>, vector<1x16xi32>,
      %parallel_loop3A_28 = vector.shape_cast %parallel_loop3A_27 : vector<1x16xi32> to vector<16xi32>
      %parallel_loop3A_29 = vector.extract_strided_slice %parallel_loop3A_28 {offsets = [0], sizes = [1], strides = [1]} : vector<16xi32> to vector<1xi32>
      %parallel_loop3A_30 = vector.extract %parallel_loop3A_29[0] : i32 from vector<1xi32>
      %parallel_loop3A_31 = vector.extract_strided_slice %parallel_loop3A_28 {offsets = [1], sizes = [1], strides = [1]} : vector<16xi32> to vector<1xi32>
      %parallel_loop3A_32 = vector.extract %parallel_loop3A_31[0] : i32 from vector<1xi32>
      %parallel_loop3A_33 = vector.extract_strided_slice %parallel_loop3A_28 {offsets = [2], sizes = [1], strides = [1]} : vector<16xi32> to vector<1xi32>
      %parallel_loop3A_34 = vector.extract %parallel_loop3A_33[0] : i32 from vector<1xi32>
      %parallel_loop3A_35 = vector.extract_strided_slice %parallel_loop3A_28 {offsets = [3], sizes = [1], strides = [1]} : vector<16xi32> to vector<1xi32>
      %parallel_loop3A_36 = vector.extract %parallel_loop3A_35[0] : i32 from vector<1xi32>
      %parallel_loop3A_37 = vector.extract_strided_slice %parallel_loop3A_28 {offsets = [4], sizes = [1], strides = [1]} : vector<16xi32> to vector<1xi32>
      %parallel_loop3A_38 = vector.extract %parallel_loop3A_37[0] : i32 from vector<1xi32>
      %parallel_loop3A_39 = vector.extract_strided_slice %parallel_loop3A_28 {offsets = [5], sizes = [1], strides = [1]} : vector<16xi32> to vector<1xi32>
      %parallel_loop3A_40 = vector.extract %parallel_loop3A_39[0] : i32 from vector<1xi32>
      %parallel_loop3A_41 = vector.extract_strided_slice %parallel_loop3A_28 {offsets = [6], sizes = [1], strides = [1]} : vector<16xi32> to vector<1xi32>
      %parallel_loop3A_42 = vector.extract %parallel_loop3A_41[0] : i32 from vector<1xi32>
      %parallel_loop3A_43 = vector.extract_strided_slice %parallel_loop3A_28 {offsets = [7], sizes = [1], strides = [1]} : vector<16xi32> to vector<1xi32>
      %parallel_loop3A_44 = vector.extract %parallel_loop3A_43[0] : i32 from vector<1xi32>
      %parallel_loop3A_45 = vector.extract_strided_slice %parallel_loop3A_28 {offsets = [8], sizes = [1], strides = [1]} : vector<16xi32> to vector<1xi32>
      %parallel_loop3A_46 = vector.extract %parallel_loop3A_45[0] : i32 from vector<1xi32>
      %parallel_loop3A_47 = vector.extract_strided_slice %parallel_loop3A_28 {offsets = [9], sizes = [1], strides = [1]} : vector<16xi32> to vector<1xi32>
      %parallel_loop3A_48 = vector.extract %parallel_loop3A_47[0] : i32 from vector<1xi32>
      %parallel_loop3A_49 = vector.extract_strided_slice %parallel_loop3A_28 {offsets = [10], sizes = [1], strides = [1]} : vector<16xi32> to vector<1xi32>
      %parallel_loop3A_50 = vector.extract %parallel_loop3A_49[0] : i32 from vector<1xi32>
      %parallel_loop3A_51 = vector.extract_strided_slice %parallel_loop3A_28 {offsets = [11], sizes = [1], strides = [1]} : vector<16xi32> to vector<1xi32>
      %parallel_loop3A_52 = vector.extract %parallel_loop3A_51[0] : i32 from vector<1xi32>
      %parallel_loop3A_53 = vector.extract_strided_slice %parallel_loop3A_28 {offsets = [12], sizes = [1], strides = [1]} : vector<16xi32> to vector<1xi32>
      %parallel_loop3A_54 = vector.extract %parallel_loop3A_53[0] : i32 from vector<1xi32>
      %parallel_loop3A_55 = vector.extract_strided_slice %parallel_loop3A_28 {offsets = [13], sizes = [1], strides = [1]} : vector<16xi32> to vector<1xi32>
      %parallel_loop3A_56 = vector.extract %parallel_loop3A_55[0] : i32 from vector<1xi32>
      %parallel_loop3A_57 = vector.extract_strided_slice %parallel_loop3A_28 {offsets = [14], sizes = [1], strides = [1]} : vector<16xi32> to vector<1xi32>
      %parallel_loop3A_58 = vector.extract %parallel_loop3A_57[0] : i32 from vector<1xi32>
      %parallel_loop3A_59 = vector.extract_strided_slice %parallel_loop3A_28 {offsets = [15], sizes = [1], strides = [1]} : vector<16xi32> to vector<1xi32>
      %parallel_loop3A_60 = vector.extract %parallel_loop3A_59[0] : i32 from vector<1xi32>
      %parallel_loop3A_61 = arith.index_cast %parallel_loop3A_30 : i32 to index
      %parallel_loop3A_62 = arith.constant 0 : index
      %parallel_loop3A_63 = tpu.vector_load %arg5[%parallel_loop3A_61, %parallel_loop3A_62] {strides = array<i32>} : memref<256x64xf32, #tpu.memory_space<vmem>>, vector<1x16xf32>,
      %parallel_loop3A_64 = vector.shape_cast %parallel_loop3A_63 : vector<1x16xf32> to vector<16xf32>
      %parallel_loop3A_65 = arith.index_cast %parallel_loop3A_32 : i32 to index
      %parallel_loop3A_66 = arith.constant 0 : index
      %parallel_loop3A_67 = tpu.vector_load %arg5[%parallel_loop3A_65, %parallel_loop3A_66] {strides = array<i32>} : memref<256x64xf32, #tpu.memory_space<vmem>>, vector<1x16xf32>,
      %parallel_loop3A_68 = vector.shape_cast %parallel_loop3A_67 : vector<1x16xf32> to vector<16xf32>
      %parallel_loop3A_69 = arith.addf %parallel_loop3A_64, %parallel_loop3A_68 : vector<16xf32>
      %parallel_loop3A_70 = arith.index_cast %parallel_loop3A_34 : i32 to index
      %parallel_loop3A_71 = arith.constant 0 : index
      %parallel_loop3A_72 = tpu.vector_load %arg5[%parallel_loop3A_70, %parallel_loop3A_71] {strides = array<i32>} : memref<256x64xf32, #tpu.memory_space<vmem>>, vector<1x16xf32>,
      %parallel_loop3A_73 = vector.shape_cast %parallel_loop3A_72 : vector<1x16xf32> to vector<16xf32>
      %parallel_loop3A_74 = arith.index_cast %parallel_loop3A_36 : i32 to index
      %parallel_loop3A_75 = arith.constant 0 : index
      %parallel_loop3A_76 = tpu.vector_load %arg5[%parallel_loop3A_74, %parallel_loop3A_75] {strides = array<i32>} : memref<256x64xf32, #tpu.memory_space<vmem>>, vector<1x16xf32>,
      %parallel_loop3A_77 = vector.shape_cast %parallel_loop3A_76 : vector<1x16xf32> to vector<16xf32>
      %parallel_loop3A_78 = arith.addf %parallel_loop3A_73, %parallel_loop3A_77 : vector<16xf32>
      %parallel_loop3A_79 = arith.index_cast %parallel_loop3A_38 : i32 to index
      %parallel_loop3A_80 = arith.constant 0 : index
      %parallel_loop3A_81 = tpu.vector_load %arg5[%parallel_loop3A_79, %parallel_loop3A_80] {strides = array<i32>} : memref<256x64xf32, #tpu.memory_space<vmem>>, vector<1x16xf32>,
      %parallel_loop3A_82 = vector.shape_cast %parallel_loop3A_81 : vector<1x16xf32> to vector<16xf32>
      %parallel_loop3A_83 = arith.index_cast %parallel_loop3A_40 : i32 to index
      %parallel_loop3A_84 = arith.constant 0 : index
      %parallel_loop3A_85 = tpu.vector_load %arg5[%parallel_loop3A_83, %parallel_loop3A_84] {strides = array<i32>} : memref<256x64xf32, #tpu.memory_space<vmem>>, vector<1x16xf32>,
      %parallel_loop3A_86 = vector.shape_cast %parallel_loop3A_85 : vector<1x16xf32> to vector<16xf32>
      %parallel_loop3A_87 = arith.addf %parallel_loop3A_82, %parallel_loop3A_86 : vector<16xf32>
      %parallel_loop3A_88 = arith.index_cast %parallel_loop3A_42 : i32 to index
      %parallel_loop3A_89 = arith.constant 0 : index
      %parallel_loop3A_90 = tpu.vector_load %arg5[%parallel_loop3A_88, %parallel_loop3A_89] {strides = array<i32>} : memref<256x64xf32, #tpu.memory_space<vmem>>, vector<1x16xf32>,
      %parallel_loop3A_91 = vector.shape_cast %parallel_loop3A_90 : vector<1x16xf32> to vector<16xf32>
      %parallel_loop3A_92 = arith.index_cast %parallel_loop3A_44 : i32 to index
      %parallel_loop3A_93 = arith.constant 0 : index
      %parallel_loop3A_94 = tpu.vector_load %arg5[%parallel_loop3A_92, %parallel_loop3A_93] {strides = array<i32>} : memref<256x64xf32, #tpu.memory_space<vmem>>, vector<1x16xf32>,
      %parallel_loop3A_95 = vector.shape_cast %parallel_loop3A_94 : vector<1x16xf32> to vector<16xf32>
      %parallel_loop3A_96 = arith.addf %parallel_loop3A_91, %parallel_loop3A_95 : vector<16xf32>
      %parallel_loop3A_97 = arith.index_cast %parallel_loop3A_46 : i32 to index
      %parallel_loop3A_98 = arith.constant 0 : index
      %parallel_loop3A_99 = tpu.vector_load %arg5[%parallel_loop3A_97, %parallel_loop3A_98] {strides = array<i32>} : memref<256x64xf32, #tpu.memory_space<vmem>>, vector<1x16xf32>,
      %parallel_loop3A_100 = vector.shape_cast %parallel_loop3A_99 : vector<1x16xf32> to vector<16xf32>
      %parallel_loop3A_101 = arith.index_cast %parallel_loop3A_48 : i32 to index
      %parallel_loop3A_102 = arith.constant 0 : index
      %parallel_loop3A_103 = tpu.vector_load %arg5[%parallel_loop3A_101, %parallel_loop3A_102] {strides = array<i32>} : memref<256x64xf32, #tpu.memory_space<vmem>>, vector<1x16xf32>,
      %parallel_loop3A_104 = vector.shape_cast %parallel_loop3A_103 : vector<1x16xf32> to vector<16xf32>
      %parallel_loop3A_105 = arith.addf %parallel_loop3A_100, %parallel_loop3A_104 : vector<16xf32>
      %parallel_loop3A_106 = arith.index_cast %parallel_loop3A_50 : i32 to index
      %parallel_loop3A_107 = arith.constant 0 : index
      %parallel_loop3A_108 = tpu.vector_load %arg5[%parallel_loop3A_106, %parallel_loop3A_107] {strides = array<i32>} : memref<256x64xf32, #tpu.memory_space<vmem>>, vector<1x16xf32>,
      %parallel_loop3A_109 = vector.shape_cast %parallel_loop3A_108 : vector<1x16xf32> to vector<16xf32>
      %parallel_loop3A_110 = arith.index_cast %parallel_loop3A_52 : i32 to index
      %parallel_loop3A_111 = arith.constant 0 : index
      %parallel_loop3A_112 = tpu.vector_load %arg5[%parallel_loop3A_110, %parallel_loop3A_111] {strides = array<i32>} : memref<256x64xf32, #tpu.memory_space<vmem>>, vector<1x16xf32>,
      %parallel_loop3A_113 = vector.shape_cast %parallel_loop3A_112 : vector<1x16xf32> to vector<16xf32>
      %parallel_loop3A_114 = arith.addf %parallel_loop3A_109, %parallel_loop3A_113 : vector<16xf32>
      %parallel_loop3A_115 = arith.index_cast %parallel_loop3A_54 : i32 to index
      %parallel_loop3A_116 = arith.constant 0 : index
      %parallel_loop3A_117 = tpu.vector_load %arg5[%parallel_loop3A_115, %parallel_loop3A_116] {strides = array<i32>} : memref<256x64xf32, #tpu.memory_space<vmem>>, vector<1x16xf32>,
      %parallel_loop3A_118 = vector.shape_cast %parallel_loop3A_117 : vector<1x16xf32> to vector<16xf32>
      %parallel_loop3A_119 = arith.index_cast %parallel_loop3A_56 : i32 to index
      %parallel_loop3A_120 = arith.constant 0 : index
      %parallel_loop3A_121 = tpu.vector_load %arg5[%parallel_loop3A_119, %parallel_loop3A_120] {strides = array<i32>} : memref<256x64xf32, #tpu.memory_space<vmem>>, vector<1x16xf32>,
      %parallel_loop3A_122 = vector.shape_cast %parallel_loop3A_121 : vector<1x16xf32> to vector<16xf32>
      %parallel_loop3A_123 = arith.addf %parallel_loop3A_118, %parallel_loop3A_122 : vector<16xf32>
      %parallel_loop3A_124 = arith.index_cast %parallel_loop3A_58 : i32 to index
      %parallel_loop3A_125 = arith.constant 0 : index
      %parallel_loop3A_126 = tpu.vector_load %arg5[%parallel_loop3A_124, %parallel_loop3A_125] {strides = array<i32>} : memref<256x64xf32, #tpu.memory_space<vmem>>, vector<1x16xf32>,
      %parallel_loop3A_127 = vector.shape_cast %parallel_loop3A_126 : vector<1x16xf32> to vector<16xf32>
      %parallel_loop3A_128 = arith.index_cast %parallel_loop3A_60 : i32 to index
      %parallel_loop3A_129 = arith.constant 0 : index
      %parallel_loop3A_130 = tpu.vector_load %arg5[%parallel_loop3A_128, %parallel_loop3A_129] {strides = array<i32>} : memref<256x64xf32, #tpu.memory_space<vmem>>, vector<1x16xf32>,
      %parallel_loop3A_131 = vector.shape_cast %parallel_loop3A_130 : vector<1x16xf32> to vector<16xf32>
      %parallel_loop3A_132 = arith.addf %parallel_loop3A_127, %parallel_loop3A_131 : vector<16xf32>
      %parallel_loop3A_133 = arith.addf %parallel_loop3A_69, %parallel_loop3A_78 : vector<16xf32>
      %parallel_loop3A_134 = arith.addf %parallel_loop3A_87, %parallel_loop3A_96 : vector<16xf32>
      %parallel_loop3A_135 = arith.addf %parallel_loop3A_105, %parallel_loop3A_114 : vector<16xf32>
      %parallel_loop3A_136 = arith.addf %parallel_loop3A_123, %parallel_loop3A_132 : vector<16xf32>
      %parallel_loop3A_137 = arith.addf %parallel_loop3A_133, %parallel_loop3A_134 : vector<16xf32>
      %parallel_loop3A_138 = arith.addf %parallel_loop3A_135, %parallel_loop3A_136 : vector<16xf32>
      %parallel_loop3A_139 = arith.addf %parallel_loop3A_137, %parallel_loop3A_138 : vector<16xf32>
      %parallel_loop3A_140 = arith.index_cast %parallel_loop3A_24 : i32 to index
      %parallel_loop3A_141 = arith.constant 0 : index
      %parallel_loop3A_142 = tpu.vector_load %arg6[%parallel_loop3A_140, %parallel_loop3A_141] {strides = array<i32>} : memref<128x64xf32, #tpu.memory_space<vmem>>, vector<1x16xf32>,
      %parallel_loop3A_143 = vector.shape_cast %parallel_loop3A_142 : vector<1x16xf32> to vector<16xf32>
      %parallel_loop3A_144 = vector.shape_cast %parallel_loop3A_139 : vector<16xf32> to vector<1x16xf32>
      tpu.vector_store %arg6[%parallel_loop3A_140, %parallel_loop3A_141], %parallel_loop3A_144 {strides = array<i32>} : memref<128x64xf32, #tpu.memory_space<vmem>>, vector<1x16xf32>,
      %parallel_loop3A_145 = arith.index_cast %parallel_loop3A_30 : i32 to index
      %parallel_loop3A_146 = arith.constant 16 : index
      %parallel_loop3A_147 = tpu.vector_load %arg5[%parallel_loop3A_145, %parallel_loop3A_146] {strides = array<i32>} : memref<256x64xf32, #tpu.memory_space<vmem>>, vector<1x16xf32>,
      %parallel_loop3A_148 = vector.shape_cast %parallel_loop3A_147 : vector<1x16xf32> to vector<16xf32>
      %parallel_loop3A_149 = arith.index_cast %parallel_loop3A_32 : i32 to index
      %parallel_loop3A_150 = arith.constant 16 : index
      %parallel_loop3A_151 = tpu.vector_load %arg5[%parallel_loop3A_149, %parallel_loop3A_150] {strides = array<i32>} : memref<256x64xf32, #tpu.memory_space<vmem>>, vector<1x16xf32>,
      %parallel_loop3A_152 = vector.shape_cast %parallel_loop3A_151 : vector<1x16xf32> to vector<16xf32>
      %parallel_loop3A_153 = arith.addf %parallel_loop3A_148, %parallel_loop3A_152 : vector<16xf32>
      %parallel_loop3A_154 = arith.index_cast %parallel_loop3A_34 : i32 to index
      %parallel_loop3A_155 = arith.constant 16 : index
      %parallel_loop3A_156 = tpu.vector_load %arg5[%parallel_loop3A_154, %parallel_loop3A_155] {strides = array<i32>} : memref<256x64xf32, #tpu.memory_space<vmem>>, vector<1x16xf32>,
      %parallel_loop3A_157 = vector.shape_cast %parallel_loop3A_156 : vector<1x16xf32> to vector<16xf32>
      %parallel_loop3A_158 = arith.index_cast %parallel_loop3A_36 : i32 to index
      %parallel_loop3A_159 = arith.constant 16 : index
      %parallel_loop3A_160 = tpu.vector_load %arg5[%parallel_loop3A_158, %parallel_loop3A_159] {strides = array<i32>} : memref<256x64xf32, #tpu.memory_space<vmem>>, vector<1x16xf32>,
      %parallel_loop3A_161 = vector.shape_cast %parallel_loop3A_160 : vector<1x16xf32> to vector<16xf32>
      %parallel_loop3A_162 = arith.addf %parallel_loop3A_157, %parallel_loop3A_161 : vector<16xf32>
      %parallel_loop3A_163 = arith.index_cast %parallel_loop3A_38 : i32 to index
      %parallel_loop3A_164 = arith.constant 16 : index
      %parallel_loop3A_165 = tpu.vector_load %arg5[%parallel_loop3A_163, %parallel_loop3A_164] {strides = array<i32>} : memref<256x64xf32, #tpu.memory_space<vmem>>, vector<1x16xf32>,
      %parallel_loop3A_166 = vector.shape_cast %parallel_loop3A_165 : vector<1x16xf32> to vector<16xf32>
      %parallel_loop3A_167 = arith.index_cast %parallel_loop3A_40 : i32 to index
      %parallel_loop3A_168 = arith.constant 16 : index
      %parallel_loop3A_169 = tpu.vector_load %arg5[%parallel_loop3A_167, %parallel_loop3A_168] {strides = array<i32>} : memref<256x64xf32, #tpu.memory_space<vmem>>, vector<1x16xf32>,
      %parallel_loop3A_170 = vector.shape_cast %parallel_loop3A_169 : vector<1x16xf32> to vector<16xf32>
      %parallel_loop3A_171 = arith.addf %parallel_loop3A_166, %parallel_loop3A_170 : vector<16xf32>
      %parallel_loop3A_172 = arith.index_cast %parallel_loop3A_42 : i32 to index
      %parallel_loop3A_173 = arith.constant 16 : index
      %parallel_loop3A_174 = tpu.vector_load %arg5[%parallel_loop3A_172, %parallel_loop3A_173] {strides = array<i32>} : memref<256x64xf32, #tpu.memory_space<vmem>>, vector<1x16xf32>,
      %parallel_loop3A_175 = vector.shape_cast %parallel_loop3A_174 : vector<1x16xf32> to vector<16xf32>
      %parallel_loop3A_176 = arith.index_cast %parallel_loop3A_44 : i32 to index
      %parallel_loop3A_177 = arith.constant 16 : index
      %parallel_loop3A_178 = tpu.vector_load %arg5[%parallel_loop3A_176, %parallel_loop3A_177] {strides = array<i32>} : memref<256x64xf32, #tpu.memory_space<vmem>>, vector<1x16xf32>,
      %parallel_loop3A_179 = vector.shape_cast %parallel_loop3A_178 : vector<1x16xf32> to vector<16xf32>
      %parallel_loop3A_180 = arith.addf %parallel_loop3A_175, %parallel_loop3A_179 : vector<16xf32>
      %parallel_loop3A_181 = arith.index_cast %parallel_loop3A_46 : i32 to index
      %parallel_loop3A_182 = arith.constant 16 : index
      %parallel_loop3A_183 = tpu.vector_load %arg5[%parallel_loop3A_181, %parallel_loop3A_182] {strides = array<i32>} : memref<256x64xf32, #tpu.memory_space<vmem>>, vector<1x16xf32>,
      %parallel_loop3A_184 = vector.shape_cast %parallel_loop3A_183 : vector<1x16xf32> to vector<16xf32>
      %parallel_loop3A_185 = arith.index_cast %parallel_loop3A_48 : i32 to index
      %parallel_loop3A_186 = arith.constant 16 : index
      %parallel_loop3A_187 = tpu.vector_load %arg5[%parallel_loop3A_185, %parallel_loop3A_186] {strides = array<i32>} : memref<256x64xf32, #tpu.memory_space<vmem>>, vector<1x16xf32>,
      %parallel_loop3A_188 = vector.shape_cast %parallel_loop3A_187 : vector<1x16xf32> to vector<16xf32>
      %parallel_loop3A_189 = arith.addf %parallel_loop3A_184, %parallel_loop3A_188 : vector<16xf32>
      %parallel_loop3A_190 = arith.index_cast %parallel_loop3A_50 : i32 to index
      %parallel_loop3A_191 = arith.constant 16 : index
      %parallel_loop3A_192 = tpu.vector_load %arg5[%parallel_loop3A_190, %parallel_loop3A_191] {strides = array<i32>} : memref<256x64xf32, #tpu.memory_space<vmem>>, vector<1x16xf32>,
      %parallel_loop3A_193 = vector.shape_cast %parallel_loop3A_192 : vector<1x16xf32> to vector<16xf32>
      %parallel_loop3A_194 = arith.index_cast %parallel_loop3A_52 : i32 to index
      %parallel_loop3A_195 = arith.constant 16 : index
      %parallel_loop3A_196 = tpu.vector_load %arg5[%parallel_loop3A_194, %parallel_loop3A_195] {strides = array<i32>} : memref<256x64xf32, #tpu.memory_space<vmem>>, vector<1x16xf32>,
      %parallel_loop3A_197 = vector.shape_cast %parallel_loop3A_196 : vector<1x16xf32> to vector<16xf32>
      %parallel_loop3A_198 = arith.addf %parallel_loop3A_193, %parallel_loop3A_197 : vector<16xf32>
      %parallel_loop3A_199 = arith.index_cast %parallel_loop3A_54 : i32 to index
      %parallel_loop3A_200 = arith.constant 16 : index
      %parallel_loop3A_201 = tpu.vector_load %arg5[%parallel_loop3A_199, %parallel_loop3A_200] {strides = array<i32>} : memref<256x64xf32, #tpu.memory_space<vmem>>, vector<1x16xf32>,
      %parallel_loop3A_202 = vector.shape_cast %parallel_loop3A_201 : vector<1x16xf32> to vector<16xf32>
      %parallel_loop3A_203 = arith.index_cast %parallel_loop3A_56 : i32 to index
      %parallel_loop3A_204 = arith.constant 16 : index
      %parallel_loop3A_205 = tpu.vector_load %arg5[%parallel_loop3A_203, %parallel_loop3A_204] {strides = array<i32>} : memref<256x64xf32, #tpu.memory_space<vmem>>, vector<1x16xf32>,
      %parallel_loop3A_206 = vector.shape_cast %parallel_loop3A_205 : vector<1x16xf32> to vector<16xf32>
      %parallel_loop3A_207 = arith.addf %parallel_loop3A_202, %parallel_loop3A_206 : vector<16xf32>
      %parallel_loop3A_208 = arith.index_cast %parallel_loop3A_58 : i32 to index
      %parallel_loop3A_209 = arith.constant 16 : index
      %parallel_loop3A_210 = tpu.vector_load %arg5[%parallel_loop3A_208, %parallel_loop3A_209] {strides = array<i32>} : memref<256x64xf32, #tpu.memory_space<vmem>>, vector<1x16xf32>,
      %parallel_loop3A_211 = vector.shape_cast %parallel_loop3A_210 : vector<1x16xf32> to vector<16xf32>
      %parallel_loop3A_212 = arith.index_cast %parallel_loop3A_60 : i32 to index
      %parallel_loop3A_213 = arith.constant 16 : index
      %parallel_loop3A_214 = tpu.vector_load %arg5[%parallel_loop3A_212, %parallel_loop3A_213] {strides = array<i32>} : memref<256x64xf32, #tpu.memory_space<vmem>>, vector<1x16xf32>,
      %parallel_loop3A_215 = vector.shape_cast %parallel_loop3A_214 : vector<1x16xf32> to vector<16xf32>
      %parallel_loop3A_216 = arith.addf %parallel_loop3A_211, %parallel_loop3A_215 : vector<16xf32>
      %parallel_loop3A_217 = arith.addf %parallel_loop3A_153, %parallel_loop3A_162 : vector<16xf32>
      %parallel_loop3A_218 = arith.addf %parallel_loop3A_171, %parallel_loop3A_180 : vector<16xf32>
      %parallel_loop3A_219 = arith.addf %parallel_loop3A_189, %parallel_loop3A_198 : vector<16xf32>
      %parallel_loop3A_220 = arith.addf %parallel_loop3A_207, %parallel_loop3A_216 : vector<16xf32>
      %parallel_loop3A_221 = arith.addf %parallel_loop3A_217, %parallel_loop3A_218 : vector<16xf32>
      %parallel_loop3A_222 = arith.addf %parallel_loop3A_219, %parallel_loop3A_220 : vector<16xf32>
      %parallel_loop3A_223 = arith.addf %parallel_loop3A_221, %parallel_loop3A_222 : vector<16xf32>
      %parallel_loop3A_224 = arith.index_cast %parallel_loop3A_24 : i32 to index
      %parallel_loop3A_225 = arith.constant 16 : index
      %parallel_loop3A_226 = tpu.vector_load %arg6[%parallel_loop3A_224, %parallel_loop3A_225] {strides = array<i32>} : memref<128x64xf32, #tpu.memory_space<vmem>>, vector<1x16xf32>,
      %parallel_loop3A_227 = vector.shape_cast %parallel_loop3A_226 : vector<1x16xf32> to vector<16xf32>
      %parallel_loop3A_228 = vector.shape_cast %parallel_loop3A_223 : vector<16xf32> to vector<1x16xf32>
      tpu.vector_store %arg6[%parallel_loop3A_224, %parallel_loop3A_225], %parallel_loop3A_228 {strides = array<i32>} : memref<128x64xf32, #tpu.memory_space<vmem>>, vector<1x16xf32>,
      %parallel_loop3A_229 = arith.index_cast %parallel_loop3A_30 : i32 to index
      %parallel_loop3A_230 = arith.constant 32 : index
      %parallel_loop3A_231 = tpu.vector_load %arg5[%parallel_loop3A_229, %parallel_loop3A_230] {strides = array<i32>} : memref<256x64xf32, #tpu.memory_space<vmem>>, vector<1x16xf32>,
      %parallel_loop3A_232 = vector.shape_cast %parallel_loop3A_231 : vector<1x16xf32> to vector<16xf32>
      %parallel_loop3A_233 = arith.index_cast %parallel_loop3A_32 : i32 to index
      %parallel_loop3A_234 = arith.constant 32 : index
      %parallel_loop3A_235 = tpu.vector_load %arg5[%parallel_loop3A_233, %parallel_loop3A_234] {strides = array<i32>} : memref<256x64xf32, #tpu.memory_space<vmem>>, vector<1x16xf32>,
      %parallel_loop3A_236 = vector.shape_cast %parallel_loop3A_235 : vector<1x16xf32> to vector<16xf32>
      %parallel_loop3A_237 = arith.addf %parallel_loop3A_232, %parallel_loop3A_236 : vector<16xf32>
      %parallel_loop3A_238 = arith.index_cast %parallel_loop3A_34 : i32 to index
      %parallel_loop3A_239 = arith.constant 32 : index
      %parallel_loop3A_240 = tpu.vector_load %arg5[%parallel_loop3A_238, %parallel_loop3A_239] {strides = array<i32>} : memref<256x64xf32, #tpu.memory_space<vmem>>, vector<1x16xf32>,
      %parallel_loop3A_241 = vector.shape_cast %parallel_loop3A_240 : vector<1x16xf32> to vector<16xf32>
      %parallel_loop3A_242 = arith.index_cast %parallel_loop3A_36 : i32 to index
      %parallel_loop3A_243 = arith.constant 32 : index
      %parallel_loop3A_244 = tpu.vector_load %arg5[%parallel_loop3A_242, %parallel_loop3A_243] {strides = array<i32>} : memref<256x64xf32, #tpu.memory_space<vmem>>, vector<1x16xf32>,
      %parallel_loop3A_245 = vector.shape_cast %parallel_loop3A_244 : vector<1x16xf32> to vector<16xf32>
      %parallel_loop3A_246 = arith.addf %parallel_loop3A_241, %parallel_loop3A_245 : vector<16xf32>
      %parallel_loop3A_247 = arith.index_cast %parallel_loop3A_38 : i32 to index
      %parallel_loop3A_248 = arith.constant 32 : index
      %parallel_loop3A_249 = tpu.vector_load %arg5[%parallel_loop3A_247, %parallel_loop3A_248] {strides = array<i32>} : memref<256x64xf32, #tpu.memory_space<vmem>>, vector<1x16xf32>,
      %parallel_loop3A_250 = vector.shape_cast %parallel_loop3A_249 : vector<1x16xf32> to vector<16xf32>
      %parallel_loop3A_251 = arith.index_cast %parallel_loop3A_40 : i32 to index
      %parallel_loop3A_252 = arith.constant 32 : index
      %parallel_loop3A_253 = tpu.vector_load %arg5[%parallel_loop3A_251, %parallel_loop3A_252] {strides = array<i32>} : memref<256x64xf32, #tpu.memory_space<vmem>>, vector<1x16xf32>,
      %parallel_loop3A_254 = vector.shape_cast %parallel_loop3A_253 : vector<1x16xf32> to vector<16xf32>
      %parallel_loop3A_255 = arith.addf %parallel_loop3A_250, %parallel_loop3A_254 : vector<16xf32>
      %parallel_loop3A_256 = arith.index_cast %parallel_loop3A_42 : i32 to index
      %parallel_loop3A_257 = arith.constant 32 : index
      %parallel_loop3A_258 = tpu.vector_load %arg5[%parallel_loop3A_256, %parallel_loop3A_257] {strides = array<i32>} : memref<256x64xf32, #tpu.memory_space<vmem>>, vector<1x16xf32>,
      %parallel_loop3A_259 = vector.shape_cast %parallel_loop3A_258 : vector<1x16xf32> to vector<16xf32>
      %parallel_loop3A_260 = arith.index_cast %parallel_loop3A_44 : i32 to index
      %parallel_loop3A_261 = arith.constant 32 : index
      %parallel_loop3A_262 = tpu.vector_load %arg5[%parallel_loop3A_260, %parallel_loop3A_261] {strides = array<i32>} : memref<256x64xf32, #tpu.memory_space<vmem>>, vector<1x16xf32>,
      %parallel_loop3A_263 = vector.shape_cast %parallel_loop3A_262 : vector<1x16xf32> to vector<16xf32>
      %parallel_loop3A_264 = arith.addf %parallel_loop3A_259, %parallel_loop3A_263 : vector<16xf32>
      %parallel_loop3A_265 = arith.index_cast %parallel_loop3A_46 : i32 to index
      %parallel_loop3A_266 = arith.constant 32 : index
      %parallel_loop3A_267 = tpu.vector_load %arg5[%parallel_loop3A_265, %parallel_loop3A_266] {strides = array<i32>} : memref<256x64xf32, #tpu.memory_space<vmem>>, vector<1x16xf32>,
      %parallel_loop3A_268 = vector.shape_cast %parallel_loop3A_267 : vector<1x16xf32> to vector<16xf32>
      %parallel_loop3A_269 = arith.index_cast %parallel_loop3A_48 : i32 to index
      %parallel_loop3A_270 = arith.constant 32 : index
      %parallel_loop3A_271 = tpu.vector_load %arg5[%parallel_loop3A_269, %parallel_loop3A_270] {strides = array<i32>} : memref<256x64xf32, #tpu.memory_space<vmem>>, vector<1x16xf32>,
      %parallel_loop3A_272 = vector.shape_cast %parallel_loop3A_271 : vector<1x16xf32> to vector<16xf32>
      %parallel_loop3A_273 = arith.addf %parallel_loop3A_268, %parallel_loop3A_272 : vector<16xf32>
      %parallel_loop3A_274 = arith.index_cast %parallel_loop3A_50 : i32 to index
      %parallel_loop3A_275 = arith.constant 32 : index
      %parallel_loop3A_276 = tpu.vector_load %arg5[%parallel_loop3A_274, %parallel_loop3A_275] {strides = array<i32>} : memref<256x64xf32, #tpu.memory_space<vmem>>, vector<1x16xf32>,
      %parallel_loop3A_277 = vector.shape_cast %parallel_loop3A_276 : vector<1x16xf32> to vector<16xf32>
      %parallel_loop3A_278 = arith.index_cast %parallel_loop3A_52 : i32 to index
      %parallel_loop3A_279 = arith.constant 32 : index
      %parallel_loop3A_280 = tpu.vector_load %arg5[%parallel_loop3A_278, %parallel_loop3A_279] {strides = array<i32>} : memref<256x64xf32, #tpu.memory_space<vmem>>, vector<1x16xf32>,
      %parallel_loop3A_281 = vector.shape_cast %parallel_loop3A_280 : vector<1x16xf32> to vector<16xf32>
      %parallel_loop3A_282 = arith.addf %parallel_loop3A_277, %parallel_loop3A_281 : vector<16xf32>
      %parallel_loop3A_283 = arith.index_cast %parallel_loop3A_54 : i32 to index
      %parallel_loop3A_284 = arith.constant 32 : index
      %parallel_loop3A_285 = tpu.vector_load %arg5[%parallel_loop3A_283, %parallel_loop3A_284] {strides = array<i32>} : memref<256x64xf32, #tpu.memory_space<vmem>>, vector<1x16xf32>,
      %parallel_loop3A_286 = vector.shape_cast %parallel_loop3A_285 : vector<1x16xf32> to vector<16xf32>
      %parallel_loop3A_287 = arith.index_cast %parallel_loop3A_56 : i32 to index
      %parallel_loop3A_288 = arith.constant 32 : index
      %parallel_loop3A_289 = tpu.vector_load %arg5[%parallel_loop3A_287, %parallel_loop3A_288] {strides = array<i32>} : memref<256x64xf32, #tpu.memory_space<vmem>>, vector<1x16xf32>,
      %parallel_loop3A_290 = vector.shape_cast %parallel_loop3A_289 : vector<1x16xf32> to vector<16xf32>
      %parallel_loop3A_291 = arith.addf %parallel_loop3A_286, %parallel_loop3A_290 : vector<16xf32>
      %parallel_loop3A_292 = arith.index_cast %parallel_loop3A_58 : i32 to index
      %parallel_loop3A_293 = arith.constant 32 : index
      %parallel_loop3A_294 = tpu.vector_load %arg5[%parallel_loop3A_292, %parallel_loop3A_293] {strides = array<i32>} : memref<256x64xf32, #tpu.memory_space<vmem>>, vector<1x16xf32>,
      %parallel_loop3A_295 = vector.shape_cast %parallel_loop3A_294 : vector<1x16xf32> to vector<16xf32>
      %parallel_loop3A_296 = arith.index_cast %parallel_loop3A_60 : i32 to index
      %parallel_loop3A_297 = arith.constant 32 : index
      %parallel_loop3A_298 = tpu.vector_load %arg5[%parallel_loop3A_296, %parallel_loop3A_297] {strides = array<i32>} : memref<256x64xf32, #tpu.memory_space<vmem>>, vector<1x16xf32>,
      %parallel_loop3A_299 = vector.shape_cast %parallel_loop3A_298 : vector<1x16xf32> to vector<16xf32>
      %parallel_loop3A_300 = arith.addf %parallel_loop3A_295, %parallel_loop3A_299 : vector<16xf32>
      %parallel_loop3A_301 = arith.addf %parallel_loop3A_237, %parallel_loop3A_246 : vector<16xf32>
      %parallel_loop3A_302 = arith.addf %parallel_loop3A_255, %parallel_loop3A_264 : vector<16xf32>
      %parallel_loop3A_303 = arith.addf %parallel_loop3A_273, %parallel_loop3A_282 : vector<16xf32>
      %parallel_loop3A_304 = arith.addf %parallel_loop3A_291, %parallel_loop3A_300 : vector<16xf32>
      %parallel_loop3A_305 = arith.addf %parallel_loop3A_301, %parallel_loop3A_302 : vector<16xf32>
      %parallel_loop3A_306 = arith.addf %parallel_loop3A_303, %parallel_loop3A_304 : vector<16xf32>
      %parallel_loop3A_307 = arith.addf %parallel_loop3A_305, %parallel_loop3A_306 : vector<16xf32>
      %parallel_loop3A_308 = arith.index_cast %parallel_loop3A_24 : i32 to index
      %parallel_loop3A_309 = arith.constant 32 : index
      %parallel_loop3A_310 = tpu.vector_load %arg6[%parallel_loop3A_308, %parallel_loop3A_309] {strides = array<i32>} : memref<128x64xf32, #tpu.memory_space<vmem>>, vector<1x16xf32>,
      %parallel_loop3A_311 = vector.shape_cast %parallel_loop3A_310 : vector<1x16xf32> to vector<16xf32>
      %parallel_loop3A_312 = vector.shape_cast %parallel_loop3A_307 : vector<16xf32> to vector<1x16xf32>
      tpu.vector_store %arg6[%parallel_loop3A_308, %parallel_loop3A_309], %parallel_loop3A_312 {strides = array<i32>} : memref<128x64xf32, #tpu.memory_space<vmem>>, vector<1x16xf32>,
      %parallel_loop3A_313 = arith.index_cast %parallel_loop3A_30 : i32 to index
      %parallel_loop3A_314 = arith.constant 48 : index
      %parallel_loop3A_315 = tpu.vector_load %arg5[%parallel_loop3A_313, %parallel_loop3A_314] {strides = array<i32>} : memref<256x64xf32, #tpu.memory_space<vmem>>, vector<1x16xf32>,
      %parallel_loop3A_316 = vector.shape_cast %parallel_loop3A_315 : vector<1x16xf32> to vector<16xf32>
      %parallel_loop3A_317 = arith.index_cast %parallel_loop3A_32 : i32 to index
      %parallel_loop3A_318 = arith.constant 48 : index
      %parallel_loop3A_319 = tpu.vector_load %arg5[%parallel_loop3A_317, %parallel_loop3A_318] {strides = array<i32>} : memref<256x64xf32, #tpu.memory_space<vmem>>, vector<1x16xf32>,
      %parallel_loop3A_320 = vector.shape_cast %parallel_loop3A_319 : vector<1x16xf32> to vector<16xf32>
      %parallel_loop3A_321 = arith.addf %parallel_loop3A_316, %parallel_loop3A_320 : vector<16xf32>
      %parallel_loop3A_322 = arith.index_cast %parallel_loop3A_34 : i32 to index
      %parallel_loop3A_323 = arith.constant 48 : index
      %parallel_loop3A_324 = tpu.vector_load %arg5[%parallel_loop3A_322, %parallel_loop3A_323] {strides = array<i32>} : memref<256x64xf32, #tpu.memory_space<vmem>>, vector<1x16xf32>,
      %parallel_loop3A_325 = vector.shape_cast %parallel_loop3A_324 : vector<1x16xf32> to vector<16xf32>
      %parallel_loop3A_326 = arith.index_cast %parallel_loop3A_36 : i32 to index
      %parallel_loop3A_327 = arith.constant 48 : index
      %parallel_loop3A_328 = tpu.vector_load %arg5[%parallel_loop3A_326, %parallel_loop3A_327] {strides = array<i32>} : memref<256x64xf32, #tpu.memory_space<vmem>>, vector<1x16xf32>,
      %parallel_loop3A_329 = vector.shape_cast %parallel_loop3A_328 : vector<1x16xf32> to vector<16xf32>
      %parallel_loop3A_330 = arith.addf %parallel_loop3A_325, %parallel_loop3A_329 : vector<16xf32>
      %parallel_loop3A_331 = arith.index_cast %parallel_loop3A_38 : i32 to index
      %parallel_loop3A_332 = arith.constant 48 : index
      %parallel_loop3A_333 = tpu.vector_load %arg5[%parallel_loop3A_331, %parallel_loop3A_332] {strides = array<i32>} : memref<256x64xf32, #tpu.memory_space<vmem>>, vector<1x16xf32>,
      %parallel_loop3A_334 = vector.shape_cast %parallel_loop3A_333 : vector<1x16xf32> to vector<16xf32>
      %parallel_loop3A_335 = arith.index_cast %parallel_loop3A_40 : i32 to index
      %parallel_loop3A_336 = arith.constant 48 : index
      %parallel_loop3A_337 = tpu.vector_load %arg5[%parallel_loop3A_335, %parallel_loop3A_336] {strides = array<i32>} : memref<256x64xf32, #tpu.memory_space<vmem>>, vector<1x16xf32>,
      %parallel_loop3A_338 = vector.shape_cast %parallel_loop3A_337 : vector<1x16xf32> to vector<16xf32>
      %parallel_loop3A_339 = arith.addf %parallel_loop3A_334, %parallel_loop3A_338 : vector<16xf32>
      %parallel_loop3A_340 = arith.index_cast %parallel_loop3A_42 : i32 to index
      %parallel_loop3A_341 = arith.constant 48 : index
      %parallel_loop3A_342 = tpu.vector_load %arg5[%parallel_loop3A_340, %parallel_loop3A_341] {strides = array<i32>} : memref<256x64xf32, #tpu.memory_space<vmem>>, vector<1x16xf32>,
      %parallel_loop3A_343 = vector.shape_cast %parallel_loop3A_342 : vector<1x16xf32> to vector<16xf32>
      %parallel_loop3A_344 = arith.index_cast %parallel_loop3A_44 : i32 to index
      %parallel_loop3A_345 = arith.constant 48 : index
      %parallel_loop3A_346 = tpu.vector_load %arg5[%parallel_loop3A_344, %parallel_loop3A_345] {strides = array<i32>} : memref<256x64xf32, #tpu.memory_space<vmem>>, vector<1x16xf32>,
      %parallel_loop3A_347 = vector.shape_cast %parallel_loop3A_346 : vector<1x16xf32> to vector<16xf32>
      %parallel_loop3A_348 = arith.addf %parallel_loop3A_343, %parallel_loop3A_347 : vector<16xf32>
      %parallel_loop3A_349 = arith.index_cast %parallel_loop3A_46 : i32 to index
      %parallel_loop3A_350 = arith.constant 48 : index
      %parallel_loop3A_351 = tpu.vector_load %arg5[%parallel_loop3A_349, %parallel_loop3A_350] {strides = array<i32>} : memref<256x64xf32, #tpu.memory_space<vmem>>, vector<1x16xf32>,
      %parallel_loop3A_352 = vector.shape_cast %parallel_loop3A_351 : vector<1x16xf32> to vector<16xf32>
      %parallel_loop3A_353 = arith.index_cast %parallel_loop3A_48 : i32 to index
      %parallel_loop3A_354 = arith.constant 48 : index
      %parallel_loop3A_355 = tpu.vector_load %arg5[%parallel_loop3A_353, %parallel_loop3A_354] {strides = array<i32>} : memref<256x64xf32, #tpu.memory_space<vmem>>, vector<1x16xf32>,
      %parallel_loop3A_356 = vector.shape_cast %parallel_loop3A_355 : vector<1x16xf32> to vector<16xf32>
      %parallel_loop3A_357 = arith.addf %parallel_loop3A_352, %parallel_loop3A_356 : vector<16xf32>
      %parallel_loop3A_358 = arith.index_cast %parallel_loop3A_50 : i32 to index
      %parallel_loop3A_359 = arith.constant 48 : index
      %parallel_loop3A_360 = tpu.vector_load %arg5[%parallel_loop3A_358, %parallel_loop3A_359] {strides = array<i32>} : memref<256x64xf32, #tpu.memory_space<vmem>>, vector<1x16xf32>,
      %parallel_loop3A_361 = vector.shape_cast %parallel_loop3A_360 : vector<1x16xf32> to vector<16xf32>
      %parallel_loop3A_362 = arith.index_cast %parallel_loop3A_52 : i32 to index
      %parallel_loop3A_363 = arith.constant 48 : index
      %parallel_loop3A_364 = tpu.vector_load %arg5[%parallel_loop3A_362, %parallel_loop3A_363] {strides = array<i32>} : memref<256x64xf32, #tpu.memory_space<vmem>>, vector<1x16xf32>,
      %parallel_loop3A_365 = vector.shape_cast %parallel_loop3A_364 : vector<1x16xf32> to vector<16xf32>
      %parallel_loop3A_366 = arith.addf %parallel_loop3A_361, %parallel_loop3A_365 : vector<16xf32>
      %parallel_loop3A_367 = arith.index_cast %parallel_loop3A_54 : i32 to index
      %parallel_loop3A_368 = arith.constant 48 : index
      %parallel_loop3A_369 = tpu.vector_load %arg5[%parallel_loop3A_367, %parallel_loop3A_368] {strides = array<i32>} : memref<256x64xf32, #tpu.memory_space<vmem>>, vector<1x16xf32>,
      %parallel_loop3A_370 = vector.shape_cast %parallel_loop3A_369 : vector<1x16xf32> to vector<16xf32>
      %parallel_loop3A_371 = arith.index_cast %parallel_loop3A_56 : i32 to index
      %parallel_loop3A_372 = arith.constant 48 : index
      %parallel_loop3A_373 = tpu.vector_load %arg5[%parallel_loop3A_371, %parallel_loop3A_372] {strides = array<i32>} : memref<256x64xf32, #tpu.memory_space<vmem>>, vector<1x16xf32>,
      %parallel_loop3A_374 = vector.shape_cast %parallel_loop3A_373 : vector<1x16xf32> to vector<16xf32>
      %parallel_loop3A_375 = arith.addf %parallel_loop3A_370, %parallel_loop3A_374 : vector<16xf32>
      %parallel_loop3A_376 = arith.index_cast %parallel_loop3A_58 : i32 to index
      %parallel_loop3A_377 = arith.constant 48 : index
      %parallel_loop3A_378 = tpu.vector_load %arg5[%parallel_loop3A_376, %parallel_loop3A_377] {strides = array<i32>} : memref<256x64xf32, #tpu.memory_space<vmem>>, vector<1x16xf32>,
      %parallel_loop3A_379 = vector.shape_cast %parallel_loop3A_378 : vector<1x16xf32> to vector<16xf32>
      %parallel_loop3A_380 = arith.index_cast %parallel_loop3A_60 : i32 to index
      %parallel_loop3A_381 = arith.constant 48 : index
      %parallel_loop3A_382 = tpu.vector_load %arg5[%parallel_loop3A_380, %parallel_loop3A_381] {strides = array<i32>} : memref<256x64xf32, #tpu.memory_space<vmem>>, vector<1x16xf32>,
      %parallel_loop3A_383 = vector.shape_cast %parallel_loop3A_382 : vector<1x16xf32> to vector<16xf32>
      %parallel_loop3A_384 = arith.addf %parallel_loop3A_379, %parallel_loop3A_383 : vector<16xf32>
      %parallel_loop3A_385 = arith.addf %parallel_loop3A_321, %parallel_loop3A_330 : vector<16xf32>
      %parallel_loop3A_386 = arith.addf %parallel_loop3A_339, %parallel_loop3A_348 : vector<16xf32>
      %parallel_loop3A_387 = arith.addf %parallel_loop3A_357, %parallel_loop3A_366 : vector<16xf32>
      %parallel_loop3A_388 = arith.addf %parallel_loop3A_375, %parallel_loop3A_384 : vector<16xf32>
      %parallel_loop3A_389 = arith.addf %parallel_loop3A_385, %parallel_loop3A_386 : vector<16xf32>
      %parallel_loop3A_390 = arith.addf %parallel_loop3A_387, %parallel_loop3A_388 : vector<16xf32>
      %parallel_loop3A_391 = arith.addf %parallel_loop3A_389, %parallel_loop3A_390 : vector<16xf32>
      %parallel_loop3A_392 = arith.index_cast %parallel_loop3A_24 : i32 to index
      %parallel_loop3A_393 = arith.constant 48 : index
      %parallel_loop3A_394 = tpu.vector_load %arg6[%parallel_loop3A_392, %parallel_loop3A_393] {strides = array<i32>} : memref<128x64xf32, #tpu.memory_space<vmem>>, vector<1x16xf32>,
      %parallel_loop3A_395 = vector.shape_cast %parallel_loop3A_394 : vector<1x16xf32> to vector<16xf32>
      %parallel_loop3A_396 = vector.shape_cast %parallel_loop3A_391 : vector<16xf32> to vector<1x16xf32>
      tpu.vector_store %arg6[%parallel_loop3A_392, %parallel_loop3A_393], %parallel_loop3A_396 {strides = array<i32>} : memref<128x64xf32, #tpu.memory_space<vmem>>, vector<1x16xf32>,
    } {sc.loop_unroll_factor = 2 : i64, sc.parallel_access}
    "tpu.region"() ({
      %run_scoped3A = tpu.sem_alloc : memref<!tpu.dma_semaphore, #tpu.memory_space<semaphore_mem>>
      %dma_start3A = arith.constant 0 : i32
      %dma_start3A_24 = tpu.memref_slice %arg4[%multiple_of3A, %dma_start3A] : memref<4096x64xf32, #tpu.memory_space<hbm>> -> memref<128x64xf32, #tpu.memory_space<hbm>>
      %dma_start3A_25 = arith.constant 0 : i32
      %dma_start3A_26 = tpu.memref_slice %arg4[%multiple_of3A, %dma_start3A_25] : memref<4096x64xf32, #tpu.memory_space<hbm>> -> memref<128x64xf32, #tpu.memory_space<hbm>>
      tpu.enqueue_dma source(%arg6 : memref<128x64xf32, #tpu.memory_space<vmem>>) target(%dma_start3A_26 : memref<128x64xf32, #tpu.memory_space<hbm>>) target_semaphore(%run_scoped3A : memref<!tpu.dma_semaphore, #tpu.memory_space<semaphore_mem>>)
      %dma_wait3A = arith.constant 0 : i32
      %dma_wait3A_27 = tpu.memref_slice %arg4[%multiple_of3A, %dma_wait3A] : memref<4096x64xf32, #tpu.memory_space<hbm>> -> memref<128x64xf32, #tpu.memory_space<hbm>>
      %dma_wait3A_28 = arith.constant 0 : i32
      %dma_wait3A_29 = tpu.memref_slice %arg4[%multiple_of3A, %dma_wait3A_28] : memref<4096x64xf32, #tpu.memory_space<hbm>> -> memref<128x64xf32, #tpu.memory_space<hbm>>
      tpu.wait_dma2 semaphore(%run_scoped3A : memref<!tpu.dma_semaphore, #tpu.memory_space<semaphore_mem>>) src(%arg6 : memref<128x64xf32, #tpu.memory_space<vmem>>) dst(%dma_wait3A_29 : memref<128x64xf32, #tpu.memory_space<hbm>>)
      tpu.yield
    }) : () -> ()
    return
  }
}

#map = affine_map<(d0, d1) -> (0, 0)>
module attributes {stable_mosaic.version = 14 : i64} {
  func.func @_gather_sum(%arg0: i32, %arg1: i32, %arg2: memref<4096x64xf32, #tpu.memory_space<hbm>>, %arg3: memref<4096x16xi32, #tpu.memory_space<hbm>>, %arg4: memref<4096x64xf32, #tpu.memory_space<hbm>>, %arg5: memref<256x64xf32, #tpu.memory_space<vmem>>, %arg6: memref<128x64xf32, #tpu.memory_space<vmem>>, %arg7: memref<128x16xi32, #tpu.memory_space<vmem>>) attributes {dimension_semantics = [#tpu.dimension_semantics<core_parallel>, #tpu.dimension_semantics<subcore_parallel>], iteration_bounds = array<i64: 2, 16>, scalar_prefetch = 0 : i64, scratch_operands = 3 : i64, tpu.core_type = #tpu.core_type<sc_vector_subcore>, window_params = [{transform_indices = #map}, {transform_indices = #map}, {transform_indices = #map}]} {
    %mul3A = arith.constant 2 : i32
    %mul3A_0 = arith.muli %arg1, %mul3A : i32
    %add3A = arith.addi %mul3A_0, %arg0 : i32
    %mul3A_1 = arith.constant 128 : i32
    %mul3A_2 = arith.muli %add3A, %mul3A_1 : i32
    %multiple_of3A = tpu.assume_multiple %mul3A_2, 128 : i32
    %jit3A = arith.constant 2 : i32
    %div3A = arith.divsi %add3A, %jit3A : i32
    %sign3A = arith.constant 0 : i32
    %sign3A_3 = arith.cmpi sgt, %add3A, %sign3A : i32
    %sign3A_4 = arith.extui %sign3A_3 : i1 to i32
    %sign3A_5 = arith.constant 0 : i32
    %sign3A_6 = arith.cmpi slt, %add3A, %sign3A_5 : i32
    %sign3A_7 = arith.extui %sign3A_6 : i1 to i32
    %sign3A_8 = arith.subi %sign3A_4, %sign3A_7 : i32
    %sign3A_9 = arith.constant 0 : i32
    %sign3A_10 = arith.cmpi sgt, %jit3A, %sign3A_9 : i32
    %sign3A_11 = arith.extui %sign3A_10 : i1 to i32
    %sign3A_12 = arith.constant 0 : i32
    %sign3A_13 = arith.cmpi slt, %jit3A, %sign3A_12 : i32
    %sign3A_14 = arith.extui %sign3A_13 : i1 to i32
    %sign3A_15 = arith.subi %sign3A_11, %sign3A_14 : i32
    %ne3A = arith.cmpi ne, %sign3A_8, %sign3A_15 : i32
    %rem3A = arith.remsi %add3A, %jit3A : i32
    %ne3A_16 = arith.constant 0 : i32
    %ne3A_17 = arith.cmpi ne, %rem3A, %ne3A_16 : i32
    %and3A = arith.andi %ne3A, %ne3A_17 : i1
    %sub3A = arith.constant 1 : i32
    %sub3A_18 = arith.subi %div3A, %sub3A : i32
    %select_n3A = arith.select %and3A, %sub3A_18, %div3A : i32
    %mul3A_19 = arith.constant 256 : i32
    %mul3A_20 = arith.muli %select_n3A, %mul3A_19 : i32
    %multiple_of3A_21 = tpu.assume_multiple %mul3A_20, 256 : i32
    "tpu.region"() ({
      %run_scoped3A = tpu.sem_alloc : memref<!tpu.dma_semaphore, #tpu.memory_space<semaphore_mem>>
      %dma_start3A = arith.constant 0 : i32
      %dma_start3A_24 = tpu.memref_slice %arg2[%multiple_of3A_21, %dma_start3A] : memref<4096x64xf32, #tpu.memory_space<hbm>> -> memref<256x64xf32, #tpu.memory_space<hbm>>
      %dma_start3A_25 = arith.constant 0 : i32
      %dma_start3A_26 = tpu.memref_slice %arg2[%multiple_of3A_21, %dma_start3A_25] : memref<4096x64xf32, #tpu.memory_space<hbm>> -> memref<256x64xf32, #tpu.memory_space<hbm>>
      tpu.enqueue_dma source(%dma_start3A_26 : memref<256x64xf32, #tpu.memory_space<hbm>>) target(%arg5 : memref<256x64xf32, #tpu.memory_space<vmem>>) target_semaphore(%run_scoped3A : memref<!tpu.dma_semaphore, #tpu.memory_space<semaphore_mem>>)
      %dma_wait3A = arith.constant 0 : i32
      %dma_wait3A_27 = tpu.memref_slice %arg2[%multiple_of3A_21, %dma_wait3A] : memref<4096x64xf32, #tpu.memory_space<hbm>> -> memref<256x64xf32, #tpu.memory_space<hbm>>
      %dma_wait3A_28 = arith.constant 0 : i32
      %dma_wait3A_29 = tpu.memref_slice %arg2[%multiple_of3A_21, %dma_wait3A_28] : memref<4096x64xf32, #tpu.memory_space<hbm>> -> memref<256x64xf32, #tpu.memory_space<hbm>>
      tpu.wait_dma2 semaphore(%run_scoped3A : memref<!tpu.dma_semaphore, #tpu.memory_space<semaphore_mem>>) src(%dma_wait3A_29 : memref<256x64xf32, #tpu.memory_space<hbm>>) dst(%arg5 : memref<256x64xf32, #tpu.memory_space<vmem>>)
      tpu.yield
    }) : () -> ()
    "tpu.region"() ({
      %run_scoped3A = tpu.sem_alloc : memref<!tpu.dma_semaphore, #tpu.memory_space<semaphore_mem>>
      %dma_start3A = arith.constant 0 : i32
      %dma_start3A_24 = tpu.memref_slice %arg3[%multiple_of3A, %dma_start3A] : memref<4096x16xi32, #tpu.memory_space<hbm>> -> memref<128x16xi32, #tpu.memory_space<hbm>>
      %dma_start3A_25 = arith.constant 0 : i32
      %dma_start3A_26 = tpu.memref_slice %arg3[%multiple_of3A, %dma_start3A_25] : memref<4096x16xi32, #tpu.memory_space<hbm>> -> memref<128x16xi32, #tpu.memory_space<hbm>>
      tpu.enqueue_dma source(%dma_start3A_26 : memref<128x16xi32, #tpu.memory_space<hbm>>) target(%arg7 : memref<128x16xi32, #tpu.memory_space<vmem>>) target_semaphore(%run_scoped3A : memref<!tpu.dma_semaphore, #tpu.memory_space<semaphore_mem>>)
      %dma_wait3A = arith.constant 0 : i32
      %dma_wait3A_27 = tpu.memref_slice %arg3[%multiple_of3A, %dma_wait3A] : memref<4096x16xi32, #tpu.memory_space<hbm>> -> memref<128x16xi32, #tpu.memory_space<hbm>>
      %dma_wait3A_28 = arith.constant 0 : i32
      %dma_wait3A_29 = tpu.memref_slice %arg3[%multiple_of3A, %dma_wait3A_28] : memref<4096x16xi32, #tpu.memory_space<hbm>> -> memref<128x16xi32, #tpu.memory_space<hbm>>
      tpu.wait_dma2 semaphore(%run_scoped3A : memref<!tpu.dma_semaphore, #tpu.memory_space<semaphore_mem>>) src(%dma_wait3A_29 : memref<128x16xi32, #tpu.memory_space<hbm>>) dst(%arg7 : memref<128x16xi32, #tpu.memory_space<vmem>>)
      tpu.yield
    }) : () -> ()
    %parallel_loop3A = arith.constant 0 : i32
    %parallel_loop3A_22 = arith.constant 128 : i32
    %parallel_loop3A_23 = arith.constant 1 : i32
    scf.for %parallel_loop3A_24 = %parallel_loop3A to %parallel_loop3A_22 step %parallel_loop3A_23  : i32 {
      %parallel_loop3A_25 = arith.index_cast %parallel_loop3A_24 : i32 to index
      %parallel_loop3A_26 = arith.constant 0 : index
      %parallel_loop3A_27 = tpu.vector_load %arg7[%parallel_loop3A_25, %parallel_loop3A_26] {strides = array<i32>} : memref<128x16xi32, #tpu.memory_space<vmem>>, vector<1x16xi32>,
      %parallel_loop3A_28 = vector.shape_cast %parallel_loop3A_27 : vector<1x16xi32> to vector<16xi32>
      %parallel_loop3A_29 = vector.extract_strided_slice %parallel_loop3A_28 {offsets = [0], sizes = [1], strides = [1]} : vector<16xi32> to vector<1xi32>
      %parallel_loop3A_30 = vector.extract %parallel_loop3A_29[0] : i32 from vector<1xi32>
      %parallel_loop3A_31 = vector.extract_strided_slice %parallel_loop3A_28 {offsets = [1], sizes = [1], strides = [1]} : vector<16xi32> to vector<1xi32>
      %parallel_loop3A_32 = vector.extract %parallel_loop3A_31[0] : i32 from vector<1xi32>
      %parallel_loop3A_33 = vector.extract_strided_slice %parallel_loop3A_28 {offsets = [2], sizes = [1], strides = [1]} : vector<16xi32> to vector<1xi32>
      %parallel_loop3A_34 = vector.extract %parallel_loop3A_33[0] : i32 from vector<1xi32>
      %parallel_loop3A_35 = vector.extract_strided_slice %parallel_loop3A_28 {offsets = [3], sizes = [1], strides = [1]} : vector<16xi32> to vector<1xi32>
      %parallel_loop3A_36 = vector.extract %parallel_loop3A_35[0] : i32 from vector<1xi32>
      %parallel_loop3A_37 = vector.extract_strided_slice %parallel_loop3A_28 {offsets = [4], sizes = [1], strides = [1]} : vector<16xi32> to vector<1xi32>
      %parallel_loop3A_38 = vector.extract %parallel_loop3A_37[0] : i32 from vector<1xi32>
      %parallel_loop3A_39 = vector.extract_strided_slice %parallel_loop3A_28 {offsets = [5], sizes = [1], strides = [1]} : vector<16xi32> to vector<1xi32>
      %parallel_loop3A_40 = vector.extract %parallel_loop3A_39[0] : i32 from vector<1xi32>
      %parallel_loop3A_41 = vector.extract_strided_slice %parallel_loop3A_28 {offsets = [6], sizes = [1], strides = [1]} : vector<16xi32> to vector<1xi32>
      %parallel_loop3A_42 = vector.extract %parallel_loop3A_41[0] : i32 from vector<1xi32>
      %parallel_loop3A_43 = vector.extract_strided_slice %parallel_loop3A_28 {offsets = [7], sizes = [1], strides = [1]} : vector<16xi32> to vector<1xi32>
      %parallel_loop3A_44 = vector.extract %parallel_loop3A_43[0] : i32 from vector<1xi32>
      %parallel_loop3A_45 = vector.extract_strided_slice %parallel_loop3A_28 {offsets = [8], sizes = [1], strides = [1]} : vector<16xi32> to vector<1xi32>
      %parallel_loop3A_46 = vector.extract %parallel_loop3A_45[0] : i32 from vector<1xi32>
      %parallel_loop3A_47 = vector.extract_strided_slice %parallel_loop3A_28 {offsets = [9], sizes = [1], strides = [1]} : vector<16xi32> to vector<1xi32>
      %parallel_loop3A_48 = vector.extract %parallel_loop3A_47[0] : i32 from vector<1xi32>
      %parallel_loop3A_49 = vector.extract_strided_slice %parallel_loop3A_28 {offsets = [10], sizes = [1], strides = [1]} : vector<16xi32> to vector<1xi32>
      %parallel_loop3A_50 = vector.extract %parallel_loop3A_49[0] : i32 from vector<1xi32>
      %parallel_loop3A_51 = vector.extract_strided_slice %parallel_loop3A_28 {offsets = [11], sizes = [1], strides = [1]} : vector<16xi32> to vector<1xi32>
      %parallel_loop3A_52 = vector.extract %parallel_loop3A_51[0] : i32 from vector<1xi32>
      %parallel_loop3A_53 = vector.extract_strided_slice %parallel_loop3A_28 {offsets = [12], sizes = [1], strides = [1]} : vector<16xi32> to vector<1xi32>
      %parallel_loop3A_54 = vector.extract %parallel_loop3A_53[0] : i32 from vector<1xi32>
      %parallel_loop3A_55 = vector.extract_strided_slice %parallel_loop3A_28 {offsets = [13], sizes = [1], strides = [1]} : vector<16xi32> to vector<1xi32>
      %parallel_loop3A_56 = vector.extract %parallel_loop3A_55[0] : i32 from vector<1xi32>
      %parallel_loop3A_57 = vector.extract_strided_slice %parallel_loop3A_28 {offsets = [14], sizes = [1], strides = [1]} : vector<16xi32> to vector<1xi32>
      %parallel_loop3A_58 = vector.extract %parallel_loop3A_57[0] : i32 from vector<1xi32>
      %parallel_loop3A_59 = vector.extract_strided_slice %parallel_loop3A_28 {offsets = [15], sizes = [1], strides = [1]} : vector<16xi32> to vector<1xi32>
      %parallel_loop3A_60 = vector.extract %parallel_loop3A_59[0] : i32 from vector<1xi32>
      %parallel_loop3A_61 = arith.index_cast %parallel_loop3A_30 : i32 to index
      %parallel_loop3A_62 = arith.constant 0 : index
      %parallel_loop3A_63 = tpu.vector_load %arg5[%parallel_loop3A_61, %parallel_loop3A_62] {strides = array<i32>} : memref<256x64xf32, #tpu.memory_space<vmem>>, vector<1x16xf32>,
      %parallel_loop3A_64 = vector.shape_cast %parallel_loop3A_63 : vector<1x16xf32> to vector<16xf32>
      %parallel_loop3A_65 = arith.index_cast %parallel_loop3A_32 : i32 to index
      %parallel_loop3A_66 = arith.constant 0 : index
      %parallel_loop3A_67 = tpu.vector_load %arg5[%parallel_loop3A_65, %parallel_loop3A_66] {strides = array<i32>} : memref<256x64xf32, #tpu.memory_space<vmem>>, vector<1x16xf32>,
      %parallel_loop3A_68 = vector.shape_cast %parallel_loop3A_67 : vector<1x16xf32> to vector<16xf32>
      %parallel_loop3A_69 = arith.addf %parallel_loop3A_64, %parallel_loop3A_68 : vector<16xf32>
      %parallel_loop3A_70 = arith.index_cast %parallel_loop3A_34 : i32 to index
      %parallel_loop3A_71 = arith.constant 0 : index
      %parallel_loop3A_72 = tpu.vector_load %arg5[%parallel_loop3A_70, %parallel_loop3A_71] {strides = array<i32>} : memref<256x64xf32, #tpu.memory_space<vmem>>, vector<1x16xf32>,
      %parallel_loop3A_73 = vector.shape_cast %parallel_loop3A_72 : vector<1x16xf32> to vector<16xf32>
      %parallel_loop3A_74 = arith.index_cast %parallel_loop3A_36 : i32 to index
      %parallel_loop3A_75 = arith.constant 0 : index
      %parallel_loop3A_76 = tpu.vector_load %arg5[%parallel_loop3A_74, %parallel_loop3A_75] {strides = array<i32>} : memref<256x64xf32, #tpu.memory_space<vmem>>, vector<1x16xf32>,
      %parallel_loop3A_77 = vector.shape_cast %parallel_loop3A_76 : vector<1x16xf32> to vector<16xf32>
      %parallel_loop3A_78 = arith.addf %parallel_loop3A_73, %parallel_loop3A_77 : vector<16xf32>
      %parallel_loop3A_79 = arith.index_cast %parallel_loop3A_38 : i32 to index
      %parallel_loop3A_80 = arith.constant 0 : index
      %parallel_loop3A_81 = tpu.vector_load %arg5[%parallel_loop3A_79, %parallel_loop3A_80] {strides = array<i32>} : memref<256x64xf32, #tpu.memory_space<vmem>>, vector<1x16xf32>,
      %parallel_loop3A_82 = vector.shape_cast %parallel_loop3A_81 : vector<1x16xf32> to vector<16xf32>
      %parallel_loop3A_83 = arith.index_cast %parallel_loop3A_40 : i32 to index
      %parallel_loop3A_84 = arith.constant 0 : index
      %parallel_loop3A_85 = tpu.vector_load %arg5[%parallel_loop3A_83, %parallel_loop3A_84] {strides = array<i32>} : memref<256x64xf32, #tpu.memory_space<vmem>>, vector<1x16xf32>,
      %parallel_loop3A_86 = vector.shape_cast %parallel_loop3A_85 : vector<1x16xf32> to vector<16xf32>
      %parallel_loop3A_87 = arith.addf %parallel_loop3A_82, %parallel_loop3A_86 : vector<16xf32>
      %parallel_loop3A_88 = arith.index_cast %parallel_loop3A_42 : i32 to index
      %parallel_loop3A_89 = arith.constant 0 : index
      %parallel_loop3A_90 = tpu.vector_load %arg5[%parallel_loop3A_88, %parallel_loop3A_89] {strides = array<i32>} : memref<256x64xf32, #tpu.memory_space<vmem>>, vector<1x16xf32>,
      %parallel_loop3A_91 = vector.shape_cast %parallel_loop3A_90 : vector<1x16xf32> to vector<16xf32>
      %parallel_loop3A_92 = arith.index_cast %parallel_loop3A_44 : i32 to index
      %parallel_loop3A_93 = arith.constant 0 : index
      %parallel_loop3A_94 = tpu.vector_load %arg5[%parallel_loop3A_92, %parallel_loop3A_93] {strides = array<i32>} : memref<256x64xf32, #tpu.memory_space<vmem>>, vector<1x16xf32>,
      %parallel_loop3A_95 = vector.shape_cast %parallel_loop3A_94 : vector<1x16xf32> to vector<16xf32>
      %parallel_loop3A_96 = arith.addf %parallel_loop3A_91, %parallel_loop3A_95 : vector<16xf32>
      %parallel_loop3A_97 = arith.index_cast %parallel_loop3A_46 : i32 to index
      %parallel_loop3A_98 = arith.constant 0 : index
      %parallel_loop3A_99 = tpu.vector_load %arg5[%parallel_loop3A_97, %parallel_loop3A_98] {strides = array<i32>} : memref<256x64xf32, #tpu.memory_space<vmem>>, vector<1x16xf32>,
      %parallel_loop3A_100 = vector.shape_cast %parallel_loop3A_99 : vector<1x16xf32> to vector<16xf32>
      %parallel_loop3A_101 = arith.index_cast %parallel_loop3A_48 : i32 to index
      %parallel_loop3A_102 = arith.constant 0 : index
      %parallel_loop3A_103 = tpu.vector_load %arg5[%parallel_loop3A_101, %parallel_loop3A_102] {strides = array<i32>} : memref<256x64xf32, #tpu.memory_space<vmem>>, vector<1x16xf32>,
      %parallel_loop3A_104 = vector.shape_cast %parallel_loop3A_103 : vector<1x16xf32> to vector<16xf32>
      %parallel_loop3A_105 = arith.addf %parallel_loop3A_100, %parallel_loop3A_104 : vector<16xf32>
      %parallel_loop3A_106 = arith.index_cast %parallel_loop3A_50 : i32 to index
      %parallel_loop3A_107 = arith.constant 0 : index
      %parallel_loop3A_108 = tpu.vector_load %arg5[%parallel_loop3A_106, %parallel_loop3A_107] {strides = array<i32>} : memref<256x64xf32, #tpu.memory_space<vmem>>, vector<1x16xf32>,
      %parallel_loop3A_109 = vector.shape_cast %parallel_loop3A_108 : vector<1x16xf32> to vector<16xf32>
      %parallel_loop3A_110 = arith.index_cast %parallel_loop3A_52 : i32 to index
      %parallel_loop3A_111 = arith.constant 0 : index
      %parallel_loop3A_112 = tpu.vector_load %arg5[%parallel_loop3A_110, %parallel_loop3A_111] {strides = array<i32>} : memref<256x64xf32, #tpu.memory_space<vmem>>, vector<1x16xf32>,
      %parallel_loop3A_113 = vector.shape_cast %parallel_loop3A_112 : vector<1x16xf32> to vector<16xf32>
      %parallel_loop3A_114 = arith.addf %parallel_loop3A_109, %parallel_loop3A_113 : vector<16xf32>
      %parallel_loop3A_115 = arith.index_cast %parallel_loop3A_54 : i32 to index
      %parallel_loop3A_116 = arith.constant 0 : index
      %parallel_loop3A_117 = tpu.vector_load %arg5[%parallel_loop3A_115, %parallel_loop3A_116] {strides = array<i32>} : memref<256x64xf32, #tpu.memory_space<vmem>>, vector<1x16xf32>,
      %parallel_loop3A_118 = vector.shape_cast %parallel_loop3A_117 : vector<1x16xf32> to vector<16xf32>
      %parallel_loop3A_119 = arith.index_cast %parallel_loop3A_56 : i32 to index
      %parallel_loop3A_120 = arith.constant 0 : index
      %parallel_loop3A_121 = tpu.vector_load %arg5[%parallel_loop3A_119, %parallel_loop3A_120] {strides = array<i32>} : memref<256x64xf32, #tpu.memory_space<vmem>>, vector<1x16xf32>,
      %parallel_loop3A_122 = vector.shape_cast %parallel_loop3A_121 : vector<1x16xf32> to vector<16xf32>
      %parallel_loop3A_123 = arith.addf %parallel_loop3A_118, %parallel_loop3A_122 : vector<16xf32>
      %parallel_loop3A_124 = arith.index_cast %parallel_loop3A_58 : i32 to index
      %parallel_loop3A_125 = arith.constant 0 : index
      %parallel_loop3A_126 = tpu.vector_load %arg5[%parallel_loop3A_124, %parallel_loop3A_125] {strides = array<i32>} : memref<256x64xf32, #tpu.memory_space<vmem>>, vector<1x16xf32>,
      %parallel_loop3A_127 = vector.shape_cast %parallel_loop3A_126 : vector<1x16xf32> to vector<16xf32>
      %parallel_loop3A_128 = arith.index_cast %parallel_loop3A_60 : i32 to index
      %parallel_loop3A_129 = arith.constant 0 : index
      %parallel_loop3A_130 = tpu.vector_load %arg5[%parallel_loop3A_128, %parallel_loop3A_129] {strides = array<i32>} : memref<256x64xf32, #tpu.memory_space<vmem>>, vector<1x16xf32>,
      %parallel_loop3A_131 = vector.shape_cast %parallel_loop3A_130 : vector<1x16xf32> to vector<16xf32>
      %parallel_loop3A_132 = arith.addf %parallel_loop3A_127, %parallel_loop3A_131 : vector<16xf32>
      %parallel_loop3A_133 = arith.addf %parallel_loop3A_69, %parallel_loop3A_78 : vector<16xf32>
      %parallel_loop3A_134 = arith.addf %parallel_loop3A_87, %parallel_loop3A_96 : vector<16xf32>
      %parallel_loop3A_135 = arith.addf %parallel_loop3A_105, %parallel_loop3A_114 : vector<16xf32>
      %parallel_loop3A_136 = arith.addf %parallel_loop3A_123, %parallel_loop3A_132 : vector<16xf32>
      %parallel_loop3A_137 = arith.addf %parallel_loop3A_133, %parallel_loop3A_134 : vector<16xf32>
      %parallel_loop3A_138 = arith.addf %parallel_loop3A_135, %parallel_loop3A_136 : vector<16xf32>
      %parallel_loop3A_139 = arith.addf %parallel_loop3A_137, %parallel_loop3A_138 : vector<16xf32>
      %parallel_loop3A_140 = arith.index_cast %parallel_loop3A_24 : i32 to index
      %parallel_loop3A_141 = arith.constant 0 : index
      %parallel_loop3A_142 = tpu.vector_load %arg6[%parallel_loop3A_140, %parallel_loop3A_141] {strides = array<i32>} : memref<128x64xf32, #tpu.memory_space<vmem>>, vector<1x16xf32>,
      %parallel_loop3A_143 = vector.shape_cast %parallel_loop3A_142 : vector<1x16xf32> to vector<16xf32>
      %parallel_loop3A_144 = vector.shape_cast %parallel_loop3A_139 : vector<16xf32> to vector<1x16xf32>
      tpu.vector_store %arg6[%parallel_loop3A_140, %parallel_loop3A_141], %parallel_loop3A_144 {strides = array<i32>} : memref<128x64xf32, #tpu.memory_space<vmem>>, vector<1x16xf32>,
      %parallel_loop3A_145 = arith.index_cast %parallel_loop3A_30 : i32 to index
      %parallel_loop3A_146 = arith.constant 16 : index
      %parallel_loop3A_147 = tpu.vector_load %arg5[%parallel_loop3A_145, %parallel_loop3A_146] {strides = array<i32>} : memref<256x64xf32, #tpu.memory_space<vmem>>, vector<1x16xf32>,
      %parallel_loop3A_148 = vector.shape_cast %parallel_loop3A_147 : vector<1x16xf32> to vector<16xf32>
      %parallel_loop3A_149 = arith.index_cast %parallel_loop3A_32 : i32 to index
      %parallel_loop3A_150 = arith.constant 16 : index
      %parallel_loop3A_151 = tpu.vector_load %arg5[%parallel_loop3A_149, %parallel_loop3A_150] {strides = array<i32>} : memref<256x64xf32, #tpu.memory_space<vmem>>, vector<1x16xf32>,
      %parallel_loop3A_152 = vector.shape_cast %parallel_loop3A_151 : vector<1x16xf32> to vector<16xf32>
      %parallel_loop3A_153 = arith.addf %parallel_loop3A_148, %parallel_loop3A_152 : vector<16xf32>
      %parallel_loop3A_154 = arith.index_cast %parallel_loop3A_34 : i32 to index
      %parallel_loop3A_155 = arith.constant 16 : index
      %parallel_loop3A_156 = tpu.vector_load %arg5[%parallel_loop3A_154, %parallel_loop3A_155] {strides = array<i32>} : memref<256x64xf32, #tpu.memory_space<vmem>>, vector<1x16xf32>,
      %parallel_loop3A_157 = vector.shape_cast %parallel_loop3A_156 : vector<1x16xf32> to vector<16xf32>
      %parallel_loop3A_158 = arith.index_cast %parallel_loop3A_36 : i32 to index
      %parallel_loop3A_159 = arith.constant 16 : index
      %parallel_loop3A_160 = tpu.vector_load %arg5[%parallel_loop3A_158, %parallel_loop3A_159] {strides = array<i32>} : memref<256x64xf32, #tpu.memory_space<vmem>>, vector<1x16xf32>,
      %parallel_loop3A_161 = vector.shape_cast %parallel_loop3A_160 : vector<1x16xf32> to vector<16xf32>
      %parallel_loop3A_162 = arith.addf %parallel_loop3A_157, %parallel_loop3A_161 : vector<16xf32>
      %parallel_loop3A_163 = arith.index_cast %parallel_loop3A_38 : i32 to index
      %parallel_loop3A_164 = arith.constant 16 : index
      %parallel_loop3A_165 = tpu.vector_load %arg5[%parallel_loop3A_163, %parallel_loop3A_164] {strides = array<i32>} : memref<256x64xf32, #tpu.memory_space<vmem>>, vector<1x16xf32>,
      %parallel_loop3A_166 = vector.shape_cast %parallel_loop3A_165 : vector<1x16xf32> to vector<16xf32>
      %parallel_loop3A_167 = arith.index_cast %parallel_loop3A_40 : i32 to index
      %parallel_loop3A_168 = arith.constant 16 : index
      %parallel_loop3A_169 = tpu.vector_load %arg5[%parallel_loop3A_167, %parallel_loop3A_168] {strides = array<i32>} : memref<256x64xf32, #tpu.memory_space<vmem>>, vector<1x16xf32>,
      %parallel_loop3A_170 = vector.shape_cast %parallel_loop3A_169 : vector<1x16xf32> to vector<16xf32>
      %parallel_loop3A_171 = arith.addf %parallel_loop3A_166, %parallel_loop3A_170 : vector<16xf32>
      %parallel_loop3A_172 = arith.index_cast %parallel_loop3A_42 : i32 to index
      %parallel_loop3A_173 = arith.constant 16 : index
      %parallel_loop3A_174 = tpu.vector_load %arg5[%parallel_loop3A_172, %parallel_loop3A_173] {strides = array<i32>} : memref<256x64xf32, #tpu.memory_space<vmem>>, vector<1x16xf32>,
      %parallel_loop3A_175 = vector.shape_cast %parallel_loop3A_174 : vector<1x16xf32> to vector<16xf32>
      %parallel_loop3A_176 = arith.index_cast %parallel_loop3A_44 : i32 to index
      %parallel_loop3A_177 = arith.constant 16 : index
      %parallel_loop3A_178 = tpu.vector_load %arg5[%parallel_loop3A_176, %parallel_loop3A_177] {strides = array<i32>} : memref<256x64xf32, #tpu.memory_space<vmem>>, vector<1x16xf32>,
      %parallel_loop3A_179 = vector.shape_cast %parallel_loop3A_178 : vector<1x16xf32> to vector<16xf32>
      %parallel_loop3A_180 = arith.addf %parallel_loop3A_175, %parallel_loop3A_179 : vector<16xf32>
      %parallel_loop3A_181 = arith.index_cast %parallel_loop3A_46 : i32 to index
      %parallel_loop3A_182 = arith.constant 16 : index
      %parallel_loop3A_183 = tpu.vector_load %arg5[%parallel_loop3A_181, %parallel_loop3A_182] {strides = array<i32>} : memref<256x64xf32, #tpu.memory_space<vmem>>, vector<1x16xf32>,
      %parallel_loop3A_184 = vector.shape_cast %parallel_loop3A_183 : vector<1x16xf32> to vector<16xf32>
      %parallel_loop3A_185 = arith.index_cast %parallel_loop3A_48 : i32 to index
      %parallel_loop3A_186 = arith.constant 16 : index
      %parallel_loop3A_187 = tpu.vector_load %arg5[%parallel_loop3A_185, %parallel_loop3A_186] {strides = array<i32>} : memref<256x64xf32, #tpu.memory_space<vmem>>, vector<1x16xf32>,
      %parallel_loop3A_188 = vector.shape_cast %parallel_loop3A_187 : vector<1x16xf32> to vector<16xf32>
      %parallel_loop3A_189 = arith.addf %parallel_loop3A_184, %parallel_loop3A_188 : vector<16xf32>
      %parallel_loop3A_190 = arith.index_cast %parallel_loop3A_50 : i32 to index
      %parallel_loop3A_191 = arith.constant 16 : index
      %parallel_loop3A_192 = tpu.vector_load %arg5[%parallel_loop3A_190, %parallel_loop3A_191] {strides = array<i32>} : memref<256x64xf32, #tpu.memory_space<vmem>>, vector<1x16xf32>,
      %parallel_loop3A_193 = vector.shape_cast %parallel_loop3A_192 : vector<1x16xf32> to vector<16xf32>
      %parallel_loop3A_194 = arith.index_cast %parallel_loop3A_52 : i32 to index
      %parallel_loop3A_195 = arith.constant 16 : index
      %parallel_loop3A_196 = tpu.vector_load %arg5[%parallel_loop3A_194, %parallel_loop3A_195] {strides = array<i32>} : memref<256x64xf32, #tpu.memory_space<vmem>>, vector<1x16xf32>,
      %parallel_loop3A_197 = vector.shape_cast %parallel_loop3A_196 : vector<1x16xf32> to vector<16xf32>
      %parallel_loop3A_198 = arith.addf %parallel_loop3A_193, %parallel_loop3A_197 : vector<16xf32>
      %parallel_loop3A_199 = arith.index_cast %parallel_loop3A_54 : i32 to index
      %parallel_loop3A_200 = arith.constant 16 : index
      %parallel_loop3A_201 = tpu.vector_load %arg5[%parallel_loop3A_199, %parallel_loop3A_200] {strides = array<i32>} : memref<256x64xf32, #tpu.memory_space<vmem>>, vector<1x16xf32>,
      %parallel_loop3A_202 = vector.shape_cast %parallel_loop3A_201 : vector<1x16xf32> to vector<16xf32>
      %parallel_loop3A_203 = arith.index_cast %parallel_loop3A_56 : i32 to index
      %parallel_loop3A_204 = arith.constant 16 : index
      %parallel_loop3A_205 = tpu.vector_load %arg5[%parallel_loop3A_203, %parallel_loop3A_204] {strides = array<i32>} : memref<256x64xf32, #tpu.memory_space<vmem>>, vector<1x16xf32>,
      %parallel_loop3A_206 = vector.shape_cast %parallel_loop3A_205 : vector<1x16xf32> to vector<16xf32>
      %parallel_loop3A_207 = arith.addf %parallel_loop3A_202, %parallel_loop3A_206 : vector<16xf32>
      %parallel_loop3A_208 = arith.index_cast %parallel_loop3A_58 : i32 to index
      %parallel_loop3A_209 = arith.constant 16 : index
      %parallel_loop3A_210 = tpu.vector_load %arg5[%parallel_loop3A_208, %parallel_loop3A_209] {strides = array<i32>} : memref<256x64xf32, #tpu.memory_space<vmem>>, vector<1x16xf32>,
      %parallel_loop3A_211 = vector.shape_cast %parallel_loop3A_210 : vector<1x16xf32> to vector<16xf32>
      %parallel_loop3A_212 = arith.index_cast %parallel_loop3A_60 : i32 to index
      %parallel_loop3A_213 = arith.constant 16 : index
      %parallel_loop3A_214 = tpu.vector_load %arg5[%parallel_loop3A_212, %parallel_loop3A_213] {strides = array<i32>} : memref<256x64xf32, #tpu.memory_space<vmem>>, vector<1x16xf32>,
      %parallel_loop3A_215 = vector.shape_cast %parallel_loop3A_214 : vector<1x16xf32> to vector<16xf32>
      %parallel_loop3A_216 = arith.addf %parallel_loop3A_211, %parallel_loop3A_215 : vector<16xf32>
      %parallel_loop3A_217 = arith.addf %parallel_loop3A_153, %parallel_loop3A_162 : vector<16xf32>
      %parallel_loop3A_218 = arith.addf %parallel_loop3A_171, %parallel_loop3A_180 : vector<16xf32>
      %parallel_loop3A_219 = arith.addf %parallel_loop3A_189, %parallel_loop3A_198 : vector<16xf32>
      %parallel_loop3A_220 = arith.addf %parallel_loop3A_207, %parallel_loop3A_216 : vector<16xf32>
      %parallel_loop3A_221 = arith.addf %parallel_loop3A_217, %parallel_loop3A_218 : vector<16xf32>
      %parallel_loop3A_222 = arith.addf %parallel_loop3A_219, %parallel_loop3A_220 : vector<16xf32>
      %parallel_loop3A_223 = arith.addf %parallel_loop3A_221, %parallel_loop3A_222 : vector<16xf32>
      %parallel_loop3A_224 = arith.index_cast %parallel_loop3A_24 : i32 to index
      %parallel_loop3A_225 = arith.constant 16 : index
      %parallel_loop3A_226 = tpu.vector_load %arg6[%parallel_loop3A_224, %parallel_loop3A_225] {strides = array<i32>} : memref<128x64xf32, #tpu.memory_space<vmem>>, vector<1x16xf32>,
      %parallel_loop3A_227 = vector.shape_cast %parallel_loop3A_226 : vector<1x16xf32> to vector<16xf32>
      %parallel_loop3A_228 = vector.shape_cast %parallel_loop3A_223 : vector<16xf32> to vector<1x16xf32>
      tpu.vector_store %arg6[%parallel_loop3A_224, %parallel_loop3A_225], %parallel_loop3A_228 {strides = array<i32>} : memref<128x64xf32, #tpu.memory_space<vmem>>, vector<1x16xf32>,
      %parallel_loop3A_229 = arith.index_cast %parallel_loop3A_30 : i32 to index
      %parallel_loop3A_230 = arith.constant 32 : index
      %parallel_loop3A_231 = tpu.vector_load %arg5[%parallel_loop3A_229, %parallel_loop3A_230] {strides = array<i32>} : memref<256x64xf32, #tpu.memory_space<vmem>>, vector<1x16xf32>,
      %parallel_loop3A_232 = vector.shape_cast %parallel_loop3A_231 : vector<1x16xf32> to vector<16xf32>
      %parallel_loop3A_233 = arith.index_cast %parallel_loop3A_32 : i32 to index
      %parallel_loop3A_234 = arith.constant 32 : index
      %parallel_loop3A_235 = tpu.vector_load %arg5[%parallel_loop3A_233, %parallel_loop3A_234] {strides = array<i32>} : memref<256x64xf32, #tpu.memory_space<vmem>>, vector<1x16xf32>,
      %parallel_loop3A_236 = vector.shape_cast %parallel_loop3A_235 : vector<1x16xf32> to vector<16xf32>
      %parallel_loop3A_237 = arith.addf %parallel_loop3A_232, %parallel_loop3A_236 : vector<16xf32>
      %parallel_loop3A_238 = arith.index_cast %parallel_loop3A_34 : i32 to index
      %parallel_loop3A_239 = arith.constant 32 : index
      %parallel_loop3A_240 = tpu.vector_load %arg5[%parallel_loop3A_238, %parallel_loop3A_239] {strides = array<i32>} : memref<256x64xf32, #tpu.memory_space<vmem>>, vector<1x16xf32>,
      %parallel_loop3A_241 = vector.shape_cast %parallel_loop3A_240 : vector<1x16xf32> to vector<16xf32>
      %parallel_loop3A_242 = arith.index_cast %parallel_loop3A_36 : i32 to index
      %parallel_loop3A_243 = arith.constant 32 : index
      %parallel_loop3A_244 = tpu.vector_load %arg5[%parallel_loop3A_242, %parallel_loop3A_243] {strides = array<i32>} : memref<256x64xf32, #tpu.memory_space<vmem>>, vector<1x16xf32>,
      %parallel_loop3A_245 = vector.shape_cast %parallel_loop3A_244 : vector<1x16xf32> to vector<16xf32>
      %parallel_loop3A_246 = arith.addf %parallel_loop3A_241, %parallel_loop3A_245 : vector<16xf32>
      %parallel_loop3A_247 = arith.index_cast %parallel_loop3A_38 : i32 to index
      %parallel_loop3A_248 = arith.constant 32 : index
      %parallel_loop3A_249 = tpu.vector_load %arg5[%parallel_loop3A_247, %parallel_loop3A_248] {strides = array<i32>} : memref<256x64xf32, #tpu.memory_space<vmem>>, vector<1x16xf32>,
      %parallel_loop3A_250 = vector.shape_cast %parallel_loop3A_249 : vector<1x16xf32> to vector<16xf32>
      %parallel_loop3A_251 = arith.index_cast %parallel_loop3A_40 : i32 to index
      %parallel_loop3A_252 = arith.constant 32 : index
      %parallel_loop3A_253 = tpu.vector_load %arg5[%parallel_loop3A_251, %parallel_loop3A_252] {strides = array<i32>} : memref<256x64xf32, #tpu.memory_space<vmem>>, vector<1x16xf32>,
      %parallel_loop3A_254 = vector.shape_cast %parallel_loop3A_253 : vector<1x16xf32> to vector<16xf32>
      %parallel_loop3A_255 = arith.addf %parallel_loop3A_250, %parallel_loop3A_254 : vector<16xf32>
      %parallel_loop3A_256 = arith.index_cast %parallel_loop3A_42 : i32 to index
      %parallel_loop3A_257 = arith.constant 32 : index
      %parallel_loop3A_258 = tpu.vector_load %arg5[%parallel_loop3A_256, %parallel_loop3A_257] {strides = array<i32>} : memref<256x64xf32, #tpu.memory_space<vmem>>, vector<1x16xf32>,
      %parallel_loop3A_259 = vector.shape_cast %parallel_loop3A_258 : vector<1x16xf32> to vector<16xf32>
      %parallel_loop3A_260 = arith.index_cast %parallel_loop3A_44 : i32 to index
      %parallel_loop3A_261 = arith.constant 32 : index
      %parallel_loop3A_262 = tpu.vector_load %arg5[%parallel_loop3A_260, %parallel_loop3A_261] {strides = array<i32>} : memref<256x64xf32, #tpu.memory_space<vmem>>, vector<1x16xf32>,
      %parallel_loop3A_263 = vector.shape_cast %parallel_loop3A_262 : vector<1x16xf32> to vector<16xf32>
      %parallel_loop3A_264 = arith.addf %parallel_loop3A_259, %parallel_loop3A_263 : vector<16xf32>
      %parallel_loop3A_265 = arith.index_cast %parallel_loop3A_46 : i32 to index
      %parallel_loop3A_266 = arith.constant 32 : index
      %parallel_loop3A_267 = tpu.vector_load %arg5[%parallel_loop3A_265, %parallel_loop3A_266] {strides = array<i32>} : memref<256x64xf32, #tpu.memory_space<vmem>>, vector<1x16xf32>,
      %parallel_loop3A_268 = vector.shape_cast %parallel_loop3A_267 : vector<1x16xf32> to vector<16xf32>
      %parallel_loop3A_269 = arith.index_cast %parallel_loop3A_48 : i32 to index
      %parallel_loop3A_270 = arith.constant 32 : index
      %parallel_loop3A_271 = tpu.vector_load %arg5[%parallel_loop3A_269, %parallel_loop3A_270] {strides = array<i32>} : memref<256x64xf32, #tpu.memory_space<vmem>>, vector<1x16xf32>,
      %parallel_loop3A_272 = vector.shape_cast %parallel_loop3A_271 : vector<1x16xf32> to vector<16xf32>
      %parallel_loop3A_273 = arith.addf %parallel_loop3A_268, %parallel_loop3A_272 : vector<16xf32>
      %parallel_loop3A_274 = arith.index_cast %parallel_loop3A_50 : i32 to index
      %parallel_loop3A_275 = arith.constant 32 : index
      %parallel_loop3A_276 = tpu.vector_load %arg5[%parallel_loop3A_274, %parallel_loop3A_275] {strides = array<i32>} : memref<256x64xf32, #tpu.memory_space<vmem>>, vector<1x16xf32>,
      %parallel_loop3A_277 = vector.shape_cast %parallel_loop3A_276 : vector<1x16xf32> to vector<16xf32>
      %parallel_loop3A_278 = arith.index_cast %parallel_loop3A_52 : i32 to index
      %parallel_loop3A_279 = arith.constant 32 : index
      %parallel_loop3A_280 = tpu.vector_load %arg5[%parallel_loop3A_278, %parallel_loop3A_279] {strides = array<i32>} : memref<256x64xf32, #tpu.memory_space<vmem>>, vector<1x16xf32>,
      %parallel_loop3A_281 = vector.shape_cast %parallel_loop3A_280 : vector<1x16xf32> to vector<16xf32>
      %parallel_loop3A_282 = arith.addf %parallel_loop3A_277, %parallel_loop3A_281 : vector<16xf32>
      %parallel_loop3A_283 = arith.index_cast %parallel_loop3A_54 : i32 to index
      %parallel_loop3A_284 = arith.constant 32 : index
      %parallel_loop3A_285 = tpu.vector_load %arg5[%parallel_loop3A_283, %parallel_loop3A_284] {strides = array<i32>} : memref<256x64xf32, #tpu.memory_space<vmem>>, vector<1x16xf32>,
      %parallel_loop3A_286 = vector.shape_cast %parallel_loop3A_285 : vector<1x16xf32> to vector<16xf32>
      %parallel_loop3A_287 = arith.index_cast %parallel_loop3A_56 : i32 to index
      %parallel_loop3A_288 = arith.constant 32 : index
      %parallel_loop3A_289 = tpu.vector_load %arg5[%parallel_loop3A_287, %parallel_loop3A_288] {strides = array<i32>} : memref<256x64xf32, #tpu.memory_space<vmem>>, vector<1x16xf32>,
      %parallel_loop3A_290 = vector.shape_cast %parallel_loop3A_289 : vector<1x16xf32> to vector<16xf32>
      %parallel_loop3A_291 = arith.addf %parallel_loop3A_286, %parallel_loop3A_290 : vector<16xf32>
      %parallel_loop3A_292 = arith.index_cast %parallel_loop3A_58 : i32 to index
      %parallel_loop3A_293 = arith.constant 32 : index
      %parallel_loop3A_294 = tpu.vector_load %arg5[%parallel_loop3A_292, %parallel_loop3A_293] {strides = array<i32>} : memref<256x64xf32, #tpu.memory_space<vmem>>, vector<1x16xf32>,
      %parallel_loop3A_295 = vector.shape_cast %parallel_loop3A_294 : vector<1x16xf32> to vector<16xf32>
      %parallel_loop3A_296 = arith.index_cast %parallel_loop3A_60 : i32 to index
      %parallel_loop3A_297 = arith.constant 32 : index
      %parallel_loop3A_298 = tpu.vector_load %arg5[%parallel_loop3A_296, %parallel_loop3A_297] {strides = array<i32>} : memref<256x64xf32, #tpu.memory_space<vmem>>, vector<1x16xf32>,
      %parallel_loop3A_299 = vector.shape_cast %parallel_loop3A_298 : vector<1x16xf32> to vector<16xf32>
      %parallel_loop3A_300 = arith.addf %parallel_loop3A_295, %parallel_loop3A_299 : vector<16xf32>
      %parallel_loop3A_301 = arith.addf %parallel_loop3A_237, %parallel_loop3A_246 : vector<16xf32>
      %parallel_loop3A_302 = arith.addf %parallel_loop3A_255, %parallel_loop3A_264 : vector<16xf32>
      %parallel_loop3A_303 = arith.addf %parallel_loop3A_273, %parallel_loop3A_282 : vector<16xf32>
      %parallel_loop3A_304 = arith.addf %parallel_loop3A_291, %parallel_loop3A_300 : vector<16xf32>
      %parallel_loop3A_305 = arith.addf %parallel_loop3A_301, %parallel_loop3A_302 : vector<16xf32>
      %parallel_loop3A_306 = arith.addf %parallel_loop3A_303, %parallel_loop3A_304 : vector<16xf32>
      %parallel_loop3A_307 = arith.addf %parallel_loop3A_305, %parallel_loop3A_306 : vector<16xf32>
      %parallel_loop3A_308 = arith.index_cast %parallel_loop3A_24 : i32 to index
      %parallel_loop3A_309 = arith.constant 32 : index
      %parallel_loop3A_310 = tpu.vector_load %arg6[%parallel_loop3A_308, %parallel_loop3A_309] {strides = array<i32>} : memref<128x64xf32, #tpu.memory_space<vmem>>, vector<1x16xf32>,
      %parallel_loop3A_311 = vector.shape_cast %parallel_loop3A_310 : vector<1x16xf32> to vector<16xf32>
      %parallel_loop3A_312 = vector.shape_cast %parallel_loop3A_307 : vector<16xf32> to vector<1x16xf32>
      tpu.vector_store %arg6[%parallel_loop3A_308, %parallel_loop3A_309], %parallel_loop3A_312 {strides = array<i32>} : memref<128x64xf32, #tpu.memory_space<vmem>>, vector<1x16xf32>,
      %parallel_loop3A_313 = arith.index_cast %parallel_loop3A_30 : i32 to index
      %parallel_loop3A_314 = arith.constant 48 : index
      %parallel_loop3A_315 = tpu.vector_load %arg5[%parallel_loop3A_313, %parallel_loop3A_314] {strides = array<i32>} : memref<256x64xf32, #tpu.memory_space<vmem>>, vector<1x16xf32>,
      %parallel_loop3A_316 = vector.shape_cast %parallel_loop3A_315 : vector<1x16xf32> to vector<16xf32>
      %parallel_loop3A_317 = arith.index_cast %parallel_loop3A_32 : i32 to index
      %parallel_loop3A_318 = arith.constant 48 : index
      %parallel_loop3A_319 = tpu.vector_load %arg5[%parallel_loop3A_317, %parallel_loop3A_318] {strides = array<i32>} : memref<256x64xf32, #tpu.memory_space<vmem>>, vector<1x16xf32>,
      %parallel_loop3A_320 = vector.shape_cast %parallel_loop3A_319 : vector<1x16xf32> to vector<16xf32>
      %parallel_loop3A_321 = arith.addf %parallel_loop3A_316, %parallel_loop3A_320 : vector<16xf32>
      %parallel_loop3A_322 = arith.index_cast %parallel_loop3A_34 : i32 to index
      %parallel_loop3A_323 = arith.constant 48 : index
      %parallel_loop3A_324 = tpu.vector_load %arg5[%parallel_loop3A_322, %parallel_loop3A_323] {strides = array<i32>} : memref<256x64xf32, #tpu.memory_space<vmem>>, vector<1x16xf32>,
      %parallel_loop3A_325 = vector.shape_cast %parallel_loop3A_324 : vector<1x16xf32> to vector<16xf32>
      %parallel_loop3A_326 = arith.index_cast %parallel_loop3A_36 : i32 to index
      %parallel_loop3A_327 = arith.constant 48 : index
      %parallel_loop3A_328 = tpu.vector_load %arg5[%parallel_loop3A_326, %parallel_loop3A_327] {strides = array<i32>} : memref<256x64xf32, #tpu.memory_space<vmem>>, vector<1x16xf32>,
      %parallel_loop3A_329 = vector.shape_cast %parallel_loop3A_328 : vector<1x16xf32> to vector<16xf32>
      %parallel_loop3A_330 = arith.addf %parallel_loop3A_325, %parallel_loop3A_329 : vector<16xf32>
      %parallel_loop3A_331 = arith.index_cast %parallel_loop3A_38 : i32 to index
      %parallel_loop3A_332 = arith.constant 48 : index
      %parallel_loop3A_333 = tpu.vector_load %arg5[%parallel_loop3A_331, %parallel_loop3A_332] {strides = array<i32>} : memref<256x64xf32, #tpu.memory_space<vmem>>, vector<1x16xf32>,
      %parallel_loop3A_334 = vector.shape_cast %parallel_loop3A_333 : vector<1x16xf32> to vector<16xf32>
      %parallel_loop3A_335 = arith.index_cast %parallel_loop3A_40 : i32 to index
      %parallel_loop3A_336 = arith.constant 48 : index
      %parallel_loop3A_337 = tpu.vector_load %arg5[%parallel_loop3A_335, %parallel_loop3A_336] {strides = array<i32>} : memref<256x64xf32, #tpu.memory_space<vmem>>, vector<1x16xf32>,
      %parallel_loop3A_338 = vector.shape_cast %parallel_loop3A_337 : vector<1x16xf32> to vector<16xf32>
      %parallel_loop3A_339 = arith.addf %parallel_loop3A_334, %parallel_loop3A_338 : vector<16xf32>
      %parallel_loop3A_340 = arith.index_cast %parallel_loop3A_42 : i32 to index
      %parallel_loop3A_341 = arith.constant 48 : index
      %parallel_loop3A_342 = tpu.vector_load %arg5[%parallel_loop3A_340, %parallel_loop3A_341] {strides = array<i32>} : memref<256x64xf32, #tpu.memory_space<vmem>>, vector<1x16xf32>,
      %parallel_loop3A_343 = vector.shape_cast %parallel_loop3A_342 : vector<1x16xf32> to vector<16xf32>
      %parallel_loop3A_344 = arith.index_cast %parallel_loop3A_44 : i32 to index
      %parallel_loop3A_345 = arith.constant 48 : index
      %parallel_loop3A_346 = tpu.vector_load %arg5[%parallel_loop3A_344, %parallel_loop3A_345] {strides = array<i32>} : memref<256x64xf32, #tpu.memory_space<vmem>>, vector<1x16xf32>,
      %parallel_loop3A_347 = vector.shape_cast %parallel_loop3A_346 : vector<1x16xf32> to vector<16xf32>
      %parallel_loop3A_348 = arith.addf %parallel_loop3A_343, %parallel_loop3A_347 : vector<16xf32>
      %parallel_loop3A_349 = arith.index_cast %parallel_loop3A_46 : i32 to index
      %parallel_loop3A_350 = arith.constant 48 : index
      %parallel_loop3A_351 = tpu.vector_load %arg5[%parallel_loop3A_349, %parallel_loop3A_350] {strides = array<i32>} : memref<256x64xf32, #tpu.memory_space<vmem>>, vector<1x16xf32>,
      %parallel_loop3A_352 = vector.shape_cast %parallel_loop3A_351 : vector<1x16xf32> to vector<16xf32>
      %parallel_loop3A_353 = arith.index_cast %parallel_loop3A_48 : i32 to index
      %parallel_loop3A_354 = arith.constant 48 : index
      %parallel_loop3A_355 = tpu.vector_load %arg5[%parallel_loop3A_353, %parallel_loop3A_354] {strides = array<i32>} : memref<256x64xf32, #tpu.memory_space<vmem>>, vector<1x16xf32>,
      %parallel_loop3A_356 = vector.shape_cast %parallel_loop3A_355 : vector<1x16xf32> to vector<16xf32>
      %parallel_loop3A_357 = arith.addf %parallel_loop3A_352, %parallel_loop3A_356 : vector<16xf32>
      %parallel_loop3A_358 = arith.index_cast %parallel_loop3A_50 : i32 to index
      %parallel_loop3A_359 = arith.constant 48 : index
      %parallel_loop3A_360 = tpu.vector_load %arg5[%parallel_loop3A_358, %parallel_loop3A_359] {strides = array<i32>} : memref<256x64xf32, #tpu.memory_space<vmem>>, vector<1x16xf32>,
      %parallel_loop3A_361 = vector.shape_cast %parallel_loop3A_360 : vector<1x16xf32> to vector<16xf32>
      %parallel_loop3A_362 = arith.index_cast %parallel_loop3A_52 : i32 to index
      %parallel_loop3A_363 = arith.constant 48 : index
      %parallel_loop3A_364 = tpu.vector_load %arg5[%parallel_loop3A_362, %parallel_loop3A_363] {strides = array<i32>} : memref<256x64xf32, #tpu.memory_space<vmem>>, vector<1x16xf32>,
      %parallel_loop3A_365 = vector.shape_cast %parallel_loop3A_364 : vector<1x16xf32> to vector<16xf32>
      %parallel_loop3A_366 = arith.addf %parallel_loop3A_361, %parallel_loop3A_365 : vector<16xf32>
      %parallel_loop3A_367 = arith.index_cast %parallel_loop3A_54 : i32 to index
      %parallel_loop3A_368 = arith.constant 48 : index
      %parallel_loop3A_369 = tpu.vector_load %arg5[%parallel_loop3A_367, %parallel_loop3A_368] {strides = array<i32>} : memref<256x64xf32, #tpu.memory_space<vmem>>, vector<1x16xf32>,
      %parallel_loop3A_370 = vector.shape_cast %parallel_loop3A_369 : vector<1x16xf32> to vector<16xf32>
      %parallel_loop3A_371 = arith.index_cast %parallel_loop3A_56 : i32 to index
      %parallel_loop3A_372 = arith.constant 48 : index
      %parallel_loop3A_373 = tpu.vector_load %arg5[%parallel_loop3A_371, %parallel_loop3A_372] {strides = array<i32>} : memref<256x64xf32, #tpu.memory_space<vmem>>, vector<1x16xf32>,
      %parallel_loop3A_374 = vector.shape_cast %parallel_loop3A_373 : vector<1x16xf32> to vector<16xf32>
      %parallel_loop3A_375 = arith.addf %parallel_loop3A_370, %parallel_loop3A_374 : vector<16xf32>
      %parallel_loop3A_376 = arith.index_cast %parallel_loop3A_58 : i32 to index
      %parallel_loop3A_377 = arith.constant 48 : index
      %parallel_loop3A_378 = tpu.vector_load %arg5[%parallel_loop3A_376, %parallel_loop3A_377] {strides = array<i32>} : memref<256x64xf32, #tpu.memory_space<vmem>>, vector<1x16xf32>,
      %parallel_loop3A_379 = vector.shape_cast %parallel_loop3A_378 : vector<1x16xf32> to vector<16xf32>
      %parallel_loop3A_380 = arith.index_cast %parallel_loop3A_60 : i32 to index
      %parallel_loop3A_381 = arith.constant 48 : index
      %parallel_loop3A_382 = tpu.vector_load %arg5[%parallel_loop3A_380, %parallel_loop3A_381] {strides = array<i32>} : memref<256x64xf32, #tpu.memory_space<vmem>>, vector<1x16xf32>,
      %parallel_loop3A_383 = vector.shape_cast %parallel_loop3A_382 : vector<1x16xf32> to vector<16xf32>
      %parallel_loop3A_384 = arith.addf %parallel_loop3A_379, %parallel_loop3A_383 : vector<16xf32>
      %parallel_loop3A_385 = arith.addf %parallel_loop3A_321, %parallel_loop3A_330 : vector<16xf32>
      %parallel_loop3A_386 = arith.addf %parallel_loop3A_339, %parallel_loop3A_348 : vector<16xf32>
      %parallel_loop3A_387 = arith.addf %parallel_loop3A_357, %parallel_loop3A_366 : vector<16xf32>
      %parallel_loop3A_388 = arith.addf %parallel_loop3A_375, %parallel_loop3A_384 : vector<16xf32>
      %parallel_loop3A_389 = arith.addf %parallel_loop3A_385, %parallel_loop3A_386 : vector<16xf32>
      %parallel_loop3A_390 = arith.addf %parallel_loop3A_387, %parallel_loop3A_388 : vector<16xf32>
      %parallel_loop3A_391 = arith.addf %parallel_loop3A_389, %parallel_loop3A_390 : vector<16xf32>
      %parallel_loop3A_392 = arith.index_cast %parallel_loop3A_24 : i32 to index
      %parallel_loop3A_393 = arith.constant 48 : index
      %parallel_loop3A_394 = tpu.vector_load %arg6[%parallel_loop3A_392, %parallel_loop3A_393] {strides = array<i32>} : memref<128x64xf32, #tpu.memory_space<vmem>>, vector<1x16xf32>,
      %parallel_loop3A_395 = vector.shape_cast %parallel_loop3A_394 : vector<1x16xf32> to vector<16xf32>
      %parallel_loop3A_396 = vector.shape_cast %parallel_loop3A_391 : vector<16xf32> to vector<1x16xf32>
      tpu.vector_store %arg6[%parallel_loop3A_392, %parallel_loop3A_393], %parallel_loop3A_396 {strides = array<i32>} : memref<128x64xf32, #tpu.memory_space<vmem>>, vector<1x16xf32>,
    } {sc.loop_unroll_factor = 2 : i64, sc.parallel_access}
    "tpu.region"() ({
      %run_scoped3A = tpu.sem_alloc : memref<!tpu.dma_semaphore, #tpu.memory_space<semaphore_mem>>
      %dma_start3A = arith.constant 0 : i32
      %dma_start3A_24 = tpu.memref_slice %arg4[%multiple_of3A, %dma_start3A] : memref<4096x64xf32, #tpu.memory_space<hbm>> -> memref<128x64xf32, #tpu.memory_space<hbm>>
      %dma_start3A_25 = arith.constant 0 : i32
      %dma_start3A_26 = tpu.memref_slice %arg4[%multiple_of3A, %dma_start3A_25] : memref<4096x64xf32, #tpu.memory_space<hbm>> -> memref<128x64xf32, #tpu.memory_space<hbm>>
      tpu.enqueue_dma source(%arg6 : memref<128x64xf32, #tpu.memory_space<vmem>>) target(%dma_start3A_26 : memref<128x64xf32, #tpu.memory_space<hbm>>) target_semaphore(%run_scoped3A : memref<!tpu.dma_semaphore, #tpu.memory_space<semaphore_mem>>)
      %dma_wait3A = arith.constant 0 : i32
      %dma_wait3A_27 = tpu.memref_slice %arg4[%multiple_of3A, %dma_wait3A] : memref<4096x64xf32, #tpu.memory_space<hbm>> -> memref<128x64xf32, #tpu.memory_space<hbm>>
      %dma_wait3A_28 = arith.constant 0 : i32
      %dma_wait3A_29 = tpu.memref_slice %arg4[%multiple_of3A, %dma_wait3A_28] : memref<4096x64xf32, #tpu.memory_space<hbm>> -> memref<128x64xf32, #tpu.memory_space<hbm>>
      tpu.wait_dma2 semaphore(%run_scoped3A : memref<!tpu.dma_semaphore, #tpu.memory_space<semaphore_mem>>) src(%arg6 : memref<128x64xf32, #tpu.memory_space<vmem>>) dst(%dma_wait3A_29 : memref<128x64xf32, #tpu.memory_space<hbm>>)
      tpu.yield
    }) : () -> ()
    return
  }
}

#map = affine_map<(d0, d1) -> (0, 0)>
module attributes {stable_mosaic.version = 14 : i64} {
  func.func @_gather_sum(%arg0: i32, %arg1: i32, %arg2: memref<4096x64xf32, #tpu.memory_space<hbm>>, %arg3: memref<4096x16xi32, #tpu.memory_space<hbm>>, %arg4: memref<4096x64xf32, #tpu.memory_space<hbm>>, %arg5: memref<256x64xf32, #tpu.memory_space<vmem>>, %arg6: memref<128x64xf32, #tpu.memory_space<vmem>>, %arg7: memref<128x16xi32, #tpu.memory_space<vmem>>) attributes {dimension_semantics = [#tpu.dimension_semantics<core_parallel>, #tpu.dimension_semantics<subcore_parallel>], iteration_bounds = array<i64: 2, 16>, scalar_prefetch = 0 : i64, scratch_operands = 3 : i64, tpu.core_type = #tpu.core_type<sc_vector_subcore>, window_params = [{transform_indices = #map}, {transform_indices = #map}, {transform_indices = #map}]} {
    %mul3A = arith.constant 2 : i32
    %mul3A_0 = arith.muli %arg1, %mul3A : i32
    %add3A = arith.addi %mul3A_0, %arg0 : i32
    %mul3A_1 = arith.constant 128 : i32
    %mul3A_2 = arith.muli %add3A, %mul3A_1 : i32
    %multiple_of3A = tpu.assume_multiple %mul3A_2, 128 : i32
    %jit3A = arith.constant 2 : i32
    %div3A = arith.divsi %add3A, %jit3A : i32
    %sign3A = arith.constant 0 : i32
    %sign3A_3 = arith.cmpi sgt, %add3A, %sign3A : i32
    %sign3A_4 = arith.extui %sign3A_3 : i1 to i32
    %sign3A_5 = arith.constant 0 : i32
    %sign3A_6 = arith.cmpi slt, %add3A, %sign3A_5 : i32
    %sign3A_7 = arith.extui %sign3A_6 : i1 to i32
    %sign3A_8 = arith.subi %sign3A_4, %sign3A_7 : i32
    %sign3A_9 = arith.constant 0 : i32
    %sign3A_10 = arith.cmpi sgt, %jit3A, %sign3A_9 : i32
    %sign3A_11 = arith.extui %sign3A_10 : i1 to i32
    %sign3A_12 = arith.constant 0 : i32
    %sign3A_13 = arith.cmpi slt, %jit3A, %sign3A_12 : i32
    %sign3A_14 = arith.extui %sign3A_13 : i1 to i32
    %sign3A_15 = arith.subi %sign3A_11, %sign3A_14 : i32
    %ne3A = arith.cmpi ne, %sign3A_8, %sign3A_15 : i32
    %rem3A = arith.remsi %add3A, %jit3A : i32
    %ne3A_16 = arith.constant 0 : i32
    %ne3A_17 = arith.cmpi ne, %rem3A, %ne3A_16 : i32
    %and3A = arith.andi %ne3A, %ne3A_17 : i1
    %sub3A = arith.constant 1 : i32
    %sub3A_18 = arith.subi %div3A, %sub3A : i32
    %select_n3A = arith.select %and3A, %sub3A_18, %div3A : i32
    %mul3A_19 = arith.constant 256 : i32
    %mul3A_20 = arith.muli %select_n3A, %mul3A_19 : i32
    %multiple_of3A_21 = tpu.assume_multiple %mul3A_20, 256 : i32
    "tpu.region"() ({
      %run_scoped3A = tpu.sem_alloc : memref<!tpu.dma_semaphore, #tpu.memory_space<semaphore_mem>>
      %dma_start3A = arith.constant 0 : i32
      %dma_start3A_24 = tpu.memref_slice %arg2[%multiple_of3A_21, %dma_start3A] : memref<4096x64xf32, #tpu.memory_space<hbm>> -> memref<256x64xf32, #tpu.memory_space<hbm>>
      %dma_start3A_25 = arith.constant 0 : i32
      %dma_start3A_26 = tpu.memref_slice %arg2[%multiple_of3A_21, %dma_start3A_25] : memref<4096x64xf32, #tpu.memory_space<hbm>> -> memref<256x64xf32, #tpu.memory_space<hbm>>
      tpu.enqueue_dma source(%dma_start3A_26 : memref<256x64xf32, #tpu.memory_space<hbm>>) target(%arg5 : memref<256x64xf32, #tpu.memory_space<vmem>>) target_semaphore(%run_scoped3A : memref<!tpu.dma_semaphore, #tpu.memory_space<semaphore_mem>>)
      %dma_wait3A = arith.constant 0 : i32
      %dma_wait3A_27 = tpu.memref_slice %arg2[%multiple_of3A_21, %dma_wait3A] : memref<4096x64xf32, #tpu.memory_space<hbm>> -> memref<256x64xf32, #tpu.memory_space<hbm>>
      %dma_wait3A_28 = arith.constant 0 : i32
      %dma_wait3A_29 = tpu.memref_slice %arg2[%multiple_of3A_21, %dma_wait3A_28] : memref<4096x64xf32, #tpu.memory_space<hbm>> -> memref<256x64xf32, #tpu.memory_space<hbm>>
      tpu.wait_dma2 semaphore(%run_scoped3A : memref<!tpu.dma_semaphore, #tpu.memory_space<semaphore_mem>>) src(%dma_wait3A_29 : memref<256x64xf32, #tpu.memory_space<hbm>>) dst(%arg5 : memref<256x64xf32, #tpu.memory_space<vmem>>)
      tpu.yield
    }) : () -> ()
    "tpu.region"() ({
      %run_scoped3A = tpu.sem_alloc : memref<!tpu.dma_semaphore, #tpu.memory_space<semaphore_mem>>
      %dma_start3A = arith.constant 0 : i32
      %dma_start3A_24 = tpu.memref_slice %arg3[%multiple_of3A, %dma_start3A] : memref<4096x16xi32, #tpu.memory_space<hbm>> -> memref<128x16xi32, #tpu.memory_space<hbm>>
      %dma_start3A_25 = arith.constant 0 : i32
      %dma_start3A_26 = tpu.memref_slice %arg3[%multiple_of3A, %dma_start3A_25] : memref<4096x16xi32, #tpu.memory_space<hbm>> -> memref<128x16xi32, #tpu.memory_space<hbm>>
      tpu.enqueue_dma source(%dma_start3A_26 : memref<128x16xi32, #tpu.memory_space<hbm>>) target(%arg7 : memref<128x16xi32, #tpu.memory_space<vmem>>) target_semaphore(%run_scoped3A : memref<!tpu.dma_semaphore, #tpu.memory_space<semaphore_mem>>)
      %dma_wait3A = arith.constant 0 : i32
      %dma_wait3A_27 = tpu.memref_slice %arg3[%multiple_of3A, %dma_wait3A] : memref<4096x16xi32, #tpu.memory_space<hbm>> -> memref<128x16xi32, #tpu.memory_space<hbm>>
      %dma_wait3A_28 = arith.constant 0 : i32
      %dma_wait3A_29 = tpu.memref_slice %arg3[%multiple_of3A, %dma_wait3A_28] : memref<4096x16xi32, #tpu.memory_space<hbm>> -> memref<128x16xi32, #tpu.memory_space<hbm>>
      tpu.wait_dma2 semaphore(%run_scoped3A : memref<!tpu.dma_semaphore, #tpu.memory_space<semaphore_mem>>) src(%dma_wait3A_29 : memref<128x16xi32, #tpu.memory_space<hbm>>) dst(%arg7 : memref<128x16xi32, #tpu.memory_space<vmem>>)
      tpu.yield
    }) : () -> ()
    %parallel_loop3A = arith.constant 0 : i32
    %parallel_loop3A_22 = arith.constant 128 : i32
    %parallel_loop3A_23 = arith.constant 1 : i32
    scf.for %parallel_loop3A_24 = %parallel_loop3A to %parallel_loop3A_22 step %parallel_loop3A_23  : i32 {
      %parallel_loop3A_25 = arith.index_cast %parallel_loop3A_24 : i32 to index
      %parallel_loop3A_26 = arith.constant 0 : index
      %parallel_loop3A_27 = tpu.vector_load %arg7[%parallel_loop3A_25, %parallel_loop3A_26] {strides = array<i32>} : memref<128x16xi32, #tpu.memory_space<vmem>>, vector<1x16xi32>,
      %parallel_loop3A_28 = vector.shape_cast %parallel_loop3A_27 : vector<1x16xi32> to vector<16xi32>
      %parallel_loop3A_29 = vector.extract_strided_slice %parallel_loop3A_28 {offsets = [0], sizes = [1], strides = [1]} : vector<16xi32> to vector<1xi32>
      %parallel_loop3A_30 = vector.extract %parallel_loop3A_29[0] : i32 from vector<1xi32>
      %parallel_loop3A_31 = vector.extract_strided_slice %parallel_loop3A_28 {offsets = [1], sizes = [1], strides = [1]} : vector<16xi32> to vector<1xi32>
      %parallel_loop3A_32 = vector.extract %parallel_loop3A_31[0] : i32 from vector<1xi32>
      %parallel_loop3A_33 = vector.extract_strided_slice %parallel_loop3A_28 {offsets = [2], sizes = [1], strides = [1]} : vector<16xi32> to vector<1xi32>
      %parallel_loop3A_34 = vector.extract %parallel_loop3A_33[0] : i32 from vector<1xi32>
      %parallel_loop3A_35 = vector.extract_strided_slice %parallel_loop3A_28 {offsets = [3], sizes = [1], strides = [1]} : vector<16xi32> to vector<1xi32>
      %parallel_loop3A_36 = vector.extract %parallel_loop3A_35[0] : i32 from vector<1xi32>
      %parallel_loop3A_37 = vector.extract_strided_slice %parallel_loop3A_28 {offsets = [4], sizes = [1], strides = [1]} : vector<16xi32> to vector<1xi32>
      %parallel_loop3A_38 = vector.extract %parallel_loop3A_37[0] : i32 from vector<1xi32>
      %parallel_loop3A_39 = vector.extract_strided_slice %parallel_loop3A_28 {offsets = [5], sizes = [1], strides = [1]} : vector<16xi32> to vector<1xi32>
      %parallel_loop3A_40 = vector.extract %parallel_loop3A_39[0] : i32 from vector<1xi32>
      %parallel_loop3A_41 = vector.extract_strided_slice %parallel_loop3A_28 {offsets = [6], sizes = [1], strides = [1]} : vector<16xi32> to vector<1xi32>
      %parallel_loop3A_42 = vector.extract %parallel_loop3A_41[0] : i32 from vector<1xi32>
      %parallel_loop3A_43 = vector.extract_strided_slice %parallel_loop3A_28 {offsets = [7], sizes = [1], strides = [1]} : vector<16xi32> to vector<1xi32>
      %parallel_loop3A_44 = vector.extract %parallel_loop3A_43[0] : i32 from vector<1xi32>
      %parallel_loop3A_45 = vector.extract_strided_slice %parallel_loop3A_28 {offsets = [8], sizes = [1], strides = [1]} : vector<16xi32> to vector<1xi32>
      %parallel_loop3A_46 = vector.extract %parallel_loop3A_45[0] : i32 from vector<1xi32>
      %parallel_loop3A_47 = vector.extract_strided_slice %parallel_loop3A_28 {offsets = [9], sizes = [1], strides = [1]} : vector<16xi32> to vector<1xi32>
      %parallel_loop3A_48 = vector.extract %parallel_loop3A_47[0] : i32 from vector<1xi32>
      %parallel_loop3A_49 = vector.extract_strided_slice %parallel_loop3A_28 {offsets = [10], sizes = [1], strides = [1]} : vector<16xi32> to vector<1xi32>
      %parallel_loop3A_50 = vector.extract %parallel_loop3A_49[0] : i32 from vector<1xi32>
      %parallel_loop3A_51 = vector.extract_strided_slice %parallel_loop3A_28 {offsets = [11], sizes = [1], strides = [1]} : vector<16xi32> to vector<1xi32>
      %parallel_loop3A_52 = vector.extract %parallel_loop3A_51[0] : i32 from vector<1xi32>
      %parallel_loop3A_53 = vector.extract_strided_slice %parallel_loop3A_28 {offsets = [12], sizes = [1], strides = [1]} : vector<16xi32> to vector<1xi32>
      %parallel_loop3A_54 = vector.extract %parallel_loop3A_53[0] : i32 from vector<1xi32>
      %parallel_loop3A_55 = vector.extract_strided_slice %parallel_loop3A_28 {offsets = [13], sizes = [1], strides = [1]} : vector<16xi32> to vector<1xi32>
      %parallel_loop3A_56 = vector.extract %parallel_loop3A_55[0] : i32 from vector<1xi32>
      %parallel_loop3A_57 = vector.extract_strided_slice %parallel_loop3A_28 {offsets = [14], sizes = [1], strides = [1]} : vector<16xi32> to vector<1xi32>
      %parallel_loop3A_58 = vector.extract %parallel_loop3A_57[0] : i32 from vector<1xi32>
      %parallel_loop3A_59 = vector.extract_strided_slice %parallel_loop3A_28 {offsets = [15], sizes = [1], strides = [1]} : vector<16xi32> to vector<1xi32>
      %parallel_loop3A_60 = vector.extract %parallel_loop3A_59[0] : i32 from vector<1xi32>
      %parallel_loop3A_61 = arith.index_cast %parallel_loop3A_30 : i32 to index
      %parallel_loop3A_62 = arith.constant 0 : index
      %parallel_loop3A_63 = tpu.vector_load %arg5[%parallel_loop3A_61, %parallel_loop3A_62] {strides = array<i32>} : memref<256x64xf32, #tpu.memory_space<vmem>>, vector<1x16xf32>,
      %parallel_loop3A_64 = vector.shape_cast %parallel_loop3A_63 : vector<1x16xf32> to vector<16xf32>
      %parallel_loop3A_65 = arith.index_cast %parallel_loop3A_32 : i32 to index
      %parallel_loop3A_66 = arith.constant 0 : index
      %parallel_loop3A_67 = tpu.vector_load %arg5[%parallel_loop3A_65, %parallel_loop3A_66] {strides = array<i32>} : memref<256x64xf32, #tpu.memory_space<vmem>>, vector<1x16xf32>,
      %parallel_loop3A_68 = vector.shape_cast %parallel_loop3A_67 : vector<1x16xf32> to vector<16xf32>
      %parallel_loop3A_69 = arith.addf %parallel_loop3A_64, %parallel_loop3A_68 : vector<16xf32>
      %parallel_loop3A_70 = arith.index_cast %parallel_loop3A_34 : i32 to index
      %parallel_loop3A_71 = arith.constant 0 : index
      %parallel_loop3A_72 = tpu.vector_load %arg5[%parallel_loop3A_70, %parallel_loop3A_71] {strides = array<i32>} : memref<256x64xf32, #tpu.memory_space<vmem>>, vector<1x16xf32>,
      %parallel_loop3A_73 = vector.shape_cast %parallel_loop3A_72 : vector<1x16xf32> to vector<16xf32>
      %parallel_loop3A_74 = arith.index_cast %parallel_loop3A_36 : i32 to index
      %parallel_loop3A_75 = arith.constant 0 : index
      %parallel_loop3A_76 = tpu.vector_load %arg5[%parallel_loop3A_74, %parallel_loop3A_75] {strides = array<i32>} : memref<256x64xf32, #tpu.memory_space<vmem>>, vector<1x16xf32>,
      %parallel_loop3A_77 = vector.shape_cast %parallel_loop3A_76 : vector<1x16xf32> to vector<16xf32>
      %parallel_loop3A_78 = arith.addf %parallel_loop3A_73, %parallel_loop3A_77 : vector<16xf32>
      %parallel_loop3A_79 = arith.index_cast %parallel_loop3A_38 : i32 to index
      %parallel_loop3A_80 = arith.constant 0 : index
      %parallel_loop3A_81 = tpu.vector_load %arg5[%parallel_loop3A_79, %parallel_loop3A_80] {strides = array<i32>} : memref<256x64xf32, #tpu.memory_space<vmem>>, vector<1x16xf32>,
      %parallel_loop3A_82 = vector.shape_cast %parallel_loop3A_81 : vector<1x16xf32> to vector<16xf32>
      %parallel_loop3A_83 = arith.index_cast %parallel_loop3A_40 : i32 to index
      %parallel_loop3A_84 = arith.constant 0 : index
      %parallel_loop3A_85 = tpu.vector_load %arg5[%parallel_loop3A_83, %parallel_loop3A_84] {strides = array<i32>} : memref<256x64xf32, #tpu.memory_space<vmem>>, vector<1x16xf32>,
      %parallel_loop3A_86 = vector.shape_cast %parallel_loop3A_85 : vector<1x16xf32> to vector<16xf32>
      %parallel_loop3A_87 = arith.addf %parallel_loop3A_82, %parallel_loop3A_86 : vector<16xf32>
      %parallel_loop3A_88 = arith.index_cast %parallel_loop3A_42 : i32 to index
      %parallel_loop3A_89 = arith.constant 0 : index
      %parallel_loop3A_90 = tpu.vector_load %arg5[%parallel_loop3A_88, %parallel_loop3A_89] {strides = array<i32>} : memref<256x64xf32, #tpu.memory_space<vmem>>, vector<1x16xf32>,
      %parallel_loop3A_91 = vector.shape_cast %parallel_loop3A_90 : vector<1x16xf32> to vector<16xf32>
      %parallel_loop3A_92 = arith.index_cast %parallel_loop3A_44 : i32 to index
      %parallel_loop3A_93 = arith.constant 0 : index
      %parallel_loop3A_94 = tpu.vector_load %arg5[%parallel_loop3A_92, %parallel_loop3A_93] {strides = array<i32>} : memref<256x64xf32, #tpu.memory_space<vmem>>, vector<1x16xf32>,
      %parallel_loop3A_95 = vector.shape_cast %parallel_loop3A_94 : vector<1x16xf32> to vector<16xf32>
      %parallel_loop3A_96 = arith.addf %parallel_loop3A_91, %parallel_loop3A_95 : vector<16xf32>
      %parallel_loop3A_97 = arith.index_cast %parallel_loop3A_46 : i32 to index
      %parallel_loop3A_98 = arith.constant 0 : index
      %parallel_loop3A_99 = tpu.vector_load %arg5[%parallel_loop3A_97, %parallel_loop3A_98] {strides = array<i32>} : memref<256x64xf32, #tpu.memory_space<vmem>>, vector<1x16xf32>,
      %parallel_loop3A_100 = vector.shape_cast %parallel_loop3A_99 : vector<1x16xf32> to vector<16xf32>
      %parallel_loop3A_101 = arith.index_cast %parallel_loop3A_48 : i32 to index
      %parallel_loop3A_102 = arith.constant 0 : index
      %parallel_loop3A_103 = tpu.vector_load %arg5[%parallel_loop3A_101, %parallel_loop3A_102] {strides = array<i32>} : memref<256x64xf32, #tpu.memory_space<vmem>>, vector<1x16xf32>,
      %parallel_loop3A_104 = vector.shape_cast %parallel_loop3A_103 : vector<1x16xf32> to vector<16xf32>
      %parallel_loop3A_105 = arith.addf %parallel_loop3A_100, %parallel_loop3A_104 : vector<16xf32>
      %parallel_loop3A_106 = arith.index_cast %parallel_loop3A_50 : i32 to index
      %parallel_loop3A_107 = arith.constant 0 : index
      %parallel_loop3A_108 = tpu.vector_load %arg5[%parallel_loop3A_106, %parallel_loop3A_107] {strides = array<i32>} : memref<256x64xf32, #tpu.memory_space<vmem>>, vector<1x16xf32>,
      %parallel_loop3A_109 = vector.shape_cast %parallel_loop3A_108 : vector<1x16xf32> to vector<16xf32>
      %parallel_loop3A_110 = arith.index_cast %parallel_loop3A_52 : i32 to index
      %parallel_loop3A_111 = arith.constant 0 : index
      %parallel_loop3A_112 = tpu.vector_load %arg5[%parallel_loop3A_110, %parallel_loop3A_111] {strides = array<i32>} : memref<256x64xf32, #tpu.memory_space<vmem>>, vector<1x16xf32>,
      %parallel_loop3A_113 = vector.shape_cast %parallel_loop3A_112 : vector<1x16xf32> to vector<16xf32>
      %parallel_loop3A_114 = arith.addf %parallel_loop3A_109, %parallel_loop3A_113 : vector<16xf32>
      %parallel_loop3A_115 = arith.index_cast %parallel_loop3A_54 : i32 to index
      %parallel_loop3A_116 = arith.constant 0 : index
      %parallel_loop3A_117 = tpu.vector_load %arg5[%parallel_loop3A_115, %parallel_loop3A_116] {strides = array<i32>} : memref<256x64xf32, #tpu.memory_space<vmem>>, vector<1x16xf32>,
      %parallel_loop3A_118 = vector.shape_cast %parallel_loop3A_117 : vector<1x16xf32> to vector<16xf32>
      %parallel_loop3A_119 = arith.index_cast %parallel_loop3A_56 : i32 to index
      %parallel_loop3A_120 = arith.constant 0 : index
      %parallel_loop3A_121 = tpu.vector_load %arg5[%parallel_loop3A_119, %parallel_loop3A_120] {strides = array<i32>} : memref<256x64xf32, #tpu.memory_space<vmem>>, vector<1x16xf32>,
      %parallel_loop3A_122 = vector.shape_cast %parallel_loop3A_121 : vector<1x16xf32> to vector<16xf32>
      %parallel_loop3A_123 = arith.addf %parallel_loop3A_118, %parallel_loop3A_122 : vector<16xf32>
      %parallel_loop3A_124 = arith.index_cast %parallel_loop3A_58 : i32 to index
      %parallel_loop3A_125 = arith.constant 0 : index
      %parallel_loop3A_126 = tpu.vector_load %arg5[%parallel_loop3A_124, %parallel_loop3A_125] {strides = array<i32>} : memref<256x64xf32, #tpu.memory_space<vmem>>, vector<1x16xf32>,
      %parallel_loop3A_127 = vector.shape_cast %parallel_loop3A_126 : vector<1x16xf32> to vector<16xf32>
      %parallel_loop3A_128 = arith.index_cast %parallel_loop3A_60 : i32 to index
      %parallel_loop3A_129 = arith.constant 0 : index
      %parallel_loop3A_130 = tpu.vector_load %arg5[%parallel_loop3A_128, %parallel_loop3A_129] {strides = array<i32>} : memref<256x64xf32, #tpu.memory_space<vmem>>, vector<1x16xf32>,
      %parallel_loop3A_131 = vector.shape_cast %parallel_loop3A_130 : vector<1x16xf32> to vector<16xf32>
      %parallel_loop3A_132 = arith.addf %parallel_loop3A_127, %parallel_loop3A_131 : vector<16xf32>
      %parallel_loop3A_133 = arith.addf %parallel_loop3A_69, %parallel_loop3A_78 : vector<16xf32>
      %parallel_loop3A_134 = arith.addf %parallel_loop3A_87, %parallel_loop3A_96 : vector<16xf32>
      %parallel_loop3A_135 = arith.addf %parallel_loop3A_105, %parallel_loop3A_114 : vector<16xf32>
      %parallel_loop3A_136 = arith.addf %parallel_loop3A_123, %parallel_loop3A_132 : vector<16xf32>
      %parallel_loop3A_137 = arith.addf %parallel_loop3A_133, %parallel_loop3A_134 : vector<16xf32>
      %parallel_loop3A_138 = arith.addf %parallel_loop3A_135, %parallel_loop3A_136 : vector<16xf32>
      %parallel_loop3A_139 = arith.addf %parallel_loop3A_137, %parallel_loop3A_138 : vector<16xf32>
      %parallel_loop3A_140 = arith.index_cast %parallel_loop3A_24 : i32 to index
      %parallel_loop3A_141 = arith.constant 0 : index
      %parallel_loop3A_142 = tpu.vector_load %arg6[%parallel_loop3A_140, %parallel_loop3A_141] {strides = array<i32>} : memref<128x64xf32, #tpu.memory_space<vmem>>, vector<1x16xf32>,
      %parallel_loop3A_143 = vector.shape_cast %parallel_loop3A_142 : vector<1x16xf32> to vector<16xf32>
      %parallel_loop3A_144 = vector.shape_cast %parallel_loop3A_139 : vector<16xf32> to vector<1x16xf32>
      tpu.vector_store %arg6[%parallel_loop3A_140, %parallel_loop3A_141], %parallel_loop3A_144 {strides = array<i32>} : memref<128x64xf32, #tpu.memory_space<vmem>>, vector<1x16xf32>,
      %parallel_loop3A_145 = arith.index_cast %parallel_loop3A_30 : i32 to index
      %parallel_loop3A_146 = arith.constant 16 : index
      %parallel_loop3A_147 = tpu.vector_load %arg5[%parallel_loop3A_145, %parallel_loop3A_146] {strides = array<i32>} : memref<256x64xf32, #tpu.memory_space<vmem>>, vector<1x16xf32>,
      %parallel_loop3A_148 = vector.shape_cast %parallel_loop3A_147 : vector<1x16xf32> to vector<16xf32>
      %parallel_loop3A_149 = arith.index_cast %parallel_loop3A_32 : i32 to index
      %parallel_loop3A_150 = arith.constant 16 : index
      %parallel_loop3A_151 = tpu.vector_load %arg5[%parallel_loop3A_149, %parallel_loop3A_150] {strides = array<i32>} : memref<256x64xf32, #tpu.memory_space<vmem>>, vector<1x16xf32>,
      %parallel_loop3A_152 = vector.shape_cast %parallel_loop3A_151 : vector<1x16xf32> to vector<16xf32>
      %parallel_loop3A_153 = arith.addf %parallel_loop3A_148, %parallel_loop3A_152 : vector<16xf32>
      %parallel_loop3A_154 = arith.index_cast %parallel_loop3A_34 : i32 to index
      %parallel_loop3A_155 = arith.constant 16 : index
      %parallel_loop3A_156 = tpu.vector_load %arg5[%parallel_loop3A_154, %parallel_loop3A_155] {strides = array<i32>} : memref<256x64xf32, #tpu.memory_space<vmem>>, vector<1x16xf32>,
      %parallel_loop3A_157 = vector.shape_cast %parallel_loop3A_156 : vector<1x16xf32> to vector<16xf32>
      %parallel_loop3A_158 = arith.index_cast %parallel_loop3A_36 : i32 to index
      %parallel_loop3A_159 = arith.constant 16 : index
      %parallel_loop3A_160 = tpu.vector_load %arg5[%parallel_loop3A_158, %parallel_loop3A_159] {strides = array<i32>} : memref<256x64xf32, #tpu.memory_space<vmem>>, vector<1x16xf32>,
      %parallel_loop3A_161 = vector.shape_cast %parallel_loop3A_160 : vector<1x16xf32> to vector<16xf32>
      %parallel_loop3A_162 = arith.addf %parallel_loop3A_157, %parallel_loop3A_161 : vector<16xf32>
      %parallel_loop3A_163 = arith.index_cast %parallel_loop3A_38 : i32 to index
      %parallel_loop3A_164 = arith.constant 16 : index
      %parallel_loop3A_165 = tpu.vector_load %arg5[%parallel_loop3A_163, %parallel_loop3A_164] {strides = array<i32>} : memref<256x64xf32, #tpu.memory_space<vmem>>, vector<1x16xf32>,
      %parallel_loop3A_166 = vector.shape_cast %parallel_loop3A_165 : vector<1x16xf32> to vector<16xf32>
      %parallel_loop3A_167 = arith.index_cast %parallel_loop3A_40 : i32 to index
      %parallel_loop3A_168 = arith.constant 16 : index
      %parallel_loop3A_169 = tpu.vector_load %arg5[%parallel_loop3A_167, %parallel_loop3A_168] {strides = array<i32>} : memref<256x64xf32, #tpu.memory_space<vmem>>, vector<1x16xf32>,
      %parallel_loop3A_170 = vector.shape_cast %parallel_loop3A_169 : vector<1x16xf32> to vector<16xf32>
      %parallel_loop3A_171 = arith.addf %parallel_loop3A_166, %parallel_loop3A_170 : vector<16xf32>
      %parallel_loop3A_172 = arith.index_cast %parallel_loop3A_42 : i32 to index
      %parallel_loop3A_173 = arith.constant 16 : index
      %parallel_loop3A_174 = tpu.vector_load %arg5[%parallel_loop3A_172, %parallel_loop3A_173] {strides = array<i32>} : memref<256x64xf32, #tpu.memory_space<vmem>>, vector<1x16xf32>,
      %parallel_loop3A_175 = vector.shape_cast %parallel_loop3A_174 : vector<1x16xf32> to vector<16xf32>
      %parallel_loop3A_176 = arith.index_cast %parallel_loop3A_44 : i32 to index
      %parallel_loop3A_177 = arith.constant 16 : index
      %parallel_loop3A_178 = tpu.vector_load %arg5[%parallel_loop3A_176, %parallel_loop3A_177] {strides = array<i32>} : memref<256x64xf32, #tpu.memory_space<vmem>>, vector<1x16xf32>,
      %parallel_loop3A_179 = vector.shape_cast %parallel_loop3A_178 : vector<1x16xf32> to vector<16xf32>
      %parallel_loop3A_180 = arith.addf %parallel_loop3A_175, %parallel_loop3A_179 : vector<16xf32>
      %parallel_loop3A_181 = arith.index_cast %parallel_loop3A_46 : i32 to index
      %parallel_loop3A_182 = arith.constant 16 : index
      %parallel_loop3A_183 = tpu.vector_load %arg5[%parallel_loop3A_181, %parallel_loop3A_182] {strides = array<i32>} : memref<256x64xf32, #tpu.memory_space<vmem>>, vector<1x16xf32>,
      %parallel_loop3A_184 = vector.shape_cast %parallel_loop3A_183 : vector<1x16xf32> to vector<16xf32>
      %parallel_loop3A_185 = arith.index_cast %parallel_loop3A_48 : i32 to index
      %parallel_loop3A_186 = arith.constant 16 : index
      %parallel_loop3A_187 = tpu.vector_load %arg5[%parallel_loop3A_185, %parallel_loop3A_186] {strides = array<i32>} : memref<256x64xf32, #tpu.memory_space<vmem>>, vector<1x16xf32>,
      %parallel_loop3A_188 = vector.shape_cast %parallel_loop3A_187 : vector<1x16xf32> to vector<16xf32>
      %parallel_loop3A_189 = arith.addf %parallel_loop3A_184, %parallel_loop3A_188 : vector<16xf32>
      %parallel_loop3A_190 = arith.index_cast %parallel_loop3A_50 : i32 to index
      %parallel_loop3A_191 = arith.constant 16 : index
      %parallel_loop3A_192 = tpu.vector_load %arg5[%parallel_loop3A_190, %parallel_loop3A_191] {strides = array<i32>} : memref<256x64xf32, #tpu.memory_space<vmem>>, vector<1x16xf32>,
      %parallel_loop3A_193 = vector.shape_cast %parallel_loop3A_192 : vector<1x16xf32> to vector<16xf32>
      %parallel_loop3A_194 = arith.index_cast %parallel_loop3A_52 : i32 to index
      %parallel_loop3A_195 = arith.constant 16 : index
      %parallel_loop3A_196 = tpu.vector_load %arg5[%parallel_loop3A_194, %parallel_loop3A_195] {strides = array<i32>} : memref<256x64xf32, #tpu.memory_space<vmem>>, vector<1x16xf32>,
      %parallel_loop3A_197 = vector.shape_cast %parallel_loop3A_196 : vector<1x16xf32> to vector<16xf32>
      %parallel_loop3A_198 = arith.addf %parallel_loop3A_193, %parallel_loop3A_197 : vector<16xf32>
      %parallel_loop3A_199 = arith.index_cast %parallel_loop3A_54 : i32 to index
      %parallel_loop3A_200 = arith.constant 16 : index
      %parallel_loop3A_201 = tpu.vector_load %arg5[%parallel_loop3A_199, %parallel_loop3A_200] {strides = array<i32>} : memref<256x64xf32, #tpu.memory_space<vmem>>, vector<1x16xf32>,
      %parallel_loop3A_202 = vector.shape_cast %parallel_loop3A_201 : vector<1x16xf32> to vector<16xf32>
      %parallel_loop3A_203 = arith.index_cast %parallel_loop3A_56 : i32 to index
      %parallel_loop3A_204 = arith.constant 16 : index
      %parallel_loop3A_205 = tpu.vector_load %arg5[%parallel_loop3A_203, %parallel_loop3A_204] {strides = array<i32>} : memref<256x64xf32, #tpu.memory_space<vmem>>, vector<1x16xf32>,
      %parallel_loop3A_206 = vector.shape_cast %parallel_loop3A_205 : vector<1x16xf32> to vector<16xf32>
      %parallel_loop3A_207 = arith.addf %parallel_loop3A_202, %parallel_loop3A_206 : vector<16xf32>
      %parallel_loop3A_208 = arith.index_cast %parallel_loop3A_58 : i32 to index
      %parallel_loop3A_209 = arith.constant 16 : index
      %parallel_loop3A_210 = tpu.vector_load %arg5[%parallel_loop3A_208, %parallel_loop3A_209] {strides = array<i32>} : memref<256x64xf32, #tpu.memory_space<vmem>>, vector<1x16xf32>,
      %parallel_loop3A_211 = vector.shape_cast %parallel_loop3A_210 : vector<1x16xf32> to vector<16xf32>
      %parallel_loop3A_212 = arith.index_cast %parallel_loop3A_60 : i32 to index
      %parallel_loop3A_213 = arith.constant 16 : index
      %parallel_loop3A_214 = tpu.vector_load %arg5[%parallel_loop3A_212, %parallel_loop3A_213] {strides = array<i32>} : memref<256x64xf32, #tpu.memory_space<vmem>>, vector<1x16xf32>,
      %parallel_loop3A_215 = vector.shape_cast %parallel_loop3A_214 : vector<1x16xf32> to vector<16xf32>
      %parallel_loop3A_216 = arith.addf %parallel_loop3A_211, %parallel_loop3A_215 : vector<16xf32>
      %parallel_loop3A_217 = arith.addf %parallel_loop3A_153, %parallel_loop3A_162 : vector<16xf32>
      %parallel_loop3A_218 = arith.addf %parallel_loop3A_171, %parallel_loop3A_180 : vector<16xf32>
      %parallel_loop3A_219 = arith.addf %parallel_loop3A_189, %parallel_loop3A_198 : vector<16xf32>
      %parallel_loop3A_220 = arith.addf %parallel_loop3A_207, %parallel_loop3A_216 : vector<16xf32>
      %parallel_loop3A_221 = arith.addf %parallel_loop3A_217, %parallel_loop3A_218 : vector<16xf32>
      %parallel_loop3A_222 = arith.addf %parallel_loop3A_219, %parallel_loop3A_220 : vector<16xf32>
      %parallel_loop3A_223 = arith.addf %parallel_loop3A_221, %parallel_loop3A_222 : vector<16xf32>
      %parallel_loop3A_224 = arith.index_cast %parallel_loop3A_24 : i32 to index
      %parallel_loop3A_225 = arith.constant 16 : index
      %parallel_loop3A_226 = tpu.vector_load %arg6[%parallel_loop3A_224, %parallel_loop3A_225] {strides = array<i32>} : memref<128x64xf32, #tpu.memory_space<vmem>>, vector<1x16xf32>,
      %parallel_loop3A_227 = vector.shape_cast %parallel_loop3A_226 : vector<1x16xf32> to vector<16xf32>
      %parallel_loop3A_228 = vector.shape_cast %parallel_loop3A_223 : vector<16xf32> to vector<1x16xf32>
      tpu.vector_store %arg6[%parallel_loop3A_224, %parallel_loop3A_225], %parallel_loop3A_228 {strides = array<i32>} : memref<128x64xf32, #tpu.memory_space<vmem>>, vector<1x16xf32>,
      %parallel_loop3A_229 = arith.index_cast %parallel_loop3A_30 : i32 to index
      %parallel_loop3A_230 = arith.constant 32 : index
      %parallel_loop3A_231 = tpu.vector_load %arg5[%parallel_loop3A_229, %parallel_loop3A_230] {strides = array<i32>} : memref<256x64xf32, #tpu.memory_space<vmem>>, vector<1x16xf32>,
      %parallel_loop3A_232 = vector.shape_cast %parallel_loop3A_231 : vector<1x16xf32> to vector<16xf32>
      %parallel_loop3A_233 = arith.index_cast %parallel_loop3A_32 : i32 to index
      %parallel_loop3A_234 = arith.constant 32 : index
      %parallel_loop3A_235 = tpu.vector_load %arg5[%parallel_loop3A_233, %parallel_loop3A_234] {strides = array<i32>} : memref<256x64xf32, #tpu.memory_space<vmem>>, vector<1x16xf32>,
      %parallel_loop3A_236 = vector.shape_cast %parallel_loop3A_235 : vector<1x16xf32> to vector<16xf32>
      %parallel_loop3A_237 = arith.addf %parallel_loop3A_232, %parallel_loop3A_236 : vector<16xf32>
      %parallel_loop3A_238 = arith.index_cast %parallel_loop3A_34 : i32 to index
      %parallel_loop3A_239 = arith.constant 32 : index
      %parallel_loop3A_240 = tpu.vector_load %arg5[%parallel_loop3A_238, %parallel_loop3A_239] {strides = array<i32>} : memref<256x64xf32, #tpu.memory_space<vmem>>, vector<1x16xf32>,
      %parallel_loop3A_241 = vector.shape_cast %parallel_loop3A_240 : vector<1x16xf32> to vector<16xf32>
      %parallel_loop3A_242 = arith.index_cast %parallel_loop3A_36 : i32 to index
      %parallel_loop3A_243 = arith.constant 32 : index
      %parallel_loop3A_244 = tpu.vector_load %arg5[%parallel_loop3A_242, %parallel_loop3A_243] {strides = array<i32>} : memref<256x64xf32, #tpu.memory_space<vmem>>, vector<1x16xf32>,
      %parallel_loop3A_245 = vector.shape_cast %parallel_loop3A_244 : vector<1x16xf32> to vector<16xf32>
      %parallel_loop3A_246 = arith.addf %parallel_loop3A_241, %parallel_loop3A_245 : vector<16xf32>
      %parallel_loop3A_247 = arith.index_cast %parallel_loop3A_38 : i32 to index
      %parallel_loop3A_248 = arith.constant 32 : index
      %parallel_loop3A_249 = tpu.vector_load %arg5[%parallel_loop3A_247, %parallel_loop3A_248] {strides = array<i32>} : memref<256x64xf32, #tpu.memory_space<vmem>>, vector<1x16xf32>,
      %parallel_loop3A_250 = vector.shape_cast %parallel_loop3A_249 : vector<1x16xf32> to vector<16xf32>
      %parallel_loop3A_251 = arith.index_cast %parallel_loop3A_40 : i32 to index
      %parallel_loop3A_252 = arith.constant 32 : index
      %parallel_loop3A_253 = tpu.vector_load %arg5[%parallel_loop3A_251, %parallel_loop3A_252] {strides = array<i32>} : memref<256x64xf32, #tpu.memory_space<vmem>>, vector<1x16xf32>,
      %parallel_loop3A_254 = vector.shape_cast %parallel_loop3A_253 : vector<1x16xf32> to vector<16xf32>
      %parallel_loop3A_255 = arith.addf %parallel_loop3A_250, %parallel_loop3A_254 : vector<16xf32>
      %parallel_loop3A_256 = arith.index_cast %parallel_loop3A_42 : i32 to index
      %parallel_loop3A_257 = arith.constant 32 : index
      %parallel_loop3A_258 = tpu.vector_load %arg5[%parallel_loop3A_256, %parallel_loop3A_257] {strides = array<i32>} : memref<256x64xf32, #tpu.memory_space<vmem>>, vector<1x16xf32>,
      %parallel_loop3A_259 = vector.shape_cast %parallel_loop3A_258 : vector<1x16xf32> to vector<16xf32>
      %parallel_loop3A_260 = arith.index_cast %parallel_loop3A_44 : i32 to index
      %parallel_loop3A_261 = arith.constant 32 : index
      %parallel_loop3A_262 = tpu.vector_load %arg5[%parallel_loop3A_260, %parallel_loop3A_261] {strides = array<i32>} : memref<256x64xf32, #tpu.memory_space<vmem>>, vector<1x16xf32>,
      %parallel_loop3A_263 = vector.shape_cast %parallel_loop3A_262 : vector<1x16xf32> to vector<16xf32>
      %parallel_loop3A_264 = arith.addf %parallel_loop3A_259, %parallel_loop3A_263 : vector<16xf32>
      %parallel_loop3A_265 = arith.index_cast %parallel_loop3A_46 : i32 to index
      %parallel_loop3A_266 = arith.constant 32 : index
      %parallel_loop3A_267 = tpu.vector_load %arg5[%parallel_loop3A_265, %parallel_loop3A_266] {strides = array<i32>} : memref<256x64xf32, #tpu.memory_space<vmem>>, vector<1x16xf32>,
      %parallel_loop3A_268 = vector.shape_cast %parallel_loop3A_267 : vector<1x16xf32> to vector<16xf32>
      %parallel_loop3A_269 = arith.index_cast %parallel_loop3A_48 : i32 to index
      %parallel_loop3A_270 = arith.constant 32 : index
      %parallel_loop3A_271 = tpu.vector_load %arg5[%parallel_loop3A_269, %parallel_loop3A_270] {strides = array<i32>} : memref<256x64xf32, #tpu.memory_space<vmem>>, vector<1x16xf32>,
      %parallel_loop3A_272 = vector.shape_cast %parallel_loop3A_271 : vector<1x16xf32> to vector<16xf32>
      %parallel_loop3A_273 = arith.addf %parallel_loop3A_268, %parallel_loop3A_272 : vector<16xf32>
      %parallel_loop3A_274 = arith.index_cast %parallel_loop3A_50 : i32 to index
      %parallel_loop3A_275 = arith.constant 32 : index
      %parallel_loop3A_276 = tpu.vector_load %arg5[%parallel_loop3A_274, %parallel_loop3A_275] {strides = array<i32>} : memref<256x64xf32, #tpu.memory_space<vmem>>, vector<1x16xf32>,
      %parallel_loop3A_277 = vector.shape_cast %parallel_loop3A_276 : vector<1x16xf32> to vector<16xf32>
      %parallel_loop3A_278 = arith.index_cast %parallel_loop3A_52 : i32 to index
      %parallel_loop3A_279 = arith.constant 32 : index
      %parallel_loop3A_280 = tpu.vector_load %arg5[%parallel_loop3A_278, %parallel_loop3A_279] {strides = array<i32>} : memref<256x64xf32, #tpu.memory_space<vmem>>, vector<1x16xf32>,
      %parallel_loop3A_281 = vector.shape_cast %parallel_loop3A_280 : vector<1x16xf32> to vector<16xf32>
      %parallel_loop3A_282 = arith.addf %parallel_loop3A_277, %parallel_loop3A_281 : vector<16xf32>
      %parallel_loop3A_283 = arith.index_cast %parallel_loop3A_54 : i32 to index
      %parallel_loop3A_284 = arith.constant 32 : index
      %parallel_loop3A_285 = tpu.vector_load %arg5[%parallel_loop3A_283, %parallel_loop3A_284] {strides = array<i32>} : memref<256x64xf32, #tpu.memory_space<vmem>>, vector<1x16xf32>,
      %parallel_loop3A_286 = vector.shape_cast %parallel_loop3A_285 : vector<1x16xf32> to vector<16xf32>
      %parallel_loop3A_287 = arith.index_cast %parallel_loop3A_56 : i32 to index
      %parallel_loop3A_288 = arith.constant 32 : index
      %parallel_loop3A_289 = tpu.vector_load %arg5[%parallel_loop3A_287, %parallel_loop3A_288] {strides = array<i32>} : memref<256x64xf32, #tpu.memory_space<vmem>>, vector<1x16xf32>,
      %parallel_loop3A_290 = vector.shape_cast %parallel_loop3A_289 : vector<1x16xf32> to vector<16xf32>
      %parallel_loop3A_291 = arith.addf %parallel_loop3A_286, %parallel_loop3A_290 : vector<16xf32>
      %parallel_loop3A_292 = arith.index_cast %parallel_loop3A_58 : i32 to index
      %parallel_loop3A_293 = arith.constant 32 : index
      %parallel_loop3A_294 = tpu.vector_load %arg5[%parallel_loop3A_292, %parallel_loop3A_293] {strides = array<i32>} : memref<256x64xf32, #tpu.memory_space<vmem>>, vector<1x16xf32>,
      %parallel_loop3A_295 = vector.shape_cast %parallel_loop3A_294 : vector<1x16xf32> to vector<16xf32>
      %parallel_loop3A_296 = arith.index_cast %parallel_loop3A_60 : i32 to index
      %parallel_loop3A_297 = arith.constant 32 : index
      %parallel_loop3A_298 = tpu.vector_load %arg5[%parallel_loop3A_296, %parallel_loop3A_297] {strides = array<i32>} : memref<256x64xf32, #tpu.memory_space<vmem>>, vector<1x16xf32>,
      %parallel_loop3A_299 = vector.shape_cast %parallel_loop3A_298 : vector<1x16xf32> to vector<16xf32>
      %parallel_loop3A_300 = arith.addf %parallel_loop3A_295, %parallel_loop3A_299 : vector<16xf32>
      %parallel_loop3A_301 = arith.addf %parallel_loop3A_237, %parallel_loop3A_246 : vector<16xf32>
      %parallel_loop3A_302 = arith.addf %parallel_loop3A_255, %parallel_loop3A_264 : vector<16xf32>
      %parallel_loop3A_303 = arith.addf %parallel_loop3A_273, %parallel_loop3A_282 : vector<16xf32>
      %parallel_loop3A_304 = arith.addf %parallel_loop3A_291, %parallel_loop3A_300 : vector<16xf32>
      %parallel_loop3A_305 = arith.addf %parallel_loop3A_301, %parallel_loop3A_302 : vector<16xf32>
      %parallel_loop3A_306 = arith.addf %parallel_loop3A_303, %parallel_loop3A_304 : vector<16xf32>
      %parallel_loop3A_307 = arith.addf %parallel_loop3A_305, %parallel_loop3A_306 : vector<16xf32>
      %parallel_loop3A_308 = arith.index_cast %parallel_loop3A_24 : i32 to index
      %parallel_loop3A_309 = arith.constant 32 : index
      %parallel_loop3A_310 = tpu.vector_load %arg6[%parallel_loop3A_308, %parallel_loop3A_309] {strides = array<i32>} : memref<128x64xf32, #tpu.memory_space<vmem>>, vector<1x16xf32>,
      %parallel_loop3A_311 = vector.shape_cast %parallel_loop3A_310 : vector<1x16xf32> to vector<16xf32>
      %parallel_loop3A_312 = vector.shape_cast %parallel_loop3A_307 : vector<16xf32> to vector<1x16xf32>
      tpu.vector_store %arg6[%parallel_loop3A_308, %parallel_loop3A_309], %parallel_loop3A_312 {strides = array<i32>} : memref<128x64xf32, #tpu.memory_space<vmem>>, vector<1x16xf32>,
      %parallel_loop3A_313 = arith.index_cast %parallel_loop3A_30 : i32 to index
      %parallel_loop3A_314 = arith.constant 48 : index
      %parallel_loop3A_315 = tpu.vector_load %arg5[%parallel_loop3A_313, %parallel_loop3A_314] {strides = array<i32>} : memref<256x64xf32, #tpu.memory_space<vmem>>, vector<1x16xf32>,
      %parallel_loop3A_316 = vector.shape_cast %parallel_loop3A_315 : vector<1x16xf32> to vector<16xf32>
      %parallel_loop3A_317 = arith.index_cast %parallel_loop3A_32 : i32 to index
      %parallel_loop3A_318 = arith.constant 48 : index
      %parallel_loop3A_319 = tpu.vector_load %arg5[%parallel_loop3A_317, %parallel_loop3A_318] {strides = array<i32>} : memref<256x64xf32, #tpu.memory_space<vmem>>, vector<1x16xf32>,
      %parallel_loop3A_320 = vector.shape_cast %parallel_loop3A_319 : vector<1x16xf32> to vector<16xf32>
      %parallel_loop3A_321 = arith.addf %parallel_loop3A_316, %parallel_loop3A_320 : vector<16xf32>
      %parallel_loop3A_322 = arith.index_cast %parallel_loop3A_34 : i32 to index
      %parallel_loop3A_323 = arith.constant 48 : index
      %parallel_loop3A_324 = tpu.vector_load %arg5[%parallel_loop3A_322, %parallel_loop3A_323] {strides = array<i32>} : memref<256x64xf32, #tpu.memory_space<vmem>>, vector<1x16xf32>,
      %parallel_loop3A_325 = vector.shape_cast %parallel_loop3A_324 : vector<1x16xf32> to vector<16xf32>
      %parallel_loop3A_326 = arith.index_cast %parallel_loop3A_36 : i32 to index
      %parallel_loop3A_327 = arith.constant 48 : index
      %parallel_loop3A_328 = tpu.vector_load %arg5[%parallel_loop3A_326, %parallel_loop3A_327] {strides = array<i32>} : memref<256x64xf32, #tpu.memory_space<vmem>>, vector<1x16xf32>,
      %parallel_loop3A_329 = vector.shape_cast %parallel_loop3A_328 : vector<1x16xf32> to vector<16xf32>
      %parallel_loop3A_330 = arith.addf %parallel_loop3A_325, %parallel_loop3A_329 : vector<16xf32>
      %parallel_loop3A_331 = arith.index_cast %parallel_loop3A_38 : i32 to index
      %parallel_loop3A_332 = arith.constant 48 : index
      %parallel_loop3A_333 = tpu.vector_load %arg5[%parallel_loop3A_331, %parallel_loop3A_332] {strides = array<i32>} : memref<256x64xf32, #tpu.memory_space<vmem>>, vector<1x16xf32>,
      %parallel_loop3A_334 = vector.shape_cast %parallel_loop3A_333 : vector<1x16xf32> to vector<16xf32>
      %parallel_loop3A_335 = arith.index_cast %parallel_loop3A_40 : i32 to index
      %parallel_loop3A_336 = arith.constant 48 : index
      %parallel_loop3A_337 = tpu.vector_load %arg5[%parallel_loop3A_335, %parallel_loop3A_336] {strides = array<i32>} : memref<256x64xf32, #tpu.memory_space<vmem>>, vector<1x16xf32>,
      %parallel_loop3A_338 = vector.shape_cast %parallel_loop3A_337 : vector<1x16xf32> to vector<16xf32>
      %parallel_loop3A_339 = arith.addf %parallel_loop3A_334, %parallel_loop3A_338 : vector<16xf32>
      %parallel_loop3A_340 = arith.index_cast %parallel_loop3A_42 : i32 to index
      %parallel_loop3A_341 = arith.constant 48 : index
      %parallel_loop3A_342 = tpu.vector_load %arg5[%parallel_loop3A_340, %parallel_loop3A_341] {strides = array<i32>} : memref<256x64xf32, #tpu.memory_space<vmem>>, vector<1x16xf32>,
      %parallel_loop3A_343 = vector.shape_cast %parallel_loop3A_342 : vector<1x16xf32> to vector<16xf32>
      %parallel_loop3A_344 = arith.index_cast %parallel_loop3A_44 : i32 to index
      %parallel_loop3A_345 = arith.constant 48 : index
      %parallel_loop3A_346 = tpu.vector_load %arg5[%parallel_loop3A_344, %parallel_loop3A_345] {strides = array<i32>} : memref<256x64xf32, #tpu.memory_space<vmem>>, vector<1x16xf32>,
      %parallel_loop3A_347 = vector.shape_cast %parallel_loop3A_346 : vector<1x16xf32> to vector<16xf32>
      %parallel_loop3A_348 = arith.addf %parallel_loop3A_343, %parallel_loop3A_347 : vector<16xf32>
      %parallel_loop3A_349 = arith.index_cast %parallel_loop3A_46 : i32 to index
      %parallel_loop3A_350 = arith.constant 48 : index
      %parallel_loop3A_351 = tpu.vector_load %arg5[%parallel_loop3A_349, %parallel_loop3A_350] {strides = array<i32>} : memref<256x64xf32, #tpu.memory_space<vmem>>, vector<1x16xf32>,
      %parallel_loop3A_352 = vector.shape_cast %parallel_loop3A_351 : vector<1x16xf32> to vector<16xf32>
      %parallel_loop3A_353 = arith.index_cast %parallel_loop3A_48 : i32 to index
      %parallel_loop3A_354 = arith.constant 48 : index
      %parallel_loop3A_355 = tpu.vector_load %arg5[%parallel_loop3A_353, %parallel_loop3A_354] {strides = array<i32>} : memref<256x64xf32, #tpu.memory_space<vmem>>, vector<1x16xf32>,
      %parallel_loop3A_356 = vector.shape_cast %parallel_loop3A_355 : vector<1x16xf32> to vector<16xf32>
      %parallel_loop3A_357 = arith.addf %parallel_loop3A_352, %parallel_loop3A_356 : vector<16xf32>
      %parallel_loop3A_358 = arith.index_cast %parallel_loop3A_50 : i32 to index
      %parallel_loop3A_359 = arith.constant 48 : index
      %parallel_loop3A_360 = tpu.vector_load %arg5[%parallel_loop3A_358, %parallel_loop3A_359] {strides = array<i32>} : memref<256x64xf32, #tpu.memory_space<vmem>>, vector<1x16xf32>,
      %parallel_loop3A_361 = vector.shape_cast %parallel_loop3A_360 : vector<1x16xf32> to vector<16xf32>
      %parallel_loop3A_362 = arith.index_cast %parallel_loop3A_52 : i32 to index
      %parallel_loop3A_363 = arith.constant 48 : index
      %parallel_loop3A_364 = tpu.vector_load %arg5[%parallel_loop3A_362, %parallel_loop3A_363] {strides = array<i32>} : memref<256x64xf32, #tpu.memory_space<vmem>>, vector<1x16xf32>,
      %parallel_loop3A_365 = vector.shape_cast %parallel_loop3A_364 : vector<1x16xf32> to vector<16xf32>
      %parallel_loop3A_366 = arith.addf %parallel_loop3A_361, %parallel_loop3A_365 : vector<16xf32>
      %parallel_loop3A_367 = arith.index_cast %parallel_loop3A_54 : i32 to index
      %parallel_loop3A_368 = arith.constant 48 : index
      %parallel_loop3A_369 = tpu.vector_load %arg5[%parallel_loop3A_367, %parallel_loop3A_368] {strides = array<i32>} : memref<256x64xf32, #tpu.memory_space<vmem>>, vector<1x16xf32>,
      %parallel_loop3A_370 = vector.shape_cast %parallel_loop3A_369 : vector<1x16xf32> to vector<16xf32>
      %parallel_loop3A_371 = arith.index_cast %parallel_loop3A_56 : i32 to index
      %parallel_loop3A_372 = arith.constant 48 : index
      %parallel_loop3A_373 = tpu.vector_load %arg5[%parallel_loop3A_371, %parallel_loop3A_372] {strides = array<i32>} : memref<256x64xf32, #tpu.memory_space<vmem>>, vector<1x16xf32>,
      %parallel_loop3A_374 = vector.shape_cast %parallel_loop3A_373 : vector<1x16xf32> to vector<16xf32>
      %parallel_loop3A_375 = arith.addf %parallel_loop3A_370, %parallel_loop3A_374 : vector<16xf32>
      %parallel_loop3A_376 = arith.index_cast %parallel_loop3A_58 : i32 to index
      %parallel_loop3A_377 = arith.constant 48 : index
      %parallel_loop3A_378 = tpu.vector_load %arg5[%parallel_loop3A_376, %parallel_loop3A_377] {strides = array<i32>} : memref<256x64xf32, #tpu.memory_space<vmem>>, vector<1x16xf32>,
      %parallel_loop3A_379 = vector.shape_cast %parallel_loop3A_378 : vector<1x16xf32> to vector<16xf32>
      %parallel_loop3A_380 = arith.index_cast %parallel_loop3A_60 : i32 to index
      %parallel_loop3A_381 = arith.constant 48 : index
      %parallel_loop3A_382 = tpu.vector_load %arg5[%parallel_loop3A_380, %parallel_loop3A_381] {strides = array<i32>} : memref<256x64xf32, #tpu.memory_space<vmem>>, vector<1x16xf32>,
      %parallel_loop3A_383 = vector.shape_cast %parallel_loop3A_382 : vector<1x16xf32> to vector<16xf32>
      %parallel_loop3A_384 = arith.addf %parallel_loop3A_379, %parallel_loop3A_383 : vector<16xf32>
      %parallel_loop3A_385 = arith.addf %parallel_loop3A_321, %parallel_loop3A_330 : vector<16xf32>
      %parallel_loop3A_386 = arith.addf %parallel_loop3A_339, %parallel_loop3A_348 : vector<16xf32>
      %parallel_loop3A_387 = arith.addf %parallel_loop3A_357, %parallel_loop3A_366 : vector<16xf32>
      %parallel_loop3A_388 = arith.addf %parallel_loop3A_375, %parallel_loop3A_384 : vector<16xf32>
      %parallel_loop3A_389 = arith.addf %parallel_loop3A_385, %parallel_loop3A_386 : vector<16xf32>
      %parallel_loop3A_390 = arith.addf %parallel_loop3A_387, %parallel_loop3A_388 : vector<16xf32>
      %parallel_loop3A_391 = arith.addf %parallel_loop3A_389, %parallel_loop3A_390 : vector<16xf32>
      %parallel_loop3A_392 = arith.index_cast %parallel_loop3A_24 : i32 to index
      %parallel_loop3A_393 = arith.constant 48 : index
      %parallel_loop3A_394 = tpu.vector_load %arg6[%parallel_loop3A_392, %parallel_loop3A_393] {strides = array<i32>} : memref<128x64xf32, #tpu.memory_space<vmem>>, vector<1x16xf32>,
      %parallel_loop3A_395 = vector.shape_cast %parallel_loop3A_394 : vector<1x16xf32> to vector<16xf32>
      %parallel_loop3A_396 = vector.shape_cast %parallel_loop3A_391 : vector<16xf32> to vector<1x16xf32>
      tpu.vector_store %arg6[%parallel_loop3A_392, %parallel_loop3A_393], %parallel_loop3A_396 {strides = array<i32>} : memref<128x64xf32, #tpu.memory_space<vmem>>, vector<1x16xf32>,
    } {sc.loop_unroll_factor = 2 : i64, sc.parallel_access}
    "tpu.region"() ({
      %run_scoped3A = tpu.sem_alloc : memref<!tpu.dma_semaphore, #tpu.memory_space<semaphore_mem>>
      %dma_start3A = arith.constant 0 : i32
      %dma_start3A_24 = tpu.memref_slice %arg4[%multiple_of3A, %dma_start3A] : memref<4096x64xf32, #tpu.memory_space<hbm>> -> memref<128x64xf32, #tpu.memory_space<hbm>>
      %dma_start3A_25 = arith.constant 0 : i32
      %dma_start3A_26 = tpu.memref_slice %arg4[%multiple_of3A, %dma_start3A_25] : memref<4096x64xf32, #tpu.memory_space<hbm>> -> memref<128x64xf32, #tpu.memory_space<hbm>>
      tpu.enqueue_dma source(%arg6 : memref<128x64xf32, #tpu.memory_space<vmem>>) target(%dma_start3A_26 : memref<128x64xf32, #tpu.memory_space<hbm>>) target_semaphore(%run_scoped3A : memref<!tpu.dma_semaphore, #tpu.memory_space<semaphore_mem>>)
      %dma_wait3A = arith.constant 0 : i32
      %dma_wait3A_27 = tpu.memref_slice %arg4[%multiple_of3A, %dma_wait3A] : memref<4096x64xf32, #tpu.memory_space<hbm>> -> memref<128x64xf32, #tpu.memory_space<hbm>>
      %dma_wait3A_28 = arith.constant 0 : i32
      %dma_wait3A_29 = tpu.memref_slice %arg4[%multiple_of3A, %dma_wait3A_28] : memref<4096x64xf32, #tpu.memory_space<hbm>> -> memref<128x64xf32, #tpu.memory_space<hbm>>
      tpu.wait_dma2 semaphore(%run_scoped3A : memref<!tpu.dma_semaphore, #tpu.memory_space<semaphore_mem>>) src(%arg6 : memref<128x64xf32, #tpu.memory_space<vmem>>) dst(%dma_wait3A_29 : memref<128x64xf32, #tpu.memory_space<hbm>>)
      tpu.yield
    }) : () -> ()
    return
  }
}

module attributes {stable_mosaic.version = 14 : i64} {
  func.func @_combine_body(%arg0: memref<4096x64xf32, #tpu.memory_space<vmem>>, %arg1: memref<4096x64xf32, #tpu.memory_space<vmem>>, %arg2: memref<64x64xf32, #tpu.memory_space<vmem>>, %arg3: memref<64x64xf32, #tpu.memory_space<vmem>>, %arg4: memref<1x64xf32, #tpu.memory_space<vmem>>, %arg5: memref<4096x64xf32, #tpu.memory_space<vmem>>, %arg6: memref<4096x64xf32, #tpu.memory_space<vmem>>) attributes {dimension_semantics = [], scalar_prefetch = 0 : i64, scratch_operands = 0 : i64, tpu.core_type = #tpu.core_type<tc>} {
    %get3A = arith.constant 0 : index
    %get3A_0 = arith.constant 0 : index
    %get3A_1 = vector.load %arg0[%get3A, %get3A_0] : memref<4096x64xf32, #tpu.memory_space<vmem>>, vector<4096x64xf32>
    %get3A_2 = arith.constant 0 : index
    %get3A_3 = arith.constant 0 : index
    %get3A_4 = vector.load %arg0[%get3A_2, %get3A_3] : memref<4096x64xf32, #tpu.memory_space<vmem>>, vector<4096x64xf32>
    %get3A_5 = arith.constant 0 : index
    %get3A_6 = arith.constant 0 : index
    %get3A_7 = vector.load %arg2[%get3A_5, %get3A_6] : memref<64x64xf32, #tpu.memory_space<vmem>>, vector<64x64xf32>
    %dot_general3A = arith.constant dense<0.000000e+00> : vector<4096x64xf32>
    %dot_general3A_8 = tpu.matmul %get3A_4, %get3A_7, %dot_general3A {dimension_numbers = #tpu.dot_dimension_numbers<[1], [1], [0], [0], [0, 0, 1, 0], [], []>, transpose_lhs_hint = false} : vector<4096x64xf32>, vector<64x64xf32>, vector<4096x64xf32> -> vector<4096x64xf32>
    %add3A = arith.addf %get3A_1, %dot_general3A_8 : vector<4096x64xf32>
    %get3A_9 = arith.constant 0 : index
    %get3A_10 = arith.constant 0 : index
    %get3A_11 = vector.load %arg1[%get3A_9, %get3A_10] : memref<4096x64xf32, #tpu.memory_space<vmem>>, vector<4096x64xf32>
    %get3A_12 = arith.constant 0 : index
    %get3A_13 = arith.constant 0 : index
    %get3A_14 = vector.load %arg3[%get3A_12, %get3A_13] : memref<64x64xf32, #tpu.memory_space<vmem>>, vector<64x64xf32>
    %convert_element_type3A = arith.truncf %get3A_11 : vector<4096x64xf32> to vector<4096x64xbf16>
    %convert_element_type3A_15 = arith.extf %convert_element_type3A : vector<4096x64xbf16> to vector<4096x64xf32>
    %sub3A = arith.subf %get3A_11, %convert_element_type3A_15 : vector<4096x64xf32>
    %dot_general3A_16 = arith.constant dense<0.000000e+00> : vector<4096x64xf32>
    %dot_general3A_17 = tpu.matmul %convert_element_type3A_15, %get3A_14, %dot_general3A_16 {dimension_numbers = #tpu.dot_dimension_numbers<[1], [1], [0], [0], [0, 0, 1, 0], [], []>, transpose_lhs_hint = false} : vector<4096x64xf32>, vector<64x64xf32>, vector<4096x64xf32> -> vector<4096x64xf32>
    %dot_general3A_18 = arith.constant dense<0.000000e+00> : vector<4096x64xf32>
    %dot_general3A_19 = tpu.matmul %sub3A, %get3A_14, %dot_general3A_18 {dimension_numbers = #tpu.dot_dimension_numbers<[1], [1], [0], [0], [0, 0, 1, 0], [], []>, transpose_lhs_hint = false} : vector<4096x64xf32>, vector<64x64xf32>, vector<4096x64xf32> -> vector<4096x64xf32>
    %add3A_20 = arith.addf %dot_general3A_17, %dot_general3A_19 : vector<4096x64xf32>
    %add3A_21 = arith.addf %add3A, %add3A_20 : vector<4096x64xf32>
    %get3A_22 = arith.constant 0 : index
    %get3A_23 = arith.constant 0 : index
    %get3A_24 = vector.load %arg4[%get3A_22, %get3A_23] : memref<1x64xf32, #tpu.memory_space<vmem>>, vector<1x64xf32>
    %add3A_25 = vector.broadcast %get3A_24 : vector<1x64xf32> to vector<4096x64xf32>
    %add3A_26 = arith.addf %add3A_21, %add3A_25 : vector<4096x64xf32>
    %max3A = arith.constant 0.000000e+00 : f32
    %max3A_27 = vector.broadcast %max3A : f32 to vector<4096x64xf32>
    %max3A_28 = arith.maximumf %add3A_26, %max3A_27 : vector<4096x64xf32>
    %swap3A = arith.constant 0 : index
    %swap3A_29 = arith.constant 0 : index
    %swap3A_30 = vector.load %arg5[%swap3A, %swap3A_29] : memref<4096x64xf32, #tpu.memory_space<vmem>>, vector<4096x64xf32>
    tpu.vector_store %arg5[%swap3A, %swap3A_29], %max3A_28 {strides = array<i32>} : memref<4096x64xf32, #tpu.memory_space<vmem>>, vector<4096x64xf32>,
    %convert_element_type3A_31 = arith.truncf %max3A_28 : vector<4096x64xf32> to vector<4096x64xbf16>
    %convert_element_type3A_32 = arith.extf %convert_element_type3A_31 : vector<4096x64xbf16> to vector<4096x64xf32>
    %swap3A_33 = arith.constant 0 : index
    %swap3A_34 = arith.constant 0 : index
    %swap3A_35 = vector.load %arg6[%swap3A_33, %swap3A_34] : memref<4096x64xf32, #tpu.memory_space<vmem>>, vector<4096x64xf32>
    tpu.vector_store %arg6[%swap3A_33, %swap3A_34], %convert_element_type3A_32 {strides = array<i32>} : memref<4096x64xf32, #tpu.memory_space<vmem>>, vector<4096x64xf32>,
    return
  }
}

module attributes {stable_mosaic.version = 14 : i64} {
  func.func @_head_body(%arg0: memref<4096x64xf32, #tpu.memory_space<vmem>>, %arg1: memref<4096x64xf32, #tpu.memory_space<vmem>>, %arg2: memref<64x64xf32, #tpu.memory_space<vmem>>, %arg3: memref<64x64xf32, #tpu.memory_space<vmem>>, %arg4: memref<1x64xf32, #tpu.memory_space<vmem>>, %arg5: memref<64x64xf32, #tpu.memory_space<vmem>>, %arg6: memref<1x64xf32, #tpu.memory_space<vmem>>, %arg7: memref<1x64xf32, #tpu.memory_space<vmem>>, %arg8: memref<1x1xf32, #tpu.memory_space<vmem>>, %arg9: memref<16x1xf32, #tpu.memory_space<vmem>>) attributes {dimension_semantics = [], scalar_prefetch = 0 : i64, scratch_operands = 0 : i64, tpu.core_type = #tpu.core_type<tc>} {
    %get3A = arith.constant 0 : index
    %get3A_0 = arith.constant 0 : index
    %get3A_1 = vector.load %arg0[%get3A, %get3A_0] : memref<4096x64xf32, #tpu.memory_space<vmem>>, vector<4096x64xf32>
    %get3A_2 = arith.constant 0 : index
    %get3A_3 = arith.constant 0 : index
    %get3A_4 = vector.load %arg0[%get3A_2, %get3A_3] : memref<4096x64xf32, #tpu.memory_space<vmem>>, vector<4096x64xf32>
    %get3A_5 = arith.constant 0 : index
    %get3A_6 = arith.constant 0 : index
    %get3A_7 = vector.load %arg2[%get3A_5, %get3A_6] : memref<64x64xf32, #tpu.memory_space<vmem>>, vector<64x64xf32>
    %dot_general3A = arith.constant dense<0.000000e+00> : vector<4096x64xf32>
    %dot_general3A_8 = tpu.matmul %get3A_4, %get3A_7, %dot_general3A {dimension_numbers = #tpu.dot_dimension_numbers<[1], [1], [0], [0], [0, 0, 1, 0], [], []>, transpose_lhs_hint = false} : vector<4096x64xf32>, vector<64x64xf32>, vector<4096x64xf32> -> vector<4096x64xf32>
    %add3A = arith.addf %get3A_1, %dot_general3A_8 : vector<4096x64xf32>
    %get3A_9 = arith.constant 0 : index
    %get3A_10 = arith.constant 0 : index
    %get3A_11 = vector.load %arg1[%get3A_9, %get3A_10] : memref<4096x64xf32, #tpu.memory_space<vmem>>, vector<4096x64xf32>
    %get3A_12 = arith.constant 0 : index
    %get3A_13 = arith.constant 0 : index
    %get3A_14 = vector.load %arg3[%get3A_12, %get3A_13] : memref<64x64xf32, #tpu.memory_space<vmem>>, vector<64x64xf32>
    %convert_element_type3A = arith.truncf %get3A_11 : vector<4096x64xf32> to vector<4096x64xbf16>
    %convert_element_type3A_15 = arith.extf %convert_element_type3A : vector<4096x64xbf16> to vector<4096x64xf32>
    %sub3A = arith.subf %get3A_11, %convert_element_type3A_15 : vector<4096x64xf32>
    %dot_general3A_16 = arith.constant dense<0.000000e+00> : vector<4096x64xf32>
    %dot_general3A_17 = tpu.matmul %convert_element_type3A_15, %get3A_14, %dot_general3A_16 {dimension_numbers = #tpu.dot_dimension_numbers<[1], [1], [0], [0], [0, 0, 1, 0], [], []>, transpose_lhs_hint = false} : vector<4096x64xf32>, vector<64x64xf32>, vector<4096x64xf32> -> vector<4096x64xf32>
    %dot_general3A_18 = arith.constant dense<0.000000e+00> : vector<4096x64xf32>
    %dot_general3A_19 = tpu.matmul %sub3A, %get3A_14, %dot_general3A_18 {dimension_numbers = #tpu.dot_dimension_numbers<[1], [1], [0], [0], [0, 0, 1, 0], [], []>, transpose_lhs_hint = false} : vector<4096x64xf32>, vector<64x64xf32>, vector<4096x64xf32> -> vector<4096x64xf32>
    %add3A_20 = arith.addf %dot_general3A_17, %dot_general3A_19 : vector<4096x64xf32>
    %add3A_21 = arith.addf %add3A, %add3A_20 : vector<4096x64xf32>
    %get3A_22 = arith.constant 0 : index
    %get3A_23 = arith.constant 0 : index
    %get3A_24 = vector.load %arg4[%get3A_22, %get3A_23] : memref<1x64xf32, #tpu.memory_space<vmem>>, vector<1x64xf32>
    %add3A_25 = vector.broadcast %get3A_24 : vector<1x64xf32> to vector<4096x64xf32>
    %add3A_26 = arith.addf %add3A_21, %add3A_25 : vector<4096x64xf32>
    %max3A = arith.constant 0.000000e+00 : f32
    %max3A_27 = vector.broadcast %max3A : f32 to vector<4096x64xf32>
    %max3A_28 = arith.maximumf %add3A_26, %max3A_27 : vector<4096x64xf32>
    %reshape3A = vector.shape_cast %max3A_28 : vector<4096x64xf32> to vector<16x256x64xf32>
    %reduce_sum3A = arith.constant dense<0.000000e+00> : vector<16x64xf32>
    %reduce_sum3A_29 = vector.multi_reduction <add>, %reshape3A, %reduce_sum3A [1] : vector<16x256x64xf32> to vector<16x64xf32>
    %div3A = arith.constant 2.560000e+02 : f32
    %div3A_30 = vector.broadcast %div3A : f32 to vector<16x64xf32>
    %div3A_31 = arith.divf %reduce_sum3A_29, %div3A_30 : vector<16x64xf32>
    %get3A_32 = arith.constant 0 : index
    %get3A_33 = arith.constant 0 : index
    %get3A_34 = vector.load %arg5[%get3A_32, %get3A_33] : memref<64x64xf32, #tpu.memory_space<vmem>>, vector<64x64xf32>
    %dot_general3A_35 = arith.constant dense<0.000000e+00> : vector<16x64xf32>
    %dot_general3A_36 = tpu.matmul %div3A_31, %get3A_34, %dot_general3A_35 {dimension_numbers = #tpu.dot_dimension_numbers<[1], [1], [0], [0], [0, 0, 1, 0], [], []>, transpose_lhs_hint = false} : vector<16x64xf32>, vector<64x64xf32>, vector<16x64xf32> -> vector<16x64xf32>
    %get3A_37 = arith.constant 0 : index
    %get3A_38 = arith.constant 0 : index
    %get3A_39 = vector.load %arg6[%get3A_37, %get3A_38] : memref<1x64xf32, #tpu.memory_space<vmem>>, vector<1x64xf32>
    %add3A_40 = vector.broadcast %get3A_39 : vector<1x64xf32> to vector<16x64xf32>
    %add3A_41 = arith.addf %dot_general3A_36, %add3A_40 : vector<16x64xf32>
    %max3A_42 = arith.constant 0.000000e+00 : f32
    %max3A_43 = vector.broadcast %max3A_42 : f32 to vector<16x64xf32>
    %max3A_44 = arith.maximumf %add3A_41, %max3A_43 : vector<16x64xf32>
    %convert_element_type3A_45 = arith.truncf %max3A_44 : vector<16x64xf32> to vector<16x64xbf16>
    %convert_element_type3A_46 = arith.extf %convert_element_type3A_45 : vector<16x64xbf16> to vector<16x64xf32>
    %get3A_47 = arith.constant 0 : index
    %get3A_48 = arith.constant 0 : index
    %get3A_49 = vector.load %arg7[%get3A_47, %get3A_48] : memref<1x64xf32, #tpu.memory_space<vmem>>, vector<1x64xf32>
    %convert_element_type3A_50 = arith.truncf %get3A_49 : vector<1x64xf32> to vector<1x64xbf16>
    %convert_element_type3A_51 = arith.extf %convert_element_type3A_50 : vector<1x64xbf16> to vector<1x64xf32>
    %mul3A = vector.broadcast %convert_element_type3A_51 : vector<1x64xf32> to vector<16x64xf32>
    %mul3A_52 = arith.mulf %convert_element_type3A_46, %mul3A : vector<16x64xf32>
    %reduce_sum3A_53 = arith.constant dense<0.000000e+00> : vector<16xf32>
    %reduce_sum3A_54 = vector.multi_reduction <add>, %mul3A_52, %reduce_sum3A_53 [1] : vector<16x64xf32> to vector<16xf32>
    %broadcast_in_dim3A = vector.shape_cast %reduce_sum3A_54 : vector<16xf32> to vector<16x1xf32>
    %get3A_55 = arith.constant 0 : index
    %get3A_56 = arith.constant 0 : index
    %get3A_57 = vector.load %arg8[%get3A_55, %get3A_56] : memref<1x1xf32, #tpu.memory_space<vmem>>, vector<1x1xf32>
    %add3A_58 = vector.broadcast %get3A_57 : vector<1x1xf32> to vector<16x1xf32>
    %add3A_59 = arith.addf %broadcast_in_dim3A, %add3A_58 : vector<16x1xf32>
    %swap3A = arith.constant 0 : index
    %swap3A_60 = arith.constant 0 : index
    %swap3A_61 = vector.load %arg9[%swap3A, %swap3A_60] : memref<16x1xf32, #tpu.memory_space<vmem>>, vector<16x1xf32>
    tpu.vector_store %arg9[%swap3A, %swap3A_60], %add3A_59 {strides = array<i32>} : memref<16x1xf32, #tpu.memory_space<vmem>>, vector<16x1xf32>,
    return
  }
}

module attributes {stable_mosaic.version = 14 : i64} {
  func.func @_encoder_body(%arg0: memref<16x256x128xf32, #tpu.memory_space<vmem>>, %arg1: memref<64x128xf32, #tpu.memory_space<vmem>>, %arg2: memref<1x64xf32, #tpu.memory_space<vmem>>, %arg3: memref<4096x64xf32, #tpu.memory_space<vmem>>, %arg4: memref<4096x64xf32, #tpu.memory_space<vmem>>) attributes {dimension_semantics = [], scalar_prefetch = 0 : i64, scratch_operands = 0 : i64, tpu.core_type = #tpu.core_type<tc>} {
    %get3A = arith.constant 0 : index
    %get3A_0 = arith.constant 0 : index
    %get3A_1 = arith.constant 0 : index
    %get3A_2 = vector.load %arg0[%get3A, %get3A_0, %get3A_1] : memref<16x256x128xf32, #tpu.memory_space<vmem>>, vector<16x256x128xf32>
    %reshape3A = vector.shape_cast %get3A_2 : vector<16x256x128xf32> to vector<4096x128xf32>
    %get3A_3 = arith.constant 0 : index
    %get3A_4 = arith.constant 0 : index
    %get3A_5 = vector.load %arg1[%get3A_3, %get3A_4] : memref<64x128xf32, #tpu.memory_space<vmem>>, vector<64x128xf32>
    %dot_general3A = arith.constant dense<0.000000e+00> : vector<4096x64xf32>
    %dot_general3A_6 = tpu.matmul %reshape3A, %get3A_5, %dot_general3A {dimension_numbers = #tpu.dot_dimension_numbers<[1], [1], [0], [0], [0, 0, 1, 0], [], []>, transpose_lhs_hint = false} : vector<4096x128xf32>, vector<64x128xf32>, vector<4096x64xf32> -> vector<4096x64xf32>
    %get3A_7 = arith.constant 0 : index
    %get3A_8 = arith.constant 0 : index
    %get3A_9 = vector.load %arg2[%get3A_7, %get3A_8] : memref<1x64xf32, #tpu.memory_space<vmem>>, vector<1x64xf32>
    %add3A = vector.broadcast %get3A_9 : vector<1x64xf32> to vector<4096x64xf32>
    %add3A_10 = arith.addf %dot_general3A_6, %add3A : vector<4096x64xf32>
    %max3A = arith.constant 0.000000e+00 : f32
    %max3A_11 = vector.broadcast %max3A : f32 to vector<4096x64xf32>
    %max3A_12 = arith.maximumf %add3A_10, %max3A_11 : vector<4096x64xf32>
    %swap3A = arith.constant 0 : index
    %swap3A_13 = arith.constant 0 : index
    %swap3A_14 = vector.load %arg3[%swap3A, %swap3A_13] : memref<4096x64xf32, #tpu.memory_space<vmem>>, vector<4096x64xf32>
    tpu.vector_store %arg3[%swap3A, %swap3A_13], %max3A_12 {strides = array<i32>} : memref<4096x64xf32, #tpu.memory_space<vmem>>, vector<4096x64xf32>,
    %convert_element_type3A = arith.truncf %max3A_12 : vector<4096x64xf32> to vector<4096x64xbf16>
    %convert_element_type3A_15 = arith.extf %convert_element_type3A : vector<4096x64xbf16> to vector<4096x64xf32>
    %swap3A_16 = arith.constant 0 : index
    %swap3A_17 = arith.constant 0 : index
    %swap3A_18 = vector.load %arg4[%swap3A_16, %swap3A_17] : memref<4096x64xf32, #tpu.memory_space<vmem>>, vector<4096x64xf32>
    tpu.vector_store %arg4[%swap3A_16, %swap3A_17], %convert_element_type3A_15 {strides = array<i32>} : memref<4096x64xf32, #tpu.memory_space<vmem>>, vector<4096x64xf32>,
    return
  }
}

</mosaic_0001>

<sc_bundles>
// kernel: kernel.12.cloned.1.call-start
scs
__scs_entry_jumppad:
0x0: {  	(pc) =	sbr.rel $0x88, $3  }
0x1: {  	(tag) =	ssettag $0x0;
	lr =	simm.s32 $0x1  }
0x2: {  	[smem:$0x3F93] =	sst lr;
	_ =	strace $0xD0000000  }
0x3: {  	_ = 	snop  }
0x4: {  	_ = 	snop  }
0x5: {  	_ = 	snop  }
0x6: {  	_ = 	snop  }
0x7: {  	_ = 	snop  }
__scs_overlays_trampoline_lowered:
0x8: {  	[smem:$0x3FA2] =	sst s0  }
0x9: {  	[smem:$0x3FA3] =	sst s1  }
0xa: {  	[smem:$0x3FA4] =	sst s2  }
0xb: {  	[smem:$0x3FA5] =	sst s3  }
0xc: {  	[smem:$0x3FA6] =	sst s4  }
0xd: {  	[smem:$0x3FA7] =	sst s5  }
0xe: {  	[smem:$0x3FA8] =	sst s6  }
0xf: {  	[smem:$0x3FA9] =	sst s7  }
0x10: {  	[smem:$0x3FAA] =	sst s8  }
0x11: {  	[smem:$0x3FAB] =	sst s9;
	s0 =	simm.s32 @!p0 $0x0  }
0x12: {  	s1 =	sld [smem:$0x3F91];
	s0 =	simm.s32 @p0 $0x1  }
0x13: {  	[smem:$0x3FAC] =	sst s0;
	s0 =	simm.s32 @!p1 $0x0  }
0x14: {  	s2 =	sld [smem:$0x3F90];
	s0 =	simm.s32 @p1 $0x1  }
0x15: {  	[smem:$0x3FAD] =	sst s0;
	s0 =	simm.s32 @!p2 $0x0  }
0x16: {  	s3 =	sld [smem:$0x3FDB];
	s0 =	simm.s32 @p2 $0x1  }
0x17: {  	s4 =	simm.s32 $0x1BF5;
	[smem:$0x3FAF] =	sst s0  }
0x18: {  	s0 =	sld [smem:$0x3F92];
	_ =	swait.ge [sflag:s4], $0x0  }
0x19: {  	s7 =	sld [smem:$0x3F93]  }
0x1a: {  	s8 =	sadd.s32 $0xFFFFE003, lr  }
0x1b: {  	s9 =	sadd.s32 $0xFFFFFEF7, lr;
	s5 =	simm.s32 $0xFFFFFFFF;
	p2 =	slt.u32 s8, $0xFFFFF086  }
0x1c: {  	p1 =	slt.u32 s9, $0xF7A;
	s5 =	simm.s32 @!p2 $0x0  }
0x1d: {  	s5 =	simm.s32 @p1 $0x1;
	p0 =	seq.s32 s7, s2  }
0x1e: {  	s7 =	smul.u32 @!p0 $0xF7A, s2;
	p2 =	seq.s32 @!p0 s5, $0x0  }
0x1f: {  	s9 =	smul.u32 $0xF7A, s1;
	s8 =	simm.s32 @!p0 $0x1BF5;
	p2 =	por !p2, p0  }
0x20: {  	[sflag:s8] =	ssyncset.s32 @!p0 $0xFFFFF086;
	s6 =	sadd.s32 @!p0 s3, s7;
	s7 =	simm.s32 @!p0 $0x108  }
0x21: {  	s3 =	sadd.s32 s3, s9;
	s6 =	sadd.s32 @!p0 $0x88, s6;
	s7 =	simm.s32 @p2 $0x1082  }
0x22: {  	[simem:s7], [sflag:s8] =	dma.local @!p0 [hbm:s6], $0xF7A  }
0x23: {  	s9 =	sor.u32 $0xD0000000, s2;
	s6 =	simm.s32 $0x108;
	_ =	swait.ge @!p0 [sflag:s8], $0x0  }
0x24: {  	s3 =	sadd.s32 $0x88, s3;
	s6 =	simm.s32 @!p1 $0x1082;
	[sflag:s4] =	ssyncset.s32 $0xFFFFF086  }
0x25: {  	[simem:s6], [sflag:s4] =	dma.local [hbm:s3], $0xF7A  }
0x26: {  	[smem:$0x3F93] =	sst s1;
	(tag) =	ssettag s2;
	_ =	strace s9  }
0x27: {  	s1 =	sld [smem:$0x3FA3]  }
0x28: {  	s2 =	sld [smem:$0x3FA4]  }
0x29: {  	s4 =	sld [smem:$0x3FA6]  }
0x2a: {  	p0 =	seq.s32 s5, $0x0;
	s5 =	sld [smem:$0x3FA7]  }
0x2b: {  	s6 =	sld [smem:$0x3FA8]  }
0x2c: {  	s7 =	sld [smem:$0x3FA9]  }
0x2d: {  	s3 =	simm.s32 $0x108;
	s8 =	sld [smem:$0x3FAA]  }
0x2e: {  	s3 =	simm.s32 @!p0 $0x1082;
	s9 =	sld [smem:$0x3FAB]  }
0x2f: {  	lr =	sadd.s32 s0, s3;
	s0 =	sld [smem:$0x3FA2]  }
0x30: {  	s3 =	sld [smem:$0x3FA5]  }
0x31: {  	[smem:$0x3FAE] =	sst s10  }
0x32: {  	s10 =	sld [smem:$0x3FAC];
	_ =	sdelay $0x3  }
0x33: {  	p0 =	seq.s32 s10, $0x1;
	s10 =	sld [smem:$0x3FAE];
	_ =	sdelay $0x3  }
0x34: {  	[smem:$0x3FAE] =	sst s10  }
0x35: {  	s10 =	sld [smem:$0x3FAD];
	_ =	sdelay $0x3  }
0x36: {  	p1 =	seq.s32 s10, $0x1;
	s10 =	sld [smem:$0x3FAE];
	_ =	sdelay $0x3  }
0x37: {  	[smem:$0x3FAE] =	sst s10  }
0x38: {  	s10 =	sld [smem:$0x3FAF]  }
0x39: {  	_ = 	snop;
	(pc) =	sbr.ind lr, $3  }
0x3a: {  	_ = 	snop  }
0x3b: {  	_ = 	snop  }
0x3c: {  	p2 =	seq.s32 s10, $0x1;
	s10 =	sld [smem:$0x3FAE]  }
0x3d: {  	_ =	shalt  }
0x3e: {  	_ =	shalt  }
0x3f: {  	_ =	shalt  }
0x40: {  	_ =	shalt  }
0x41: {  	_ =	shalt  }
0x42: {  	_ =	shalt  }
0x43: {  	_ =	shalt  }
0x44: {  	_ =	shalt  }
0x45: {  	_ =	shalt  }
0x46: {  	_ =	shalt  }
0x47: {  	_ =	shalt  }
0x48: {  	_ =	shalt  }
0x49: {  	_ =	shalt  }
0x4a: {  	_ =	shalt  }
0x4b: {  	_ =	shalt  }
0x4c: {  	_ =	shalt  }
0x4d: {  	_ =	shalt  }
0x4e: {  	_ =	shalt  }
0x4f: {  	_ =	shalt  }
0x50: {  	_ =	shalt  }
0x51: {  	_ =	shalt  }
0x52: {  	_ =	shalt  }
0x53: {  	_ =	shalt  }
0x54: {  	_ =	shalt  }
0x55: {  	_ =	shalt  }
0x56: {  	_ =	shalt  }
0x57: {  	_ =	shalt  }
0x58: {  	_ =	shalt  }
0x59: {  	_ =	shalt  }
0x5a: {  	_ =	shalt  }
0x5b: {  	_ =	shalt  }
0x5c: {  	_ =	shalt  }
0x5d: {  	_ =	shalt  }
0x5e: {  	_ =	shalt  }
0x5f: {  	_ =	shalt  }
0x60: {  	_ =	shalt  }
0x61: {  	_ =	shalt  }
0x62: {  	_ =	shalt  }
0x63: {  	_ =	shalt  }
0x64: {  	_ =	shalt  }
0x65: {  	_ =	shalt  }
0x66: {  	_ =	shalt  }
0x67: {  	_ =	shalt  }
0x68: {  	_ =	shalt  }
0x69: {  	_ =	shalt  }
0x6a: {  	_ =	shalt  }
0x6b: {  	_ =	shalt  }
0x6c: {  	_ =	shalt  }
0x6d: {  	_ =	shalt  }
0x6e: {  	_ =	shalt  }
0x6f: {  	_ =	shalt  }
0x70: {  	_ =	shalt  }
0x71: {  	_ =	shalt  }
0x72: {  	_ =	shalt  }
0x73: {  	_ =	shalt  }
0x74: {  	_ =	shalt  }
0x75: {  	_ =	shalt  }
0x76: {  	_ =	shalt  }
0x77: {  	_ =	shalt  }
0x78: {  	_ =	shalt  }
0x79: {  	_ =	shalt  }
0x7a: {  	_ =	shalt  }
0x7b: {  	_ =	shalt  }
0x7c: {  	_ =	shalt  }
0x7d: {  	_ =	shalt  }
0x7e: {  	_ =	shalt  }
0x7f: {  	_ =	shalt  }
0x80: {  	_ =	shalt  }
0x81: {  	_ =	shalt  }
0x82: {  	_ =	shalt  }
0x83: {  	_ =	shalt  }
0x84: {  	_ =	shalt  }
0x85: {  	_ =	shalt  }
0x86: {  	_ =	shalt  }
0x87: {  	_ =	shalt  }
.Lfunc_end0:
.L_simem_size_0:
called_computation.1_lowered:
.L_overlay_start_0:
0x88: {  	s2 =	sld [smem:$0x3FD9]  }
0x89: {  	s3 =	sld [smem:$0x3FFE];
	_ =	sdelay $0x1  }
0x8a: {  	s1 =	srdreg.scid  }
0x8b: {  	s0 =	sand.u32 $0x1, s1  }
0x8c: {  	s16 =	sshll.u32 s0, $0xA;
	s2 =	sadd.s32 s3, s2  }
0x8d: {  	s2 =	sadd.s32 s2, s16  }
0x8e: {  	[smem:$0x3FBA] =	sst s2  }
0x8f: {  	_ = 	snop  }
0x90: {  	(tm) =	ssettm $0x1  }
0x91: {  	s17 =	sld [smem:$0x3FFB];
	_ =	sdelay $0x3  }
0x92: {  	_ =	strace s17  }
0x93: {  	s2 =	sld [smem:$0x3FFC];
	_ =	sdelay $0x3  }
0x94: {  	_ =	strace s2  }
0x95: {  	s2 =	sld [smem:$0x3FFD];
	_ =	sdelay $0x3  }
0x96: {  	_ =	strace s2  }
0x97: {  	_ =	strace $0x8FFFFFFF  }
0x98: {  	s18 =	sld [smem:$0x3FDB];
	_ =	sdelay $0x1  }
0x99: {  	s19 =	simm.s32 $_scs_section_size  }
0x9a: {  	s4 =	simm.s32 $_size__tile_overlayer_lowered;
	s5 =	simm.s32 $_tile_overlayer_lowered  }
0x9b: {  	s22 =	simm.s32 $0x1BFF;
	s21 =	sshll.u32 s5, $0x1;
	s2 =	sadd.s32 s19, s18  }
0x9c: {  	s6 =	simm.s32 $0x0;
	s20 =	sshll.u32 s4, $0x1;
	s4 =	sadd.s32 s21, s2  }
0x9d: {  	[timem:s6], [sflag:s22] =	dma.local [hbm:s4], s20  }
0x9e: {  	_ =	swait.ge [sflag:s22], s20  }
0x9f: {  	s3 =	ssub.s32 $0x0, s20;
	[sflag:s22] =	ssyncset.done $0x0  }
0xa0: {  	[sflag:s22] =	ssyncadd.s32 s3;
	_ =	sdelay $0x1  }
0xa1: {  	s23 =	simm.s32 $0x1B8B  }
0xa2: {  	_ =	swait.ge [sflag:s23], $0x1  }
0xa3: {  	[sflag:s23] =	ssyncset.done $0x0  }
0xa4: {  	s25 =	simm.s32 $0x1B8E;
	s24 =	sld [smem:$0x3FFE];
	[sflag:s23] =	ssyncadd.s32 $0xFFFFFFFF  }
0xa5: {  	s26 =	simm.s32 $execute0_lowered;
	[smem:$0x3FD2] =	sst s25  }
0xa6: {  	s4 =	sshll.u32 s26, $0x1;
	_ =	strace $0x80000049;
	[dreg:$0x1] =	wrdreg $0xFFFFFFFF  }
0xa7: {  	s28 =	simm.s32 $_size_execute0_lowered;
	s2 =	sadd.s32 s2, s4;
	[dreg:$0x0] =	wrdreg $0x0  }
0xa8: {  	s4 =	sshll.u32 s28, $0x1;
	[dreg:$0x2] =	wrdreg s2  }
0xa9: {  	[dreg:$0x3] =	wrdreg s4  }
0xaa: {  	[dreg:$0x4] =	wrdreg $0xC0  }
0xab: {  	_ =	task [dreg:s6], $0x5FFFF  }
0xac: {  	[dreg:$0x1] =	wrdreg $0xFFFFFFFF  }
0xad: {  	[dreg:$0x0] =	wrdreg $0x60  }
0xae: {  	[dreg:$0x2] =	wrdreg s24  }
0xaf: {  	[dreg:$0x3] =	wrdreg $0x9  }
0xb0: {  	_ =	task.clear_ibuf [dreg:s6], $0x4FFFF;
	_ =	strace $0x90000049  }
0xb1: {  	s29 =	simm.s32 $0x9;
	_ =	strace $0x8000004B  }
0xb2: {  	_ =	swait.ge [sflag:s29], $0x1  }
0xb3: {  	[sflag:s29] =	ssyncadd.s32 $0xFFFFFFFF  }
0xb4: {  	_ =	strace $0x9000004B  }
0xb5: {  	_ =	sfence  }
0xb6: {  	s30 =	sld [smem:$0x0];
	_ =	sdelay $0x2  }
0xb7: {  	s31 =	sshll.u32 s1, $0xD;
	s1 =	sshrl.u32 s1, $0x2  }
0xb8: {  	s3 =	sand.u32 $0x4000, s31;
	s1 =	sadd.s32 s1, s30  }
0xb9: {  	s0 =	sor.u32 s3, s0;
	s1 =	sshll.u32 s1, $0x11  }
0xba: {  	s0 =	sor.u32 s1, s0  }
0xbb: {  	s0 =	sadd.s32 $0x8F2B, s0  }
0xbc: {  	[sflag:s0] =	ssyncadd.remote.s32 $0x1  }
0xbd: {  	_ =	sfence.sel $0xFFFF  }
0xbe: {  	[dreg:$0x0] =	wrdreg $0xFFFFFFFF;
	(pc) =	sbr.abs _section_cstart, $3  }
0xbf: {  	[dreg:$0x1] =	wrdreg $0xFFFFFFFF  }
0xc0: {  	_ =	task.clear_ibuf [dreg:s6], $0x2FFFF;
	_ =	strace $0x9FFFFFFF  }
0xc1: {  	(tm) =	ssettm $0x7FFFFFFF  }
tec
execute0_lowered:
.L_overlay_start_1:
0x0: {  	(tag) =	ssettag $0x1  }
0x1: {  	s0 =	srdreg.scid;
	s4 =	stileid.u32  }
0x2: {  	s0 =	sand.u32 $0x1, s0;
	s1 =	sshll.u32 s4, $0x1  }
0x3: {  	s2 =	rddreg [dreg:$0x0];
	s1 =	sor.u32 s0, s1  }
0x4: {  	s5 =	simm.s32 $0x0;
	p1 =	seq.s32 s0, $0x1;
	p0 =	seq.s32 s1, $0x0  }
0x5: {  	[smem:$0x7FF] =	sst s5;
	p0 =	por !p0, !p1  }
0x6: {  	s3 =	simm.s32 $0x1;
	_ =	strace $0x8000004A;
	p0 =	por !p0, !p0  }
0x7: {  	s0 =	ssub.s32 $0x2, s0;
	s1 =	sshll.u32 s1, $0xB;
	s3 =	simm.s32 @!p0 $0x0  }
0x8: {  	s29 =	sshrl.u32 s0, $0x1;
	s1 =	sadd.s32 s1, s2;
	s3 =	ssub.s32 s4, s3  }
0x9: {  	s0 =	ssub.s32 s0, s29;
	s31 =	sadd.s32 $0x3C00, s1;
	s3 =	sshll.u32 s3, $0xC  }
0xa: {  	s1 =	sadd.s32 $0x23C00, s1;
	[smem:$0x7FB] =	sst s31;
	s3 =	sand.u32 $0x1FFFF000, s3  }
0xb: {  	s0 =	smax.u32 s0, $0x1;
	[smem:$0x7FC] =	sst s1;
	s3 =	sadd.s32 s3, s2  }
0xc: {  	[smem:$0x7FD] =	sst s0;
	s30 =	sadd.s32 $0x13C00, s3  }
0xd: {  	s6 =	simm.s32 $0x1;
	s1 =	simm.s32 $0x0;
	[smem:$0x7FA] =	sst s30  }
.LBB2_1:
0xe: {  	s0 =	sld [smem:$0x7FA];
	_ =	sdelay $0x1  }
0xf: {  	[smem:$0x7EB] =	sst s1  }
0x10: {  	[tilespmem:s5], [sflag:$0x1] =	stream.linear.gather [hbm4b:s0+s5], $0x8000, $0x38;
	[tilespmem:$0x10000] =	vst v63  }
0x11: {  	_ =	swait.ge [sflag:s6], $0x8000  }
0x12: {  	s17 =	sld [smem:$0x7FB]  }
0x13: {  	[sflag:s6] =	ssyncset.done $0x0  }
0x14: {  	s18 =	simm.s32 $0xC000;
	[sflag:s6] =	ssyncadd.s32 $0xFFFF8000  }
0x15: {  	[tilespmem:s18], [sflag:$0x1] =	stream.linear.gather [hbm4b:s17+s5], $0x4000, $0x38;
	[tilespmem:$0x10000] =	vst v63  }
0x16: {  	_ =	swait.ge [sflag:s6], $0x4000  }
0x17: {  	[sflag:s6] =	ssyncset.done $0x0  }
0x18: {  	s3 =	simm.s32 $0xC080;
	[sflag:s6] =	ssyncadd.s32 $0xFFFFC000  }
0x19: {  	v0 =	vld [tilespmem:s3+$0x0];
	_ =	sdelay $0x4  }
0x1a: {  	v0 =	vshll.u32 v0, $0x9  }
0x1b: {  	v0 =	vshra.s32 v0, $0x2  }
0x1c: {  	(v2sf) =	vpush v0, $0x0  }
0x1d: {  	(v2sf) =	vpush v0, $0x1  }
0x1e: {  	(v2sf) =	vpush v0, $0x2  }
0x1f: {  	(v2sf) =	vpush v0, $0x3  }
0x20: {  	(v2sf) =	vpush v0, $0x4  }
0x21: {  	(v2sf) =	vpush v0, $0x5  }
0x22: {  	(v2sf) =	vpush v0, $0x6  }
0x23: {  	(v2sf) =	vpush v0, $0x7  }
0x24: {  	(v2sf) =	vpush v0, $0x8  }
0x25: {  	(v2sf) =	vpush v0, $0x9  }
0x26: {  	(v2sf) =	vpush v0, $0xA  }
0x27: {  	(v2sf) =	vpush v0, $0xB  }
0x28: {  	(v2sf) =	vpush v0, $0xC  }
0x29: {  	(v2sf) =	vpush v0, $0xD  }
0x2a: {  	(v2sf) =	vpush v0, $0xE  }
0x2b: {  	s15 =	spop (v2sf);
	(v2sf) =	vpush v0, $0xF  }
0x2c: {  	v0 =	vld [tilespmem:s15+$0x0];
	s16 =	spop (v2sf)  }
0x2d: {  	v1 =	vld [tilespmem:s16+$0x0];
	s14 =	spop (v2sf)  }
0x2e: {  	v2 =	vld [tilespmem:s14+$0x0];
	s13 =	spop (v2sf)  }
0x2f: {  	v3 =	vld [tilespmem:s13+$0x0];
	s12 =	spop (v2sf)  }
0x30: {  	v4 =	vld [tilespmem:s12+$0x0];
	s11 =	spop (v2sf)  }
0x31: {  	v5 =	vld [tilespmem:s11+$0x0];
	s10 =	spop (v2sf)  }
0x32: {  	v6 =	vld [tilespmem:s10+$0x0];
	s2 =	spop (v2sf)  }
0x33: {  	v7 =	vld [tilespmem:s2+$0x0];
	s17 =	spop (v2sf)  }
0x34: {  	v8 =	vld [tilespmem:s17+$0x0];
	s4 =	spop (v2sf)  }
0x35: {  	v9 =	vld [tilespmem:s4+$0x0];
	s19 =	spop (v2sf)  }
0x36: {  	v10 =	vld [tilespmem:s19+$0x0];
	s9 =	spop (v2sf)  }
0x37: {  	v11 =	vld [tilespmem:s9+$0x0];
	s8 =	spop (v2sf)  }
0x38: {  	v12 =	vld [tilespmem:s8+$0x0];
	s7 =	spop (v2sf)  }
0x39: {  	v13 =	vld [tilespmem:s7+$0x0];
	s20 =	spop (v2sf)  }
0x3a: {  	v14 =	vld [tilespmem:s20+$0x0];
	s21 =	spop (v2sf)  }
0x3b: {  	v15 =	vld [tilespmem:s21+$0x0];
	_ =	sdelay $0x1  }
0x3c: {  	v0 =	vadd.f32 v1, v0;
	v1 =	vadd.f32 v3, v2  }
0x3d: {  	v2 =	vadd.f32 v5, v4;
	v3 =	vadd.f32 v7, v6  }
0x3e: {  	v4 =	vadd.f32 v9, v8;
	v5 =	vadd.f32 v11, v10  }
0x3f: {  	v6 =	vadd.f32 v13, v12;
	v7 =	vadd.f32 v15, v14  }
0x40: {  	v0 =	vadd.f32 v1, v0;
	v1 =	vadd.f32 v3, v2  }
0x41: {  	v2 =	vadd.f32 v5, v4;
	v3 =	vadd.f32 v7, v6;
	_ =	sdelay $0x1  }
0x42: {  	v0 =	vadd.f32 v1, v0;
	v1 =	vadd.f32 v3, v2;
	_ =	sdelay $0x1  }
0x43: {  	v0 =	vadd.f32 v1, v0  }
0x44: {  	s22 =	simm.s32 $0x8080  }
0x45: {  	[tilespmem:s22+$0x0] =	vst v0  }
0x46: {  	v0 =	vld [tilespmem:s15+$0x10]  }
0x47: {  	v1 =	vld [tilespmem:s16+$0x10]  }
0x48: {  	v2 =	vld [tilespmem:s14+$0x10]  }
0x49: {  	v3 =	vld [tilespmem:s13+$0x10]  }
0x4a: {  	v4 =	vld [tilespmem:s12+$0x10]  }
0x4b: {  	v5 =	vld [tilespmem:s11+$0x10]  }
0x4c: {  	v6 =	vld [tilespmem:s10+$0x10]  }
0x4d: {  	v7 =	vld [tilespmem:s2+$0x10]  }
0x4e: {  	v8 =	vld [tilespmem:s17+$0x10];
	[smem:$0x7EC] =	sst s17  }
0x4f: {  	v9 =	vld [tilespmem:s4+$0x10];
	[smem:$0x7ED] =	sst s4  }
0x50: {  	v10 =	vld [tilespmem:s19+$0x10];
	[smem:$0x7EE] =	sst s19  }
0x51: {  	v11 =	vld [tilespmem:s9+$0x10];
	[smem:$0x7F0] =	sst s9  }
0x52: {  	v12 =	vld [tilespmem:s8+$0x10];
	[smem:$0x7F1] =	sst s8  }
0x53: {  	v13 =	vld [tilespmem:s7+$0x10];
	[smem:$0x7F2] =	sst s7  }
0x54: {  	v14 =	vld [tilespmem:s20+$0x10];
	[smem:$0x7F3] =	sst s20  }
0x55: {  	v15 =	vld [tilespmem:s21+$0x10];
	_ =	sdelay $0x1  }
0x56: {  	v0 =	vadd.f32 v1, v0;
	v1 =	vadd.f32 v3, v2  }
0x57: {  	v2 =	vadd.f32 v5, v4;
	v3 =	vadd.f32 v7, v6  }
0x58: {  	v4 =	vadd.f32 v9, v8;
	v5 =	vadd.f32 v11, v10  }
0x59: {  	v6 =	vadd.f32 v13, v12;
	v7 =	vadd.f32 v15, v14  }
0x5a: {  	v0 =	vadd.f32 v1, v0;
	v1 =	vadd.f32 v3, v2  }
0x5b: {  	v2 =	vadd.f32 v5, v4;
	v3 =	vadd.f32 v7, v6  }
0x5c: {  	[smem:$0x7F4] =	sst s21  }
0x5d: {  	v0 =	vadd.f32 v1, v0;
	v4 =	vld [tilespmem:s3+$0xFFFFFF80];
	v1 =	vadd.f32 v3, v2;
	_ =	sdelay $0x1  }
0x5e: {  	v0 =	vadd.f32 v1, v0  }
0x5f: {  	s23 =	simm.s32 $0x8080  }
0x60: {  	[tilespmem:s23+$0x10] =	vst v0  }
0x61: {  	v0 =	vshll.u32 v4, $0x9;
	v1 =	vld [tilespmem:s15+$0x20]  }
0x62: {  	v0 =	vshra.s32 v0, $0x2;
	v2 =	vld [tilespmem:s16+$0x20]  }
0x63: {  	v3 =	vld [tilespmem:s14+$0x20];
	(v2sf) =	vpush v0, $0x0  }
0x64: {  	v4 =	vld [tilespmem:s13+$0x20];
	(v2sf) =	vpush v0, $0x1  }
0x65: {  	v5 =	vld [tilespmem:s12+$0x20];
	(v2sf) =	vpush v0, $0x2  }
0x66: {  	v6 =	vld [tilespmem:s11+$0x20];
	(v2sf) =	vpush v0, $0x3  }
0x67: {  	v7 =	vld [tilespmem:s10+$0x20];
	(v2sf) =	vpush v0, $0x4  }
0x68: {  	v8 =	vld [tilespmem:s2+$0x20];
	(v2sf) =	vpush v0, $0x5  }
0x69: {  	v9 =	vld [tilespmem:s17+$0x20];
	(v2sf) =	vpush v0, $0x6  }
0x6a: {  	v10 =	vld [tilespmem:s4+$0x20];
	(v2sf) =	vpush v0, $0x7  }
0x6b: {  	v11 =	vld [tilespmem:s19+$0x20];
	(v2sf) =	vpush v0, $0x8  }
0x6c: {  	v12 =	vld [tilespmem:s9+$0x20];
	(v2sf) =	vpush v0, $0x9  }
0x6d: {  	v13 =	vld [tilespmem:s8+$0x20];
	(v2sf) =	vpush v0, $0xA  }
0x6e: {  	v14 =	vld [tilespmem:s7+$0x20];
	(v2sf) =	vpush v0, $0xB  }
0x6f: {  	v15 =	vld [tilespmem:s20+$0x20];
	(v2sf) =	vpush v0, $0xC  }
0x70: {  	v16 =	vld [tilespmem:s21+$0x20];
	s8 =	simm.s32 $0xC180;
	(v2sf) =	vpush v0, $0xD  }
0x71: {  	v17 =	vld [tilespmem:s8+$0x0];
	(v2sf) =	vpush v0, $0xE  }
0x72: {  	(v2sf) =	vpush v0, $0xF;
	v0 =	vadd.f32 v2, v1  }
0x73: {  	v1 =	vadd.f32 v4, v3;
	v2 =	vadd.f32 v6, v5  }
0x74: {  	v3 =	vadd.f32 v8, v7;
	v4 =	vadd.f32 v10, v9  }
0x75: {  	v5 =	vadd.f32 v12, v11;
	v6 =	vadd.f32 v14, v13  }
0x76: {  	v7 =	vadd.f32 v16, v15;
	s24 =	spop (v2sf);
	v0 =	vadd.f32 v1, v0;
	v1 =	vshll.u32 v17, $0x9  }
0x77: {  	s26 =	spop (v2sf);
	v2 =	vadd.f32 v3, v2;
	v3 =	vadd.f32 v5, v4;
	v8 =	vshra.s32 v1, $0x2  }
0x78: {  	s31 =	spop (v2sf);
	v1 =	vadd.f32 v7, v6;
	(v2sf) =	vpush v8, $0x0  }
0x79: {  	s19 =	spop (v2sf);
	v0 =	vadd.f32 v2, v0;
	(v2sf) =	vpush v8, $0x1  }
0x7a: {  	s25 =	spop (v2sf);
	v1 =	vadd.f32 v1, v3;
	(v2sf) =	vpush v8, $0x2  }
0x7b: {  	[smem:$0x7EF] =	sst s24;
	s30 =	spop (v2sf);
	(v2sf) =	vpush v8, $0x3  }
0x7c: {  	[dreg:$0x17] =	wrdreg s26;
	s29 =	spop (v2sf);
	v0 =	vadd.f32 v1, v0;
	(v2sf) =	vpush v8, $0x4  }
0x7d: {  	s18 =	simm.s32 $0x8080;
	[dreg:$0xb] =	wrdreg s31;
	s4 =	spop (v2sf);
	(v2sf) =	vpush v8, $0x5  }
0x7e: {  	v7 =	vld [tilespmem:s24+$0x0];
	s5 =	spop (v2sf);
	[tilespmem:s18+$0x20] =	vst v0;
	(v2sf) =	vpush v8, $0x6  }
0x7f: {  	s6 =	spop (v2sf);
	v0 =	vld [tilespmem:s15+$0x30];
	(v2sf) =	vpush v8, $0x7  }
0x80: {  	v1 =	vld [tilespmem:s16+$0x30];
	s7 =	spop (v2sf);
	(v2sf) =	vpush v8, $0x8  }
0x81: {  	v2 =	vld [tilespmem:s14+$0x30];
	s3 =	spop (v2sf);
	(v2sf) =	vpush v8, $0x9  }
0x82: {  	v4 =	vld [tilespmem:s12+$0x30];
	s12 =	spop (v2sf);
	(v2sf) =	vpush v8, $0xA  }
0x83: {  	v3 =	vld [tilespmem:s13+$0x30];
	s9 =	spop (v2sf);
	(v2sf) =	vpush v8, $0xB  }
0x84: {  	v5 =	vld [tilespmem:s11+$0x30];
	[dreg:$0x4] =	wrdreg s9;
	s1 =	spop (v2sf);
	(v2sf) =	vpush v8, $0xC  }
0x85: {  	v6 =	vld [tilespmem:s10+$0x30];
	[dreg:$0x5] =	wrdreg s1;
	(v2sf) =	vpush v8, $0xD  }
0x86: {  	s14 =	spop (v2sf);
	v9 =	vld [tilespmem:s26+$0x0];
	(v2sf) =	vpush v8, $0xE  }
0x87: {  	v10 =	vld [tilespmem:s31+$0x0];
	(v2sf) =	vpush v8, $0xF;
	s26 =	spop (v2sf)  }
0x88: {  	v8 =	vld [tilespmem:s26+$0x0];
	s24 =	spop (v2sf)  }
0x89: {  	v11 =	vld [tilespmem:s24+$0x0];
	s23 =	spop (v2sf)  }
0x8a: {  	v12 =	vld [tilespmem:s23+$0x0];
	s22 =	spop (v2sf)  }
0x8b: {  	v13 =	vld [tilespmem:s22+$0x0];
	s20 =	spop (v2sf)  }
0x8c: {  	v14 =	vld [tilespmem:s20+$0x0];
	s21 =	spop (v2sf)  }
0x8d: {  	v15 =	vld [tilespmem:s21+$0x0];
	s18 =	spop (v2sf)  }
0x8e: {  	v16 =	vld [tilespmem:s18+$0x0];
	s31 =	spop (v2sf)  }
0x8f: {  	v17 =	vld [tilespmem:s31+$0x0];
	s17 =	spop (v2sf)  }
0x90: {  	v18 =	vld [tilespmem:s17+$0x0];
	s13 =	spop (v2sf)  }
0x91: {  	v19 =	vld [tilespmem:s13+$0x0];
	s10 =	spop (v2sf)  }
0x92: {  	v20 =	vld [tilespmem:s10+$0x0];
	s0 =	spop (v2sf)  }
0x93: {  	v21 =	vld [tilespmem:s0+$0x0];
	s28 =	spop (v2sf)  }
0x94: {  	v22 =	vld [tilespmem:s28+$0x0];
	s16 =	spop (v2sf)  }
0x95: {  	v23 =	vld [tilespmem:s16+$0x0];
	s15 =	spop (v2sf)  }
0x96: {  	v24 =	vld [tilespmem:s15+$0x0];
	s11 =	spop (v2sf)  }
0x97: {  	v25 =	vld [tilespmem:s11+$0x0]  }
0x98: {  	v26 =	vld [tilespmem:s19+$0x0]  }
0x99: {  	v27 =	vld [tilespmem:s25+$0x0];
	v8 =	vadd.f32 v11, v8;
	v11 =	vadd.f32 v13, v12  }
0x9a: {  	v35 =	vld [tilespmem:s4+$0x0];
	v13 =	vadd.f32 v15, v14;
	v14 =	vadd.f32 v17, v16  }
0x9b: {  	v37 =	vld [tilespmem:s3+$0x0];
	v16 =	vadd.f32 v19, v18;
	v17 =	vadd.f32 v21, v20  }
0x9c: {  	v12 =	vld [tilespmem:s30+$0x0];
	v36 =	vadd.f32 v23, v22;
	v20 =	vadd.f32 v25, v24  }
0x9d: {  	v15 =	vld [tilespmem:s29+$0x0];
	v8 =	vadd.f32 v11, v8;
	v11 =	vadd.f32 v14, v13  }
0x9e: {  	v13 =	vld [tilespmem:s6+$0x0];
	v14 =	vadd.f32 v17, v16;
	v16 =	vadd.f32 v20, v36  }
0x9f: {  	v21 =	vld [tilespmem:s5+$0x0]  }
0xa0: {  	v8 =	vadd.f32 v11, v8;
	v17 =	vld [tilespmem:s7+$0x0];
	[dreg:$0x2] =	wrdreg s3;
	v11 =	vadd.f32 v16, v14  }
0xa1: {  	v20 =	vld [tilespmem:s14+$0x0]  }
0xa2: {  	v14 =	vld [tilespmem:s12+$0x0];
	v8 =	vadd.f32 v11, v8  }
0xa3: {  	v16 =	vld [tilespmem:s9+$0x0];
	s9 =	simm.s32 $0x8180  }
0xa4: {  	v11 =	vld [tilespmem:s1+$0x0];
	[tilespmem:s9+$0x0] =	vst v8  }
0xa5: {  	v22 =	vld [tilespmem:s26+$0x10]  }
0xa6: {  	v23 =	vld [tilespmem:s24+$0x10]  }
0xa7: {  	v38 =	vld [tilespmem:s23+$0x10]  }
0xa8: {  	v39 =	vld [tilespmem:s22+$0x10]  }
0xa9: {  	v28 =	vld [tilespmem:s20+$0x10]  }
0xaa: {  	v29 =	vld [tilespmem:s21+$0x10]  }
0xab: {  	v30 =	vld [tilespmem:s18+$0x10]  }
0xac: {  	v7 =	vadd.f32 v9, v7;
	v8 =	vadd.f32 v26, v10;
	v10 =	vld [tilespmem:s31+$0x10]  }
0xad: {  	v9 =	vadd.f32 v12, v27;
	v12 =	vadd.f32 v35, v15;
	v15 =	vld [tilespmem:s17+$0x10]  }
0xae: {  	v13 =	vadd.f32 v13, v21;
	v17 =	vadd.f32 v37, v17;
	v40 =	vld [tilespmem:s13+$0x10]  }
0xaf: {  	v14 =	vadd.f32 v16, v14;
	v16 =	vld [tilespmem:s10+$0x10];
	s9 =	sld [smem:$0x7ED];
	v7 =	vadd.f32 v8, v7  }
0xb0: {  	v8 =	vadd.f32 v12, v9;
	v12 =	vld [tilespmem:s0+$0x10];
	[smem:$0x7F5] =	sst s0;
	v11 =	vadd.f32 v20, v11  }
0xb1: {  	s1 =	smov.u32 s0;
	v9 =	vadd.f32 v17, v13;
	v13 =	vld [tilespmem:s28+$0x10];
	[smem:$0x7F6] =	sst s28  }
0xb2: {  	s0 =	smov.u32 s28;
	s28 =	smov.u32 s7;
	s7 =	sld [smem:$0x7EC];
	v11 =	vadd.f32 v11, v14  }
0xb3: {  	v14 =	vld [tilespmem:s16+$0x10];
	[smem:$0x7F7] =	sst s16  }
0xb4: {  	v9 =	vadd.f32 v11, v9;
	v11 =	vld [tilespmem:s15+$0x10];
	[smem:$0x7F8] =	sst s15  }
0xb5: {  	v7 =	vadd.f32 v8, v7;
	v17 =	vld [tilespmem:s11+$0x10];
	[smem:$0x7F9] =	sst s11  }
0xb6: {  	v20 =	vadd.f32 v23, v22;
	v8 =	vld [tilespmem:s2+$0x30]  }
0xb7: {  	v21 =	vadd.f32 v39, v38;
	v41 =	vadd.f32 v9, v7;
	v7 =	vld [tilespmem:s7+$0x30];
	s7 =	smov.u32 s6;
	s6 =	sld [smem:$0x7EE]  }
0xb8: {  	v22 =	vadd.f32 v29, v28;
	v23 =	vadd.f32 v10, v30;
	v9 =	vld [tilespmem:s9+$0x30]  }
0xb9: {  	v15 =	vadd.f32 v40, v15;
	v12 =	vadd.f32 v12, v16;
	v16 =	vld [tilespmem:s8+$0xFFFFFF80];
	s9 =	simm.s32 $0x8080  }
0xba: {  	v13 =	vadd.f32 v14, v13;
	[tilespmem:s9+$0xFFFFFF80] =	vst v41;
	v10 =	vld [tilespmem:s6+$0x30];
	v11 =	vadd.f32 v17, v11  }
0xbb: {  	v42 =	vadd.f32 v23, v22;
	v12 =	vadd.f32 v12, v15;
	v15 =	vld [tilespmem:s19+$0x10]  }
0xbc: {  	s2 =	sld [smem:$0x7EF];
	v43 =	vld [tilespmem:s30+$0x10];
	v17 =	vadd.f32 v21, v20;
	v11 =	vadd.f32 v11, v13  }
0xbd: {  	s8 =	rddreg [dreg:$0x17];
	v35 =	vld [tilespmem:s5+$0x10]  }
0xbe: {  	v19 =	vld [tilespmem:s8+$0x10];
	v17 =	vadd.f32 v42, v17;
	v11 =	vadd.f32 v11, v12  }
0xbf: {  	v20 =	vld [tilespmem:s4+$0x10]  }
0xc0: {  	s9 =	rddreg [dreg:$0xb];
	v14 =	vld [tilespmem:s2+$0x10];
	v11 =	vadd.f32 v11, v17  }
0xc1: {  	s6 =	simm.s32 $0x8180;
	v13 =	vld [tilespmem:s9+$0x10]  }
0xc2: {  	v17 =	vld [tilespmem:s29+$0x10];
	[tilespmem:s6+$0x10] =	vst v11  }
0xc3: {  	v11 =	vld [tilespmem:s26+$0x20]  }
0xc4: {  	v21 =	vld [tilespmem:s24+$0x20]  }
0xc5: {  	v22 =	vld [tilespmem:s23+$0x20]  }
0xc6: {  	v23 =	vld [tilespmem:s22+$0x20]  }
0xc7: {  	v44 =	vld [tilespmem:s20+$0x20]  }
0xc8: {  	v45 =	vld [tilespmem:s21+$0x20]  }
0xc9: {  	v46 =	vld [tilespmem:s18+$0x20]  }
0xca: {  	v47 =	vld [tilespmem:s31+$0x20]  }
0xcb: {  	v48 =	vld [tilespmem:s17+$0x20]  }
0xcc: {  	v49 =	vld [tilespmem:s13+$0x20]  }
0xcd: {  	v50 =	vld [tilespmem:s10+$0x20]  }
0xce: {  	v31 =	vld [tilespmem:s1+$0x20]  }
0xcf: {  	v14 =	vadd.f32 v19, v14;
	v13 =	vadd.f32 v15, v13;
	v32 =	vld [tilespmem:s0+$0x20]  }
0xd0: {  	v16 =	vshll.u32 v16, $0x9;
	v33 =	vld [tilespmem:s16+$0x20]  }
0xd1: {  	v34 =	vld [tilespmem:s15+$0x20];
	v14 =	vadd.f32 v13, v14;
	v13 =	vadd.f32 v20, v17;
	v20 =	vshra.s32 v16, $0x2  }
0xd2: {  	v51 =	vld [tilespmem:s11+$0x20];
	(v2sf) =	vpush v20, $0x0  }
0xd3: {  	v53 =	vld [tilespmem:s3+$0x10];
	(v2sf) =	vpush v20, $0x1  }
0xd4: {  	v56 =	vld [tilespmem:s12+$0x10];
	v11 =	vadd.f32 v21, v11;
	v52 =	vadd.f32 v23, v22  }
0xd5: {  	v12 =	vld [tilespmem:s25+$0x10];
	v22 =	vadd.f32 v45, v44;
	v23 =	vadd.f32 v47, v46  }
0xd6: {  	v15 =	vld [tilespmem:s7+$0x10];
	s1 =	rddreg [dreg:$0x4];
	v54 =	vadd.f32 v49, v48;
	v55 =	vadd.f32 v31, v50  }
0xd7: {  	s3 =	sld [smem:$0x7F0];
	v58 =	vld [tilespmem:s1+$0x10];
	v57 =	vadd.f32 v33, v32;
	v19 =	vadd.f32 v51, v34  }
0xd8: {  	s16 =	sld [smem:$0x7F2];
	v17 =	vld [tilespmem:s14+$0x10];
	v11 =	vadd.f32 v52, v11;
	v59 =	vadd.f32 v23, v22  }
0xd9: {  	s11 =	sld [smem:$0x7F1];
	v21 =	vld [tilespmem:s28+$0x10];
	v23 =	vadd.f32 v55, v54;
	v19 =	vadd.f32 v19, v57  }
0xda: {  	v12 =	vadd.f32 v43, v12;
	s15 =	rddreg [dreg:$0x5];
	v25 =	vld [tilespmem:s3+$0x30];
	(v2sf) =	vpush v20, $0x2  }
0xdb: {  	v26 =	vld [tilespmem:s16+$0x30];
	s16 =	smov.u32 s12;
	s12 =	sld [smem:$0x7F4];
	v11 =	vadd.f32 v59, v11;
	v16 =	vadd.f32 v19, v23  }
0xdc: {  	v60 =	vadd.f32 v13, v12;
	(v2sf) =	vpush v20, $0x3;
	v23 =	vld [tilespmem:s11+$0x30];
	s11 =	sld [smem:$0x7F3]  }
0xdd: {  	v22 =	vld [tilespmem:s15+$0x10];
	(v2sf) =	vpush v20, $0x4;
	v11 =	vadd.f32 v16, v11  }
0xde: {  	(v2sf) =	vpush v20, $0x5;
	v12 =	vadd.f32 v53, v21;
	v21 =	vld [tilespmem:s12+$0x30]  }
0xdf: {  	v15 =	vadd.f32 v15, v35;
	(v2sf) =	vpush v20, $0x6;
	v28 =	vld [tilespmem:s11+$0x30];
	[tilespmem:s6+$0x20] =	vst v11  }
0xe0: {  	v13 =	vadd.f32 v58, v56;
	(v2sf) =	vpush v20, $0x7;
	v11 =	vld [tilespmem:s26+$0x30]  }
0xe1: {  	(v2sf) =	vpush v20, $0x8;
	v15 =	vadd.f32 v12, v15;
	v12 =	vld [tilespmem:s24+$0x30]  }
0xe2: {  	v16 =	vadd.f32 v17, v22;
	v17 =	vadd.f32 v60, v14;
	v14 =	vld [tilespmem:s22+$0x30]  }
0xe3: {  	(v2sf) =	vpush v20, $0x9;
	v18 =	vld [tilespmem:s31+$0x30]  }
0xe4: {  	(v2sf) =	vpush v20, $0xA;
	v16 =	vadd.f32 v16, v13;
	v19 =	vld [tilespmem:s17+$0x30]  }
0xe5: {  	(v2sf) =	vpush v20, $0xB;
	v31 =	vld [tilespmem:s10+$0x30]  }
0xe6: {  	(v2sf) =	vpush v20, $0xC;
	v61 =	vadd.f32 v16, v15;
	v15 =	vld [tilespmem:s20+$0x30]  }
0xe7: {  	v16 =	vld [tilespmem:s21+$0x30];
	(v2sf) =	vpush v20, $0xD  }
0xe8: {  	(v2sf) =	vpush v20, $0xE;
	v62 =	vadd.f32 v61, v17;
	v17 =	vld [tilespmem:s18+$0x30]  }
0xe9: {  	s26 =	spop (v2sf);
	(v2sf) =	vpush v20, $0xF;
	v20 =	vld [tilespmem:s13+$0x30]  }
0xea: {  	s3 =	simm.s32 $0x8080;
	v63 =	vld [tilespmem:s26+$0x0];
	s21 =	spop (v2sf)  }
0xeb: {  	[tilespmem:s3+$0xFFFFFF90] =	vst v62;
	v48 =	vld [tilespmem:s21+$0x0]  }
0xec: {  	v22 =	vld [tilespmem:s2+$0x20]  }
0xed: {  	s12 =	spop (v2sf);
	v24 =	vld [tilespmem:s8+$0x20]  }
0xee: {  	s11 =	smov.u32 s4;
	v49 =	vld [tilespmem:s12+$0x0];
	s4 =	spop (v2sf)  }
0xef: {  	s31 =	smov.u32 s2;
	s2 =	smov.u32 s15;
	v50 =	vld [tilespmem:s4+$0x0];
	s15 =	spop (v2sf)  }
0xf0: {  	v51 =	vld [tilespmem:s15+$0x0];
	s13 =	spop (v2sf)  }
0xf1: {  	v52 =	vld [tilespmem:s13+$0x0];
	s17 =	spop (v2sf)  }
0xf2: {  	s0 =	smov.u32 s29;
	v36 =	vld [tilespmem:s17+$0x0];
	s29 =	spop (v2sf)  }
0xf3: {  	v37 =	vld [tilespmem:s29+$0x0];
	s22 =	spop (v2sf)  }
0xf4: {  	v38 =	vld [tilespmem:s22+$0x0];
	s18 =	spop (v2sf)  }
0xf5: {  	v39 =	vld [tilespmem:s18+$0x0];
	s24 =	spop (v2sf)  }
0xf6: {  	s6 =	smov.u32 s14;
	s14 =	smov.u32 s1;
	v40 =	vld [tilespmem:s24+$0x0];
	s1 =	spop (v2sf)  }
0xf7: {  	v41 =	vld [tilespmem:s1+$0x0];
	s10 =	spop (v2sf)  }
0xf8: {  	v42 =	vld [tilespmem:s10+$0x0];
	s8 =	spop (v2sf)  }
0xf9: {  	v43 =	vld [tilespmem:s8+$0x0];
	s3 =	spop (v2sf)  }
0xfa: {  	v44 =	vld [tilespmem:s3+$0x0];
	s20 =	spop (v2sf)  }
0xfb: {  	v45 =	vld [tilespmem:s20+$0x0]  }
0xfc: {  	v13 =	vld [tilespmem:s23+$0x30]  }
0xfd: {  	v27 =	vld [tilespmem:s9+$0x20];
	v29 =	vadd.f32 v48, v63;
	v53 =	vadd.f32 v50, v49  }
0xfe: {  	v46 =	vld [tilespmem:s19+$0x20];
	v55 =	vadd.f32 v52, v51;
	v56 =	vadd.f32 v37, v36;
	[dreg:$0x15] =	wrdreg s25  }
0xff: {  	v58 =	vadd.f32 v39, v38;
	v54 =	vld [tilespmem:s25+$0x20];
	v59 =	vadd.f32 v41, v40  }
0x100: {  	v57 =	vld [tilespmem:s30+$0x20];
	v61 =	vadd.f32 v43, v42;
	v62 =	vadd.f32 v45, v44  }
0x101: {  	v29 =	vadd.f32 v53, v29;
	v60 =	vld [tilespmem:s0+$0x20];
	v47 =	vadd.f32 v59, v58  }
0x102: {  	v63 =	vld [tilespmem:s11+$0x20];
	[dreg:$0x18] =	wrdreg s5;
	v44 =	vadd.f32 v56, v55;
	v49 =	vadd.f32 v62, v61  }
0x103: {  	v45 =	vld [tilespmem:s5+$0x20];
	[dreg:$0x16] =	wrdreg s7  }
0x104: {  	v48 =	vld [tilespmem:s7+$0x20];
	[dreg:$0x7] =	wrdreg s28;
	v29 =	vadd.f32 v44, v29;
	v34 =	vadd.f32 v49, v47  }
0x105: {  	s7 =	smov.u32 s17;
	s17 =	rddreg [dreg:$0x2];
	v50 =	vld [tilespmem:s28+$0x20]  }
0x106: {  	v51 =	vld [tilespmem:s17+$0x20];
	[dreg:$0x3] =	wrdreg s16;
	v29 =	vadd.f32 v34, v29  }
0x107: {  	s25 =	simm.s32 $0x8180;
	v52 =	vld [tilespmem:s16+$0x20]  }
0x108: {  	v0 =	vadd.f32 v1, v0;
	v1 =	vadd.f32 v3, v2;
	v53 =	vld [tilespmem:s14+$0x20];
	[tilespmem:s25+$0xFFFFFF80] =	vst v29  }
0x109: {  	v2 =	vld [tilespmem:s2+$0x20];
	[dreg:$0x6] =	wrdreg s6  }
0x10a: {  	v3 =	vadd.f32 v5, v4;
	v0 =	vadd.f32 v1, v0;
	v5 =	vld [tilespmem:s6+$0x20]  }
0x10b: {  	v4 =	vadd.f32 v8, v6;
	v6 =	vadd.f32 v9, v7;
	v8 =	vld [tilespmem:s26+$0x10]  }
0x10c: {  	v7 =	vadd.f32 v25, v10;
	v10 =	vadd.f32 v21, v28;
	v21 =	vld [tilespmem:s21+$0x10]  }
0x10d: {  	v1 =	vadd.f32 v4, v3;
	v9 =	vadd.f32 v26, v23;
	s14 =	smov.u32 s4;
	v3 =	vld [tilespmem:s12+$0x10]  }
0x10e: {  	v23 =	vld [tilespmem:s14+$0x10]  }
0x10f: {  	v6 =	vadd.f32 v7, v6;
	v7 =	vadd.f32 v10, v9;
	v56 =	vld [tilespmem:s15+$0x10]  }
0x110: {  	v4 =	vadd.f32 v24, v22;
	v22 =	vadd.f32 v46, v27;
	v29 =	vld [tilespmem:s13+$0x10]  }
0x111: {  	v54 =	vadd.f32 v57, v54;
	v55 =	vadd.f32 v63, v60;
	v60 =	vld [tilespmem:s29+$0x10]  }
0x112: {  	v57 =	vadd.f32 v48, v45;
	v58 =	vadd.f32 v51, v50;
	v62 =	vld [tilespmem:s22+$0x10]  }
0x113: {  	v59 =	vadd.f32 v53, v52;
	s5 =	sld [smem:$0x7F5];
	v9 =	vld [tilespmem:s18+$0x10];
	v2 =	vadd.f32 v5, v2  }
0x114: {  	v4 =	vadd.f32 v22, v4;
	v22 =	vadd.f32 v55, v54;
	v10 =	vld [tilespmem:s24+$0x10];
	s6 =	sld [smem:$0x7F6]  }
0x115: {  	v61 =	vadd.f32 v58, v57;
	v5 =	vld [tilespmem:s7+$0x10];
	[dreg:$0x12] =	wrdreg s1;
	v2 =	vadd.f32 v2, v59  }
0x116: {  	v4 =	vadd.f32 v22, v4;
	v22 =	vadd.f32 v1, v0;
	s16 =	sld [smem:$0x7F7];
	v0 =	vld [tilespmem:s1+$0x10]  }
0x117: {  	s2 =	smov.u32 s21;
	s21 =	sld [smem:$0x7F9];
	v63 =	vld [tilespmem:s5+$0x30];
	v2 =	vadd.f32 v2, v61  }
0x118: {  	v6 =	vadd.f32 v7, v6;
	s17 =	sld [smem:$0x7F8];
	v7 =	vadd.f32 v21, v8;
	v1 =	vld [tilespmem:s6+$0x30]  }
0x119: {  	v8 =	vadd.f32 v23, v3;
	v3 =	vld [tilespmem:s16+$0x30];
	v2 =	vadd.f32 v2, v4  }
0x11a: {  	s28 =	smov.u32 s22;
	s22 =	simm.s32 $0x8080;
	v21 =	vadd.f32 v29, v56;
	v23 =	vadd.f32 v60, v5;
	v5 =	vld [tilespmem:s21+$0x30]  }
0x11b: {  	v7 =	vadd.f32 v8, v7;
	v8 =	vadd.f32 v9, v62;
	v4 =	vld [tilespmem:s17+$0x30];
	[tilespmem:s22+$0xFFFFFFA0] =	vst v2  }
0x11c: {  	v9 =	vadd.f32 v0, v10;
	v2 =	vadd.f32 v23, v21;
	v0 =	vld [tilespmem:s31+$0x30];
	[dreg:$0x11] =	wrdreg s10  }
0x11d: {  	v10 =	vld [tilespmem:s10+$0x10];
	[dreg:$0x14] =	wrdreg s8  }
0x11e: {  	s23 =	simm.s32 $0x8080;
	v22 =	vadd.f32 v6, v22;
	v2 =	vadd.f32 v2, v7;
	v21 =	vld [tilespmem:s8+$0x10];
	[dreg:$0x13] =	wrdreg s3  }
0x11f: {  	v7 =	vadd.f32 v9, v8;
	v8 =	vadd.f32 v14, v13;
	v14 =	vld [tilespmem:s3+$0x10];
	[dreg:$0x9] =	wrdreg s23  }
0x120: {  	[tilespmem:s22+$0x30] =	vst v22  }
0x121: {  	v6 =	vadd.f32 v12, v11;
	s25 =	simm.s32 $0x2;
	[dreg:$0x1e] =	wrdreg s20  }
0x122: {  	v11 =	vadd.f32 v18, v17;
	s31 =	simm.s32 $0x8180;
	v9 =	vadd.f32 v16, v15;
	v15 =	vld [tilespmem:s20+$0x10];
	[dreg:$0xa] =	wrdreg s25  }
0x123: {  	s4 =	simm.s32 $0x8180;
	v12 =	vadd.f32 v20, v19;
	s5 =	simm.s32 $0xC280;
	v13 =	vadd.f32 v63, v31;
	[dreg:$0x8] =	wrdreg s31  }
.LBB2_2:
0x124: {  	_ = 	snop  }
0x125: {  	v16 =	vld [tilespmem:s5+$0x0]  }
0x126: {  	v1 =	vadd.f32 v3, v1  }
0x127: {  	v3 =	vadd.f32 v5, v4;
	v5 =	vadd.f32 v8, v6  }
0x128: {  	v4 =	vld [tilespmem:s5+$0xFFFFFF80];
	v6 =	vadd.f32 v11, v9;
	v8 =	vadd.f32 v13, v12  }
0x129: {  	v9 =	vadd.f32 v21, v10;
	v10 =	vadd.f32 v15, v14  }
0x12a: {  	s1 =	rddreg [dreg:$0x17];
	v11 =	vld [tilespmem:s9+$0x30];
	v1 =	vadd.f32 v3, v1;
	v5 =	vadd.f32 v6, v5;
	v6 =	vshll.u32 v16, $0x9  }
0x12b: {  	s3 =	smov.u32 s14;
	s14 =	rddreg [dreg:$0x15];
	v3 =	vld [tilespmem:s1+$0x30];
	v9 =	vadd.f32 v10, v9;
	v12 =	vshra.s32 v6, $0x2  }
0x12c: {  	v10 =	vld [tilespmem:s14+$0x30];
	v1 =	vadd.f32 v1, v8;
	(v2sf) =	vpush v12, $0x0  }
0x12d: {  	v8 =	vld [tilespmem:s19+$0x30];
	v4 =	vshll.u32 v4, $0x9;
	(v2sf) =	vpush v12, $0x1  }
0x12e: {  	v1 =	vadd.f32 v1, v5;
	v5 =	vld [tilespmem:s30+$0x30];
	v6 =	vshra.s32 v4, $0x2;
	v4 =	vadd.f32 v9, v7  }
0x12f: {  	v7 =	vld [tilespmem:s0+$0x30];
	(v2sf) =	vpush v12, $0x2  }
0x130: {  	s17 =	rddreg [dreg:$0x18];
	[tilespmem:s4+$0x30] =	vst v1;
	v1 =	vadd.f32 v3, v0;
	v3 =	vld [tilespmem:s11+$0x30];
	v0 =	vadd.f32 v4, v2  }
0x131: {  	s20 =	rddreg [dreg:$0x16];
	s1 =	smov.u32 s4;
	(v2sf) =	vpush v12, $0x3;
	v2 =	vld [tilespmem:s17+$0x30]  }
0x132: {  	(v2sf) =	vpush v12, $0x4;
	v4 =	vadd.f32 v8, v11;
	v8 =	vld [tilespmem:s20+$0x30];
	[tilespmem:s1+$0xFFFFFF90] =	vst v0  }
0x133: {  	s10 =	smov.u32 s2;
	(v2sf) =	vpush v12, $0x5;
	v9 =	vld [tilespmem:s26+$0x20]  }
0x134: {  	(v2sf) =	vpush v12, $0x6;
	v1 =	vadd.f32 v4, v1;
	v4 =	vld [tilespmem:s10+$0x20]  }
0x135: {  	s6 =	smov.u32 s15;
	s15 =	smov.u32 s7;
	v5 =	vadd.f32 v5, v10;
	(v2sf) =	vpush v12, $0x7;
	v10 =	vld [tilespmem:s3+$0x20]  }
0x136: {  	s9 =	smov.u32 s12;
	v11 =	vld [tilespmem:s15+$0x20];
	(v2sf) =	vpush v12, $0x8  }
0x137: {  	s16 =	smov.u32 s29;
	v3 =	vadd.f32 v3, v7;
	v7 =	vld [tilespmem:s9+$0x20];
	(v2sf) =	vpush v12, $0x9  }
0x138: {  	v13 =	vld [tilespmem:s16+$0x20];
	v2 =	vadd.f32 v8, v2;
	(v2sf) =	vpush v12, $0xA  }
0x139: {  	s8 =	smov.u32 s13;
	v8 =	vld [tilespmem:s6+$0x20];
	v3 =	vadd.f32 v3, v5;
	(v2sf) =	vpush v12, $0xB  }
0x13a: {  	s23 =	smov.u32 s24;
	v5 =	vld [tilespmem:s8+$0x20];
	v9 =	vadd.f32 v4, v9;
	(v2sf) =	vpush v12, $0xC  }
0x13b: {  	s19 =	smov.u32 s28;
	v4 =	vld [tilespmem:s23+$0x20];
	v1 =	vadd.f32 v3, v1;
	(v2sf) =	vpush v12, $0xD  }
0x13c: {  	s21 =	smov.u32 s18;
	v3 =	vadd.f32 v10, v7;
	v7 =	vld [tilespmem:s19+$0x20];
	(v2sf) =	vpush v12, $0xE  }
0x13d: {  	s22 =	rddreg [dreg:$0x7];
	v10 =	vld [tilespmem:s21+$0x20];
	s25 =	spop (v2sf);
	(v2sf) =	vpush v12, $0xF  }
0x13e: {  	[dreg:$0x7] =	wrdreg s23;
	v12 =	vld [tilespmem:s25+$0x0];
	s23 =	spop (v2sf)  }
0x13f: {  	[dreg:$0x18] =	wrdreg s19;
	(v2sf) =	vpush v6, $0x0;
	v3 =	vadd.f32 v3, v9;
	v9 =	vld [tilespmem:s23+$0x0];
	s19 =	spop (v2sf)  }
0x140: {  	v11 =	vadd.f32 v13, v11;
	(v2sf) =	vpush v6, $0x1;
	v13 =	vld [tilespmem:s19+$0x0];
	s29 =	spop (v2sf)  }
0x141: {  	v8 =	vadd.f32 v5, v8;
	(v2sf) =	vpush v6, $0x2;
	v14 =	vld [tilespmem:s29+$0x0];
	s18 =	spop (v2sf)  }
0x142: {  	(v2sf) =	vpush v6, $0x3;
	v5 =	vadd.f32 v10, v7;
	v7 =	vld [tilespmem:s18+$0x0];
	s30 =	spop (v2sf)  }
0x143: {  	v8 =	vadd.f32 v11, v8;
	(v2sf) =	vpush v6, $0x4;
	v10 =	vld [tilespmem:s30+$0x0];
	s2 =	spop (v2sf)  }
0x144: {  	[dreg:$0x10] =	wrdreg s26;
	(v2sf) =	vpush v6, $0x5;
	v11 =	vld [tilespmem:s2+$0x0];
	s26 =	spop (v2sf)  }
0x145: {  	v3 =	vadd.f32 v8, v3;
	(v2sf) =	vpush v6, $0x6;
	v8 =	vld [tilespmem:s26+$0x0];
	s17 =	spop (v2sf)  }
0x146: {  	(v2sf) =	vpush v6, $0x7;
	v15 =	vld [tilespmem:s17+$0x0];
	s13 =	spop (v2sf)  }
0x147: {  	[dreg:$0x16] =	wrdreg s21;
	(v2sf) =	vpush v6, $0x8;
	v16 =	vld [tilespmem:s13+$0x0];
	s21 =	spop (v2sf)  }
0x148: {  	[dreg:$0xb] =	wrdreg s9;
	(v2sf) =	vpush v6, $0x9;
	v17 =	vld [tilespmem:s21+$0x0];
	s9 =	spop (v2sf)  }
0x149: {  	(v2sf) =	vpush v6, $0xA;
	v18 =	vld [tilespmem:s9+$0x0];
	s14 =	spop (v2sf)  }
0x14a: {  	(v2sf) =	vpush v6, $0xB;
	v19 =	vld [tilespmem:s14+$0x0];
	s31 =	spop (v2sf)  }
0x14b: {  	[dreg:$0x17] =	wrdreg s10;
	v20 =	vld [tilespmem:s31+$0x0];
	s10 =	spop (v2sf)  }
0x14c: {  	[dreg:$0xf] =	wrdreg s16;
	(v2sf) =	vpush v6, $0xC;
	v21 =	vld [tilespmem:s10+$0x0];
	s16 =	spop (v2sf)  }
0x14d: {  	(v2sf) =	vpush v6, $0xD;
	v22 =	vld [tilespmem:s16+$0x0]  }
0x14e: {  	[dreg:$0x15] =	wrdreg s6;
	v0 =	vld [tilespmem:s22+$0x30];
	v9 =	vadd.f32 v9, v12;
	(v2sf) =	vpush v6, $0xE;
	s6 =	spop (v2sf)  }
0x14f: {  	v12 =	vadd.f32 v14, v13;
	(v2sf) =	vpush v6, $0xF;
	v6 =	vld [tilespmem:s6+$0x0];
	s7 =	spop (v2sf)  }
0x150: {  	[dreg:$0xd] =	wrdreg s8;
	v7 =	vadd.f32 v10, v7;
	v8 =	vadd.f32 v8, v11;
	v23 =	vld [tilespmem:s7+$0x0];
	s8 =	spop (v2sf)  }
0x151: {  	v11 =	vadd.f32 v16, v15;
	v14 =	vadd.f32 v18, v17;
	v13 =	vld [tilespmem:s8+$0x0];
	s11 =	spop (v2sf)  }
0x152: {  	[dreg:$0xe] =	wrdreg s15;
	v16 =	vadd.f32 v20, v19;
	v10 =	vld [tilespmem:s11+$0x0];
	s15 =	spop (v2sf);
	v17 =	vadd.f32 v22, v21  }
0x153: {  	v9 =	vadd.f32 v12, v9;
	v7 =	vadd.f32 v8, v7;
	v15 =	vld [tilespmem:s15+$0x0];
	s12 =	spop (v2sf)  }
0x154: {  	v11 =	vadd.f32 v14, v11;
	v57 =	vld [tilespmem:s12+$0x0];
	s20 =	spop (v2sf);
	v12 =	vadd.f32 v17, v16  }
0x155: {  	v8 =	vld [tilespmem:s20+$0x0];
	s22 =	spop (v2sf)  }
0x156: {  	v7 =	vadd.f32 v7, v9;
	v14 =	vld [tilespmem:s22+$0x0];
	s28 =	spop (v2sf);
	v9 =	vadd.f32 v12, v11  }
0x157: {  	v16 =	vld [tilespmem:s28+$0x0];
	s24 =	spop (v2sf)  }
0x158: {  	[smem:$0x7E7] =	sst s24;
	v11 =	vld [tilespmem:s24+$0x0];
	s24 =	spop (v2sf);
	v7 =	vadd.f32 v9, v7  }
0x159: {  	s1 =	sadd.s32 $0x100, s1;
	[dreg:$0x1a] =	wrdreg s7;
	v10 =	vadd.f32 v10, v13;
	v13 =	vld [tilespmem:s24+$0x0];
	s7 =	spop (v2sf)  }
0x15a: {  	v9 =	vld [tilespmem:s7+$0x0];
	[tilespmem:s1+$0x0] =	vst v7  }
0x15b: {  	v7 =	vld [tilespmem:s25+$0x10]  }
0x15c: {  	v8 =	vadd.f32 v14, v8;
	v14 =	vld [tilespmem:s19+$0x10]  }
0x15d: {  	v12 =	vadd.f32 v57, v15;
	v15 =	vld [tilespmem:s2+$0x10]  }
0x15e: {  	v17 =	vld [tilespmem:s17+$0x10]  }
0x15f: {  	v58 =	vld [tilespmem:s13+$0x10]  }
0x160: {  	v59 =	vld [tilespmem:s21+$0x10]  }
0x161: {  	v20 =	vld [tilespmem:s9+$0x10]  }
0x162: {  	[smem:$0x7EA] =	sst s5;
	v21 =	vld [tilespmem:s14+$0x10]  }
0x163: {  	[dreg:$0xc] =	wrdreg s3;
	v6 =	vadd.f32 v23, v6;
	v23 =	vld [tilespmem:s10+$0x10]  }
0x164: {  	[smem:$0x7E8] =	sst s25;
	v24 =	vld [tilespmem:s16+$0x10]  }
0x165: {  	[dreg:$0x19] =	wrdreg s6;
	v6 =	vadd.f32 v10, v6;
	v8 =	vadd.f32 v8, v12;
	v12 =	vld [tilespmem:s23+$0x10]  }
0x166: {  	[dreg:$0x1f] =	wrdreg s8;
	v11 =	vadd.f32 v11, v16;
	v16 =	vld [tilespmem:s26+$0x10]  }
0x167: {  	[dreg:$0x1b] =	wrdreg s11;
	v9 =	vadd.f32 v9, v13;
	v6 =	vadd.f32 v8, v6;
	v8 =	vld [tilespmem:s29+$0x10]  }
0x168: {  	s11 =	rddreg [dreg:$0x12];
	v13 =	vld [tilespmem:s18+$0x10]  }
0x169: {  	[smem:$0x7E6] =	sst s12;
	v9 =	vadd.f32 v9, v11;
	v11 =	vld [tilespmem:s30+$0x10]  }
0x16a: {  	[dreg:$0x1c] =	wrdreg s20;
	v22 =	vld [tilespmem:s31+$0x10]  }
0x16b: {  	s20 =	rddreg [dreg:$0x11];
	s5 =	spop (v2sf)  }
0x16c: {  	[dreg:$0x1d] =	wrdreg s22;
	v10 =	vld [tilespmem:s5+$0x0];
	s6 =	spop (v2sf);
	v60 =	vadd.f32 v24, v23;
	v7 =	vadd.f32 v12, v7  }
0x16d: {  	s22 =	rddreg [dreg:$0x13];
	s4 =	spop (v2sf);
	v25 =	vld [tilespmem:s6+$0x0];
	v8 =	vadd.f32 v8, v14;
	v14 =	vadd.f32 v58, v17  }
0x16e: {  	s0 =	smov.u32 s25;
	s25 =	rddreg [dreg:$0xa];
	s8 =	spop (v2sf);
	v26 =	vld [tilespmem:s4+$0x0];
	v11 =	vadd.f32 v11, v13;
	v13 =	vadd.f32 v16, v15  }
0x16f: {  	s12 =	smov.u32 s17;
	s17 =	smov.u32 s10;
	s10 =	rddreg [dreg:$0x14];
	v12 =	vld [tilespmem:s8+$0x0];
	v17 =	vadd.f32 v22, v21;
	v15 =	vadd.f32 v20, v59  }
0x170: {  	v61 =	vld [tilespmem:s20+$0x20];
	s3 =	sadd.s32 $0x2, s25;
	s25 =	rddreg [dreg:$0x1e];
	v7 =	vadd.f32 v8, v7;
	v8 =	vadd.f32 v13, v11  }
0x171: {  	[dreg:$0xa] =	wrdreg s3;
	v16 =	vld [tilespmem:s11+$0x20];
	v13 =	vadd.f32 v15, v14;
	v14 =	vadd.f32 v60, v17  }
0x172: {  	p0 =	slt.u32 s3, $0x7E;
	s3 =	rddreg [dreg:$0x2];
	v11 =	vld [tilespmem:s10+$0x20]  }
0x173: {  	v7 =	vadd.f32 v8, v7;
	v8 =	vadd.f32 v14, v13;
	v13 =	vld [tilespmem:s3+$0x30];
	s3 =	smov.u32 s11;
	s11 =	smov.u32 s7;
	s7 =	rddreg [dreg:$0x3]  }
0x174: {  	v10 =	vadd.f32 v25, v10;
	v12 =	vadd.f32 v12, v26;
	[dreg:$0x12] =	wrdreg s11  }
0x175: {  	v15 =	vld [tilespmem:s22+$0x20];
	s11 =	smov.u32 s20;
	s20 =	rddreg [dreg:$0x4]  }
0x176: {  	v10 =	vadd.f32 v12, v10;
	v12 =	vld [tilespmem:s7+$0x30];
	s7 =	rddreg [dreg:$0x5]  }
0x177: {  	v17 =	vld [tilespmem:s25+$0x20];
	v4 =	vadd.f32 v16, v4;
	[dreg:$0x3] =	wrdreg s11;
	s11 =	smov.u32 s5;
	s5 =	smov.u32 s10  }
0x178: {  	v7 =	vadd.f32 v8, v7;
	v8 =	vadd.f32 v11, v61;
	v11 =	vld [tilespmem:s20+$0x30];
	[dreg:$0x4] =	wrdreg s5  }
0x179: {  	v9 =	vadd.f32 v10, v9;
	v4 =	vadd.f32 v4, v5;
	v5 =	vld [tilespmem:s7+$0x30];
	s5 =	rddreg [dreg:$0x6]  }
0x17a: {  	[tilespmem:s1+$0x10] =	vst v7;
	v10 =	vld [tilespmem:s5+$0x30]  }
0x17b: {  	v6 =	vadd.f32 v9, v6;
	v9 =	vld [tilespmem:s0+$0x20]  }
0x17c: {  	v0 =	vadd.f32 v13, v0;
	v13 =	vld [tilespmem:s23+$0x20]  }
0x17d: {  	v7 =	vadd.f32 v17, v15;
	[tilespmem:s1+$0xFFFFFF80] =	vst v6;
	v6 =	vld [tilespmem:s19+$0x20]  }
0x17e: {  	v14 =	vld [tilespmem:s17+$0x20]  }
0x17f: {  	v15 =	vld [tilespmem:s16+$0x20];
	v7 =	vadd.f32 v7, v8  }
0x180: {  	v0 =	vadd.f32 v0, v2;
	v2 =	vld [tilespmem:s29+$0x20]  }
0x181: {  	v4 =	vadd.f32 v7, v4;
	v7 =	vld [tilespmem:s18+$0x20]  }
0x182: {  	v8 =	vadd.f32 v11, v12;
	v11 =	vld [tilespmem:s21+$0x20];
	v5 =	vadd.f32 v10, v5  }
0x183: {  	[smem:$0x7E9] =	sst s23;
	v12 =	vld [tilespmem:s14+$0x20]  }
0x184: {  	[dreg:$0x2] =	wrdreg s3;
	s3 =	smov.u32 s22;
	v10 =	vld [tilespmem:s30+$0x20];
	v5 =	vadd.f32 v5, v8  }
0x185: {  	[dreg:$0x5] =	wrdreg s3;
	v3 =	vadd.f32 v4, v3;
	v4 =	vld [tilespmem:s2+$0x20]  }
0x186: {  	s7 =	rddreg [dreg:$0x8];
	v8 =	vld [tilespmem:s26+$0x20];
	v0 =	vadd.f32 v5, v0  }
0x187: {  	s10 =	rddreg [dreg:$0x19];
	s20 =	smov.u32 s6;
	s6 =	smov.u32 s25;
	[tilespmem:s7+$0xFFFFFFA0] =	vst v3;
	v3 =	vld [tilespmem:s12+$0x20]  }
0x188: {  	[dreg:$0x6] =	wrdreg s6;
	s5 =	smov.u32 s2;
	s23 =	smov.u32 s19;
	v5 =	vld [tilespmem:s13+$0x20];
	v0 =	vadd.f32 v0, v1  }
0x189: {  	s19 =	smov.u32 s18;
	s18 =	rddreg [dreg:$0x9];
	s2 =	smov.u32 s7;
	v1 =	vld [tilespmem:s9+$0x20]  }
0x18a: {  	[dreg:$0x9] =	wrdreg s2;
	[tilespmem:s18+$0xFFFFFFB0] =	vst v0;
	v0 =	vld [tilespmem:s31+$0x20]  }
0x18b: {  	s2 =	rddreg [dreg:$0x1a];
	v16 =	vld [tilespmem:s10+$0x10]  }
0x18c: {  	s3 =	smov.u32 s8;
	s25 =	smov.u32 s12;
	s12 =	rddreg [dreg:$0x1f];
	v17 =	vld [tilespmem:s2+$0x10]  }
0x18d: {  	s8 =	smov.u32 s14;
	s14 =	rddreg [dreg:$0x1b];
	s7 =	smov.u32 s1;
	v2 =	vadd.f32 v2, v6;
	v6 =	vld [tilespmem:s12+$0x10]  }
0x18e: {  	[dreg:$0x8] =	wrdreg s7;
	v7 =	vadd.f32 v10, v7;
	v4 =	vadd.f32 v8, v4;
	v8 =	vld [tilespmem:s14+$0x10]  }
0x18f: {  	v9 =	vadd.f32 v13, v9;
	s7 =	rddreg [dreg:$0x1c];
	v3 =	vadd.f32 v5, v3;
	v5 =	vld [tilespmem:s15+$0x10]  }
0x190: {  	s6 =	smov.u32 s29;
	s29 =	rddreg [dreg:$0x1d];
	v4 =	vadd.f32 v4, v7;
	v7 =	vld [tilespmem:s7+$0x10]  }
0x191: {  	v10 =	vadd.f32 v15, v14;
	v2 =	vadd.f32 v2, v9;
	v9 =	vld [tilespmem:s29+$0x10]  }
0x192: {  	s22 =	smov.u32 s4;
	s0 =	smov.u32 s13;
	s13 =	sld [smem:$0x7E6];
	v21 =	vld [tilespmem:s20+$0x10];
	v1 =	vadd.f32 v1, v11;
	v0 =	vadd.f32 v0, v12  }
0x193: {  	s18 =	sld [smem:$0x7E7];
	v14 =	vld [tilespmem:s22+$0x10]  }
0x194: {  	v15 =	vld [tilespmem:s3+$0x10];
	v1 =	vadd.f32 v1, v3;
	v0 =	vadd.f32 v10, v0  }
0x195: {  	v11 =	vld [tilespmem:s13+$0x10]  }
0x196: {  	v2 =	vadd.f32 v4, v2;
	v4 =	vld [tilespmem:s18+$0x10];
	v0 =	vadd.f32 v0, v1  }
0x197: {  	[dreg:$0x11] =	wrdreg s11;
	v12 =	vld [tilespmem:s28+$0x10]  }
0x198: {  	v10 =	vld [tilespmem:s11+$0x10];
	s11 =	sld [smem:$0x7E8];
	v0 =	vadd.f32 v0, v2  }
0x199: {  	s4 =	rddreg [dreg:$0x12];
	v1 =	vadd.f32 v8, v6;
	v6 =	vld [tilespmem:s24+$0x10]  }
0x19a: {  	v3 =	vadd.f32 v17, v16;
	v2 =	vld [tilespmem:s4+$0x10];
	[tilespmem:s1+$0x20] =	vst v0  }
0x19b: {  	v0 =	vld [tilespmem:s11+$0x30]  }
0x19c: {  	v1 =	vadd.f32 v1, v3;
	v3 =	vadd.f32 v9, v7;
	v9 =	vld [tilespmem:s23+$0x30]  }
0x19d: {  	v5 =	vadd.f32 v11, v5;
	v11 =	vld [tilespmem:s6+$0x30]  }
0x19e: {  	v4 =	vadd.f32 v4, v12;
	v12 =	vld [tilespmem:s19+$0x30]  }
0x19f: {  	v13 =	vld [tilespmem:s30+$0x30]  }
0x1a0: {  	v16 =	vld [tilespmem:s5+$0x30]  }
0x1a1: {  	s11 =	sld [smem:$0x7E9];
	v17 =	vld [tilespmem:s26+$0x30]  }
0x1a2: {  	[dreg:$0x13] =	wrdreg s22;
	v62 =	vld [tilespmem:s25+$0x30]  }
0x1a3: {  	[dreg:$0x1e] =	wrdreg s3;
	v63 =	vld [tilespmem:s0+$0x30]  }
0x1a4: {  	[dreg:$0x14] =	wrdreg s20;
	v8 =	vld [tilespmem:s11+$0x30]  }
0x1a5: {  	v3 =	vadd.f32 v3, v5;
	s23 =	sld [smem:$0x7EA];
	v20 =	vld [tilespmem:s21+$0x30]  }
0x1a6: {  	v22 =	vld [tilespmem:s9+$0x30];
	s9 =	rddreg [dreg:$0xb];
	v5 =	vadd.f32 v2, v6  }
.Ltmp0:
0x1a7: {  	s19 =	rddreg [dreg:$0xc];
	v2 =	vadd.f32 v3, v1;
	v1 =	vld [tilespmem:s8+$0x30];
	(pc) =	sbr.rel @p0 .LBB2_2-.Ltmp0, $4  }
0x1a8: {  	s30 =	rddreg [dreg:$0xd];
	v3 =	vld [tilespmem:s31+$0x30];
	v7 =	vadd.f32 v5, v4  }
0x1a9: {  	s0 =	rddreg [dreg:$0xe];
	v4 =	vld [tilespmem:s17+$0x30];
	v6 =	vadd.f32 v8, v0;
	v8 =	vadd.f32 v11, v9  }
0x1aa: {  	s4 =	smov.u32 s1;
	s31 =	rddreg [dreg:$0x10];
	v5 =	vld [tilespmem:s16+$0x30];
	v9 =	vadd.f32 v13, v12;
	v11 =	vadd.f32 v17, v16  }
0x1ab: {  	s26 =	smov.u32 s10;
	s11 =	rddreg [dreg:$0xf];
	s5 =	sadd.s32 $0x100, s23;
	v12 =	vadd.f32 v63, v62;
	v13 =	vadd.f32 v22, v20;
	v0 =	vld [tilespmem:s31+$0x30]  }
0x1ac: {  	v10 =	vadd.f32 v21, v10;
	v14 =	vadd.f32 v15, v14;
	_ =	sdelay $0x1  }
0x1ad: {  	v10 =	vadd.f32 v14, v10;
	_ =	sdelay $0x1  }
0x1ae: {  	v7 =	vadd.f32 v10, v7;
	_ =	sdelay $0x1  }
0x1af: {  	v2 =	vadd.f32 v7, v2  }
0x1b0: {  	v29 =	vld [tilespmem:s19+$0x30]  }
0x1b1: {  	s1 =	rddreg [dreg:$0x17];
	v15 =	vld [tilespmem:s30+$0x30];
	[tilespmem:s4+$0xFFFFFF90] =	vst v2  }
0x1b2: {  	v2 =	vld [tilespmem:s26+$0x20]  }
0x1b3: {  	v40 =	vld [tilespmem:s2+$0x20]  }
0x1b4: {  	v41 =	vld [tilespmem:s12+$0x20]  }
0x1b5: {  	v16 =	vld [tilespmem:s14+$0x20]  }
0x1b6: {  	v17 =	vld [tilespmem:s15+$0x20]  }
0x1b7: {  	v18 =	vld [tilespmem:s13+$0x20]  }
0x1b8: {  	v19 =	vld [tilespmem:s7+$0x20]  }
0x1b9: {  	v20 =	vld [tilespmem:s29+$0x20]  }
0x1ba: {  	v42 =	vld [tilespmem:s28+$0x20]  }
0x1bb: {  	v22 =	vld [tilespmem:s18+$0x20]  }
0x1bc: {  	v23 =	vld [tilespmem:s24+$0x20];
	s8 =	rddreg [dreg:$0x12]  }
0x1bd: {  	s3 =	rddreg [dreg:$0x11];
	v24 =	vld [tilespmem:s8+$0x20]  }
0x1be: {  	s10 =	rddreg [dreg:$0x14];
	v25 =	vld [tilespmem:s3+$0x20]  }
0x1bf: {  	s6 =	rddreg [dreg:$0x13];
	v26 =	vld [tilespmem:s10+$0x20]  }
0x1c0: {  	s21 =	rddreg [dreg:$0x1e];
	v27 =	vld [tilespmem:s6+$0x20]  }
0x1c1: {  	v28 =	vld [tilespmem:s21+$0x20]  }
0x1c2: {  	v21 =	vld [tilespmem:s11+$0x30]  }
0x1c3: {  	v10 =	vld [tilespmem:s9+$0x30];
	v2 =	vadd.f32 v40, v2;
	v43 =	vadd.f32 v16, v41  }
0x1c4: {  	v7 =	vld [tilespmem:s1+$0x30];
	s5 =	rddreg [dreg:$0x15];
	v44 =	vadd.f32 v18, v17;
	v45 =	vadd.f32 v20, v19  }
0x1c5: {  	s9 =	rddreg [dreg:$0x18];
	v30 =	vld [tilespmem:s5+$0x30];
	v46 =	vadd.f32 v22, v42;
	v47 =	vadd.f32 v24, v23  }
0x1c6: {  	s11 =	rddreg [dreg:$0x16];
	v50 =	vld [tilespmem:s9+$0x30];
	v48 =	vadd.f32 v26, v25;
	v49 =	vadd.f32 v28, v27  }
0x1c7: {  	s16 =	rddreg [dreg:$0x7];
	v52 =	vld [tilespmem:s11+$0x30];
	v2 =	vadd.f32 v43, v2;
	v51 =	vadd.f32 v45, v44  }
0x1c8: {  	s17 =	rddreg [dreg:$0x2];
	v55 =	vld [tilespmem:s16+$0x30];
	v53 =	vadd.f32 v47, v46;
	v54 =	vadd.f32 v49, v48  }
0x1c9: {  	s19 =	rddreg [dreg:$0x3];
	v56 =	vld [tilespmem:s17+$0x30]  }
0x1ca: {  	s20 =	rddreg [dreg:$0x4];
	v58 =	vld [tilespmem:s19+$0x30];
	v2 =	vadd.f32 v51, v2;
	v57 =	vadd.f32 v54, v53  }
0x1cb: {  	s22 =	rddreg [dreg:$0x5];
	v59 =	vld [tilespmem:s20+$0x30]  }
0x1cc: {  	s23 =	rddreg [dreg:$0x6];
	v60 =	vld [tilespmem:s22+$0x30];
	v2 =	vadd.f32 v57, v2  }
0x1cd: {  	s25 =	rddreg [dreg:$0x8];
	v61 =	vld [tilespmem:s23+$0x30]  }
0x1ce: {  	v18 =	vld [tilespmem:s0+$0x30];
	[tilespmem:s25+$0xFFFFFFA0] =	vst v2  }
0x1cf: {  	v2 =	vld [tilespmem:s26+$0x30]  }
0x1d0: {  	v62 =	vld [tilespmem:s2+$0x30]  }
0x1d1: {  	v63 =	vld [tilespmem:s12+$0x30]  }
0x1d2: {  	v32 =	vld [tilespmem:s14+$0x30]  }
0x1d3: {  	v1 =	vadd.f32 v3, v1;
	v34 =	vadd.f32 v5, v4;
	v33 =	vld [tilespmem:s15+$0x30]  }
0x1d4: {  	v36 =	vadd.f32 v8, v6;
	v37 =	vadd.f32 v11, v9;
	v35 =	vld [tilespmem:s13+$0x30]  }
0x1d5: {  	v39 =	vadd.f32 v13, v12;
	v1 =	vadd.f32 v34, v1;
	v38 =	vld [tilespmem:s7+$0x30]  }
0x1d6: {  	v40 =	vld [tilespmem:s29+$0x30]  }
0x1d7: {  	v5 =	vadd.f32 v37, v36;
	v1 =	vadd.f32 v1, v39;
	v41 =	vld [tilespmem:s28+$0x30]  }
0x1d8: {  	v42 =	vld [tilespmem:s18+$0x30]  }
0x1d9: {  	v1 =	vadd.f32 v1, v5;
	v43 =	vld [tilespmem:s24+$0x30]  }
0x1da: {  	v0 =	vadd.f32 v7, v0;
	v16 =	vadd.f32 v52, v50;
	v44 =	vld [tilespmem:s8+$0x30]  }
0x1db: {  	v50 =	vadd.f32 v56, v55;
	v17 =	vadd.f32 v59, v58;
	v46 =	vld [tilespmem:s3+$0x30]  }
0x1dc: {  	v14 =	vadd.f32 v61, v60;
	v45 =	vadd.f32 v29, v10;
	v49 =	vld [tilespmem:s10+$0x30]  }
0x1dd: {  	v47 =	vadd.f32 v15, v30;
	v48 =	vadd.f32 v21, v18;
	v51 =	vld [tilespmem:s6+$0x30]  }
0x1de: {  	v55 =	vadd.f32 v14, v17;
	v0 =	vadd.f32 v45, v0;
	v52 =	vld [tilespmem:s21+$0x30]  }
0x1df: {  	v54 =	vadd.f32 v50, v16;
	v53 =	vadd.f32 v48, v47  }
0x1e0: {  	v2 =	vadd.f32 v62, v2;
	v56 =	vadd.f32 v32, v63  }
0x1e1: {  	v4 =	vadd.f32 v35, v33;
	v3 =	vadd.f32 v40, v38  }
0x1e2: {  	v6 =	vadd.f32 v42, v41;
	v5 =	vadd.f32 v44, v43  }
0x1e3: {  	v57 =	vadd.f32 v49, v46;
	v58 =	vadd.f32 v52, v51  }
0x1e4: {  	v2 =	vadd.f32 v56, v2;
	v3 =	vadd.f32 v3, v4  }
0x1e5: {  	v59 =	vadd.f32 v5, v6;
	v60 =	vadd.f32 v58, v57  }
0x1e6: {  	v61 =	vadd.f32 v55, v54;
	v0 =	vadd.f32 v53, v0  }
0x1e7: {  	v2 =	vadd.f32 v3, v2;
	v62 =	vadd.f32 v60, v59  }
0x1e8: {  	[tilespmem:s4+$0x30] =	vst v1;
	v0 =	vadd.f32 v61, v0  }
0x1e9: {  	s28 =	rddreg [dreg:$0x9];
	v63 =	vadd.f32 v62, v2  }
0x1ea: {  	[tilespmem:s28+$0xFFFFFFB0] =	vst v0  }
0x1eb: {  	[tilespmem:s25+$0xFFFFFFB0] =	vst v63  }
0x1ec: {  	s0 =	sld [smem:$0x7FC];
	_ =	sdelay $0x1  }
0x1ed: {  	s5 =	simm.s32 $0x0;
	s29 =	simm.s32 $0x8000;
	s6 =	simm.s32 $0x1  }
0x1ee: {  	[hbm4b:s0+s5] =	stream.linear.scatter [tilespmem:s29], [sflag:$0x1], $0x4000, $0x38;
	[tilespmem:$0x10000] =	vst v63  }
0x1ef: {  	_ =	swait.ge [sflag:s6], $0x4000  }
0x1f0: {  	s30 =	sld [smem:$0x7EB]  }
0x1f1: {  	s31 =	sld [smem:$0x7FD];
	_ =	sdelay $0x1  }
0x1f2: {  	s1 =	sadd.s32 $0x1, s30  }
0x1f3: {  	p0 =	sne.s32 s1, s31  }
.Ltmp1:
0x1f4: {  	_ = 	snop;
	(pc) =	sbr.rel @p0 .LBB2_1-.Ltmp1, $3  }
0x1f5: {  	_ =	sdelay $0x1  }
0x1f6: {  	[sflag:s6] =	ssyncset.done $0x0  }
0x1f7: {  	[sflag:s6] =	ssyncadd.s32 $0xFFFFC000  }
0x1f8: {  	_ =	sfence.sel $0x180000  }
0x1f9: {  	[bflag:$0x0] =	sbarrier.arrive $0xFFFF  }
0x1fa: {  	_ =	strace $0x9000004A  }
0x1fb: {  	s0 =	stileid.u32;
	[bflag:$0x2] =	sbarrier.arrive $0xFFFF  }
0x1fc: {  	p0 =	sne.s32 s0, $0x0;
	s0 =	rddreg [dreg:$0x1]  }
0x1fd: {  	s0 =	sadd.s32 @!p0 $0x100000, s0  }
0x1fe: {  	[sflag:s0] =	ssyncadd.tile.s32 @!p0 $0x1;
	_ =	shalt  }
.Lfunc_end2:
_tile_overlayer_lowered:
.L_overlay_start_2:
0x1ff: {  	(tag) =	ssettag $0x2  }
0x200: {  	s0 =	rddreg [dreg:$0x0];
	s2 =	stileid.u32  }
0x201: {  	s1 =	rddreg [dreg:$0x1];
	p0 =	sne.s32 s2, $0x0  }
0x202: {  	s3 =	rddreg [dreg:$0x2];
	[bflag:$0x3] =	sbarrier.arrive $0xFFFF;
	s2 =	simm.s32 @!p0 $0x1C01  }
0x203: {  	[timem:s3], [sflag:s2] =	dma.local @!p0 [hbm:s0], s1  }
0x204: {  	s0 =	simm.s32 @!p0 $0x1  }
0x205: {  	_ =	swait.ge @!p0 [sflag:s0], s1  }
0x206: {  	s1 =	ssub.s32 @!p0 $0x0, s1;
	[sflag:s0] =	ssyncset.done @!p0 $0x0  }
0x207: {  	[sflag:s0] =	ssyncadd.s32 @!p0 s1  }
0x208: {  	[bflag:$0x3] =	sbarrier.arrive $0xFFFF  }
0x209: {  	_ =	shalt  }

// kernel: kernel.15.cloned.1.call-start
scs
__scs_entry_jumppad:
0x0: {  	(pc) =	sbr.rel $0x88, $3  }
0x1: {  	(tag) =	ssettag $0x0;
	lr =	simm.s32 $0x1  }
0x2: {  	[smem:$0x3F93] =	sst lr;
	_ =	strace $0xD0000000  }
0x3: {  	_ = 	snop  }
0x4: {  	_ = 	snop  }
0x5: {  	_ = 	snop  }
0x6: {  	_ = 	snop  }
0x7: {  	_ = 	snop  }
__scs_overlays_trampoline_lowered:
0x8: {  	[smem:$0x3FA2] =	sst s0  }
0x9: {  	[smem:$0x3FA3] =	sst s1  }
0xa: {  	[smem:$0x3FA4] =	sst s2  }
0xb: {  	[smem:$0x3FA5] =	sst s3  }
0xc: {  	[smem:$0x3FA6] =	sst s4  }
0xd: {  	[smem:$0x3FA7] =	sst s5  }
0xe: {  	[smem:$0x3FA8] =	sst s6  }
0xf: {  	[smem:$0x3FA9] =	sst s7  }
0x10: {  	[smem:$0x3FAA] =	sst s8  }
0x11: {  	[smem:$0x3FAB] =	sst s9;
	s0 =	simm.s32 @!p0 $0x0  }
0x12: {  	s1 =	sld [smem:$0x3F91];
	s0 =	simm.s32 @p0 $0x1  }
0x13: {  	[smem:$0x3FAC] =	sst s0;
	s0 =	simm.s32 @!p1 $0x0  }
0x14: {  	s2 =	sld [smem:$0x3F90];
	s0 =	simm.s32 @p1 $0x1  }
0x15: {  	[smem:$0x3FAD] =	sst s0;
	s0 =	simm.s32 @!p2 $0x0  }
0x16: {  	s3 =	sld [smem:$0x3FDB];
	s0 =	simm.s32 @p2 $0x1  }
0x17: {  	s4 =	simm.s32 $0x1BF5;
	[smem:$0x3FAF] =	sst s0  }
0x18: {  	s0 =	sld [smem:$0x3F92];
	_ =	swait.ge [sflag:s4], $0x0  }
0x19: {  	s7 =	sld [smem:$0x3F93]  }
0x1a: {  	s8 =	sadd.s32 $0xFFFFE003, lr  }
0x1b: {  	s9 =	sadd.s32 $0xFFFFFEF7, lr;
	s5 =	simm.s32 $0xFFFFFFFF;
	p2 =	slt.u32 s8, $0xFFFFF086  }
0x1c: {  	p1 =	slt.u32 s9, $0xF7A;
	s5 =	simm.s32 @!p2 $0x0  }
0x1d: {  	s5 =	simm.s32 @p1 $0x1;
	p0 =	seq.s32 s7, s2  }
0x1e: {  	s7 =	smul.u32 @!p0 $0xF7A, s2;
	p2 =	seq.s32 @!p0 s5, $0x0  }
0x1f: {  	s9 =	smul.u32 $0xF7A, s1;
	s8 =	simm.s32 @!p0 $0x1BF5;
	p2 =	por !p2, p0  }
0x20: {  	[sflag:s8] =	ssyncset.s32 @!p0 $0xFFFFF086;
	s6 =	sadd.s32 @!p0 s3, s7;
	s7 =	simm.s32 @!p0 $0x108  }
0x21: {  	s3 =	sadd.s32 s3, s9;
	s6 =	sadd.s32 @!p0 $0x88, s6;
	s7 =	simm.s32 @p2 $0x1082  }
0x22: {  	[simem:s7], [sflag:s8] =	dma.local @!p0 [hbm:s6], $0xF7A  }
0x23: {  	s9 =	sor.u32 $0xD0000000, s2;
	s6 =	simm.s32 $0x108;
	_ =	swait.ge @!p0 [sflag:s8], $0x0  }
0x24: {  	s3 =	sadd.s32 $0x88, s3;
	s6 =	simm.s32 @!p1 $0x1082;
	[sflag:s4] =	ssyncset.s32 $0xFFFFF086  }
0x25: {  	[simem:s6], [sflag:s4] =	dma.local [hbm:s3], $0xF7A  }
0x26: {  	[smem:$0x3F93] =	sst s1;
	(tag) =	ssettag s2;
	_ =	strace s9  }
0x27: {  	s1 =	sld [smem:$0x3FA3]  }
0x28: {  	s2 =	sld [smem:$0x3FA4]  }
0x29: {  	s4 =	sld [smem:$0x3FA6]  }
0x2a: {  	p0 =	seq.s32 s5, $0x0;
	s5 =	sld [smem:$0x3FA7]  }
0x2b: {  	s6 =	sld [smem:$0x3FA8]  }
0x2c: {  	s7 =	sld [smem:$0x3FA9]  }
0x2d: {  	s3 =	simm.s32 $0x108;
	s8 =	sld [smem:$0x3FAA]  }
0x2e: {  	s3 =	simm.s32 @!p0 $0x1082;
	s9 =	sld [smem:$0x3FAB]  }
0x2f: {  	lr =	sadd.s32 s0, s3;
	s0 =	sld [smem:$0x3FA2]  }
0x30: {  	s3 =	sld [smem:$0x3FA5]  }
0x31: {  	[smem:$0x3FAE] =	sst s10  }
0x32: {  	s10 =	sld [smem:$0x3FAC];
	_ =	sdelay $0x3  }
0x33: {  	p0 =	seq.s32 s10, $0x1;
	s10 =	sld [smem:$0x3FAE];
	_ =	sdelay $0x3  }
0x34: {  	[smem:$0x3FAE] =	sst s10  }
0x35: {  	s10 =	sld [smem:$0x3FAD];
	_ =	sdelay $0x3  }
0x36: {  	p1 =	seq.s32 s10, $0x1;
	s10 =	sld [smem:$0x3FAE];
	_ =	sdelay $0x3  }
0x37: {  	[smem:$0x3FAE] =	sst s10  }
0x38: {  	s10 =	sld [smem:$0x3FAF]  }
0x39: {  	_ = 	snop;
	(pc) =	sbr.ind lr, $3  }
0x3a: {  	_ = 	snop  }
0x3b: {  	_ = 	snop  }
0x3c: {  	p2 =	seq.s32 s10, $0x1;
	s10 =	sld [smem:$0x3FAE]  }
0x3d: {  	_ =	shalt  }
0x3e: {  	_ =	shalt  }
0x3f: {  	_ =	shalt  }
0x40: {  	_ =	shalt  }
0x41: {  	_ =	shalt  }
0x42: {  	_ =	shalt  }
0x43: {  	_ =	shalt  }
0x44: {  	_ =	shalt  }
0x45: {  	_ =	shalt  }
0x46: {  	_ =	shalt  }
0x47: {  	_ =	shalt  }
0x48: {  	_ =	shalt  }
0x49: {  	_ =	shalt  }
0x4a: {  	_ =	shalt  }
0x4b: {  	_ =	shalt  }
0x4c: {  	_ =	shalt  }
0x4d: {  	_ =	shalt  }
0x4e: {  	_ =	shalt  }
0x4f: {  	_ =	shalt  }
0x50: {  	_ =	shalt  }
0x51: {  	_ =	shalt  }
0x52: {  	_ =	shalt  }
0x53: {  	_ =	shalt  }
0x54: {  	_ =	shalt  }
0x55: {  	_ =	shalt  }
0x56: {  	_ =	shalt  }
0x57: {  	_ =	shalt  }
0x58: {  	_ =	shalt  }
0x59: {  	_ =	shalt  }
0x5a: {  	_ =	shalt  }
0x5b: {  	_ =	shalt  }
0x5c: {  	_ =	shalt  }
0x5d: {  	_ =	shalt  }
0x5e: {  	_ =	shalt  }
0x5f: {  	_ =	shalt  }
0x60: {  	_ =	shalt  }
0x61: {  	_ =	shalt  }
0x62: {  	_ =	shalt  }
0x63: {  	_ =	shalt  }
0x64: {  	_ =	shalt  }
0x65: {  	_ =	shalt  }
0x66: {  	_ =	shalt  }
0x67: {  	_ =	shalt  }
0x68: {  	_ =	shalt  }
0x69: {  	_ =	shalt  }
0x6a: {  	_ =	shalt  }
0x6b: {  	_ =	shalt  }
0x6c: {  	_ =	shalt  }
0x6d: {  	_ =	shalt  }
0x6e: {  	_ =	shalt  }
0x6f: {  	_ =	shalt  }
0x70: {  	_ =	shalt  }
0x71: {  	_ =	shalt  }
0x72: {  	_ =	shalt  }
0x73: {  	_ =	shalt  }
0x74: {  	_ =	shalt  }
0x75: {  	_ =	shalt  }
0x76: {  	_ =	shalt  }
0x77: {  	_ =	shalt  }
0x78: {  	_ =	shalt  }
0x79: {  	_ =	shalt  }
0x7a: {  	_ =	shalt  }
0x7b: {  	_ =	shalt  }
0x7c: {  	_ =	shalt  }
0x7d: {  	_ =	shalt  }
0x7e: {  	_ =	shalt  }
0x7f: {  	_ =	shalt  }
0x80: {  	_ =	shalt  }
0x81: {  	_ =	shalt  }
0x82: {  	_ =	shalt  }
0x83: {  	_ =	shalt  }
0x84: {  	_ =	shalt  }
0x85: {  	_ =	shalt  }
0x86: {  	_ =	shalt  }
0x87: {  	_ =	shalt  }
.Lfunc_end0:
.L_simem_size_0:
called_computation.2_lowered:
.L_overlay_start_0:
0x88: {  	s2 =	sld [smem:$0x3FD9]  }
0x89: {  	s3 =	sld [smem:$0x3FFE];
	_ =	sdelay $0x1  }
0x8a: {  	s1 =	srdreg.scid  }
0x8b: {  	s0 =	sand.u32 $0x1, s1  }
0x8c: {  	s16 =	sshll.u32 s0, $0xA;
	s2 =	sadd.s32 s3, s2  }
0x8d: {  	s2 =	sadd.s32 s2, s16  }
0x8e: {  	[smem:$0x3FBA] =	sst s2  }
0x8f: {  	_ = 	snop  }
0x90: {  	(tm) =	ssettm $0x1  }
0x91: {  	s17 =	sld [smem:$0x3FFB];
	_ =	sdelay $0x3  }
0x92: {  	_ =	strace s17  }
0x93: {  	s2 =	sld [smem:$0x3FFC];
	_ =	sdelay $0x3  }
0x94: {  	_ =	strace s2  }
0x95: {  	s2 =	sld [smem:$0x3FFD];
	_ =	sdelay $0x3  }
0x96: {  	_ =	strace s2  }
0x97: {  	_ =	strace $0x8FFFFFFF  }
0x98: {  	s18 =	sld [smem:$0x3FDB];
	_ =	sdelay $0x1  }
0x99: {  	s19 =	simm.s32 $_scs_section_size  }
0x9a: {  	s4 =	simm.s32 $_size__tile_overlayer_lowered;
	s5 =	simm.s32 $_tile_overlayer_lowered  }
0x9b: {  	s22 =	simm.s32 $0x1BFF;
	s21 =	sshll.u32 s5, $0x1;
	s2 =	sadd.s32 s19, s18  }
0x9c: {  	s6 =	simm.s32 $0x0;
	s20 =	sshll.u32 s4, $0x1;
	s4 =	sadd.s32 s21, s2  }
0x9d: {  	[timem:s6], [sflag:s22] =	dma.local [hbm:s4], s20  }
0x9e: {  	_ =	swait.ge [sflag:s22], s20  }
0x9f: {  	s3 =	ssub.s32 $0x0, s20;
	[sflag:s22] =	ssyncset.done $0x0  }
0xa0: {  	[sflag:s22] =	ssyncadd.s32 s3;
	_ =	sdelay $0x1  }
0xa1: {  	s23 =	simm.s32 $0x1B8B  }
0xa2: {  	_ =	swait.ge [sflag:s23], $0x1  }
0xa3: {  	[sflag:s23] =	ssyncset.done $0x0  }
0xa4: {  	s25 =	simm.s32 $0x1B8E;
	s24 =	sld [smem:$0x3FFE];
	[sflag:s23] =	ssyncadd.s32 $0xFFFFFFFF  }
0xa5: {  	s26 =	simm.s32 $execute0_lowered;
	[smem:$0x3FD2] =	sst s25  }
0xa6: {  	s4 =	sshll.u32 s26, $0x1;
	_ =	strace $0x8000004C;
	[dreg:$0x1] =	wrdreg $0xFFFFFFFF  }
0xa7: {  	s28 =	simm.s32 $_size_execute0_lowered;
	s2 =	sadd.s32 s2, s4;
	[dreg:$0x0] =	wrdreg $0x0  }
0xa8: {  	s4 =	sshll.u32 s28, $0x1;
	[dreg:$0x2] =	wrdreg s2  }
0xa9: {  	[dreg:$0x3] =	wrdreg s4  }
0xaa: {  	[dreg:$0x4] =	wrdreg $0xC0  }
0xab: {  	_ =	task [dreg:s6], $0x5FFFF  }
0xac: {  	[dreg:$0x1] =	wrdreg $0xFFFFFFFF  }
0xad: {  	[dreg:$0x0] =	wrdreg $0x60  }
0xae: {  	[dreg:$0x2] =	wrdreg s24  }
0xaf: {  	[dreg:$0x3] =	wrdreg $0x9  }
0xb0: {  	_ =	task.clear_ibuf [dreg:s6], $0x4FFFF;
	_ =	strace $0x9000004C  }
0xb1: {  	s29 =	simm.s32 $0x9;
	_ =	strace $0x8000004E  }
0xb2: {  	_ =	swait.ge [sflag:s29], $0x1  }
0xb3: {  	[sflag:s29] =	ssyncadd.s32 $0xFFFFFFFF  }
0xb4: {  	_ =	strace $0x9000004E  }
0xb5: {  	_ =	sfence  }
0xb6: {  	s30 =	sld [smem:$0x0];
	_ =	sdelay $0x2  }
0xb7: {  	s31 =	sshll.u32 s1, $0xD;
	s1 =	sshrl.u32 s1, $0x2  }
0xb8: {  	s3 =	sand.u32 $0x4000, s31;
	s1 =	sadd.s32 s1, s30  }
0xb9: {  	s0 =	sor.u32 s3, s0;
	s1 =	sshll.u32 s1, $0x11  }
0xba: {  	s0 =	sor.u32 s1, s0  }
0xbb: {  	s0 =	sadd.s32 $0x8F2B, s0  }
0xbc: {  	[sflag:s0] =	ssyncadd.remote.s32 $0x1  }
0xbd: {  	_ =	sfence.sel $0xFFFF  }
0xbe: {  	[dreg:$0x0] =	wrdreg $0xFFFFFFFF;
	(pc) =	sbr.abs _section_cstart, $3  }
0xbf: {  	[dreg:$0x1] =	wrdreg $0xFFFFFFFF  }
0xc0: {  	_ =	task.clear_ibuf [dreg:s6], $0x2FFFF;
	_ =	strace $0x9FFFFFFF  }
0xc1: {  	(tm) =	ssettm $0x7FFFFFFF  }
tec
execute0_lowered:
.L_overlay_start_1:
0x0: {  	(tag) =	ssettag $0x1  }
0x1: {  	s0 =	srdreg.scid;
	s4 =	stileid.u32  }
0x2: {  	s0 =	sand.u32 $0x1, s0;
	s1 =	sshll.u32 s4, $0x1  }
0x3: {  	s2 =	rddreg [dreg:$0x0];
	s1 =	sor.u32 s0, s1  }
0x4: {  	s5 =	simm.s32 $0x0;
	p1 =	seq.s32 s0, $0x1;
	p0 =	seq.s32 s1, $0x0  }
0x5: {  	[smem:$0x7FF] =	sst s5;
	p0 =	por !p0, !p1  }
0x6: {  	s3 =	simm.s32 $0x1;
	_ =	strace $0x8000004D;
	p0 =	por !p0, !p0  }
0x7: {  	s0 =	ssub.s32 $0x2, s0;
	s1 =	sshll.u32 s1, $0xB;
	s3 =	simm.s32 @!p0 $0x0  }
0x8: {  	s29 =	sshrl.u32 s0, $0x1;
	s1 =	sadd.s32 s1, s2;
	s3 =	ssub.s32 s4, s3  }
0x9: {  	s0 =	ssub.s32 s0, s29;
	s31 =	sadd.s32 $0x3C00, s1;
	s3 =	sshll.u32 s3, $0xC  }
0xa: {  	s1 =	sadd.s32 $0x23C00, s1;
	[smem:$0x7FB] =	sst s31;
	s3 =	sand.u32 $0x1FFFF000, s3  }
0xb: {  	s0 =	smax.u32 s0, $0x1;
	[smem:$0x7FC] =	sst s1;
	s3 =	sadd.s32 s3, s2  }
0xc: {  	[smem:$0x7FD] =	sst s0;
	s30 =	sadd.s32 $0x13C00, s3  }
0xd: {  	s6 =	simm.s32 $0x1;
	s1 =	simm.s32 $0x0;
	[smem:$0x7FA] =	sst s30  }
.LBB2_1:
0xe: {  	s0 =	sld [smem:$0x7FA];
	_ =	sdelay $0x1  }
0xf: {  	[smem:$0x7EB] =	sst s1  }
0x10: {  	[tilespmem:s5], [sflag:$0x1] =	stream.linear.gather [hbm4b:s0+s5], $0x8000, $0x38;
	[tilespmem:$0x10000] =	vst v63  }
0x11: {  	_ =	swait.ge [sflag:s6], $0x8000  }
0x12: {  	s17 =	sld [smem:$0x7FB]  }
0x13: {  	[sflag:s6] =	ssyncset.done $0x0  }
0x14: {  	s18 =	simm.s32 $0xC000;
	[sflag:s6] =	ssyncadd.s32 $0xFFFF8000  }
0x15: {  	[tilespmem:s18], [sflag:$0x1] =	stream.linear.gather [hbm4b:s17+s5], $0x4000, $0x38;
	[tilespmem:$0x10000] =	vst v63  }
0x16: {  	_ =	swait.ge [sflag:s6], $0x4000  }
0x17: {  	[sflag:s6] =	ssyncset.done $0x0  }
0x18: {  	s3 =	simm.s32 $0xC080;
	[sflag:s6] =	ssyncadd.s32 $0xFFFFC000  }
0x19: {  	v0 =	vld [tilespmem:s3+$0x0];
	_ =	sdelay $0x4  }
0x1a: {  	v0 =	vshll.u32 v0, $0x9  }
0x1b: {  	v0 =	vshra.s32 v0, $0x2  }
0x1c: {  	(v2sf) =	vpush v0, $0x0  }
0x1d: {  	(v2sf) =	vpush v0, $0x1  }
0x1e: {  	(v2sf) =	vpush v0, $0x2  }
0x1f: {  	(v2sf) =	vpush v0, $0x3  }
0x20: {  	(v2sf) =	vpush v0, $0x4  }
0x21: {  	(v2sf) =	vpush v0, $0x5  }
0x22: {  	(v2sf) =	vpush v0, $0x6  }
0x23: {  	(v2sf) =	vpush v0, $0x7  }
0x24: {  	(v2sf) =	vpush v0, $0x8  }
0x25: {  	(v2sf) =	vpush v0, $0x9  }
0x26: {  	(v2sf) =	vpush v0, $0xA  }
0x27: {  	(v2sf) =	vpush v0, $0xB  }
0x28: {  	(v2sf) =	vpush v0, $0xC  }
0x29: {  	(v2sf) =	vpush v0, $0xD  }
0x2a: {  	(v2sf) =	vpush v0, $0xE  }
0x2b: {  	s15 =	spop (v2sf);
	(v2sf) =	vpush v0, $0xF  }
0x2c: {  	v0 =	vld [tilespmem:s15+$0x0];
	s16 =	spop (v2sf)  }
0x2d: {  	v1 =	vld [tilespmem:s16+$0x0];
	s14 =	spop (v2sf)  }
0x2e: {  	v2 =	vld [tilespmem:s14+$0x0];
	s13 =	spop (v2sf)  }
0x2f: {  	v3 =	vld [tilespmem:s13+$0x0];
	s12 =	spop (v2sf)  }
0x30: {  	v4 =	vld [tilespmem:s12+$0x0];
	s11 =	spop (v2sf)  }
0x31: {  	v5 =	vld [tilespmem:s11+$0x0];
	s10 =	spop (v2sf)  }
0x32: {  	v6 =	vld [tilespmem:s10+$0x0];
	s2 =	spop (v2sf)  }
0x33: {  	v7 =	vld [tilespmem:s2+$0x0];
	s17 =	spop (v2sf)  }
0x34: {  	v8 =	vld [tilespmem:s17+$0x0];
	s4 =	spop (v2sf)  }
0x35: {  	v9 =	vld [tilespmem:s4+$0x0];
	s19 =	spop (v2sf)  }
0x36: {  	v10 =	vld [tilespmem:s19+$0x0];
	s9 =	spop (v2sf)  }
0x37: {  	v11 =	vld [tilespmem:s9+$0x0];
	s8 =	spop (v2sf)  }
0x38: {  	v12 =	vld [tilespmem:s8+$0x0];
	s7 =	spop (v2sf)  }
0x39: {  	v13 =	vld [tilespmem:s7+$0x0];
	s20 =	spop (v2sf)  }
0x3a: {  	v14 =	vld [tilespmem:s20+$0x0];
	s21 =	spop (v2sf)  }
0x3b: {  	v15 =	vld [tilespmem:s21+$0x0];
	_ =	sdelay $0x1  }
0x3c: {  	v0 =	vadd.f32 v1, v0;
	v1 =	vadd.f32 v3, v2  }
0x3d: {  	v2 =	vadd.f32 v5, v4;
	v3 =	vadd.f32 v7, v6  }
0x3e: {  	v4 =	vadd.f32 v9, v8;
	v5 =	vadd.f32 v11, v10  }
0x3f: {  	v6 =	vadd.f32 v13, v12;
	v7 =	vadd.f32 v15, v14  }
0x40: {  	v0 =	vadd.f32 v1, v0;
	v1 =	vadd.f32 v3, v2  }
0x41: {  	v2 =	vadd.f32 v5, v4;
	v3 =	vadd.f32 v7, v6;
	_ =	sdelay $0x1  }
0x42: {  	v0 =	vadd.f32 v1, v0;
	v1 =	vadd.f32 v3, v2;
	_ =	sdelay $0x1  }
0x43: {  	v0 =	vadd.f32 v1, v0  }
0x44: {  	s22 =	simm.s32 $0x8080  }
0x45: {  	[tilespmem:s22+$0x0] =	vst v0  }
0x46: {  	v0 =	vld [tilespmem:s15+$0x10]  }
0x47: {  	v1 =	vld [tilespmem:s16+$0x10]  }
0x48: {  	v2 =	vld [tilespmem:s14+$0x10]  }
0x49: {  	v3 =	vld [tilespmem:s13+$0x10]  }
0x4a: {  	v4 =	vld [tilespmem:s12+$0x10]  }
0x4b: {  	v5 =	vld [tilespmem:s11+$0x10]  }
0x4c: {  	v6 =	vld [tilespmem:s10+$0x10]  }
0x4d: {  	v7 =	vld [tilespmem:s2+$0x10]  }
0x4e: {  	v8 =	vld [tilespmem:s17+$0x10];
	[smem:$0x7EC] =	sst s17  }
0x4f: {  	v9 =	vld [tilespmem:s4+$0x10];
	[smem:$0x7ED] =	sst s4  }
0x50: {  	v10 =	vld [tilespmem:s19+$0x10];
	[smem:$0x7EE] =	sst s19  }
0x51: {  	v11 =	vld [tilespmem:s9+$0x10];
	[smem:$0x7F0] =	sst s9  }
0x52: {  	v12 =	vld [tilespmem:s8+$0x10];
	[smem:$0x7F1] =	sst s8  }
0x53: {  	v13 =	vld [tilespmem:s7+$0x10];
	[smem:$0x7F2] =	sst s7  }
0x54: {  	v14 =	vld [tilespmem:s20+$0x10];
	[smem:$0x7F3] =	sst s20  }
0x55: {  	v15 =	vld [tilespmem:s21+$0x10];
	_ =	sdelay $0x1  }
0x56: {  	v0 =	vadd.f32 v1, v0;
	v1 =	vadd.f32 v3, v2  }
0x57: {  	v2 =	vadd.f32 v5, v4;
	v3 =	vadd.f32 v7, v6  }
0x58: {  	v4 =	vadd.f32 v9, v8;
	v5 =	vadd.f32 v11, v10  }
0x59: {  	v6 =	vadd.f32 v13, v12;
	v7 =	vadd.f32 v15, v14  }
0x5a: {  	v0 =	vadd.f32 v1, v0;
	v1 =	vadd.f32 v3, v2  }
0x5b: {  	v2 =	vadd.f32 v5, v4;
	v3 =	vadd.f32 v7, v6  }
0x5c: {  	[smem:$0x7F4] =	sst s21  }
0x5d: {  	v0 =	vadd.f32 v1, v0;
	v4 =	vld [tilespmem:s3+$0xFFFFFF80];
	v1 =	vadd.f32 v3, v2;
	_ =	sdelay $0x1  }
0x5e: {  	v0 =	vadd.f32 v1, v0  }
0x5f: {  	s23 =	simm.s32 $0x8080  }
0x60: {  	[tilespmem:s23+$0x10] =	vst v0  }
0x61: {  	v0 =	vshll.u32 v4, $0x9;
	v1 =	vld [tilespmem:s15+$0x20]  }
0x62: {  	v0 =	vshra.s32 v0, $0x2;
	v2 =	vld [tilespmem:s16+$0x20]  }
0x63: {  	v3 =	vld [tilespmem:s14+$0x20];
	(v2sf) =	vpush v0, $0x0  }
0x64: {  	v4 =	vld [tilespmem:s13+$0x20];
	(v2sf) =	vpush v0, $0x1  }
0x65: {  	v5 =	vld [tilespmem:s12+$0x20];
	(v2sf) =	vpush v0, $0x2  }
0x66: {  	v6 =	vld [tilespmem:s11+$0x20];
	(v2sf) =	vpush v0, $0x3  }
0x67: {  	v7 =	vld [tilespmem:s10+$0x20];
	(v2sf) =	vpush v0, $0x4  }
0x68: {  	v8 =	vld [tilespmem:s2+$0x20];
	(v2sf) =	vpush v0, $0x5  }
0x69: {  	v9 =	vld [tilespmem:s17+$0x20];
	(v2sf) =	vpush v0, $0x6  }
0x6a: {  	v10 =	vld [tilespmem:s4+$0x20];
	(v2sf) =	vpush v0, $0x7  }
0x6b: {  	v11 =	vld [tilespmem:s19+$0x20];
	(v2sf) =	vpush v0, $0x8  }
0x6c: {  	v12 =	vld [tilespmem:s9+$0x20];
	(v2sf) =	vpush v0, $0x9  }
0x6d: {  	v13 =	vld [tilespmem:s8+$0x20];
	(v2sf) =	vpush v0, $0xA  }
0x6e: {  	v14 =	vld [tilespmem:s7+$0x20];
	(v2sf) =	vpush v0, $0xB  }
0x6f: {  	v15 =	vld [tilespmem:s20+$0x20];
	(v2sf) =	vpush v0, $0xC  }
0x70: {  	v16 =	vld [tilespmem:s21+$0x20];
	s8 =	simm.s32 $0xC180;
	(v2sf) =	vpush v0, $0xD  }
0x71: {  	v17 =	vld [tilespmem:s8+$0x0];
	(v2sf) =	vpush v0, $0xE  }
0x72: {  	(v2sf) =	vpush v0, $0xF;
	v0 =	vadd.f32 v2, v1  }
0x73: {  	v1 =	vadd.f32 v4, v3;
	v2 =	vadd.f32 v6, v5  }
0x74: {  	v3 =	vadd.f32 v8, v7;
	v4 =	vadd.f32 v10, v9  }
0x75: {  	v5 =	vadd.f32 v12, v11;
	v6 =	vadd.f32 v14, v13  }
0x76: {  	v7 =	vadd.f32 v16, v15;
	s24 =	spop (v2sf);
	v0 =	vadd.f32 v1, v0;
	v1 =	vshll.u32 v17, $0x9  }
0x77: {  	s26 =	spop (v2sf);
	v2 =	vadd.f32 v3, v2;
	v3 =	vadd.f32 v5, v4;
	v8 =	vshra.s32 v1, $0x2  }
0x78: {  	s31 =	spop (v2sf);
	v1 =	vadd.f32 v7, v6;
	(v2sf) =	vpush v8, $0x0  }
0x79: {  	s19 =	spop (v2sf);
	v0 =	vadd.f32 v2, v0;
	(v2sf) =	vpush v8, $0x1  }
0x7a: {  	s25 =	spop (v2sf);
	v1 =	vadd.f32 v1, v3;
	(v2sf) =	vpush v8, $0x2  }
0x7b: {  	[smem:$0x7EF] =	sst s24;
	s30 =	spop (v2sf);
	(v2sf) =	vpush v8, $0x3  }
0x7c: {  	[dreg:$0x17] =	wrdreg s26;
	s29 =	spop (v2sf);
	v0 =	vadd.f32 v1, v0;
	(v2sf) =	vpush v8, $0x4  }
0x7d: {  	s18 =	simm.s32 $0x8080;
	[dreg:$0xb] =	wrdreg s31;
	s4 =	spop (v2sf);
	(v2sf) =	vpush v8, $0x5  }
0x7e: {  	v7 =	vld [tilespmem:s24+$0x0];
	s5 =	spop (v2sf);
	[tilespmem:s18+$0x20] =	vst v0;
	(v2sf) =	vpush v8, $0x6  }
0x7f: {  	s6 =	spop (v2sf);
	v0 =	vld [tilespmem:s15+$0x30];
	(v2sf) =	vpush v8, $0x7  }
0x80: {  	v1 =	vld [tilespmem:s16+$0x30];
	s7 =	spop (v2sf);
	(v2sf) =	vpush v8, $0x8  }
0x81: {  	v2 =	vld [tilespmem:s14+$0x30];
	s3 =	spop (v2sf);
	(v2sf) =	vpush v8, $0x9  }
0x82: {  	v4 =	vld [tilespmem:s12+$0x30];
	s12 =	spop (v2sf);
	(v2sf) =	vpush v8, $0xA  }
0x83: {  	v3 =	vld [tilespmem:s13+$0x30];
	s9 =	spop (v2sf);
	(v2sf) =	vpush v8, $0xB  }
0x84: {  	v5 =	vld [tilespmem:s11+$0x30];
	[dreg:$0x4] =	wrdreg s9;
	s1 =	spop (v2sf);
	(v2sf) =	vpush v8, $0xC  }
0x85: {  	v6 =	vld [tilespmem:s10+$0x30];
	[dreg:$0x5] =	wrdreg s1;
	(v2sf) =	vpush v8, $0xD  }
0x86: {  	s14 =	spop (v2sf);
	v9 =	vld [tilespmem:s26+$0x0];
	(v2sf) =	vpush v8, $0xE  }
0x87: {  	v10 =	vld [tilespmem:s31+$0x0];
	(v2sf) =	vpush v8, $0xF;
	s26 =	spop (v2sf)  }
0x88: {  	v8 =	vld [tilespmem:s26+$0x0];
	s24 =	spop (v2sf)  }
0x89: {  	v11 =	vld [tilespmem:s24+$0x0];
	s23 =	spop (v2sf)  }
0x8a: {  	v12 =	vld [tilespmem:s23+$0x0];
	s22 =	spop (v2sf)  }
0x8b: {  	v13 =	vld [tilespmem:s22+$0x0];
	s20 =	spop (v2sf)  }
0x8c: {  	v14 =	vld [tilespmem:s20+$0x0];
	s21 =	spop (v2sf)  }
0x8d: {  	v15 =	vld [tilespmem:s21+$0x0];
	s18 =	spop (v2sf)  }
0x8e: {  	v16 =	vld [tilespmem:s18+$0x0];
	s31 =	spop (v2sf)  }
0x8f: {  	v17 =	vld [tilespmem:s31+$0x0];
	s17 =	spop (v2sf)  }
0x90: {  	v18 =	vld [tilespmem:s17+$0x0];
	s13 =	spop (v2sf)  }
0x91: {  	v19 =	vld [tilespmem:s13+$0x0];
	s10 =	spop (v2sf)  }
0x92: {  	v20 =	vld [tilespmem:s10+$0x0];
	s0 =	spop (v2sf)  }
0x93: {  	v21 =	vld [tilespmem:s0+$0x0];
	s28 =	spop (v2sf)  }
0x94: {  	v22 =	vld [tilespmem:s28+$0x0];
	s16 =	spop (v2sf)  }
0x95: {  	v23 =	vld [tilespmem:s16+$0x0];
	s15 =	spop (v2sf)  }
0x96: {  	v24 =	vld [tilespmem:s15+$0x0];
	s11 =	spop (v2sf)  }
0x97: {  	v25 =	vld [tilespmem:s11+$0x0]  }
0x98: {  	v26 =	vld [tilespmem:s19+$0x0]  }
0x99: {  	v27 =	vld [tilespmem:s25+$0x0];
	v8 =	vadd.f32 v11, v8;
	v11 =	vadd.f32 v13, v12  }
0x9a: {  	v35 =	vld [tilespmem:s4+$0x0];
	v13 =	vadd.f32 v15, v14;
	v14 =	vadd.f32 v17, v16  }
0x9b: {  	v37 =	vld [tilespmem:s3+$0x0];
	v16 =	vadd.f32 v19, v18;
	v17 =	vadd.f32 v21, v20  }
0x9c: {  	v12 =	vld [tilespmem:s30+$0x0];
	v36 =	vadd.f32 v23, v22;
	v20 =	vadd.f32 v25, v24  }
0x9d: {  	v15 =	vld [tilespmem:s29+$0x0];
	v8 =	vadd.f32 v11, v8;
	v11 =	vadd.f32 v14, v13  }
0x9e: {  	v13 =	vld [tilespmem:s6+$0x0];
	v14 =	vadd.f32 v17, v16;
	v16 =	vadd.f32 v20, v36  }
0x9f: {  	v21 =	vld [tilespmem:s5+$0x0]  }
0xa0: {  	v8 =	vadd.f32 v11, v8;
	v17 =	vld [tilespmem:s7+$0x0];
	[dreg:$0x2] =	wrdreg s3;
	v11 =	vadd.f32 v16, v14  }
0xa1: {  	v20 =	vld [tilespmem:s14+$0x0]  }
0xa2: {  	v14 =	vld [tilespmem:s12+$0x0];
	v8 =	vadd.f32 v11, v8  }
0xa3: {  	v16 =	vld [tilespmem:s9+$0x0];
	s9 =	simm.s32 $0x8180  }
0xa4: {  	v11 =	vld [tilespmem:s1+$0x0];
	[tilespmem:s9+$0x0] =	vst v8  }
0xa5: {  	v22 =	vld [tilespmem:s26+$0x10]  }
0xa6: {  	v23 =	vld [tilespmem:s24+$0x10]  }
0xa7: {  	v38 =	vld [tilespmem:s23+$0x10]  }
0xa8: {  	v39 =	vld [tilespmem:s22+$0x10]  }
0xa9: {  	v28 =	vld [tilespmem:s20+$0x10]  }
0xaa: {  	v29 =	vld [tilespmem:s21+$0x10]  }
0xab: {  	v30 =	vld [tilespmem:s18+$0x10]  }
0xac: {  	v7 =	vadd.f32 v9, v7;
	v8 =	vadd.f32 v26, v10;
	v10 =	vld [tilespmem:s31+$0x10]  }
0xad: {  	v9 =	vadd.f32 v12, v27;
	v12 =	vadd.f32 v35, v15;
	v15 =	vld [tilespmem:s17+$0x10]  }
0xae: {  	v13 =	vadd.f32 v13, v21;
	v17 =	vadd.f32 v37, v17;
	v40 =	vld [tilespmem:s13+$0x10]  }
0xaf: {  	v14 =	vadd.f32 v16, v14;
	v16 =	vld [tilespmem:s10+$0x10];
	s9 =	sld [smem:$0x7ED];
	v7 =	vadd.f32 v8, v7  }
0xb0: {  	v8 =	vadd.f32 v12, v9;
	v12 =	vld [tilespmem:s0+$0x10];
	[smem:$0x7F5] =	sst s0;
	v11 =	vadd.f32 v20, v11  }
0xb1: {  	s1 =	smov.u32 s0;
	v9 =	vadd.f32 v17, v13;
	v13 =	vld [tilespmem:s28+$0x10];
	[smem:$0x7F6] =	sst s28  }
0xb2: {  	s0 =	smov.u32 s28;
	s28 =	smov.u32 s7;
	s7 =	sld [smem:$0x7EC];
	v11 =	vadd.f32 v11, v14  }
0xb3: {  	v14 =	vld [tilespmem:s16+$0x10];
	[smem:$0x7F7] =	sst s16  }
0xb4: {  	v9 =	vadd.f32 v11, v9;
	v11 =	vld [tilespmem:s15+$0x10];
	[smem:$0x7F8] =	sst s15  }
0xb5: {  	v7 =	vadd.f32 v8, v7;
	v17 =	vld [tilespmem:s11+$0x10];
	[smem:$0x7F9] =	sst s11  }
0xb6: {  	v20 =	vadd.f32 v23, v22;
	v8 =	vld [tilespmem:s2+$0x30]  }
0xb7: {  	v21 =	vadd.f32 v39, v38;
	v41 =	vadd.f32 v9, v7;
	v7 =	vld [tilespmem:s7+$0x30];
	s7 =	smov.u32 s6;
	s6 =	sld [smem:$0x7EE]  }
0xb8: {  	v22 =	vadd.f32 v29, v28;
	v23 =	vadd.f32 v10, v30;
	v9 =	vld [tilespmem:s9+$0x30]  }
0xb9: {  	v15 =	vadd.f32 v40, v15;
	v12 =	vadd.f32 v12, v16;
	v16 =	vld [tilespmem:s8+$0xFFFFFF80];
	s9 =	simm.s32 $0x8080  }
0xba: {  	v13 =	vadd.f32 v14, v13;
	[tilespmem:s9+$0xFFFFFF80] =	vst v41;
	v10 =	vld [tilespmem:s6+$0x30];
	v11 =	vadd.f32 v17, v11  }
0xbb: {  	v42 =	vadd.f32 v23, v22;
	v12 =	vadd.f32 v12, v15;
	v15 =	vld [tilespmem:s19+$0x10]  }
0xbc: {  	s2 =	sld [smem:$0x7EF];
	v43 =	vld [tilespmem:s30+$0x10];
	v17 =	vadd.f32 v21, v20;
	v11 =	vadd.f32 v11, v13  }
0xbd: {  	s8 =	rddreg [dreg:$0x17];
	v35 =	vld [tilespmem:s5+$0x10]  }
0xbe: {  	v19 =	vld [tilespmem:s8+$0x10];
	v17 =	vadd.f32 v42, v17;
	v11 =	vadd.f32 v11, v12  }
0xbf: {  	v20 =	vld [tilespmem:s4+$0x10]  }
0xc0: {  	s9 =	rddreg [dreg:$0xb];
	v14 =	vld [tilespmem:s2+$0x10];
	v11 =	vadd.f32 v11, v17  }
0xc1: {  	s6 =	simm.s32 $0x8180;
	v13 =	vld [tilespmem:s9+$0x10]  }
0xc2: {  	v17 =	vld [tilespmem:s29+$0x10];
	[tilespmem:s6+$0x10] =	vst v11  }
0xc3: {  	v11 =	vld [tilespmem:s26+$0x20]  }
0xc4: {  	v21 =	vld [tilespmem:s24+$0x20]  }
0xc5: {  	v22 =	vld [tilespmem:s23+$0x20]  }
0xc6: {  	v23 =	vld [tilespmem:s22+$0x20]  }
0xc7: {  	v44 =	vld [tilespmem:s20+$0x20]  }
0xc8: {  	v45 =	vld [tilespmem:s21+$0x20]  }
0xc9: {  	v46 =	vld [tilespmem:s18+$0x20]  }
0xca: {  	v47 =	vld [tilespmem:s31+$0x20]  }
0xcb: {  	v48 =	vld [tilespmem:s17+$0x20]  }
0xcc: {  	v49 =	vld [tilespmem:s13+$0x20]  }
0xcd: {  	v50 =	vld [tilespmem:s10+$0x20]  }
0xce: {  	v31 =	vld [tilespmem:s1+$0x20]  }
0xcf: {  	v14 =	vadd.f32 v19, v14;
	v13 =	vadd.f32 v15, v13;
	v32 =	vld [tilespmem:s0+$0x20]  }
0xd0: {  	v16 =	vshll.u32 v16, $0x9;
	v33 =	vld [tilespmem:s16+$0x20]  }
0xd1: {  	v34 =	vld [tilespmem:s15+$0x20];
	v14 =	vadd.f32 v13, v14;
	v13 =	vadd.f32 v20, v17;
	v20 =	vshra.s32 v16, $0x2  }
0xd2: {  	v51 =	vld [tilespmem:s11+$0x20];
	(v2sf) =	vpush v20, $0x0  }
0xd3: {  	v53 =	vld [tilespmem:s3+$0x10];
	(v2sf) =	vpush v20, $0x1  }
0xd4: {  	v56 =	vld [tilespmem:s12+$0x10];
	v11 =	vadd.f32 v21, v11;
	v52 =	vadd.f32 v23, v22  }
0xd5: {  	v12 =	vld [tilespmem:s25+$0x10];
	v22 =	vadd.f32 v45, v44;
	v23 =	vadd.f32 v47, v46  }
0xd6: {  	v15 =	vld [tilespmem:s7+$0x10];
	s1 =	rddreg [dreg:$0x4];
	v54 =	vadd.f32 v49, v48;
	v55 =	vadd.f32 v31, v50  }
0xd7: {  	s3 =	sld [smem:$0x7F0];
	v58 =	vld [tilespmem:s1+$0x10];
	v57 =	vadd.f32 v33, v32;
	v19 =	vadd.f32 v51, v34  }
0xd8: {  	s16 =	sld [smem:$0x7F2];
	v17 =	vld [tilespmem:s14+$0x10];
	v11 =	vadd.f32 v52, v11;
	v59 =	vadd.f32 v23, v22  }
0xd9: {  	s11 =	sld [smem:$0x7F1];
	v21 =	vld [tilespmem:s28+$0x10];
	v23 =	vadd.f32 v55, v54;
	v19 =	vadd.f32 v19, v57  }
0xda: {  	v12 =	vadd.f32 v43, v12;
	s15 =	rddreg [dreg:$0x5];
	v25 =	vld [tilespmem:s3+$0x30];
	(v2sf) =	vpush v20, $0x2  }
0xdb: {  	v26 =	vld [tilespmem:s16+$0x30];
	s16 =	smov.u32 s12;
	s12 =	sld [smem:$0x7F4];
	v11 =	vadd.f32 v59, v11;
	v16 =	vadd.f32 v19, v23  }
0xdc: {  	v60 =	vadd.f32 v13, v12;
	(v2sf) =	vpush v20, $0x3;
	v23 =	vld [tilespmem:s11+$0x30];
	s11 =	sld [smem:$0x7F3]  }
0xdd: {  	v22 =	vld [tilespmem:s15+$0x10];
	(v2sf) =	vpush v20, $0x4;
	v11 =	vadd.f32 v16, v11  }
0xde: {  	(v2sf) =	vpush v20, $0x5;
	v12 =	vadd.f32 v53, v21;
	v21 =	vld [tilespmem:s12+$0x30]  }
0xdf: {  	v15 =	vadd.f32 v15, v35;
	(v2sf) =	vpush v20, $0x6;
	v28 =	vld [tilespmem:s11+$0x30];
	[tilespmem:s6+$0x20] =	vst v11  }
0xe0: {  	v13 =	vadd.f32 v58, v56;
	(v2sf) =	vpush v20, $0x7;
	v11 =	vld [tilespmem:s26+$0x30]  }
0xe1: {  	(v2sf) =	vpush v20, $0x8;
	v15 =	vadd.f32 v12, v15;
	v12 =	vld [tilespmem:s24+$0x30]  }
0xe2: {  	v16 =	vadd.f32 v17, v22;
	v17 =	vadd.f32 v60, v14;
	v14 =	vld [tilespmem:s22+$0x30]  }
0xe3: {  	(v2sf) =	vpush v20, $0x9;
	v18 =	vld [tilespmem:s31+$0x30]  }
0xe4: {  	(v2sf) =	vpush v20, $0xA;
	v16 =	vadd.f32 v16, v13;
	v19 =	vld [tilespmem:s17+$0x30]  }
0xe5: {  	(v2sf) =	vpush v20, $0xB;
	v31 =	vld [tilespmem:s10+$0x30]  }
0xe6: {  	(v2sf) =	vpush v20, $0xC;
	v61 =	vadd.f32 v16, v15;
	v15 =	vld [tilespmem:s20+$0x30]  }
0xe7: {  	v16 =	vld [tilespmem:s21+$0x30];
	(v2sf) =	vpush v20, $0xD  }
0xe8: {  	(v2sf) =	vpush v20, $0xE;
	v62 =	vadd.f32 v61, v17;
	v17 =	vld [tilespmem:s18+$0x30]  }
0xe9: {  	s26 =	spop (v2sf);
	(v2sf) =	vpush v20, $0xF;
	v20 =	vld [tilespmem:s13+$0x30]  }
0xea: {  	s3 =	simm.s32 $0x8080;
	v63 =	vld [tilespmem:s26+$0x0];
	s21 =	spop (v2sf)  }
0xeb: {  	[tilespmem:s3+$0xFFFFFF90] =	vst v62;
	v48 =	vld [tilespmem:s21+$0x0]  }
0xec: {  	v22 =	vld [tilespmem:s2+$0x20]  }
0xed: {  	s12 =	spop (v2sf);
	v24 =	vld [tilespmem:s8+$0x20]  }
0xee: {  	s11 =	smov.u32 s4;
	v49 =	vld [tilespmem:s12+$0x0];
	s4 =	spop (v2sf)  }
0xef: {  	s31 =	smov.u32 s2;
	s2 =	smov.u32 s15;
	v50 =	vld [tilespmem:s4+$0x0];
	s15 =	spop (v2sf)  }
0xf0: {  	v51 =	vld [tilespmem:s15+$0x0];
	s13 =	spop (v2sf)  }
0xf1: {  	v52 =	vld [tilespmem:s13+$0x0];
	s17 =	spop (v2sf)  }
0xf2: {  	s0 =	smov.u32 s29;
	v36 =	vld [tilespmem:s17+$0x0];
	s29 =	spop (v2sf)  }
0xf3: {  	v37 =	vld [tilespmem:s29+$0x0];
	s22 =	spop (v2sf)  }
0xf4: {  	v38 =	vld [tilespmem:s22+$0x0];
	s18 =	spop (v2sf)  }
0xf5: {  	v39 =	vld [tilespmem:s18+$0x0];
	s24 =	spop (v2sf)  }
0xf6: {  	s6 =	smov.u32 s14;
	s14 =	smov.u32 s1;
	v40 =	vld [tilespmem:s24+$0x0];
	s1 =	spop (v2sf)  }
0xf7: {  	v41 =	vld [tilespmem:s1+$0x0];
	s10 =	spop (v2sf)  }
0xf8: {  	v42 =	vld [tilespmem:s10+$0x0];
	s8 =	spop (v2sf)  }
0xf9: {  	v43 =	vld [tilespmem:s8+$0x0];
	s3 =	spop (v2sf)  }
0xfa: {  	v44 =	vld [tilespmem:s3+$0x0];
	s20 =	spop (v2sf)  }
0xfb: {  	v45 =	vld [tilespmem:s20+$0x0]  }
0xfc: {  	v13 =	vld [tilespmem:s23+$0x30]  }
0xfd: {  	v27 =	vld [tilespmem:s9+$0x20];
	v29 =	vadd.f32 v48, v63;
	v53 =	vadd.f32 v50, v49  }
0xfe: {  	v46 =	vld [tilespmem:s19+$0x20];
	v55 =	vadd.f32 v52, v51;
	v56 =	vadd.f32 v37, v36;
	[dreg:$0x15] =	wrdreg s25  }
0xff: {  	v58 =	vadd.f32 v39, v38;
	v54 =	vld [tilespmem:s25+$0x20];
	v59 =	vadd.f32 v41, v40  }
0x100: {  	v57 =	vld [tilespmem:s30+$0x20];
	v61 =	vadd.f32 v43, v42;
	v62 =	vadd.f32 v45, v44  }
0x101: {  	v29 =	vadd.f32 v53, v29;
	v60 =	vld [tilespmem:s0+$0x20];
	v47 =	vadd.f32 v59, v58  }
0x102: {  	v63 =	vld [tilespmem:s11+$0x20];
	[dreg:$0x18] =	wrdreg s5;
	v44 =	vadd.f32 v56, v55;
	v49 =	vadd.f32 v62, v61  }
0x103: {  	v45 =	vld [tilespmem:s5+$0x20];
	[dreg:$0x16] =	wrdreg s7  }
0x104: {  	v48 =	vld [tilespmem:s7+$0x20];
	[dreg:$0x7] =	wrdreg s28;
	v29 =	vadd.f32 v44, v29;
	v34 =	vadd.f32 v49, v47  }
0x105: {  	s7 =	smov.u32 s17;
	s17 =	rddreg [dreg:$0x2];
	v50 =	vld [tilespmem:s28+$0x20]  }
0x106: {  	v51 =	vld [tilespmem:s17+$0x20];
	[dreg:$0x3] =	wrdreg s16;
	v29 =	vadd.f32 v34, v29  }
0x107: {  	s25 =	simm.s32 $0x8180;
	v52 =	vld [tilespmem:s16+$0x20]  }
0x108: {  	v0 =	vadd.f32 v1, v0;
	v1 =	vadd.f32 v3, v2;
	v53 =	vld [tilespmem:s14+$0x20];
	[tilespmem:s25+$0xFFFFFF80] =	vst v29  }
0x109: {  	v2 =	vld [tilespmem:s2+$0x20];
	[dreg:$0x6] =	wrdreg s6  }
0x10a: {  	v3 =	vadd.f32 v5, v4;
	v0 =	vadd.f32 v1, v0;
	v5 =	vld [tilespmem:s6+$0x20]  }
0x10b: {  	v4 =	vadd.f32 v8, v6;
	v6 =	vadd.f32 v9, v7;
	v8 =	vld [tilespmem:s26+$0x10]  }
0x10c: {  	v7 =	vadd.f32 v25, v10;
	v10 =	vadd.f32 v21, v28;
	v21 =	vld [tilespmem:s21+$0x10]  }
0x10d: {  	v1 =	vadd.f32 v4, v3;
	v9 =	vadd.f32 v26, v23;
	s14 =	smov.u32 s4;
	v3 =	vld [tilespmem:s12+$0x10]  }
0x10e: {  	v23 =	vld [tilespmem:s14+$0x10]  }
0x10f: {  	v6 =	vadd.f32 v7, v6;
	v7 =	vadd.f32 v10, v9;
	v56 =	vld [tilespmem:s15+$0x10]  }
0x110: {  	v4 =	vadd.f32 v24, v22;
	v22 =	vadd.f32 v46, v27;
	v29 =	vld [tilespmem:s13+$0x10]  }
0x111: {  	v54 =	vadd.f32 v57, v54;
	v55 =	vadd.f32 v63, v60;
	v60 =	vld [tilespmem:s29+$0x10]  }
0x112: {  	v57 =	vadd.f32 v48, v45;
	v58 =	vadd.f32 v51, v50;
	v62 =	vld [tilespmem:s22+$0x10]  }
0x113: {  	v59 =	vadd.f32 v53, v52;
	s5 =	sld [smem:$0x7F5];
	v9 =	vld [tilespmem:s18+$0x10];
	v2 =	vadd.f32 v5, v2  }
0x114: {  	v4 =	vadd.f32 v22, v4;
	v22 =	vadd.f32 v55, v54;
	v10 =	vld [tilespmem:s24+$0x10];
	s6 =	sld [smem:$0x7F6]  }
0x115: {  	v61 =	vadd.f32 v58, v57;
	v5 =	vld [tilespmem:s7+$0x10];
	[dreg:$0x12] =	wrdreg s1;
	v2 =	vadd.f32 v2, v59  }
0x116: {  	v4 =	vadd.f32 v22, v4;
	v22 =	vadd.f32 v1, v0;
	s16 =	sld [smem:$0x7F7];
	v0 =	vld [tilespmem:s1+$0x10]  }
0x117: {  	s2 =	smov.u32 s21;
	s21 =	sld [smem:$0x7F9];
	v63 =	vld [tilespmem:s5+$0x30];
	v2 =	vadd.f32 v2, v61  }
0x118: {  	v6 =	vadd.f32 v7, v6;
	s17 =	sld [smem:$0x7F8];
	v7 =	vadd.f32 v21, v8;
	v1 =	vld [tilespmem:s6+$0x30]  }
0x119: {  	v8 =	vadd.f32 v23, v3;
	v3 =	vld [tilespmem:s16+$0x30];
	v2 =	vadd.f32 v2, v4  }
0x11a: {  	s28 =	smov.u32 s22;
	s22 =	simm.s32 $0x8080;
	v21 =	vadd.f32 v29, v56;
	v23 =	vadd.f32 v60, v5;
	v5 =	vld [tilespmem:s21+$0x30]  }
0x11b: {  	v7 =	vadd.f32 v8, v7;
	v8 =	vadd.f32 v9, v62;
	v4 =	vld [tilespmem:s17+$0x30];
	[tilespmem:s22+$0xFFFFFFA0] =	vst v2  }
0x11c: {  	v9 =	vadd.f32 v0, v10;
	v2 =	vadd.f32 v23, v21;
	v0 =	vld [tilespmem:s31+$0x30];
	[dreg:$0x11] =	wrdreg s10  }
0x11d: {  	v10 =	vld [tilespmem:s10+$0x10];
	[dreg:$0x14] =	wrdreg s8  }
0x11e: {  	s23 =	simm.s32 $0x8080;
	v22 =	vadd.f32 v6, v22;
	v2 =	vadd.f32 v2, v7;
	v21 =	vld [tilespmem:s8+$0x10];
	[dreg:$0x13] =	wrdreg s3  }
0x11f: {  	v7 =	vadd.f32 v9, v8;
	v8 =	vadd.f32 v14, v13;
	v14 =	vld [tilespmem:s3+$0x10];
	[dreg:$0x9] =	wrdreg s23  }
0x120: {  	[tilespmem:s22+$0x30] =	vst v22  }
0x121: {  	v6 =	vadd.f32 v12, v11;
	s25 =	simm.s32 $0x2;
	[dreg:$0x1e] =	wrdreg s20  }
0x122: {  	v11 =	vadd.f32 v18, v17;
	s31 =	simm.s32 $0x8180;
	v9 =	vadd.f32 v16, v15;
	v15 =	vld [tilespmem:s20+$0x10];
	[dreg:$0xa] =	wrdreg s25  }
0x123: {  	s4 =	simm.s32 $0x8180;
	v12 =	vadd.f32 v20, v19;
	s5 =	simm.s32 $0xC280;
	v13 =	vadd.f32 v63, v31;
	[dreg:$0x8] =	wrdreg s31  }
.LBB2_2:
0x124: {  	_ = 	snop  }
0x125: {  	v16 =	vld [tilespmem:s5+$0x0]  }
0x126: {  	v1 =	vadd.f32 v3, v1  }
0x127: {  	v3 =	vadd.f32 v5, v4;
	v5 =	vadd.f32 v8, v6  }
0x128: {  	v4 =	vld [tilespmem:s5+$0xFFFFFF80];
	v6 =	vadd.f32 v11, v9;
	v8 =	vadd.f32 v13, v12  }
0x129: {  	v9 =	vadd.f32 v21, v10;
	v10 =	vadd.f32 v15, v14  }
0x12a: {  	s1 =	rddreg [dreg:$0x17];
	v11 =	vld [tilespmem:s9+$0x30];
	v1 =	vadd.f32 v3, v1;
	v5 =	vadd.f32 v6, v5;
	v6 =	vshll.u32 v16, $0x9  }
0x12b: {  	s3 =	smov.u32 s14;
	s14 =	rddreg [dreg:$0x15];
	v3 =	vld [tilespmem:s1+$0x30];
	v9 =	vadd.f32 v10, v9;
	v12 =	vshra.s32 v6, $0x2  }
0x12c: {  	v10 =	vld [tilespmem:s14+$0x30];
	v1 =	vadd.f32 v1, v8;
	(v2sf) =	vpush v12, $0x0  }
0x12d: {  	v8 =	vld [tilespmem:s19+$0x30];
	v4 =	vshll.u32 v4, $0x9;
	(v2sf) =	vpush v12, $0x1  }
0x12e: {  	v1 =	vadd.f32 v1, v5;
	v5 =	vld [tilespmem:s30+$0x30];
	v6 =	vshra.s32 v4, $0x2;
	v4 =	vadd.f32 v9, v7  }
0x12f: {  	v7 =	vld [tilespmem:s0+$0x30];
	(v2sf) =	vpush v12, $0x2  }
0x130: {  	s17 =	rddreg [dreg:$0x18];
	[tilespmem:s4+$0x30] =	vst v1;
	v1 =	vadd.f32 v3, v0;
	v3 =	vld [tilespmem:s11+$0x30];
	v0 =	vadd.f32 v4, v2  }
0x131: {  	s20 =	rddreg [dreg:$0x16];
	s1 =	smov.u32 s4;
	(v2sf) =	vpush v12, $0x3;
	v2 =	vld [tilespmem:s17+$0x30]  }
0x132: {  	(v2sf) =	vpush v12, $0x4;
	v4 =	vadd.f32 v8, v11;
	v8 =	vld [tilespmem:s20+$0x30];
	[tilespmem:s1+$0xFFFFFF90] =	vst v0  }
0x133: {  	s10 =	smov.u32 s2;
	(v2sf) =	vpush v12, $0x5;
	v9 =	vld [tilespmem:s26+$0x20]  }
0x134: {  	(v2sf) =	vpush v12, $0x6;
	v1 =	vadd.f32 v4, v1;
	v4 =	vld [tilespmem:s10+$0x20]  }
0x135: {  	s6 =	smov.u32 s15;
	s15 =	smov.u32 s7;
	v5 =	vadd.f32 v5, v10;
	(v2sf) =	vpush v12, $0x7;
	v10 =	vld [tilespmem:s3+$0x20]  }
0x136: {  	s9 =	smov.u32 s12;
	v11 =	vld [tilespmem:s15+$0x20];
	(v2sf) =	vpush v12, $0x8  }
0x137: {  	s16 =	smov.u32 s29;
	v3 =	vadd.f32 v3, v7;
	v7 =	vld [tilespmem:s9+$0x20];
	(v2sf) =	vpush v12, $0x9  }
0x138: {  	v13 =	vld [tilespmem:s16+$0x20];
	v2 =	vadd.f32 v8, v2;
	(v2sf) =	vpush v12, $0xA  }
0x139: {  	s8 =	smov.u32 s13;
	v8 =	vld [tilespmem:s6+$0x20];
	v3 =	vadd.f32 v3, v5;
	(v2sf) =	vpush v12, $0xB  }
0x13a: {  	s23 =	smov.u32 s24;
	v5 =	vld [tilespmem:s8+$0x20];
	v9 =	vadd.f32 v4, v9;
	(v2sf) =	vpush v12, $0xC  }
0x13b: {  	s19 =	smov.u32 s28;
	v4 =	vld [tilespmem:s23+$0x20];
	v1 =	vadd.f32 v3, v1;
	(v2sf) =	vpush v12, $0xD  }
0x13c: {  	s21 =	smov.u32 s18;
	v3 =	vadd.f32 v10, v7;
	v7 =	vld [tilespmem:s19+$0x20];
	(v2sf) =	vpush v12, $0xE  }
0x13d: {  	s22 =	rddreg [dreg:$0x7];
	v10 =	vld [tilespmem:s21+$0x20];
	s25 =	spop (v2sf);
	(v2sf) =	vpush v12, $0xF  }
0x13e: {  	[dreg:$0x7] =	wrdreg s23;
	v12 =	vld [tilespmem:s25+$0x0];
	s23 =	spop (v2sf)  }
0x13f: {  	[dreg:$0x18] =	wrdreg s19;
	(v2sf) =	vpush v6, $0x0;
	v3 =	vadd.f32 v3, v9;
	v9 =	vld [tilespmem:s23+$0x0];
	s19 =	spop (v2sf)  }
0x140: {  	v11 =	vadd.f32 v13, v11;
	(v2sf) =	vpush v6, $0x1;
	v13 =	vld [tilespmem:s19+$0x0];
	s29 =	spop (v2sf)  }
0x141: {  	v8 =	vadd.f32 v5, v8;
	(v2sf) =	vpush v6, $0x2;
	v14 =	vld [tilespmem:s29+$0x0];
	s18 =	spop (v2sf)  }
0x142: {  	(v2sf) =	vpush v6, $0x3;
	v5 =	vadd.f32 v10, v7;
	v7 =	vld [tilespmem:s18+$0x0];
	s30 =	spop (v2sf)  }
0x143: {  	v8 =	vadd.f32 v11, v8;
	(v2sf) =	vpush v6, $0x4;
	v10 =	vld [tilespmem:s30+$0x0];
	s2 =	spop (v2sf)  }
0x144: {  	[dreg:$0x10] =	wrdreg s26;
	(v2sf) =	vpush v6, $0x5;
	v11 =	vld [tilespmem:s2+$0x0];
	s26 =	spop (v2sf)  }
0x145: {  	v3 =	vadd.f32 v8, v3;
	(v2sf) =	vpush v6, $0x6;
	v8 =	vld [tilespmem:s26+$0x0];
	s17 =	spop (v2sf)  }
0x146: {  	(v2sf) =	vpush v6, $0x7;
	v15 =	vld [tilespmem:s17+$0x0];
	s13 =	spop (v2sf)  }
0x147: {  	[dreg:$0x16] =	wrdreg s21;
	(v2sf) =	vpush v6, $0x8;
	v16 =	vld [tilespmem:s13+$0x0];
	s21 =	spop (v2sf)  }
0x148: {  	[dreg:$0xb] =	wrdreg s9;
	(v2sf) =	vpush v6, $0x9;
	v17 =	vld [tilespmem:s21+$0x0];
	s9 =	spop (v2sf)  }
0x149: {  	(v2sf) =	vpush v6, $0xA;
	v18 =	vld [tilespmem:s9+$0x0];
	s14 =	spop (v2sf)  }
0x14a: {  	(v2sf) =	vpush v6, $0xB;
	v19 =	vld [tilespmem:s14+$0x0];
	s31 =	spop (v2sf)  }
0x14b: {  	[dreg:$0x17] =	wrdreg s10;
	v20 =	vld [tilespmem:s31+$0x0];
	s10 =	spop (v2sf)  }
0x14c: {  	[dreg:$0xf] =	wrdreg s16;
	(v2sf) =	vpush v6, $0xC;
	v21 =	vld [tilespmem:s10+$0x0];
	s16 =	spop (v2sf)  }
0x14d: {  	(v2sf) =	vpush v6, $0xD;
	v22 =	vld [tilespmem:s16+$0x0]  }
0x14e: {  	[dreg:$0x15] =	wrdreg s6;
	v0 =	vld [tilespmem:s22+$0x30];
	v9 =	vadd.f32 v9, v12;
	(v2sf) =	vpush v6, $0xE;
	s6 =	spop (v2sf)  }
0x14f: {  	v12 =	vadd.f32 v14, v13;
	(v2sf) =	vpush v6, $0xF;
	v6 =	vld [tilespmem:s6+$0x0];
	s7 =	spop (v2sf)  }
0x150: {  	[dreg:$0xd] =	wrdreg s8;
	v7 =	vadd.f32 v10, v7;
	v8 =	vadd.f32 v8, v11;
	v23 =	vld [tilespmem:s7+$0x0];
	s8 =	spop (v2sf)  }
0x151: {  	v11 =	vadd.f32 v16, v15;
	v14 =	vadd.f32 v18, v17;
	v13 =	vld [tilespmem:s8+$0x0];
	s11 =	spop (v2sf)  }
0x152: {  	[dreg:$0xe] =	wrdreg s15;
	v16 =	vadd.f32 v20, v19;
	v10 =	vld [tilespmem:s11+$0x0];
	s15 =	spop (v2sf);
	v17 =	vadd.f32 v22, v21  }
0x153: {  	v9 =	vadd.f32 v12, v9;
	v7 =	vadd.f32 v8, v7;
	v15 =	vld [tilespmem:s15+$0x0];
	s12 =	spop (v2sf)  }
0x154: {  	v11 =	vadd.f32 v14, v11;
	v57 =	vld [tilespmem:s12+$0x0];
	s20 =	spop (v2sf);
	v12 =	vadd.f32 v17, v16  }
0x155: {  	v8 =	vld [tilespmem:s20+$0x0];
	s22 =	spop (v2sf)  }
0x156: {  	v7 =	vadd.f32 v7, v9;
	v14 =	vld [tilespmem:s22+$0x0];
	s28 =	spop (v2sf);
	v9 =	vadd.f32 v12, v11  }
0x157: {  	v16 =	vld [tilespmem:s28+$0x0];
	s24 =	spop (v2sf)  }
0x158: {  	[smem:$0x7E7] =	sst s24;
	v11 =	vld [tilespmem:s24+$0x0];
	s24 =	spop (v2sf);
	v7 =	vadd.f32 v9, v7  }
0x159: {  	s1 =	sadd.s32 $0x100, s1;
	[dreg:$0x1a] =	wrdreg s7;
	v10 =	vadd.f32 v10, v13;
	v13 =	vld [tilespmem:s24+$0x0];
	s7 =	spop (v2sf)  }
0x15a: {  	v9 =	vld [tilespmem:s7+$0x0];
	[tilespmem:s1+$0x0] =	vst v7  }
0x15b: {  	v7 =	vld [tilespmem:s25+$0x10]  }
0x15c: {  	v8 =	vadd.f32 v14, v8;
	v14 =	vld [tilespmem:s19+$0x10]  }
0x15d: {  	v12 =	vadd.f32 v57, v15;
	v15 =	vld [tilespmem:s2+$0x10]  }
0x15e: {  	v17 =	vld [tilespmem:s17+$0x10]  }
0x15f: {  	v58 =	vld [tilespmem:s13+$0x10]  }
0x160: {  	v59 =	vld [tilespmem:s21+$0x10]  }
0x161: {  	v20 =	vld [tilespmem:s9+$0x10]  }
0x162: {  	[smem:$0x7EA] =	sst s5;
	v21 =	vld [tilespmem:s14+$0x10]  }
0x163: {  	[dreg:$0xc] =	wrdreg s3;
	v6 =	vadd.f32 v23, v6;
	v23 =	vld [tilespmem:s10+$0x10]  }
0x164: {  	[smem:$0x7E8] =	sst s25;
	v24 =	vld [tilespmem:s16+$0x10]  }
0x165: {  	[dreg:$0x19] =	wrdreg s6;
	v6 =	vadd.f32 v10, v6;
	v8 =	vadd.f32 v8, v12;
	v12 =	vld [tilespmem:s23+$0x10]  }
0x166: {  	[dreg:$0x1f] =	wrdreg s8;
	v11 =	vadd.f32 v11, v16;
	v16 =	vld [tilespmem:s26+$0x10]  }
0x167: {  	[dreg:$0x1b] =	wrdreg s11;
	v9 =	vadd.f32 v9, v13;
	v6 =	vadd.f32 v8, v6;
	v8 =	vld [tilespmem:s29+$0x10]  }
0x168: {  	s11 =	rddreg [dreg:$0x12];
	v13 =	vld [tilespmem:s18+$0x10]  }
0x169: {  	[smem:$0x7E6] =	sst s12;
	v9 =	vadd.f32 v9, v11;
	v11 =	vld [tilespmem:s30+$0x10]  }
0x16a: {  	[dreg:$0x1c] =	wrdreg s20;
	v22 =	vld [tilespmem:s31+$0x10]  }
0x16b: {  	s20 =	rddreg [dreg:$0x11];
	s5 =	spop (v2sf)  }
0x16c: {  	[dreg:$0x1d] =	wrdreg s22;
	v10 =	vld [tilespmem:s5+$0x0];
	s6 =	spop (v2sf);
	v60 =	vadd.f32 v24, v23;
	v7 =	vadd.f32 v12, v7  }
0x16d: {  	s22 =	rddreg [dreg:$0x13];
	s4 =	spop (v2sf);
	v25 =	vld [tilespmem:s6+$0x0];
	v8 =	vadd.f32 v8, v14;
	v14 =	vadd.f32 v58, v17  }
0x16e: {  	s0 =	smov.u32 s25;
	s25 =	rddreg [dreg:$0xa];
	s8 =	spop (v2sf);
	v26 =	vld [tilespmem:s4+$0x0];
	v11 =	vadd.f32 v11, v13;
	v13 =	vadd.f32 v16, v15  }
0x16f: {  	s12 =	smov.u32 s17;
	s17 =	smov.u32 s10;
	s10 =	rddreg [dreg:$0x14];
	v12 =	vld [tilespmem:s8+$0x0];
	v17 =	vadd.f32 v22, v21;
	v15 =	vadd.f32 v20, v59  }
0x170: {  	v61 =	vld [tilespmem:s20+$0x20];
	s3 =	sadd.s32 $0x2, s25;
	s25 =	rddreg [dreg:$0x1e];
	v7 =	vadd.f32 v8, v7;
	v8 =	vadd.f32 v13, v11  }
0x171: {  	[dreg:$0xa] =	wrdreg s3;
	v16 =	vld [tilespmem:s11+$0x20];
	v13 =	vadd.f32 v15, v14;
	v14 =	vadd.f32 v60, v17  }
0x172: {  	p0 =	slt.u32 s3, $0x7E;
	s3 =	rddreg [dreg:$0x2];
	v11 =	vld [tilespmem:s10+$0x20]  }
0x173: {  	v7 =	vadd.f32 v8, v7;
	v8 =	vadd.f32 v14, v13;
	v13 =	vld [tilespmem:s3+$0x30];
	s3 =	smov.u32 s11;
	s11 =	smov.u32 s7;
	s7 =	rddreg [dreg:$0x3]  }
0x174: {  	v10 =	vadd.f32 v25, v10;
	v12 =	vadd.f32 v12, v26;
	[dreg:$0x12] =	wrdreg s11  }
0x175: {  	v15 =	vld [tilespmem:s22+$0x20];
	s11 =	smov.u32 s20;
	s20 =	rddreg [dreg:$0x4]  }
0x176: {  	v10 =	vadd.f32 v12, v10;
	v12 =	vld [tilespmem:s7+$0x30];
	s7 =	rddreg [dreg:$0x5]  }
0x177: {  	v17 =	vld [tilespmem:s25+$0x20];
	v4 =	vadd.f32 v16, v4;
	[dreg:$0x3] =	wrdreg s11;
	s11 =	smov.u32 s5;
	s5 =	smov.u32 s10  }
0x178: {  	v7 =	vadd.f32 v8, v7;
	v8 =	vadd.f32 v11, v61;
	v11 =	vld [tilespmem:s20+$0x30];
	[dreg:$0x4] =	wrdreg s5  }
0x179: {  	v9 =	vadd.f32 v10, v9;
	v4 =	vadd.f32 v4, v5;
	v5 =	vld [tilespmem:s7+$0x30];
	s5 =	rddreg [dreg:$0x6]  }
0x17a: {  	[tilespmem:s1+$0x10] =	vst v7;
	v10 =	vld [tilespmem:s5+$0x30]  }
0x17b: {  	v6 =	vadd.f32 v9, v6;
	v9 =	vld [tilespmem:s0+$0x20]  }
0x17c: {  	v0 =	vadd.f32 v13, v0;
	v13 =	vld [tilespmem:s23+$0x20]  }
0x17d: {  	v7 =	vadd.f32 v17, v15;
	[tilespmem:s1+$0xFFFFFF80] =	vst v6;
	v6 =	vld [tilespmem:s19+$0x20]  }
0x17e: {  	v14 =	vld [tilespmem:s17+$0x20]  }
0x17f: {  	v15 =	vld [tilespmem:s16+$0x20];
	v7 =	vadd.f32 v7, v8  }
0x180: {  	v0 =	vadd.f32 v0, v2;
	v2 =	vld [tilespmem:s29+$0x20]  }
0x181: {  	v4 =	vadd.f32 v7, v4;
	v7 =	vld [tilespmem:s18+$0x20]  }
0x182: {  	v8 =	vadd.f32 v11, v12;
	v11 =	vld [tilespmem:s21+$0x20];
	v5 =	vadd.f32 v10, v5  }
0x183: {  	[smem:$0x7E9] =	sst s23;
	v12 =	vld [tilespmem:s14+$0x20]  }
0x184: {  	[dreg:$0x2] =	wrdreg s3;
	s3 =	smov.u32 s22;
	v10 =	vld [tilespmem:s30+$0x20];
	v5 =	vadd.f32 v5, v8  }
0x185: {  	[dreg:$0x5] =	wrdreg s3;
	v3 =	vadd.f32 v4, v3;
	v4 =	vld [tilespmem:s2+$0x20]  }
0x186: {  	s7 =	rddreg [dreg:$0x8];
	v8 =	vld [tilespmem:s26+$0x20];
	v0 =	vadd.f32 v5, v0  }
0x187: {  	s10 =	rddreg [dreg:$0x19];
	s20 =	smov.u32 s6;
	s6 =	smov.u32 s25;
	[tilespmem:s7+$0xFFFFFFA0] =	vst v3;
	v3 =	vld [tilespmem:s12+$0x20]  }
0x188: {  	[dreg:$0x6] =	wrdreg s6;
	s5 =	smov.u32 s2;
	s23 =	smov.u32 s19;
	v5 =	vld [tilespmem:s13+$0x20];
	v0 =	vadd.f32 v0, v1  }
0x189: {  	s19 =	smov.u32 s18;
	s18 =	rddreg [dreg:$0x9];
	s2 =	smov.u32 s7;
	v1 =	vld [tilespmem:s9+$0x20]  }
0x18a: {  	[dreg:$0x9] =	wrdreg s2;
	[tilespmem:s18+$0xFFFFFFB0] =	vst v0;
	v0 =	vld [tilespmem:s31+$0x20]  }
0x18b: {  	s2 =	rddreg [dreg:$0x1a];
	v16 =	vld [tilespmem:s10+$0x10]  }
0x18c: {  	s3 =	smov.u32 s8;
	s25 =	smov.u32 s12;
	s12 =	rddreg [dreg:$0x1f];
	v17 =	vld [tilespmem:s2+$0x10]  }
0x18d: {  	s8 =	smov.u32 s14;
	s14 =	rddreg [dreg:$0x1b];
	s7 =	smov.u32 s1;
	v2 =	vadd.f32 v2, v6;
	v6 =	vld [tilespmem:s12+$0x10]  }
0x18e: {  	[dreg:$0x8] =	wrdreg s7;
	v7 =	vadd.f32 v10, v7;
	v4 =	vadd.f32 v8, v4;
	v8 =	vld [tilespmem:s14+$0x10]  }
0x18f: {  	v9 =	vadd.f32 v13, v9;
	s7 =	rddreg [dreg:$0x1c];
	v3 =	vadd.f32 v5, v3;
	v5 =	vld [tilespmem:s15+$0x10]  }
0x190: {  	s6 =	smov.u32 s29;
	s29 =	rddreg [dreg:$0x1d];
	v4 =	vadd.f32 v4, v7;
	v7 =	vld [tilespmem:s7+$0x10]  }
0x191: {  	v10 =	vadd.f32 v15, v14;
	v2 =	vadd.f32 v2, v9;
	v9 =	vld [tilespmem:s29+$0x10]  }
0x192: {  	s22 =	smov.u32 s4;
	s0 =	smov.u32 s13;
	s13 =	sld [smem:$0x7E6];
	v21 =	vld [tilespmem:s20+$0x10];
	v1 =	vadd.f32 v1, v11;
	v0 =	vadd.f32 v0, v12  }
0x193: {  	s18 =	sld [smem:$0x7E7];
	v14 =	vld [tilespmem:s22+$0x10]  }
0x194: {  	v15 =	vld [tilespmem:s3+$0x10];
	v1 =	vadd.f32 v1, v3;
	v0 =	vadd.f32 v10, v0  }
0x195: {  	v11 =	vld [tilespmem:s13+$0x10]  }
0x196: {  	v2 =	vadd.f32 v4, v2;
	v4 =	vld [tilespmem:s18+$0x10];
	v0 =	vadd.f32 v0, v1  }
0x197: {  	[dreg:$0x11] =	wrdreg s11;
	v12 =	vld [tilespmem:s28+$0x10]  }
0x198: {  	v10 =	vld [tilespmem:s11+$0x10];
	s11 =	sld [smem:$0x7E8];
	v0 =	vadd.f32 v0, v2  }
0x199: {  	s4 =	rddreg [dreg:$0x12];
	v1 =	vadd.f32 v8, v6;
	v6 =	vld [tilespmem:s24+$0x10]  }
0x19a: {  	v3 =	vadd.f32 v17, v16;
	v2 =	vld [tilespmem:s4+$0x10];
	[tilespmem:s1+$0x20] =	vst v0  }
0x19b: {  	v0 =	vld [tilespmem:s11+$0x30]  }
0x19c: {  	v1 =	vadd.f32 v1, v3;
	v3 =	vadd.f32 v9, v7;
	v9 =	vld [tilespmem:s23+$0x30]  }
0x19d: {  	v5 =	vadd.f32 v11, v5;
	v11 =	vld [tilespmem:s6+$0x30]  }
0x19e: {  	v4 =	vadd.f32 v4, v12;
	v12 =	vld [tilespmem:s19+$0x30]  }
0x19f: {  	v13 =	vld [tilespmem:s30+$0x30]  }
0x1a0: {  	v16 =	vld [tilespmem:s5+$0x30]  }
0x1a1: {  	s11 =	sld [smem:$0x7E9];
	v17 =	vld [tilespmem:s26+$0x30]  }
0x1a2: {  	[dreg:$0x13] =	wrdreg s22;
	v62 =	vld [tilespmem:s25+$0x30]  }
0x1a3: {  	[dreg:$0x1e] =	wrdreg s3;
	v63 =	vld [tilespmem:s0+$0x30]  }
0x1a4: {  	[dreg:$0x14] =	wrdreg s20;
	v8 =	vld [tilespmem:s11+$0x30]  }
0x1a5: {  	v3 =	vadd.f32 v3, v5;
	s23 =	sld [smem:$0x7EA];
	v20 =	vld [tilespmem:s21+$0x30]  }
0x1a6: {  	v22 =	vld [tilespmem:s9+$0x30];
	s9 =	rddreg [dreg:$0xb];
	v5 =	vadd.f32 v2, v6  }
.Ltmp0:
0x1a7: {  	s19 =	rddreg [dreg:$0xc];
	v2 =	vadd.f32 v3, v1;
	v1 =	vld [tilespmem:s8+$0x30];
	(pc) =	sbr.rel @p0 .LBB2_2-.Ltmp0, $4  }
0x1a8: {  	s30 =	rddreg [dreg:$0xd];
	v3 =	vld [tilespmem:s31+$0x30];
	v7 =	vadd.f32 v5, v4  }
0x1a9: {  	s0 =	rddreg [dreg:$0xe];
	v4 =	vld [tilespmem:s17+$0x30];
	v6 =	vadd.f32 v8, v0;
	v8 =	vadd.f32 v11, v9  }
0x1aa: {  	s4 =	smov.u32 s1;
	s31 =	rddreg [dreg:$0x10];
	v5 =	vld [tilespmem:s16+$0x30];
	v9 =	vadd.f32 v13, v12;
	v11 =	vadd.f32 v17, v16  }
0x1ab: {  	s26 =	smov.u32 s10;
	s11 =	rddreg [dreg:$0xf];
	s5 =	sadd.s32 $0x100, s23;
	v12 =	vadd.f32 v63, v62;
	v13 =	vadd.f32 v22, v20;
	v0 =	vld [tilespmem:s31+$0x30]  }
0x1ac: {  	v10 =	vadd.f32 v21, v10;
	v14 =	vadd.f32 v15, v14;
	_ =	sdelay $0x1  }
0x1ad: {  	v10 =	vadd.f32 v14, v10;
	_ =	sdelay $0x1  }
0x1ae: {  	v7 =	vadd.f32 v10, v7;
	_ =	sdelay $0x1  }
0x1af: {  	v2 =	vadd.f32 v7, v2  }
0x1b0: {  	v29 =	vld [tilespmem:s19+$0x30]  }
0x1b1: {  	s1 =	rddreg [dreg:$0x17];
	v15 =	vld [tilespmem:s30+$0x30];
	[tilespmem:s4+$0xFFFFFF90] =	vst v2  }
0x1b2: {  	v2 =	vld [tilespmem:s26+$0x20]  }
0x1b3: {  	v40 =	vld [tilespmem:s2+$0x20]  }
0x1b4: {  	v41 =	vld [tilespmem:s12+$0x20]  }
0x1b5: {  	v16 =	vld [tilespmem:s14+$0x20]  }
0x1b6: {  	v17 =	vld [tilespmem:s15+$0x20]  }
0x1b7: {  	v18 =	vld [tilespmem:s13+$0x20]  }
0x1b8: {  	v19 =	vld [tilespmem:s7+$0x20]  }
0x1b9: {  	v20 =	vld [tilespmem:s29+$0x20]  }
0x1ba: {  	v42 =	vld [tilespmem:s28+$0x20]  }
0x1bb: {  	v22 =	vld [tilespmem:s18+$0x20]  }
0x1bc: {  	v23 =	vld [tilespmem:s24+$0x20];
	s8 =	rddreg [dreg:$0x12]  }
0x1bd: {  	s3 =	rddreg [dreg:$0x11];
	v24 =	vld [tilespmem:s8+$0x20]  }
0x1be: {  	s10 =	rddreg [dreg:$0x14];
	v25 =	vld [tilespmem:s3+$0x20]  }
0x1bf: {  	s6 =	rddreg [dreg:$0x13];
	v26 =	vld [tilespmem:s10+$0x20]  }
0x1c0: {  	s21 =	rddreg [dreg:$0x1e];
	v27 =	vld [tilespmem:s6+$0x20]  }
0x1c1: {  	v28 =	vld [tilespmem:s21+$0x20]  }
0x1c2: {  	v21 =	vld [tilespmem:s11+$0x30]  }
0x1c3: {  	v10 =	vld [tilespmem:s9+$0x30];
	v2 =	vadd.f32 v40, v2;
	v43 =	vadd.f32 v16, v41  }
0x1c4: {  	v7 =	vld [tilespmem:s1+$0x30];
	s5 =	rddreg [dreg:$0x15];
	v44 =	vadd.f32 v18, v17;
	v45 =	vadd.f32 v20, v19  }
0x1c5: {  	s9 =	rddreg [dreg:$0x18];
	v30 =	vld [tilespmem:s5+$0x30];
	v46 =	vadd.f32 v22, v42;
	v47 =	vadd.f32 v24, v23  }
0x1c6: {  	s11 =	rddreg [dreg:$0x16];
	v50 =	vld [tilespmem:s9+$0x30];
	v48 =	vadd.f32 v26, v25;
	v49 =	vadd.f32 v28, v27  }
0x1c7: {  	s16 =	rddreg [dreg:$0x7];
	v52 =	vld [tilespmem:s11+$0x30];
	v2 =	vadd.f32 v43, v2;
	v51 =	vadd.f32 v45, v44  }
0x1c8: {  	s17 =	rddreg [dreg:$0x2];
	v55 =	vld [tilespmem:s16+$0x30];
	v53 =	vadd.f32 v47, v46;
	v54 =	vadd.f32 v49, v48  }
0x1c9: {  	s19 =	rddreg [dreg:$0x3];
	v56 =	vld [tilespmem:s17+$0x30]  }
0x1ca: {  	s20 =	rddreg [dreg:$0x4];
	v58 =	vld [tilespmem:s19+$0x30];
	v2 =	vadd.f32 v51, v2;
	v57 =	vadd.f32 v54, v53  }
0x1cb: {  	s22 =	rddreg [dreg:$0x5];
	v59 =	vld [tilespmem:s20+$0x30]  }
0x1cc: {  	s23 =	rddreg [dreg:$0x6];
	v60 =	vld [tilespmem:s22+$0x30];
	v2 =	vadd.f32 v57, v2  }
0x1cd: {  	s25 =	rddreg [dreg:$0x8];
	v61 =	vld [tilespmem:s23+$0x30]  }
0x1ce: {  	v18 =	vld [tilespmem:s0+$0x30];
	[tilespmem:s25+$0xFFFFFFA0] =	vst v2  }
0x1cf: {  	v2 =	vld [tilespmem:s26+$0x30]  }
0x1d0: {  	v62 =	vld [tilespmem:s2+$0x30]  }
0x1d1: {  	v63 =	vld [tilespmem:s12+$0x30]  }
0x1d2: {  	v32 =	vld [tilespmem:s14+$0x30]  }
0x1d3: {  	v1 =	vadd.f32 v3, v1;
	v34 =	vadd.f32 v5, v4;
	v33 =	vld [tilespmem:s15+$0x30]  }
0x1d4: {  	v36 =	vadd.f32 v8, v6;
	v37 =	vadd.f32 v11, v9;
	v35 =	vld [tilespmem:s13+$0x30]  }
0x1d5: {  	v39 =	vadd.f32 v13, v12;
	v1 =	vadd.f32 v34, v1;
	v38 =	vld [tilespmem:s7+$0x30]  }
0x1d6: {  	v40 =	vld [tilespmem:s29+$0x30]  }
0x1d7: {  	v5 =	vadd.f32 v37, v36;
	v1 =	vadd.f32 v1, v39;
	v41 =	vld [tilespmem:s28+$0x30]  }
0x1d8: {  	v42 =	vld [tilespmem:s18+$0x30]  }
0x1d9: {  	v1 =	vadd.f32 v1, v5;
	v43 =	vld [tilespmem:s24+$0x30]  }
0x1da: {  	v0 =	vadd.f32 v7, v0;
	v16 =	vadd.f32 v52, v50;
	v44 =	vld [tilespmem:s8+$0x30]  }
0x1db: {  	v50 =	vadd.f32 v56, v55;
	v17 =	vadd.f32 v59, v58;
	v46 =	vld [tilespmem:s3+$0x30]  }
0x1dc: {  	v14 =	vadd.f32 v61, v60;
	v45 =	vadd.f32 v29, v10;
	v49 =	vld [tilespmem:s10+$0x30]  }
0x1dd: {  	v47 =	vadd.f32 v15, v30;
	v48 =	vadd.f32 v21, v18;
	v51 =	vld [tilespmem:s6+$0x30]  }
0x1de: {  	v55 =	vadd.f32 v14, v17;
	v0 =	vadd.f32 v45, v0;
	v52 =	vld [tilespmem:s21+$0x30]  }
0x1df: {  	v54 =	vadd.f32 v50, v16;
	v53 =	vadd.f32 v48, v47  }
0x1e0: {  	v2 =	vadd.f32 v62, v2;
	v56 =	vadd.f32 v32, v63  }
0x1e1: {  	v4 =	vadd.f32 v35, v33;
	v3 =	vadd.f32 v40, v38  }
0x1e2: {  	v6 =	vadd.f32 v42, v41;
	v5 =	vadd.f32 v44, v43  }
0x1e3: {  	v57 =	vadd.f32 v49, v46;
	v58 =	vadd.f32 v52, v51  }
0x1e4: {  	v2 =	vadd.f32 v56, v2;
	v3 =	vadd.f32 v3, v4  }
0x1e5: {  	v59 =	vadd.f32 v5, v6;
	v60 =	vadd.f32 v58, v57  }
0x1e6: {  	v61 =	vadd.f32 v55, v54;
	v0 =	vadd.f32 v53, v0  }
0x1e7: {  	v2 =	vadd.f32 v3, v2;
	v62 =	vadd.f32 v60, v59  }
0x1e8: {  	[tilespmem:s4+$0x30] =	vst v1;
	v0 =	vadd.f32 v61, v0  }
0x1e9: {  	s28 =	rddreg [dreg:$0x9];
	v63 =	vadd.f32 v62, v2  }
0x1ea: {  	[tilespmem:s28+$0xFFFFFFB0] =	vst v0  }
0x1eb: {  	[tilespmem:s25+$0xFFFFFFB0] =	vst v63  }
0x1ec: {  	s0 =	sld [smem:$0x7FC];
	_ =	sdelay $0x1  }
0x1ed: {  	s5 =	simm.s32 $0x0;
	s29 =	simm.s32 $0x8000;
	s6 =	simm.s32 $0x1  }
0x1ee: {  	[hbm4b:s0+s5] =	stream.linear.scatter [tilespmem:s29], [sflag:$0x1], $0x4000, $0x38;
	[tilespmem:$0x10000] =	vst v63  }
0x1ef: {  	_ =	swait.ge [sflag:s6], $0x4000  }
0x1f0: {  	s30 =	sld [smem:$0x7EB]  }
0x1f1: {  	s31 =	sld [smem:$0x7FD];
	_ =	sdelay $0x1  }
0x1f2: {  	s1 =	sadd.s32 $0x1, s30  }
0x1f3: {  	p0 =	sne.s32 s1, s31  }
.Ltmp1:
0x1f4: {  	_ = 	snop;
	(pc) =	sbr.rel @p0 .LBB2_1-.Ltmp1, $3  }
0x1f5: {  	_ =	sdelay $0x1  }
0x1f6: {  	[sflag:s6] =	ssyncset.done $0x0  }
0x1f7: {  	[sflag:s6] =	ssyncadd.s32 $0xFFFFC000  }
0x1f8: {  	_ =	sfence.sel $0x180000  }
0x1f9: {  	[bflag:$0x0] =	sbarrier.arrive $0xFFFF  }
0x1fa: {  	_ =	strace $0x9000004D  }
0x1fb: {  	s0 =	stileid.u32;
	[bflag:$0x2] =	sbarrier.arrive $0xFFFF  }
0x1fc: {  	p0 =	sne.s32 s0, $0x0;
	s0 =	rddreg [dreg:$0x1]  }
0x1fd: {  	s0 =	sadd.s32 @!p0 $0x100000, s0  }
0x1fe: {  	[sflag:s0] =	ssyncadd.tile.s32 @!p0 $0x1;
	_ =	shalt  }
.Lfunc_end2:
_tile_overlayer_lowered:
.L_overlay_start_2:
0x1ff: {  	(tag) =	ssettag $0x2  }
0x200: {  	s0 =	rddreg [dreg:$0x0];
	s2 =	stileid.u32  }
0x201: {  	s1 =	rddreg [dreg:$0x1];
	p0 =	sne.s32 s2, $0x0  }
0x202: {  	s3 =	rddreg [dreg:$0x2];
	[bflag:$0x3] =	sbarrier.arrive $0xFFFF;
	s2 =	simm.s32 @!p0 $0x1C01  }
0x203: {  	[timem:s3], [sflag:s2] =	dma.local @!p0 [hbm:s0], s1  }
0x204: {  	s0 =	simm.s32 @!p0 $0x1  }
0x205: {  	_ =	swait.ge @!p0 [sflag:s0], s1  }
0x206: {  	s1 =	ssub.s32 @!p0 $0x0, s1;
	[sflag:s0] =	ssyncset.done @!p0 $0x0  }
0x207: {  	[sflag:s0] =	ssyncadd.s32 @!p0 s1  }
0x208: {  	[bflag:$0x3] =	sbarrier.arrive $0xFFFF  }
0x209: {  	_ =	shalt  }

// kernel: kernel.9.cloned.1.call-start
scs
__scs_entry_jumppad:
0x0: {  	(pc) =	sbr.rel $0x88, $3  }
0x1: {  	(tag) =	ssettag $0x0;
	lr =	simm.s32 $0x1  }
0x2: {  	[smem:$0x3F93] =	sst lr;
	_ =	strace $0xD0000000  }
0x3: {  	_ = 	snop  }
0x4: {  	_ = 	snop  }
0x5: {  	_ = 	snop  }
0x6: {  	_ = 	snop  }
0x7: {  	_ = 	snop  }
__scs_overlays_trampoline_lowered:
0x8: {  	[smem:$0x3FA2] =	sst s0  }
0x9: {  	[smem:$0x3FA3] =	sst s1  }
0xa: {  	[smem:$0x3FA4] =	sst s2  }
0xb: {  	[smem:$0x3FA5] =	sst s3  }
0xc: {  	[smem:$0x3FA6] =	sst s4  }
0xd: {  	[smem:$0x3FA7] =	sst s5  }
0xe: {  	[smem:$0x3FA8] =	sst s6  }
0xf: {  	[smem:$0x3FA9] =	sst s7  }
0x10: {  	[smem:$0x3FAA] =	sst s8  }
0x11: {  	[smem:$0x3FAB] =	sst s9;
	s0 =	simm.s32 @!p0 $0x0  }
0x12: {  	s1 =	sld [smem:$0x3F91];
	s0 =	simm.s32 @p0 $0x1  }
0x13: {  	[smem:$0x3FAC] =	sst s0;
	s0 =	simm.s32 @!p1 $0x0  }
0x14: {  	s2 =	sld [smem:$0x3F90];
	s0 =	simm.s32 @p1 $0x1  }
0x15: {  	[smem:$0x3FAD] =	sst s0;
	s0 =	simm.s32 @!p2 $0x0  }
0x16: {  	s3 =	sld [smem:$0x3FDB];
	s0 =	simm.s32 @p2 $0x1  }
0x17: {  	s4 =	simm.s32 $0x1BF5;
	[smem:$0x3FAF] =	sst s0  }
0x18: {  	s0 =	sld [smem:$0x3F92];
	_ =	swait.ge [sflag:s4], $0x0  }
0x19: {  	s7 =	sld [smem:$0x3F93]  }
0x1a: {  	s8 =	sadd.s32 $0xFFFFE003, lr  }
0x1b: {  	s9 =	sadd.s32 $0xFFFFFEF7, lr;
	s5 =	simm.s32 $0xFFFFFFFF;
	p2 =	slt.u32 s8, $0xFFFFF086  }
0x1c: {  	p1 =	slt.u32 s9, $0xF7A;
	s5 =	simm.s32 @!p2 $0x0  }
0x1d: {  	s5 =	simm.s32 @p1 $0x1;
	p0 =	seq.s32 s7, s2  }
0x1e: {  	s7 =	smul.u32 @!p0 $0xF7A, s2;
	p2 =	seq.s32 @!p0 s5, $0x0  }
0x1f: {  	s9 =	smul.u32 $0xF7A, s1;
	s8 =	simm.s32 @!p0 $0x1BF5;
	p2 =	por !p2, p0  }
0x20: {  	[sflag:s8] =	ssyncset.s32 @!p0 $0xFFFFF086;
	s6 =	sadd.s32 @!p0 s3, s7;
	s7 =	simm.s32 @!p0 $0x108  }
0x21: {  	s3 =	sadd.s32 s3, s9;
	s6 =	sadd.s32 @!p0 $0x88, s6;
	s7 =	simm.s32 @p2 $0x1082  }
0x22: {  	[simem:s7], [sflag:s8] =	dma.local @!p0 [hbm:s6], $0xF7A  }
0x23: {  	s9 =	sor.u32 $0xD0000000, s2;
	s6 =	simm.s32 $0x108;
	_ =	swait.ge @!p0 [sflag:s8], $0x0  }
0x24: {  	s3 =	sadd.s32 $0x88, s3;
	s6 =	simm.s32 @!p1 $0x1082;
	[sflag:s4] =	ssyncset.s32 $0xFFFFF086  }
0x25: {  	[simem:s6], [sflag:s4] =	dma.local [hbm:s3], $0xF7A  }
0x26: {  	[smem:$0x3F93] =	sst s1;
	(tag) =	ssettag s2;
	_ =	strace s9  }
0x27: {  	s1 =	sld [smem:$0x3FA3]  }
0x28: {  	s2 =	sld [smem:$0x3FA4]  }
0x29: {  	s4 =	sld [smem:$0x3FA6]  }
0x2a: {  	p0 =	seq.s32 s5, $0x0;
	s5 =	sld [smem:$0x3FA7]  }
0x2b: {  	s6 =	sld [smem:$0x3FA8]  }
0x2c: {  	s7 =	sld [smem:$0x3FA9]  }
0x2d: {  	s3 =	simm.s32 $0x108;
	s8 =	sld [smem:$0x3FAA]  }
0x2e: {  	s3 =	simm.s32 @!p0 $0x1082;
	s9 =	sld [smem:$0x3FAB]  }
0x2f: {  	lr =	sadd.s32 s0, s3;
	s0 =	sld [smem:$0x3FA2]  }
0x30: {  	s3 =	sld [smem:$0x3FA5]  }
0x31: {  	[smem:$0x3FAE] =	sst s10  }
0x32: {  	s10 =	sld [smem:$0x3FAC];
	_ =	sdelay $0x3  }
0x33: {  	p0 =	seq.s32 s10, $0x1;
	s10 =	sld [smem:$0x3FAE];
	_ =	sdelay $0x3  }
0x34: {  	[smem:$0x3FAE] =	sst s10  }
0x35: {  	s10 =	sld [smem:$0x3FAD];
	_ =	sdelay $0x3  }
0x36: {  	p1 =	seq.s32 s10, $0x1;
	s10 =	sld [smem:$0x3FAE];
	_ =	sdelay $0x3  }
0x37: {  	[smem:$0x3FAE] =	sst s10  }
0x38: {  	s10 =	sld [smem:$0x3FAF]  }
0x39: {  	_ = 	snop;
	(pc) =	sbr.ind lr, $3  }
0x3a: {  	_ = 	snop  }
0x3b: {  	_ = 	snop  }
0x3c: {  	p2 =	seq.s32 s10, $0x1;
	s10 =	sld [smem:$0x3FAE]  }
0x3d: {  	_ =	shalt  }
0x3e: {  	_ =	shalt  }
0x3f: {  	_ =	shalt  }
0x40: {  	_ =	shalt  }
0x41: {  	_ =	shalt  }
0x42: {  	_ =	shalt  }
0x43: {  	_ =	shalt  }
0x44: {  	_ =	shalt  }
0x45: {  	_ =	shalt  }
0x46: {  	_ =	shalt  }
0x47: {  	_ =	shalt  }
0x48: {  	_ =	shalt  }
0x49: {  	_ =	shalt  }
0x4a: {  	_ =	shalt  }
0x4b: {  	_ =	shalt  }
0x4c: {  	_ =	shalt  }
0x4d: {  	_ =	shalt  }
0x4e: {  	_ =	shalt  }
0x4f: {  	_ =	shalt  }
0x50: {  	_ =	shalt  }
0x51: {  	_ =	shalt  }
0x52: {  	_ =	shalt  }
0x53: {  	_ =	shalt  }
0x54: {  	_ =	shalt  }
0x55: {  	_ =	shalt  }
0x56: {  	_ =	shalt  }
0x57: {  	_ =	shalt  }
0x58: {  	_ =	shalt  }
0x59: {  	_ =	shalt  }
0x5a: {  	_ =	shalt  }
0x5b: {  	_ =	shalt  }
0x5c: {  	_ =	shalt  }
0x5d: {  	_ =	shalt  }
0x5e: {  	_ =	shalt  }
0x5f: {  	_ =	shalt  }
0x60: {  	_ =	shalt  }
0x61: {  	_ =	shalt  }
0x62: {  	_ =	shalt  }
0x63: {  	_ =	shalt  }
0x64: {  	_ =	shalt  }
0x65: {  	_ =	shalt  }
0x66: {  	_ =	shalt  }
0x67: {  	_ =	shalt  }
0x68: {  	_ =	shalt  }
0x69: {  	_ =	shalt  }
0x6a: {  	_ =	shalt  }
0x6b: {  	_ =	shalt  }
0x6c: {  	_ =	shalt  }
0x6d: {  	_ =	shalt  }
0x6e: {  	_ =	shalt  }
0x6f: {  	_ =	shalt  }
0x70: {  	_ =	shalt  }
0x71: {  	_ =	shalt  }
0x72: {  	_ =	shalt  }
0x73: {  	_ =	shalt  }
0x74: {  	_ =	shalt  }
0x75: {  	_ =	shalt  }
0x76: {  	_ =	shalt  }
0x77: {  	_ =	shalt  }
0x78: {  	_ =	shalt  }
0x79: {  	_ =	shalt  }
0x7a: {  	_ =	shalt  }
0x7b: {  	_ =	shalt  }
0x7c: {  	_ =	shalt  }
0x7d: {  	_ =	shalt  }
0x7e: {  	_ =	shalt  }
0x7f: {  	_ =	shalt  }
0x80: {  	_ =	shalt  }
0x81: {  	_ =	shalt  }
0x82: {  	_ =	shalt  }
0x83: {  	_ =	shalt  }
0x84: {  	_ =	shalt  }
0x85: {  	_ =	shalt  }
0x86: {  	_ =	shalt  }
0x87: {  	_ =	shalt  }
.Lfunc_end0:
.L_simem_size_0:
called_computation_lowered:
.L_overlay_start_0:
0x88: {  	s2 =	sld [smem:$0x3FD9]  }
0x89: {  	s3 =	sld [smem:$0x3FFE];
	_ =	sdelay $0x1  }
0x8a: {  	s1 =	srdreg.scid  }
0x8b: {  	s0 =	sand.u32 $0x1, s1  }
0x8c: {  	s16 =	sshll.u32 s0, $0xA;
	s2 =	sadd.s32 s3, s2  }
0x8d: {  	s2 =	sadd.s32 s2, s16  }
0x8e: {  	[smem:$0x3FBA] =	sst s2  }
0x8f: {  	_ = 	snop  }
0x90: {  	(tm) =	ssettm $0x1  }
0x91: {  	s17 =	sld [smem:$0x3FFB];
	_ =	sdelay $0x3  }
0x92: {  	_ =	strace s17  }
0x93: {  	s2 =	sld [smem:$0x3FFC];
	_ =	sdelay $0x3  }
0x94: {  	_ =	strace s2  }
0x95: {  	s2 =	sld [smem:$0x3FFD];
	_ =	sdelay $0x3  }
0x96: {  	_ =	strace s2  }
0x97: {  	_ =	strace $0x8FFFFFFF  }
0x98: {  	s18 =	sld [smem:$0x3FDB];
	_ =	sdelay $0x1  }
0x99: {  	s19 =	simm.s32 $_scs_section_size  }
0x9a: {  	s4 =	simm.s32 $_size__tile_overlayer_lowered;
	s5 =	simm.s32 $_tile_overlayer_lowered  }
0x9b: {  	s22 =	simm.s32 $0x1BFF;
	s21 =	sshll.u32 s5, $0x1;
	s2 =	sadd.s32 s19, s18  }
0x9c: {  	s6 =	simm.s32 $0x0;
	s20 =	sshll.u32 s4, $0x1;
	s4 =	sadd.s32 s21, s2  }
0x9d: {  	[timem:s6], [sflag:s22] =	dma.local [hbm:s4], s20  }
0x9e: {  	_ =	swait.ge [sflag:s22], s20  }
0x9f: {  	s3 =	ssub.s32 $0x0, s20;
	[sflag:s22] =	ssyncset.done $0x0  }
0xa0: {  	[sflag:s22] =	ssyncadd.s32 s3;
	_ =	sdelay $0x1  }
0xa1: {  	s23 =	simm.s32 $0x1B8B  }
0xa2: {  	_ =	swait.ge [sflag:s23], $0x1  }
0xa3: {  	[sflag:s23] =	ssyncset.done $0x0  }
0xa4: {  	s25 =	simm.s32 $0x1B8E;
	s24 =	sld [smem:$0x3FFE];
	[sflag:s23] =	ssyncadd.s32 $0xFFFFFFFF  }
0xa5: {  	s26 =	simm.s32 $execute0_lowered;
	[smem:$0x3FD2] =	sst s25  }
0xa6: {  	s4 =	sshll.u32 s26, $0x1;
	_ =	strace $0x80000046;
	[dreg:$0x1] =	wrdreg $0xFFFFFFFF  }
0xa7: {  	s28 =	simm.s32 $_size_execute0_lowered;
	s2 =	sadd.s32 s2, s4;
	[dreg:$0x0] =	wrdreg $0x0  }
0xa8: {  	s4 =	sshll.u32 s28, $0x1;
	[dreg:$0x2] =	wrdreg s2  }
0xa9: {  	[dreg:$0x3] =	wrdreg s4  }
0xaa: {  	[dreg:$0x4] =	wrdreg $0xC0  }
0xab: {  	_ =	task [dreg:s6], $0x5FFFF  }
0xac: {  	[dreg:$0x1] =	wrdreg $0xFFFFFFFF  }
0xad: {  	[dreg:$0x0] =	wrdreg $0x60  }
0xae: {  	[dreg:$0x2] =	wrdreg s24  }
0xaf: {  	[dreg:$0x3] =	wrdreg $0x9  }
0xb0: {  	_ =	task.clear_ibuf [dreg:s6], $0x4FFFF;
	_ =	strace $0x90000046  }
0xb1: {  	s29 =	simm.s32 $0x9;
	_ =	strace $0x80000048  }
0xb2: {  	_ =	swait.ge [sflag:s29], $0x1  }
0xb3: {  	[sflag:s29] =	ssyncadd.s32 $0xFFFFFFFF  }
0xb4: {  	_ =	strace $0x90000048  }
0xb5: {  	_ =	sfence  }
0xb6: {  	s30 =	sld [smem:$0x0];
	_ =	sdelay $0x2  }
0xb7: {  	s31 =	sshll.u32 s1, $0xD;
	s1 =	sshrl.u32 s1, $0x2  }
0xb8: {  	s3 =	sand.u32 $0x4000, s31;
	s1 =	sadd.s32 s1, s30  }
0xb9: {  	s0 =	sor.u32 s3, s0;
	s1 =	sshll.u32 s1, $0x11  }
0xba: {  	s0 =	sor.u32 s1, s0  }
0xbb: {  	s0 =	sadd.s32 $0x8F2B, s0  }
0xbc: {  	[sflag:s0] =	ssyncadd.remote.s32 $0x1  }
0xbd: {  	_ =	sfence.sel $0xFFFF  }
0xbe: {  	[dreg:$0x0] =	wrdreg $0xFFFFFFFF;
	(pc) =	sbr.abs _section_cstart, $3  }
0xbf: {  	[dreg:$0x1] =	wrdreg $0xFFFFFFFF  }
0xc0: {  	_ =	task.clear_ibuf [dreg:s6], $0x2FFFF;
	_ =	strace $0x9FFFFFFF  }
0xc1: {  	(tm) =	ssettm $0x7FFFFFFF  }
tec
execute0_lowered:
.L_overlay_start_1:
0x0: {  	(tag) =	ssettag $0x1  }
0x1: {  	s0 =	srdreg.scid;
	s4 =	stileid.u32  }
0x2: {  	s0 =	sand.u32 $0x1, s0;
	s1 =	sshll.u32 s4, $0x1  }
0x3: {  	s2 =	rddreg [dreg:$0x0];
	s1 =	sor.u32 s0, s1  }
0x4: {  	s5 =	simm.s32 $0x0;
	p1 =	seq.s32 s0, $0x1;
	p0 =	seq.s32 s1, $0x0  }
0x5: {  	[smem:$0x7FF] =	sst s5;
	p0 =	por !p0, !p1  }
0x6: {  	s3 =	simm.s32 $0x1;
	_ =	strace $0x80000047;
	p0 =	por !p0, !p0  }
0x7: {  	s0 =	ssub.s32 $0x2, s0;
	s1 =	sshll.u32 s1, $0xB;
	s3 =	simm.s32 @!p0 $0x0  }
0x8: {  	s29 =	sshrl.u32 s0, $0x1;
	s1 =	sadd.s32 s1, s2;
	s3 =	ssub.s32 s4, s3  }
0x9: {  	s0 =	ssub.s32 s0, s29;
	s31 =	sadd.s32 $0x3C00, s1;
	s3 =	sshll.u32 s3, $0xC  }
0xa: {  	s1 =	sadd.s32 $0x23C00, s1;
	[smem:$0x7FB] =	sst s31;
	s3 =	sand.u32 $0x1FFFF000, s3  }
0xb: {  	s0 =	smax.u32 s0, $0x1;
	[smem:$0x7FC] =	sst s1;
	s3 =	sadd.s32 s3, s2  }
0xc: {  	[smem:$0x7FD] =	sst s0;
	s30 =	sadd.s32 $0x13C00, s3  }
0xd: {  	s6 =	simm.s32 $0x1;
	s1 =	simm.s32 $0x0;
	[smem:$0x7FA] =	sst s30  }
.LBB2_1:
0xe: {  	s0 =	sld [smem:$0x7FA];
	_ =	sdelay $0x1  }
0xf: {  	[smem:$0x7EB] =	sst s1  }
0x10: {  	[tilespmem:s5], [sflag:$0x1] =	stream.linear.gather [hbm4b:s0+s5], $0x8000, $0x38;
	[tilespmem:$0x10000] =	vst v63  }
0x11: {  	_ =	swait.ge [sflag:s6], $0x8000  }
0x12: {  	s17 =	sld [smem:$0x7FB]  }
0x13: {  	[sflag:s6] =	ssyncset.done $0x0  }
0x14: {  	s18 =	simm.s32 $0xC000;
	[sflag:s6] =	ssyncadd.s32 $0xFFFF8000  }
0x15: {  	[tilespmem:s18], [sflag:$0x1] =	stream.linear.gather [hbm4b:s17+s5], $0x4000, $0x38;
	[tilespmem:$0x10000] =	vst v63  }
0x16: {  	_ =	swait.ge [sflag:s6], $0x4000  }
0x17: {  	[sflag:s6] =	ssyncset.done $0x0  }
0x18: {  	s3 =	simm.s32 $0xC080;
	[sflag:s6] =	ssyncadd.s32 $0xFFFFC000  }
0x19: {  	v0 =	vld [tilespmem:s3+$0x0];
	_ =	sdelay $0x4  }
0x1a: {  	v0 =	vshll.u32 v0, $0x9  }
0x1b: {  	v0 =	vshra.s32 v0, $0x2  }
0x1c: {  	(v2sf) =	vpush v0, $0x0  }
0x1d: {  	(v2sf) =	vpush v0, $0x1  }
0x1e: {  	(v2sf) =	vpush v0, $0x2  }
0x1f: {  	(v2sf) =	vpush v0, $0x3  }
0x20: {  	(v2sf) =	vpush v0, $0x4  }
0x21: {  	(v2sf) =	vpush v0, $0x5  }
0x22: {  	(v2sf) =	vpush v0, $0x6  }
0x23: {  	(v2sf) =	vpush v0, $0x7  }
0x24: {  	(v2sf) =	vpush v0, $0x8  }
0x25: {  	(v2sf) =	vpush v0, $0x9  }
0x26: {  	(v2sf) =	vpush v0, $0xA  }
0x27: {  	(v2sf) =	vpush v0, $0xB  }
0x28: {  	(v2sf) =	vpush v0, $0xC  }
0x29: {  	(v2sf) =	vpush v0, $0xD  }
0x2a: {  	(v2sf) =	vpush v0, $0xE  }
0x2b: {  	s15 =	spop (v2sf);
	(v2sf) =	vpush v0, $0xF  }
0x2c: {  	v0 =	vld [tilespmem:s15+$0x0];
	s16 =	spop (v2sf)  }
0x2d: {  	v1 =	vld [tilespmem:s16+$0x0];
	s14 =	spop (v2sf)  }
0x2e: {  	v2 =	vld [tilespmem:s14+$0x0];
	s13 =	spop (v2sf)  }
0x2f: {  	v3 =	vld [tilespmem:s13+$0x0];
	s12 =	spop (v2sf)  }
0x30: {  	v4 =	vld [tilespmem:s12+$0x0];
	s11 =	spop (v2sf)  }
0x31: {  	v5 =	vld [tilespmem:s11+$0x0];
	s10 =	spop (v2sf)  }
0x32: {  	v6 =	vld [tilespmem:s10+$0x0];
	s2 =	spop (v2sf)  }
0x33: {  	v7 =	vld [tilespmem:s2+$0x0];
	s17 =	spop (v2sf)  }
0x34: {  	v8 =	vld [tilespmem:s17+$0x0];
	s4 =	spop (v2sf)  }
0x35: {  	v9 =	vld [tilespmem:s4+$0x0];
	s19 =	spop (v2sf)  }
0x36: {  	v10 =	vld [tilespmem:s19+$0x0];
	s9 =	spop (v2sf)  }
0x37: {  	v11 =	vld [tilespmem:s9+$0x0];
	s8 =	spop (v2sf)  }
0x38: {  	v12 =	vld [tilespmem:s8+$0x0];
	s7 =	spop (v2sf)  }
0x39: {  	v13 =	vld [tilespmem:s7+$0x0];
	s20 =	spop (v2sf)  }
0x3a: {  	v14 =	vld [tilespmem:s20+$0x0];
	s21 =	spop (v2sf)  }
0x3b: {  	v15 =	vld [tilespmem:s21+$0x0];
	_ =	sdelay $0x1  }
0x3c: {  	v0 =	vadd.f32 v1, v0;
	v1 =	vadd.f32 v3, v2  }
0x3d: {  	v2 =	vadd.f32 v5, v4;
	v3 =	vadd.f32 v7, v6  }
0x3e: {  	v4 =	vadd.f32 v9, v8;
	v5 =	vadd.f32 v11, v10  }
0x3f: {  	v6 =	vadd.f32 v13, v12;
	v7 =	vadd.f32 v15, v14  }
0x40: {  	v0 =	vadd.f32 v1, v0;
	v1 =	vadd.f32 v3, v2  }
0x41: {  	v2 =	vadd.f32 v5, v4;
	v3 =	vadd.f32 v7, v6;
	_ =	sdelay $0x1  }
0x42: {  	v0 =	vadd.f32 v1, v0;
	v1 =	vadd.f32 v3, v2;
	_ =	sdelay $0x1  }
0x43: {  	v0 =	vadd.f32 v1, v0  }
0x44: {  	s22 =	simm.s32 $0x8080  }
0x45: {  	[tilespmem:s22+$0x0] =	vst v0  }
0x46: {  	v0 =	vld [tilespmem:s15+$0x10]  }
0x47: {  	v1 =	vld [tilespmem:s16+$0x10]  }
0x48: {  	v2 =	vld [tilespmem:s14+$0x10]  }
0x49: {  	v3 =	vld [tilespmem:s13+$0x10]  }
0x4a: {  	v4 =	vld [tilespmem:s12+$0x10]  }
0x4b: {  	v5 =	vld [tilespmem:s11+$0x10]  }
0x4c: {  	v6 =	vld [tilespmem:s10+$0x10]  }
0x4d: {  	v7 =	vld [tilespmem:s2+$0x10]  }
0x4e: {  	v8 =	vld [tilespmem:s17+$0x10];
	[smem:$0x7EC] =	sst s17  }
0x4f: {  	v9 =	vld [tilespmem:s4+$0x10];
	[smem:$0x7ED] =	sst s4  }
0x50: {  	v10 =	vld [tilespmem:s19+$0x10];
	[smem:$0x7EE] =	sst s19  }
0x51: {  	v11 =	vld [tilespmem:s9+$0x10];
	[smem:$0x7F0] =	sst s9  }
0x52: {  	v12 =	vld [tilespmem:s8+$0x10];
	[smem:$0x7F1] =	sst s8  }
0x53: {  	v13 =	vld [tilespmem:s7+$0x10];
	[smem:$0x7F2] =	sst s7  }
0x54: {  	v14 =	vld [tilespmem:s20+$0x10];
	[smem:$0x7F3] =	sst s20  }
0x55: {  	v15 =	vld [tilespmem:s21+$0x10];
	_ =	sdelay $0x1  }
0x56: {  	v0 =	vadd.f32 v1, v0;
	v1 =	vadd.f32 v3, v2  }
0x57: {  	v2 =	vadd.f32 v5, v4;
	v3 =	vadd.f32 v7, v6  }
0x58: {  	v4 =	vadd.f32 v9, v8;
	v5 =	vadd.f32 v11, v10  }
0x59: {  	v6 =	vadd.f32 v13, v12;
	v7 =	vadd.f32 v15, v14  }
0x5a: {  	v0 =	vadd.f32 v1, v0;
	v1 =	vadd.f32 v3, v2  }
0x5b: {  	v2 =	vadd.f32 v5, v4;
	v3 =	vadd.f32 v7, v6  }
0x5c: {  	[smem:$0x7F4] =	sst s21  }
0x5d: {  	v0 =	vadd.f32 v1, v0;
	v4 =	vld [tilespmem:s3+$0xFFFFFF80];
	v1 =	vadd.f32 v3, v2;
	_ =	sdelay $0x1  }
0x5e: {  	v0 =	vadd.f32 v1, v0  }
0x5f: {  	s23 =	simm.s32 $0x8080  }
0x60: {  	[tilespmem:s23+$0x10] =	vst v0  }
0x61: {  	v0 =	vshll.u32 v4, $0x9;
	v1 =	vld [tilespmem:s15+$0x20]  }
0x62: {  	v0 =	vshra.s32 v0, $0x2;
	v2 =	vld [tilespmem:s16+$0x20]  }
0x63: {  	v3 =	vld [tilespmem:s14+$0x20];
	(v2sf) =	vpush v0, $0x0  }
0x64: {  	v4 =	vld [tilespmem:s13+$0x20];
	(v2sf) =	vpush v0, $0x1  }
0x65: {  	v5 =	vld [tilespmem:s12+$0x20];
	(v2sf) =	vpush v0, $0x2  }
0x66: {  	v6 =	vld [tilespmem:s11+$0x20];
	(v2sf) =	vpush v0, $0x3  }
0x67: {  	v7 =	vld [tilespmem:s10+$0x20];
	(v2sf) =	vpush v0, $0x4  }
0x68: {  	v8 =	vld [tilespmem:s2+$0x20];
	(v2sf) =	vpush v0, $0x5  }
0x69: {  	v9 =	vld [tilespmem:s17+$0x20];
	(v2sf) =	vpush v0, $0x6  }
0x6a: {  	v10 =	vld [tilespmem:s4+$0x20];
	(v2sf) =	vpush v0, $0x7  }
0x6b: {  	v11 =	vld [tilespmem:s19+$0x20];
	(v2sf) =	vpush v0, $0x8  }
0x6c: {  	v12 =	vld [tilespmem:s9+$0x20];
	(v2sf) =	vpush v0, $0x9  }
0x6d: {  	v13 =	vld [tilespmem:s8+$0x20];
	(v2sf) =	vpush v0, $0xA  }
0x6e: {  	v14 =	vld [tilespmem:s7+$0x20];
	(v2sf) =	vpush v0, $0xB  }
0x6f: {  	v15 =	vld [tilespmem:s20+$0x20];
	(v2sf) =	vpush v0, $0xC  }
0x70: {  	v16 =	vld [tilespmem:s21+$0x20];
	s8 =	simm.s32 $0xC180;
	(v2sf) =	vpush v0, $0xD  }
0x71: {  	v17 =	vld [tilespmem:s8+$0x0];
	(v2sf) =	vpush v0, $0xE  }
0x72: {  	(v2sf) =	vpush v0, $0xF;
	v0 =	vadd.f32 v2, v1  }
0x73: {  	v1 =	vadd.f32 v4, v3;
	v2 =	vadd.f32 v6, v5  }
0x74: {  	v3 =	vadd.f32 v8, v7;
	v4 =	vadd.f32 v10, v9  }
0x75: {  	v5 =	vadd.f32 v12, v11;
	v6 =	vadd.f32 v14, v13  }
0x76: {  	v7 =	vadd.f32 v16, v15;
	s24 =	spop (v2sf);
	v0 =	vadd.f32 v1, v0;
	v1 =	vshll.u32 v17, $0x9  }
0x77: {  	s26 =	spop (v2sf);
	v2 =	vadd.f32 v3, v2;
	v3 =	vadd.f32 v5, v4;
	v8 =	vshra.s32 v1, $0x2  }
0x78: {  	s31 =	spop (v2sf);
	v1 =	vadd.f32 v7, v6;
	(v2sf) =	vpush v8, $0x0  }
0x79: {  	s19 =	spop (v2sf);
	v0 =	vadd.f32 v2, v0;
	(v2sf) =	vpush v8, $0x1  }
0x7a: {  	s25 =	spop (v2sf);
	v1 =	vadd.f32 v1, v3;
	(v2sf) =	vpush v8, $0x2  }
0x7b: {  	[smem:$0x7EF] =	sst s24;
	s30 =	spop (v2sf);
	(v2sf) =	vpush v8, $0x3  }
0x7c: {  	[dreg:$0x17] =	wrdreg s26;
	s29 =	spop (v2sf);
	v0 =	vadd.f32 v1, v0;
	(v2sf) =	vpush v8, $0x4  }
0x7d: {  	s18 =	simm.s32 $0x8080;
	[dreg:$0xb] =	wrdreg s31;
	s4 =	spop (v2sf);
	(v2sf) =	vpush v8, $0x5  }
0x7e: {  	v7 =	vld [tilespmem:s24+$0x0];
	s5 =	spop (v2sf);
	[tilespmem:s18+$0x20] =	vst v0;
	(v2sf) =	vpush v8, $0x6  }
0x7f: {  	s6 =	spop (v2sf);
	v0 =	vld [tilespmem:s15+$0x30];
	(v2sf) =	vpush v8, $0x7  }
0x80: {  	v1 =	vld [tilespmem:s16+$0x30];
	s7 =	spop (v2sf);
	(v2sf) =	vpush v8, $0x8  }
0x81: {  	v2 =	vld [tilespmem:s14+$0x30];
	s3 =	spop (v2sf);
	(v2sf) =	vpush v8, $0x9  }
0x82: {  	v4 =	vld [tilespmem:s12+$0x30];
	s12 =	spop (v2sf);
	(v2sf) =	vpush v8, $0xA  }
0x83: {  	v3 =	vld [tilespmem:s13+$0x30];
	s9 =	spop (v2sf);
	(v2sf) =	vpush v8, $0xB  }
0x84: {  	v5 =	vld [tilespmem:s11+$0x30];
	[dreg:$0x4] =	wrdreg s9;
	s1 =	spop (v2sf);
	(v2sf) =	vpush v8, $0xC  }
0x85: {  	v6 =	vld [tilespmem:s10+$0x30];
	[dreg:$0x5] =	wrdreg s1;
	(v2sf) =	vpush v8, $0xD  }
0x86: {  	s14 =	spop (v2sf);
	v9 =	vld [tilespmem:s26+$0x0];
	(v2sf) =	vpush v8, $0xE  }
0x87: {  	v10 =	vld [tilespmem:s31+$0x0];
	(v2sf) =	vpush v8, $0xF;
	s26 =	spop (v2sf)  }
0x88: {  	v8 =	vld [tilespmem:s26+$0x0];
	s24 =	spop (v2sf)  }
0x89: {  	v11 =	vld [tilespmem:s24+$0x0];
	s23 =	spop (v2sf)  }
0x8a: {  	v12 =	vld [tilespmem:s23+$0x0];
	s22 =	spop (v2sf)  }
0x8b: {  	v13 =	vld [tilespmem:s22+$0x0];
	s20 =	spop (v2sf)  }
0x8c: {  	v14 =	vld [tilespmem:s20+$0x0];
	s21 =	spop (v2sf)  }
0x8d: {  	v15 =	vld [tilespmem:s21+$0x0];
	s18 =	spop (v2sf)  }
0x8e: {  	v16 =	vld [tilespmem:s18+$0x0];
	s31 =	spop (v2sf)  }
0x8f: {  	v17 =	vld [tilespmem:s31+$0x0];
	s17 =	spop (v2sf)  }
0x90: {  	v18 =	vld [tilespmem:s17+$0x0];
	s13 =	spop (v2sf)  }
0x91: {  	v19 =	vld [tilespmem:s13+$0x0];
	s10 =	spop (v2sf)  }
0x92: {  	v20 =	vld [tilespmem:s10+$0x0];
	s0 =	spop (v2sf)  }
0x93: {  	v21 =	vld [tilespmem:s0+$0x0];
	s28 =	spop (v2sf)  }
0x94: {  	v22 =	vld [tilespmem:s28+$0x0];
	s16 =	spop (v2sf)  }
0x95: {  	v23 =	vld [tilespmem:s16+$0x0];
	s15 =	spop (v2sf)  }
0x96: {  	v24 =	vld [tilespmem:s15+$0x0];
	s11 =	spop (v2sf)  }
0x97: {  	v25 =	vld [tilespmem:s11+$0x0]  }
0x98: {  	v26 =	vld [tilespmem:s19+$0x0]  }
0x99: {  	v27 =	vld [tilespmem:s25+$0x0];
	v8 =	vadd.f32 v11, v8;
	v11 =	vadd.f32 v13, v12  }
0x9a: {  	v35 =	vld [tilespmem:s4+$0x0];
	v13 =	vadd.f32 v15, v14;
	v14 =	vadd.f32 v17, v16  }
0x9b: {  	v37 =	vld [tilespmem:s3+$0x0];
	v16 =	vadd.f32 v19, v18;
	v17 =	vadd.f32 v21, v20  }
0x9c: {  	v12 =	vld [tilespmem:s30+$0x0];
	v36 =	vadd.f32 v23, v22;
	v20 =	vadd.f32 v25, v24  }
0x9d: {  	v15 =	vld [tilespmem:s29+$0x0];
	v8 =	vadd.f32 v11, v8;
	v11 =	vadd.f32 v14, v13  }
0x9e: {  	v13 =	vld [tilespmem:s6+$0x0];
	v14 =	vadd.f32 v17, v16;
	v16 =	vadd.f32 v20, v36  }
0x9f: {  	v21 =	vld [tilespmem:s5+$0x0]  }
0xa0: {  	v8 =	vadd.f32 v11, v8;
	v17 =	vld [tilespmem:s7+$0x0];
	[dreg:$0x2] =	wrdreg s3;
	v11 =	vadd.f32 v16, v14  }
0xa1: {  	v20 =	vld [tilespmem:s14+$0x0]  }
0xa2: {  	v14 =	vld [tilespmem:s12+$0x0];
	v8 =	vadd.f32 v11, v8  }
0xa3: {  	v16 =	vld [tilespmem:s9+$0x0];
	s9 =	simm.s32 $0x8180  }
0xa4: {  	v11 =	vld [tilespmem:s1+$0x0];
	[tilespmem:s9+$0x0] =	vst v8  }
0xa5: {  	v22 =	vld [tilespmem:s26+$0x10]  }
0xa6: {  	v23 =	vld [tilespmem:s24+$0x10]  }
0xa7: {  	v38 =	vld [tilespmem:s23+$0x10]  }
0xa8: {  	v39 =	vld [tilespmem:s22+$0x10]  }
0xa9: {  	v28 =	vld [tilespmem:s20+$0x10]  }
0xaa: {  	v29 =	vld [tilespmem:s21+$0x10]  }
0xab: {  	v30 =	vld [tilespmem:s18+$0x10]  }
0xac: {  	v7 =	vadd.f32 v9, v7;
	v8 =	vadd.f32 v26, v10;
	v10 =	vld [tilespmem:s31+$0x10]  }
0xad: {  	v9 =	vadd.f32 v12, v27;
	v12 =	vadd.f32 v35, v15;
	v15 =	vld [tilespmem:s17+$0x10]  }
0xae: {  	v13 =	vadd.f32 v13, v21;
	v17 =	vadd.f32 v37, v17;
	v40 =	vld [tilespmem:s13+$0x10]  }
0xaf: {  	v14 =	vadd.f32 v16, v14;
	v16 =	vld [tilespmem:s10+$0x10];
	s9 =	sld [smem:$0x7ED];
	v7 =	vadd.f32 v8, v7  }
0xb0: {  	v8 =	vadd.f32 v12, v9;
	v12 =	vld [tilespmem:s0+$0x10];
	[smem:$0x7F5] =	sst s0;
	v11 =	vadd.f32 v20, v11  }
0xb1: {  	s1 =	smov.u32 s0;
	v9 =	vadd.f32 v17, v13;
	v13 =	vld [tilespmem:s28+$0x10];
	[smem:$0x7F6] =	sst s28  }
0xb2: {  	s0 =	smov.u32 s28;
	s28 =	smov.u32 s7;
	s7 =	sld [smem:$0x7EC];
	v11 =	vadd.f32 v11, v14  }
0xb3: {  	v14 =	vld [tilespmem:s16+$0x10];
	[smem:$0x7F7] =	sst s16  }
0xb4: {  	v9 =	vadd.f32 v11, v9;
	v11 =	vld [tilespmem:s15+$0x10];
	[smem:$0x7F8] =	sst s15  }
0xb5: {  	v7 =	vadd.f32 v8, v7;
	v17 =	vld [tilespmem:s11+$0x10];
	[smem:$0x7F9] =	sst s11  }
0xb6: {  	v20 =	vadd.f32 v23, v22;
	v8 =	vld [tilespmem:s2+$0x30]  }
0xb7: {  	v21 =	vadd.f32 v39, v38;
	v41 =	vadd.f32 v9, v7;
	v7 =	vld [tilespmem:s7+$0x30];
	s7 =	smov.u32 s6;
	s6 =	sld [smem:$0x7EE]  }
0xb8: {  	v22 =	vadd.f32 v29, v28;
	v23 =	vadd.f32 v10, v30;
	v9 =	vld [tilespmem:s9+$0x30]  }
0xb9: {  	v15 =	vadd.f32 v40, v15;
	v12 =	vadd.f32 v12, v16;
	v16 =	vld [tilespmem:s8+$0xFFFFFF80];
	s9 =	simm.s32 $0x8080  }
0xba: {  	v13 =	vadd.f32 v14, v13;
	[tilespmem:s9+$0xFFFFFF80] =	vst v41;
	v10 =	vld [tilespmem:s6+$0x30];
	v11 =	vadd.f32 v17, v11  }
0xbb: {  	v42 =	vadd.f32 v23, v22;
	v12 =	vadd.f32 v12, v15;
	v15 =	vld [tilespmem:s19+$0x10]  }
0xbc: {  	s2 =	sld [smem:$0x7EF];
	v43 =	vld [tilespmem:s30+$0x10];
	v17 =	vadd.f32 v21, v20;
	v11 =	vadd.f32 v11, v13  }
0xbd: {  	s8 =	rddreg [dreg:$0x17];
	v35 =	vld [tilespmem:s5+$0x10]  }
0xbe: {  	v19 =	vld [tilespmem:s8+$0x10];
	v17 =	vadd.f32 v42, v17;
	v11 =	vadd.f32 v11, v12  }
0xbf: {  	v20 =	vld [tilespmem:s4+$0x10]  }
0xc0: {  	s9 =	rddreg [dreg:$0xb];
	v14 =	vld [tilespmem:s2+$0x10];
	v11 =	vadd.f32 v11, v17  }
0xc1: {  	s6 =	simm.s32 $0x8180;
	v13 =	vld [tilespmem:s9+$0x10]  }
0xc2: {  	v17 =	vld [tilespmem:s29+$0x10];
	[tilespmem:s6+$0x10] =	vst v11  }
0xc3: {  	v11 =	vld [tilespmem:s26+$0x20]  }
0xc4: {  	v21 =	vld [tilespmem:s24+$0x20]  }
0xc5: {  	v22 =	vld [tilespmem:s23+$0x20]  }
0xc6: {  	v23 =	vld [tilespmem:s22+$0x20]  }
0xc7: {  	v44 =	vld [tilespmem:s20+$0x20]  }
0xc8: {  	v45 =	vld [tilespmem:s21+$0x20]  }
0xc9: {  	v46 =	vld [tilespmem:s18+$0x20]  }
0xca: {  	v47 =	vld [tilespmem:s31+$0x20]  }
0xcb: {  	v48 =	vld [tilespmem:s17+$0x20]  }
0xcc: {  	v49 =	vld [tilespmem:s13+$0x20]  }
0xcd: {  	v50 =	vld [tilespmem:s10+$0x20]  }
0xce: {  	v31 =	vld [tilespmem:s1+$0x20]  }
0xcf: {  	v14 =	vadd.f32 v19, v14;
	v13 =	vadd.f32 v15, v13;
	v32 =	vld [tilespmem:s0+$0x20]  }
0xd0: {  	v16 =	vshll.u32 v16, $0x9;
	v33 =	vld [tilespmem:s16+$0x20]  }
0xd1: {  	v34 =	vld [tilespmem:s15+$0x20];
	v14 =	vadd.f32 v13, v14;
	v13 =	vadd.f32 v20, v17;
	v20 =	vshra.s32 v16, $0x2  }
0xd2: {  	v51 =	vld [tilespmem:s11+$0x20];
	(v2sf) =	vpush v20, $0x0  }
0xd3: {  	v53 =	vld [tilespmem:s3+$0x10];
	(v2sf) =	vpush v20, $0x1  }
0xd4: {  	v56 =	vld [tilespmem:s12+$0x10];
	v11 =	vadd.f32 v21, v11;
	v52 =	vadd.f32 v23, v22  }
0xd5: {  	v12 =	vld [tilespmem:s25+$0x10];
	v22 =	vadd.f32 v45, v44;
	v23 =	vadd.f32 v47, v46  }
0xd6: {  	v15 =	vld [tilespmem:s7+$0x10];
	s1 =	rddreg [dreg:$0x4];
	v54 =	vadd.f32 v49, v48;
	v55 =	vadd.f32 v31, v50  }
0xd7: {  	s3 =	sld [smem:$0x7F0];
	v58 =	vld [tilespmem:s1+$0x10];
	v57 =	vadd.f32 v33, v32;
	v19 =	vadd.f32 v51, v34  }
0xd8: {  	s16 =	sld [smem:$0x7F2];
	v17 =	vld [tilespmem:s14+$0x10];
	v11 =	vadd.f32 v52, v11;
	v59 =	vadd.f32 v23, v22  }
0xd9: {  	s11 =	sld [smem:$0x7F1];
	v21 =	vld [tilespmem:s28+$0x10];
	v23 =	vadd.f32 v55, v54;
	v19 =	vadd.f32 v19, v57  }
0xda: {  	v12 =	vadd.f32 v43, v12;
	s15 =	rddreg [dreg:$0x5];
	v25 =	vld [tilespmem:s3+$0x30];
	(v2sf) =	vpush v20, $0x2  }
0xdb: {  	v26 =	vld [tilespmem:s16+$0x30];
	s16 =	smov.u32 s12;
	s12 =	sld [smem:$0x7F4];
	v11 =	vadd.f32 v59, v11;
	v16 =	vadd.f32 v19, v23  }
0xdc: {  	v60 =	vadd.f32 v13, v12;
	(v2sf) =	vpush v20, $0x3;
	v23 =	vld [tilespmem:s11+$0x30];
	s11 =	sld [smem:$0x7F3]  }
0xdd: {  	v22 =	vld [tilespmem:s15+$0x10];
	(v2sf) =	vpush v20, $0x4;
	v11 =	vadd.f32 v16, v11  }
0xde: {  	(v2sf) =	vpush v20, $0x5;
	v12 =	vadd.f32 v53, v21;
	v21 =	vld [tilespmem:s12+$0x30]  }
0xdf: {  	v15 =	vadd.f32 v15, v35;
	(v2sf) =	vpush v20, $0x6;
	v28 =	vld [tilespmem:s11+$0x30];
	[tilespmem:s6+$0x20] =	vst v11  }
0xe0: {  	v13 =	vadd.f32 v58, v56;
	(v2sf) =	vpush v20, $0x7;
	v11 =	vld [tilespmem:s26+$0x30]  }
0xe1: {  	(v2sf) =	vpush v20, $0x8;
	v15 =	vadd.f32 v12, v15;
	v12 =	vld [tilespmem:s24+$0x30]  }
0xe2: {  	v16 =	vadd.f32 v17, v22;
	v17 =	vadd.f32 v60, v14;
	v14 =	vld [tilespmem:s22+$0x30]  }
0xe3: {  	(v2sf) =	vpush v20, $0x9;
	v18 =	vld [tilespmem:s31+$0x30]  }
0xe4: {  	(v2sf) =	vpush v20, $0xA;
	v16 =	vadd.f32 v16, v13;
	v19 =	vld [tilespmem:s17+$0x30]  }
0xe5: {  	(v2sf) =	vpush v20, $0xB;
	v31 =	vld [tilespmem:s10+$0x30]  }
0xe6: {  	(v2sf) =	vpush v20, $0xC;
	v61 =	vadd.f32 v16, v15;
	v15 =	vld [tilespmem:s20+$0x30]  }
0xe7: {  	v16 =	vld [tilespmem:s21+$0x30];
	(v2sf) =	vpush v20, $0xD  }
0xe8: {  	(v2sf) =	vpush v20, $0xE;
	v62 =	vadd.f32 v61, v17;
	v17 =	vld [tilespmem:s18+$0x30]  }
0xe9: {  	s26 =	spop (v2sf);
	(v2sf) =	vpush v20, $0xF;
	v20 =	vld [tilespmem:s13+$0x30]  }
0xea: {  	s3 =	simm.s32 $0x8080;
	v63 =	vld [tilespmem:s26+$0x0];
	s21 =	spop (v2sf)  }
0xeb: {  	[tilespmem:s3+$0xFFFFFF90] =	vst v62;
	v48 =	vld [tilespmem:s21+$0x0]  }
0xec: {  	v22 =	vld [tilespmem:s2+$0x20]  }
0xed: {  	s12 =	spop (v2sf);
	v24 =	vld [tilespmem:s8+$0x20]  }
0xee: {  	s11 =	smov.u32 s4;
	v49 =	vld [tilespmem:s12+$0x0];
	s4 =	spop (v2sf)  }
0xef: {  	s31 =	smov.u32 s2;
	s2 =	smov.u32 s15;
	v50 =	vld [tilespmem:s4+$0x0];
	s15 =	spop (v2sf)  }
0xf0: {  	v51 =	vld [tilespmem:s15+$0x0];
	s13 =	spop (v2sf)  }
0xf1: {  	v52 =	vld [tilespmem:s13+$0x0];
	s17 =	spop (v2sf)  }
0xf2: {  	s0 =	smov.u32 s29;
	v36 =	vld [tilespmem:s17+$0x0];
	s29 =	spop (v2sf)  }
0xf3: {  	v37 =	vld [tilespmem:s29+$0x0];
	s22 =	spop (v2sf)  }
0xf4: {  	v38 =	vld [tilespmem:s22+$0x0];
	s18 =	spop (v2sf)  }
0xf5: {  	v39 =	vld [tilespmem:s18+$0x0];
	s24 =	spop (v2sf)  }
0xf6: {  	s6 =	smov.u32 s14;
	s14 =	smov.u32 s1;
	v40 =	vld [tilespmem:s24+$0x0];
	s1 =	spop (v2sf)  }
0xf7: {  	v41 =	vld [tilespmem:s1+$0x0];
	s10 =	spop (v2sf)  }
0xf8: {  	v42 =	vld [tilespmem:s10+$0x0];
	s8 =	spop (v2sf)  }
0xf9: {  	v43 =	vld [tilespmem:s8+$0x0];
	s3 =	spop (v2sf)  }
0xfa: {  	v44 =	vld [tilespmem:s3+$0x0];
	s20 =	spop (v2sf)  }
0xfb: {  	v45 =	vld [tilespmem:s20+$0x0]  }
0xfc: {  	v13 =	vld [tilespmem:s23+$0x30]  }
0xfd: {  	v27 =	vld [tilespmem:s9+$0x20];
	v29 =	vadd.f32 v48, v63;
	v53 =	vadd.f32 v50, v49  }
0xfe: {  	v46 =	vld [tilespmem:s19+$0x20];
	v55 =	vadd.f32 v52, v51;
	v56 =	vadd.f32 v37, v36;
	[dreg:$0x15] =	wrdreg s25  }
0xff: {  	v58 =	vadd.f32 v39, v38;
	v54 =	vld [tilespmem:s25+$0x20];
	v59 =	vadd.f32 v41, v40  }
0x100: {  	v57 =	vld [tilespmem:s30+$0x20];
	v61 =	vadd.f32 v43, v42;
	v62 =	vadd.f32 v45, v44  }
0x101: {  	v29 =	vadd.f32 v53, v29;
	v60 =	vld [tilespmem:s0+$0x20];
	v47 =	vadd.f32 v59, v58  }
0x102: {  	v63 =	vld [tilespmem:s11+$0x20];
	[dreg:$0x18] =	wrdreg s5;
	v44 =	vadd.f32 v56, v55;
	v49 =	vadd.f32 v62, v61  }
0x103: {  	v45 =	vld [tilespmem:s5+$0x20];
	[dreg:$0x16] =	wrdreg s7  }
0x104: {  	v48 =	vld [tilespmem:s7+$0x20];
	[dreg:$0x7] =	wrdreg s28;
	v29 =	vadd.f32 v44, v29;
	v34 =	vadd.f32 v49, v47  }
0x105: {  	s7 =	smov.u32 s17;
	s17 =	rddreg [dreg:$0x2];
	v50 =	vld [tilespmem:s28+$0x20]  }
0x106: {  	v51 =	vld [tilespmem:s17+$0x20];
	[dreg:$0x3] =	wrdreg s16;
	v29 =	vadd.f32 v34, v29  }
0x107: {  	s25 =	simm.s32 $0x8180;
	v52 =	vld [tilespmem:s16+$0x20]  }
0x108: {  	v0 =	vadd.f32 v1, v0;
	v1 =	vadd.f32 v3, v2;
	v53 =	vld [tilespmem:s14+$0x20];
	[tilespmem:s25+$0xFFFFFF80] =	vst v29  }
0x109: {  	v2 =	vld [tilespmem:s2+$0x20];
	[dreg:$0x6] =	wrdreg s6  }
0x10a: {  	v3 =	vadd.f32 v5, v4;
	v0 =	vadd.f32 v1, v0;
	v5 =	vld [tilespmem:s6+$0x20]  }
0x10b: {  	v4 =	vadd.f32 v8, v6;
	v6 =	vadd.f32 v9, v7;
	v8 =	vld [tilespmem:s26+$0x10]  }
0x10c: {  	v7 =	vadd.f32 v25, v10;
	v10 =	vadd.f32 v21, v28;
	v21 =	vld [tilespmem:s21+$0x10]  }
0x10d: {  	v1 =	vadd.f32 v4, v3;
	v9 =	vadd.f32 v26, v23;
	s14 =	smov.u32 s4;
	v3 =	vld [tilespmem:s12+$0x10]  }
0x10e: {  	v23 =	vld [tilespmem:s14+$0x10]  }
0x10f: {  	v6 =	vadd.f32 v7, v6;
	v7 =	vadd.f32 v10, v9;
	v56 =	vld [tilespmem:s15+$0x10]  }
0x110: {  	v4 =	vadd.f32 v24, v22;
	v22 =	vadd.f32 v46, v27;
	v29 =	vld [tilespmem:s13+$0x10]  }
0x111: {  	v54 =	vadd.f32 v57, v54;
	v55 =	vadd.f32 v63, v60;
	v60 =	vld [tilespmem:s29+$0x10]  }
0x112: {  	v57 =	vadd.f32 v48, v45;
	v58 =	vadd.f32 v51, v50;
	v62 =	vld [tilespmem:s22+$0x10]  }
0x113: {  	v59 =	vadd.f32 v53, v52;
	s5 =	sld [smem:$0x7F5];
	v9 =	vld [tilespmem:s18+$0x10];
	v2 =	vadd.f32 v5, v2  }
0x114: {  	v4 =	vadd.f32 v22, v4;
	v22 =	vadd.f32 v55, v54;
	v10 =	vld [tilespmem:s24+$0x10];
	s6 =	sld [smem:$0x7F6]  }
0x115: {  	v61 =	vadd.f32 v58, v57;
	v5 =	vld [tilespmem:s7+$0x10];
	[dreg:$0x12] =	wrdreg s1;
	v2 =	vadd.f32 v2, v59  }
0x116: {  	v4 =	vadd.f32 v22, v4;
	v22 =	vadd.f32 v1, v0;
	s16 =	sld [smem:$0x7F7];
	v0 =	vld [tilespmem:s1+$0x10]  }
0x117: {  	s2 =	smov.u32 s21;
	s21 =	sld [smem:$0x7F9];
	v63 =	vld [tilespmem:s5+$0x30];
	v2 =	vadd.f32 v2, v61  }
0x118: {  	v6 =	vadd.f32 v7, v6;
	s17 =	sld [smem:$0x7F8];
	v7 =	vadd.f32 v21, v8;
	v1 =	vld [tilespmem:s6+$0x30]  }
0x119: {  	v8 =	vadd.f32 v23, v3;
	v3 =	vld [tilespmem:s16+$0x30];
	v2 =	vadd.f32 v2, v4  }
0x11a: {  	s28 =	smov.u32 s22;
	s22 =	simm.s32 $0x8080;
	v21 =	vadd.f32 v29, v56;
	v23 =	vadd.f32 v60, v5;
	v5 =	vld [tilespmem:s21+$0x30]  }
0x11b: {  	v7 =	vadd.f32 v8, v7;
	v8 =	vadd.f32 v9, v62;
	v4 =	vld [tilespmem:s17+$0x30];
	[tilespmem:s22+$0xFFFFFFA0] =	vst v2  }
0x11c: {  	v9 =	vadd.f32 v0, v10;
	v2 =	vadd.f32 v23, v21;
	v0 =	vld [tilespmem:s31+$0x30];
	[dreg:$0x11] =	wrdreg s10  }
0x11d: {  	v10 =	vld [tilespmem:s10+$0x10];
	[dreg:$0x14] =	wrdreg s8  }
0x11e: {  	s23 =	simm.s32 $0x8080;
	v22 =	vadd.f32 v6, v22;
	v2 =	vadd.f32 v2, v7;
	v21 =	vld [tilespmem:s8+$0x10];
	[dreg:$0x13] =	wrdreg s3  }
0x11f: {  	v7 =	vadd.f32 v9, v8;
	v8 =	vadd.f32 v14, v13;
	v14 =	vld [tilespmem:s3+$0x10];
	[dreg:$0x9] =	wrdreg s23  }
0x120: {  	[tilespmem:s22+$0x30] =	vst v22  }
0x121: {  	v6 =	vadd.f32 v12, v11;
	s25 =	simm.s32 $0x2;
	[dreg:$0x1e] =	wrdreg s20  }
0x122: {  	v11 =	vadd.f32 v18, v17;
	s31 =	simm.s32 $0x8180;
	v9 =	vadd.f32 v16, v15;
	v15 =	vld [tilespmem:s20+$0x10];
	[dreg:$0xa] =	wrdreg s25  }
0x123: {  	s4 =	simm.s32 $0x8180;
	v12 =	vadd.f32 v20, v19;
	s5 =	simm.s32 $0xC280;
	v13 =	vadd.f32 v63, v31;
	[dreg:$0x8] =	wrdreg s31  }
.LBB2_2:
0x124: {  	_ = 	snop  }
0x125: {  	v16 =	vld [tilespmem:s5+$0x0]  }
0x126: {  	v1 =	vadd.f32 v3, v1  }
0x127: {  	v3 =	vadd.f32 v5, v4;
	v5 =	vadd.f32 v8, v6  }
0x128: {  	v4 =	vld [tilespmem:s5+$0xFFFFFF80];
	v6 =	vadd.f32 v11, v9;
	v8 =	vadd.f32 v13, v12  }
0x129: {  	v9 =	vadd.f32 v21, v10;
	v10 =	vadd.f32 v15, v14  }
0x12a: {  	s1 =	rddreg [dreg:$0x17];
	v11 =	vld [tilespmem:s9+$0x30];
	v1 =	vadd.f32 v3, v1;
	v5 =	vadd.f32 v6, v5;
	v6 =	vshll.u32 v16, $0x9  }
0x12b: {  	s3 =	smov.u32 s14;
	s14 =	rddreg [dreg:$0x15];
	v3 =	vld [tilespmem:s1+$0x30];
	v9 =	vadd.f32 v10, v9;
	v12 =	vshra.s32 v6, $0x2  }
0x12c: {  	v10 =	vld [tilespmem:s14+$0x30];
	v1 =	vadd.f32 v1, v8;
	(v2sf) =	vpush v12, $0x0  }
0x12d: {  	v8 =	vld [tilespmem:s19+$0x30];
	v4 =	vshll.u32 v4, $0x9;
	(v2sf) =	vpush v12, $0x1  }
0x12e: {  	v1 =	vadd.f32 v1, v5;
	v5 =	vld [tilespmem:s30+$0x30];
	v6 =	vshra.s32 v4, $0x2;
	v4 =	vadd.f32 v9, v7  }
0x12f: {  	v7 =	vld [tilespmem:s0+$0x30];
	(v2sf) =	vpush v12, $0x2  }
0x130: {  	s17 =	rddreg [dreg:$0x18];
	[tilespmem:s4+$0x30] =	vst v1;
	v1 =	vadd.f32 v3, v0;
	v3 =	vld [tilespmem:s11+$0x30];
	v0 =	vadd.f32 v4, v2  }
0x131: {  	s20 =	rddreg [dreg:$0x16];
	s1 =	smov.u32 s4;
	(v2sf) =	vpush v12, $0x3;
	v2 =	vld [tilespmem:s17+$0x30]  }
0x132: {  	(v2sf) =	vpush v12, $0x4;
	v4 =	vadd.f32 v8, v11;
	v8 =	vld [tilespmem:s20+$0x30];
	[tilespmem:s1+$0xFFFFFF90] =	vst v0  }
0x133: {  	s10 =	smov.u32 s2;
	(v2sf) =	vpush v12, $0x5;
	v9 =	vld [tilespmem:s26+$0x20]  }
0x134: {  	(v2sf) =	vpush v12, $0x6;
	v1 =	vadd.f32 v4, v1;
	v4 =	vld [tilespmem:s10+$0x20]  }
0x135: {  	s6 =	smov.u32 s15;
	s15 =	smov.u32 s7;
	v5 =	vadd.f32 v5, v10;
	(v2sf) =	vpush v12, $0x7;
	v10 =	vld [tilespmem:s3+$0x20]  }
0x136: {  	s9 =	smov.u32 s12;
	v11 =	vld [tilespmem:s15+$0x20];
	(v2sf) =	vpush v12, $0x8  }
0x137: {  	s16 =	smov.u32 s29;
	v3 =	vadd.f32 v3, v7;
	v7 =	vld [tilespmem:s9+$0x20];
	(v2sf) =	vpush v12, $0x9  }
0x138: {  	v13 =	vld [tilespmem:s16+$0x20];
	v2 =	vadd.f32 v8, v2;
	(v2sf) =	vpush v12, $0xA  }
0x139: {  	s8 =	smov.u32 s13;
	v8 =	vld [tilespmem:s6+$0x20];
	v3 =	vadd.f32 v3, v5;
	(v2sf) =	vpush v12, $0xB  }
0x13a: {  	s23 =	smov.u32 s24;
	v5 =	vld [tilespmem:s8+$0x20];
	v9 =	vadd.f32 v4, v9;
	(v2sf) =	vpush v12, $0xC  }
0x13b: {  	s19 =	smov.u32 s28;
	v4 =	vld [tilespmem:s23+$0x20];
	v1 =	vadd.f32 v3, v1;
	(v2sf) =	vpush v12, $0xD  }
0x13c: {  	s21 =	smov.u32 s18;
	v3 =	vadd.f32 v10, v7;
	v7 =	vld [tilespmem:s19+$0x20];
	(v2sf) =	vpush v12, $0xE  }
0x13d: {  	s22 =	rddreg [dreg:$0x7];
	v10 =	vld [tilespmem:s21+$0x20];
	s25 =	spop (v2sf);
	(v2sf) =	vpush v12, $0xF  }
0x13e: {  	[dreg:$0x7] =	wrdreg s23;
	v12 =	vld [tilespmem:s25+$0x0];
	s23 =	spop (v2sf)  }
0x13f: {  	[dreg:$0x18] =	wrdreg s19;
	(v2sf) =	vpush v6, $0x0;
	v3 =	vadd.f32 v3, v9;
	v9 =	vld [tilespmem:s23+$0x0];
	s19 =	spop (v2sf)  }
0x140: {  	v11 =	vadd.f32 v13, v11;
	(v2sf) =	vpush v6, $0x1;
	v13 =	vld [tilespmem:s19+$0x0];
	s29 =	spop (v2sf)  }
0x141: {  	v8 =	vadd.f32 v5, v8;
	(v2sf) =	vpush v6, $0x2;
	v14 =	vld [tilespmem:s29+$0x0];
	s18 =	spop (v2sf)  }
0x142: {  	(v2sf) =	vpush v6, $0x3;
	v5 =	vadd.f32 v10, v7;
	v7 =	vld [tilespmem:s18+$0x0];
	s30 =	spop (v2sf)  }
0x143: {  	v8 =	vadd.f32 v11, v8;
	(v2sf) =	vpush v6, $0x4;
	v10 =	vld [tilespmem:s30+$0x0];
	s2 =	spop (v2sf)  }
0x144: {  	[dreg:$0x10] =	wrdreg s26;
	(v2sf) =	vpush v6, $0x5;
	v11 =	vld [tilespmem:s2+$0x0];
	s26 =	spop (v2sf)  }
0x145: {  	v3 =	vadd.f32 v8, v3;
	(v2sf) =	vpush v6, $0x6;
	v8 =	vld [tilespmem:s26+$0x0];
	s17 =	spop (v2sf)  }
0x146: {  	(v2sf) =	vpush v6, $0x7;
	v15 =	vld [tilespmem:s17+$0x0];
	s13 =	spop (v2sf)  }
0x147: {  	[dreg:$0x16] =	wrdreg s21;
	(v2sf) =	vpush v6, $0x8;
	v16 =	vld [tilespmem:s13+$0x0];
	s21 =	spop (v2sf)  }
0x148: {  	[dreg:$0xb] =	wrdreg s9;
	(v2sf) =	vpush v6, $0x9;
	v17 =	vld [tilespmem:s21+$0x0];
	s9 =	spop (v2sf)  }
0x149: {  	(v2sf) =	vpush v6, $0xA;
	v18 =	vld [tilespmem:s9+$0x0];
	s14 =	spop (v2sf)  }
0x14a: {  	(v2sf) =	vpush v6, $0xB;
	v19 =	vld [tilespmem:s14+$0x0];
	s31 =	spop (v2sf)  }
0x14b: {  	[dreg:$0x17] =	wrdreg s10;
	v20 =	vld [tilespmem:s31+$0x0];
	s10 =	spop (v2sf)  }
0x14c: {  	[dreg:$0xf] =	wrdreg s16;
	(v2sf) =	vpush v6, $0xC;
	v21 =	vld [tilespmem:s10+$0x0];
	s16 =	spop (v2sf)  }
0x14d: {  	(v2sf) =	vpush v6, $0xD;
	v22 =	vld [tilespmem:s16+$0x0]  }
0x14e: {  	[dreg:$0x15] =	wrdreg s6;
	v0 =	vld [tilespmem:s22+$0x30];
	v9 =	vadd.f32 v9, v12;
	(v2sf) =	vpush v6, $0xE;
	s6 =	spop (v2sf)  }
0x14f: {  	v12 =	vadd.f32 v14, v13;
	(v2sf) =	vpush v6, $0xF;
	v6 =	vld [tilespmem:s6+$0x0];
	s7 =	spop (v2sf)  }
0x150: {  	[dreg:$0xd] =	wrdreg s8;
	v7 =	vadd.f32 v10, v7;
	v8 =	vadd.f32 v8, v11;
	v23 =	vld [tilespmem:s7+$0x0];
	s8 =	spop (v2sf)  }
0x151: {  	v11 =	vadd.f32 v16, v15;
	v14 =	vadd.f32 v18, v17;
	v13 =	vld [tilespmem:s8+$0x0];
	s11 =	spop (v2sf)  }
0x152: {  	[dreg:$0xe] =	wrdreg s15;
	v16 =	vadd.f32 v20, v19;
	v10 =	vld [tilespmem:s11+$0x0];
	s15 =	spop (v2sf);
	v17 =	vadd.f32 v22, v21  }
0x153: {  	v9 =	vadd.f32 v12, v9;
	v7 =	vadd.f32 v8, v7;
	v15 =	vld [tilespmem:s15+$0x0];
	s12 =	spop (v2sf)  }
0x154: {  	v11 =	vadd.f32 v14, v11;
	v57 =	vld [tilespmem:s12+$0x0];
	s20 =	spop (v2sf);
	v12 =	vadd.f32 v17, v16  }
0x155: {  	v8 =	vld [tilespmem:s20+$0x0];
	s22 =	spop (v2sf)  }
0x156: {  	v7 =	vadd.f32 v7, v9;
	v14 =	vld [tilespmem:s22+$0x0];
	s28 =	spop (v2sf);
	v9 =	vadd.f32 v12, v11  }
0x157: {  	v16 =	vld [tilespmem:s28+$0x0];
	s24 =	spop (v2sf)  }
0x158: {  	[smem:$0x7E7] =	sst s24;
	v11 =	vld [tilespmem:s24+$0x0];
	s24 =	spop (v2sf);
	v7 =	vadd.f32 v9, v7  }
0x159: {  	s1 =	sadd.s32 $0x100, s1;
	[dreg:$0x1a] =	wrdreg s7;
	v10 =	vadd.f32 v10, v13;
	v13 =	vld [tilespmem:s24+$0x0];
	s7 =	spop (v2sf)  }
0x15a: {  	v9 =	vld [tilespmem:s7+$0x0];
	[tilespmem:s1+$0x0] =	vst v7  }
0x15b: {  	v7 =	vld [tilespmem:s25+$0x10]  }
0x15c: {  	v8 =	vadd.f32 v14, v8;
	v14 =	vld [tilespmem:s19+$0x10]  }
0x15d: {  	v12 =	vadd.f32 v57, v15;
	v15 =	vld [tilespmem:s2+$0x10]  }
0x15e: {  	v17 =	vld [tilespmem:s17+$0x10]  }
0x15f: {  	v58 =	vld [tilespmem:s13+$0x10]  }
0x160: {  	v59 =	vld [tilespmem:s21+$0x10]  }
0x161: {  	v20 =	vld [tilespmem:s9+$0x10]  }
0x162: {  	[smem:$0x7EA] =	sst s5;
	v21 =	vld [tilespmem:s14+$0x10]  }
0x163: {  	[dreg:$0xc] =	wrdreg s3;
	v6 =	vadd.f32 v23, v6;
	v23 =	vld [tilespmem:s10+$0x10]  }
0x164: {  	[smem:$0x7E8] =	sst s25;
	v24 =	vld [tilespmem:s16+$0x10]  }
0x165: {  	[dreg:$0x19] =	wrdreg s6;
	v6 =	vadd.f32 v10, v6;
	v8 =	vadd.f32 v8, v12;
	v12 =	vld [tilespmem:s23+$0x10]  }
0x166: {  	[dreg:$0x1f] =	wrdreg s8;
	v11 =	vadd.f32 v11, v16;
	v16 =	vld [tilespmem:s26+$0x10]  }
0x167: {  	[dreg:$0x1b] =	wrdreg s11;
	v9 =	vadd.f32 v9, v13;
	v6 =	vadd.f32 v8, v6;
	v8 =	vld [tilespmem:s29+$0x10]  }
0x168: {  	s11 =	rddreg [dreg:$0x12];
	v13 =	vld [tilespmem:s18+$0x10]  }
0x169: {  	[smem:$0x7E6] =	sst s12;
	v9 =	vadd.f32 v9, v11;
	v11 =	vld [tilespmem:s30+$0x10]  }
0x16a: {  	[dreg:$0x1c] =	wrdreg s20;
	v22 =	vld [tilespmem:s31+$0x10]  }
0x16b: {  	s20 =	rddreg [dreg:$0x11];
	s5 =	spop (v2sf)  }
0x16c: {  	[dreg:$0x1d] =	wrdreg s22;
	v10 =	vld [tilespmem:s5+$0x0];
	s6 =	spop (v2sf);
	v60 =	vadd.f32 v24, v23;
	v7 =	vadd.f32 v12, v7  }
0x16d: {  	s22 =	rddreg [dreg:$0x13];
	s4 =	spop (v2sf);
	v25 =	vld [tilespmem:s6+$0x0];
	v8 =	vadd.f32 v8, v14;
	v14 =	vadd.f32 v58, v17  }
0x16e: {  	s0 =	smov.u32 s25;
	s25 =	rddreg [dreg:$0xa];
	s8 =	spop (v2sf);
	v26 =	vld [tilespmem:s4+$0x0];
	v11 =	vadd.f32 v11, v13;
	v13 =	vadd.f32 v16, v15  }
0x16f: {  	s12 =	smov.u32 s17;
	s17 =	smov.u32 s10;
	s10 =	rddreg [dreg:$0x14];
	v12 =	vld [tilespmem:s8+$0x0];
	v17 =	vadd.f32 v22, v21;
	v15 =	vadd.f32 v20, v59  }
0x170: {  	v61 =	vld [tilespmem:s20+$0x20];
	s3 =	sadd.s32 $0x2, s25;
	s25 =	rddreg [dreg:$0x1e];
	v7 =	vadd.f32 v8, v7;
	v8 =	vadd.f32 v13, v11  }
0x171: {  	[dreg:$0xa] =	wrdreg s3;
	v16 =	vld [tilespmem:s11+$0x20];
	v13 =	vadd.f32 v15, v14;
	v14 =	vadd.f32 v60, v17  }
0x172: {  	p0 =	slt.u32 s3, $0x7E;
	s3 =	rddreg [dreg:$0x2];
	v11 =	vld [tilespmem:s10+$0x20]  }
0x173: {  	v7 =	vadd.f32 v8, v7;
	v8 =	vadd.f32 v14, v13;
	v13 =	vld [tilespmem:s3+$0x30];
	s3 =	smov.u32 s11;
	s11 =	smov.u32 s7;
	s7 =	rddreg [dreg:$0x3]  }
0x174: {  	v10 =	vadd.f32 v25, v10;
	v12 =	vadd.f32 v12, v26;
	[dreg:$0x12] =	wrdreg s11  }
0x175: {  	v15 =	vld [tilespmem:s22+$0x20];
	s11 =	smov.u32 s20;
	s20 =	rddreg [dreg:$0x4]  }
0x176: {  	v10 =	vadd.f32 v12, v10;
	v12 =	vld [tilespmem:s7+$0x30];
	s7 =	rddreg [dreg:$0x5]  }
0x177: {  	v17 =	vld [tilespmem:s25+$0x20];
	v4 =	vadd.f32 v16, v4;
	[dreg:$0x3] =	wrdreg s11;
	s11 =	smov.u32 s5;
	s5 =	smov.u32 s10  }
0x178: {  	v7 =	vadd.f32 v8, v7;
	v8 =	vadd.f32 v11, v61;
	v11 =	vld [tilespmem:s20+$0x30];
	[dreg:$0x4] =	wrdreg s5  }
0x179: {  	v9 =	vadd.f32 v10, v9;
	v4 =	vadd.f32 v4, v5;
	v5 =	vld [tilespmem:s7+$0x30];
	s5 =	rddreg [dreg:$0x6]  }
0x17a: {  	[tilespmem:s1+$0x10] =	vst v7;
	v10 =	vld [tilespmem:s5+$0x30]  }
0x17b: {  	v6 =	vadd.f32 v9, v6;
	v9 =	vld [tilespmem:s0+$0x20]  }
0x17c: {  	v0 =	vadd.f32 v13, v0;
	v13 =	vld [tilespmem:s23+$0x20]  }
0x17d: {  	v7 =	vadd.f32 v17, v15;
	[tilespmem:s1+$0xFFFFFF80] =	vst v6;
	v6 =	vld [tilespmem:s19+$0x20]  }
0x17e: {  	v14 =	vld [tilespmem:s17+$0x20]  }
0x17f: {  	v15 =	vld [tilespmem:s16+$0x20];
	v7 =	vadd.f32 v7, v8  }
0x180: {  	v0 =	vadd.f32 v0, v2;
	v2 =	vld [tilespmem:s29+$0x20]  }
0x181: {  	v4 =	vadd.f32 v7, v4;
	v7 =	vld [tilespmem:s18+$0x20]  }
0x182: {  	v8 =	vadd.f32 v11, v12;
	v11 =	vld [tilespmem:s21+$0x20];
	v5 =	vadd.f32 v10, v5  }
0x183: {  	[smem:$0x7E9] =	sst s23;
	v12 =	vld [tilespmem:s14+$0x20]  }
0x184: {  	[dreg:$0x2] =	wrdreg s3;
	s3 =	smov.u32 s22;
	v10 =	vld [tilespmem:s30+$0x20];
	v5 =	vadd.f32 v5, v8  }
0x185: {  	[dreg:$0x5] =	wrdreg s3;
	v3 =	vadd.f32 v4, v3;
	v4 =	vld [tilespmem:s2+$0x20]  }
0x186: {  	s7 =	rddreg [dreg:$0x8];
	v8 =	vld [tilespmem:s26+$0x20];
	v0 =	vadd.f32 v5, v0  }
0x187: {  	s10 =	rddreg [dreg:$0x19];
	s20 =	smov.u32 s6;
	s6 =	smov.u32 s25;
	[tilespmem:s7+$0xFFFFFFA0] =	vst v3;
	v3 =	vld [tilespmem:s12+$0x20]  }
0x188: {  	[dreg:$0x6] =	wrdreg s6;
	s5 =	smov.u32 s2;
	s23 =	smov.u32 s19;
	v5 =	vld [tilespmem:s13+$0x20];
	v0 =	vadd.f32 v0, v1  }
0x189: {  	s19 =	smov.u32 s18;
	s18 =	rddreg [dreg:$0x9];
	s2 =	smov.u32 s7;
	v1 =	vld [tilespmem:s9+$0x20]  }
0x18a: {  	[dreg:$0x9] =	wrdreg s2;
	[tilespmem:s18+$0xFFFFFFB0] =	vst v0;
	v0 =	vld [tilespmem:s31+$0x20]  }
0x18b: {  	s2 =	rddreg [dreg:$0x1a];
	v16 =	vld [tilespmem:s10+$0x10]  }
0x18c: {  	s3 =	smov.u32 s8;
	s25 =	smov.u32 s12;
	s12 =	rddreg [dreg:$0x1f];
	v17 =	vld [tilespmem:s2+$0x10]  }
0x18d: {  	s8 =	smov.u32 s14;
	s14 =	rddreg [dreg:$0x1b];
	s7 =	smov.u32 s1;
	v2 =	vadd.f32 v2, v6;
	v6 =	vld [tilespmem:s12+$0x10]  }
0x18e: {  	[dreg:$0x8] =	wrdreg s7;
	v7 =	vadd.f32 v10, v7;
	v4 =	vadd.f32 v8, v4;
	v8 =	vld [tilespmem:s14+$0x10]  }
0x18f: {  	v9 =	vadd.f32 v13, v9;
	s7 =	rddreg [dreg:$0x1c];
	v3 =	vadd.f32 v5, v3;
	v5 =	vld [tilespmem:s15+$0x10]  }
0x190: {  	s6 =	smov.u32 s29;
	s29 =	rddreg [dreg:$0x1d];
	v4 =	vadd.f32 v4, v7;
	v7 =	vld [tilespmem:s7+$0x10]  }
0x191: {  	v10 =	vadd.f32 v15, v14;
	v2 =	vadd.f32 v2, v9;
	v9 =	vld [tilespmem:s29+$0x10]  }
0x192: {  	s22 =	smov.u32 s4;
	s0 =	smov.u32 s13;
	s13 =	sld [smem:$0x7E6];
	v21 =	vld [tilespmem:s20+$0x10];
	v1 =	vadd.f32 v1, v11;
	v0 =	vadd.f32 v0, v12  }
0x193: {  	s18 =	sld [smem:$0x7E7];
	v14 =	vld [tilespmem:s22+$0x10]  }
0x194: {  	v15 =	vld [tilespmem:s3+$0x10];
	v1 =	vadd.f32 v1, v3;
	v0 =	vadd.f32 v10, v0  }
0x195: {  	v11 =	vld [tilespmem:s13+$0x10]  }
0x196: {  	v2 =	vadd.f32 v4, v2;
	v4 =	vld [tilespmem:s18+$0x10];
	v0 =	vadd.f32 v0, v1  }
0x197: {  	[dreg:$0x11] =	wrdreg s11;
	v12 =	vld [tilespmem:s28+$0x10]  }
0x198: {  	v10 =	vld [tilespmem:s11+$0x10];
	s11 =	sld [smem:$0x7E8];
	v0 =	vadd.f32 v0, v2  }
0x199: {  	s4 =	rddreg [dreg:$0x12];
	v1 =	vadd.f32 v8, v6;
	v6 =	vld [tilespmem:s24+$0x10]  }
0x19a: {  	v3 =	vadd.f32 v17, v16;
	v2 =	vld [tilespmem:s4+$0x10];
	[tilespmem:s1+$0x20] =	vst v0  }
0x19b: {  	v0 =	vld [tilespmem:s11+$0x30]  }
0x19c: {  	v1 =	vadd.f32 v1, v3;
	v3 =	vadd.f32 v9, v7;
	v9 =	vld [tilespmem:s23+$0x30]  }
0x19d: {  	v5 =	vadd.f32 v11, v5;
	v11 =	vld [tilespmem:s6+$0x30]  }
0x19e: {  	v4 =	vadd.f32 v4, v12;
	v12 =	vld [tilespmem:s19+$0x30]  }
0x19f: {  	v13 =	vld [tilespmem:s30+$0x30]  }
0x1a0: {  	v16 =	vld [tilespmem:s5+$0x30]  }
0x1a1: {  	s11 =	sld [smem:$0x7E9];
	v17 =	vld [tilespmem:s26+$0x30]  }
0x1a2: {  	[dreg:$0x13] =	wrdreg s22;
	v62 =	vld [tilespmem:s25+$0x30]  }
0x1a3: {  	[dreg:$0x1e] =	wrdreg s3;
	v63 =	vld [tilespmem:s0+$0x30]  }
0x1a4: {  	[dreg:$0x14] =	wrdreg s20;
	v8 =	vld [tilespmem:s11+$0x30]  }
0x1a5: {  	v3 =	vadd.f32 v3, v5;
	s23 =	sld [smem:$0x7EA];
	v20 =	vld [tilespmem:s21+$0x30]  }
0x1a6: {  	v22 =	vld [tilespmem:s9+$0x30];
	s9 =	rddreg [dreg:$0xb];
	v5 =	vadd.f32 v2, v6  }
.Ltmp0:
0x1a7: {  	s19 =	rddreg [dreg:$0xc];
	v2 =	vadd.f32 v3, v1;
	v1 =	vld [tilespmem:s8+$0x30];
	(pc) =	sbr.rel @p0 .LBB2_2-.Ltmp0, $4  }
0x1a8: {  	s30 =	rddreg [dreg:$0xd];
	v3 =	vld [tilespmem:s31+$0x30];
	v7 =	vadd.f32 v5, v4  }
0x1a9: {  	s0 =	rddreg [dreg:$0xe];
	v4 =	vld [tilespmem:s17+$0x30];
	v6 =	vadd.f32 v8, v0;
	v8 =	vadd.f32 v11, v9  }
0x1aa: {  	s4 =	smov.u32 s1;
	s31 =	rddreg [dreg:$0x10];
	v5 =	vld [tilespmem:s16+$0x30];
	v9 =	vadd.f32 v13, v12;
	v11 =	vadd.f32 v17, v16  }
0x1ab: {  	s26 =	smov.u32 s10;
	s11 =	rddreg [dreg:$0xf];
	s5 =	sadd.s32 $0x100, s23;
	v12 =	vadd.f32 v63, v62;
	v13 =	vadd.f32 v22, v20;
	v0 =	vld [tilespmem:s31+$0x30]  }
0x1ac: {  	v10 =	vadd.f32 v21, v10;
	v14 =	vadd.f32 v15, v14;
	_ =	sdelay $0x1  }
0x1ad: {  	v10 =	vadd.f32 v14, v10;
	_ =	sdelay $0x1  }
0x1ae: {  	v7 =	vadd.f32 v10, v7;
	_ =	sdelay $0x1  }
0x1af: {  	v2 =	vadd.f32 v7, v2  }
0x1b0: {  	v29 =	vld [tilespmem:s19+$0x30]  }
0x1b1: {  	s1 =	rddreg [dreg:$0x17];
	v15 =	vld [tilespmem:s30+$0x30];
	[tilespmem:s4+$0xFFFFFF90] =	vst v2  }
0x1b2: {  	v2 =	vld [tilespmem:s26+$0x20]  }
0x1b3: {  	v40 =	vld [tilespmem:s2+$0x20]  }
0x1b4: {  	v41 =	vld [tilespmem:s12+$0x20]  }
0x1b5: {  	v16 =	vld [tilespmem:s14+$0x20]  }
0x1b6: {  	v17 =	vld [tilespmem:s15+$0x20]  }
0x1b7: {  	v18 =	vld [tilespmem:s13+$0x20]  }
0x1b8: {  	v19 =	vld [tilespmem:s7+$0x20]  }
0x1b9: {  	v20 =	vld [tilespmem:s29+$0x20]  }
0x1ba: {  	v42 =	vld [tilespmem:s28+$0x20]  }
0x1bb: {  	v22 =	vld [tilespmem:s18+$0x20]  }
0x1bc: {  	v23 =	vld [tilespmem:s24+$0x20];
	s8 =	rddreg [dreg:$0x12]  }
0x1bd: {  	s3 =	rddreg [dreg:$0x11];
	v24 =	vld [tilespmem:s8+$0x20]  }
0x1be: {  	s10 =	rddreg [dreg:$0x14];
	v25 =	vld [tilespmem:s3+$0x20]  }
0x1bf: {  	s6 =	rddreg [dreg:$0x13];
	v26 =	vld [tilespmem:s10+$0x20]  }
0x1c0: {  	s21 =	rddreg [dreg:$0x1e];
	v27 =	vld [tilespmem:s6+$0x20]  }
0x1c1: {  	v28 =	vld [tilespmem:s21+$0x20]  }
0x1c2: {  	v21 =	vld [tilespmem:s11+$0x30]  }
0x1c3: {  	v10 =	vld [tilespmem:s9+$0x30];
	v2 =	vadd.f32 v40, v2;
	v43 =	vadd.f32 v16, v41  }
0x1c4: {  	v7 =	vld [tilespmem:s1+$0x30];
	s5 =	rddreg [dreg:$0x15];
	v44 =	vadd.f32 v18, v17;
	v45 =	vadd.f32 v20, v19  }
0x1c5: {  	s9 =	rddreg [dreg:$0x18];
	v30 =	vld [tilespmem:s5+$0x30];
	v46 =	vadd.f32 v22, v42;
	v47 =	vadd.f32 v24, v23  }
0x1c6: {  	s11 =	rddreg [dreg:$0x16];
	v50 =	vld [tilespmem:s9+$0x30];
	v48 =	vadd.f32 v26, v25;
	v49 =	vadd.f32 v28, v27  }
0x1c7: {  	s16 =	rddreg [dreg:$0x7];
	v52 =	vld [tilespmem:s11+$0x30];
	v2 =	vadd.f32 v43, v2;
	v51 =	vadd.f32 v45, v44  }
0x1c8: {  	s17 =	rddreg [dreg:$0x2];
	v55 =	vld [tilespmem:s16+$0x30];
	v53 =	vadd.f32 v47, v46;
	v54 =	vadd.f32 v49, v48  }
0x1c9: {  	s19 =	rddreg [dreg:$0x3];
	v56 =	vld [tilespmem:s17+$0x30]  }
0x1ca: {  	s20 =	rddreg [dreg:$0x4];
	v58 =	vld [tilespmem:s19+$0x30];
	v2 =	vadd.f32 v51, v2;
	v57 =	vadd.f32 v54, v53  }
0x1cb: {  	s22 =	rddreg [dreg:$0x5];
	v59 =	vld [tilespmem:s20+$0x30]  }
0x1cc: {  	s23 =	rddreg [dreg:$0x6];
	v60 =	vld [tilespmem:s22+$0x30];
	v2 =	vadd.f32 v57, v2  }
0x1cd: {  	s25 =	rddreg [dreg:$0x8];
	v61 =	vld [tilespmem:s23+$0x30]  }
0x1ce: {  	v18 =	vld [tilespmem:s0+$0x30];
	[tilespmem:s25+$0xFFFFFFA0] =	vst v2  }
0x1cf: {  	v2 =	vld [tilespmem:s26+$0x30]  }
0x1d0: {  	v62 =	vld [tilespmem:s2+$0x30]  }
0x1d1: {  	v63 =	vld [tilespmem:s12+$0x30]  }
0x1d2: {  	v32 =	vld [tilespmem:s14+$0x30]  }
0x1d3: {  	v1 =	vadd.f32 v3, v1;
	v34 =	vadd.f32 v5, v4;
	v33 =	vld [tilespmem:s15+$0x30]  }
0x1d4: {  	v36 =	vadd.f32 v8, v6;
	v37 =	vadd.f32 v11, v9;
	v35 =	vld [tilespmem:s13+$0x30]  }
0x1d5: {  	v39 =	vadd.f32 v13, v12;
	v1 =	vadd.f32 v34, v1;
	v38 =	vld [tilespmem:s7+$0x30]  }
0x1d6: {  	v40 =	vld [tilespmem:s29+$0x30]  }
0x1d7: {  	v5 =	vadd.f32 v37, v36;
	v1 =	vadd.f32 v1, v39;
	v41 =	vld [tilespmem:s28+$0x30]  }
0x1d8: {  	v42 =	vld [tilespmem:s18+$0x30]  }
0x1d9: {  	v1 =	vadd.f32 v1, v5;
	v43 =	vld [tilespmem:s24+$0x30]  }
0x1da: {  	v0 =	vadd.f32 v7, v0;
	v16 =	vadd.f32 v52, v50;
	v44 =	vld [tilespmem:s8+$0x30]  }
0x1db: {  	v50 =	vadd.f32 v56, v55;
	v17 =	vadd.f32 v59, v58;
	v46 =	vld [tilespmem:s3+$0x30]  }
0x1dc: {  	v14 =	vadd.f32 v61, v60;
	v45 =	vadd.f32 v29, v10;
	v49 =	vld [tilespmem:s10+$0x30]  }
0x1dd: {  	v47 =	vadd.f32 v15, v30;
	v48 =	vadd.f32 v21, v18;
	v51 =	vld [tilespmem:s6+$0x30]  }
0x1de: {  	v55 =	vadd.f32 v14, v17;
	v0 =	vadd.f32 v45, v0;
	v52 =	vld [tilespmem:s21+$0x30]  }
0x1df: {  	v54 =	vadd.f32 v50, v16;
	v53 =	vadd.f32 v48, v47  }
0x1e0: {  	v2 =	vadd.f32 v62, v2;
	v56 =	vadd.f32 v32, v63  }
0x1e1: {  	v4 =	vadd.f32 v35, v33;
	v3 =	vadd.f32 v40, v38  }
0x1e2: {  	v6 =	vadd.f32 v42, v41;
	v5 =	vadd.f32 v44, v43  }
0x1e3: {  	v57 =	vadd.f32 v49, v46;
	v58 =	vadd.f32 v52, v51  }
0x1e4: {  	v2 =	vadd.f32 v56, v2;
	v3 =	vadd.f32 v3, v4  }
0x1e5: {  	v59 =	vadd.f32 v5, v6;
	v60 =	vadd.f32 v58, v57  }
0x1e6: {  	v61 =	vadd.f32 v55, v54;
	v0 =	vadd.f32 v53, v0  }
0x1e7: {  	v2 =	vadd.f32 v3, v2;
	v62 =	vadd.f32 v60, v59  }
0x1e8: {  	[tilespmem:s4+$0x30] =	vst v1;
	v0 =	vadd.f32 v61, v0  }
0x1e9: {  	s28 =	rddreg [dreg:$0x9];
	v63 =	vadd.f32 v62, v2  }
0x1ea: {  	[tilespmem:s28+$0xFFFFFFB0] =	vst v0  }
0x1eb: {  	[tilespmem:s25+$0xFFFFFFB0] =	vst v63  }
0x1ec: {  	s0 =	sld [smem:$0x7FC];
	_ =	sdelay $0x1  }
0x1ed: {  	s5 =	simm.s32 $0x0;
	s29 =	simm.s32 $0x8000;
	s6 =	simm.s32 $0x1  }
0x1ee: {  	[hbm4b:s0+s5] =	stream.linear.scatter [tilespmem:s29], [sflag:$0x1], $0x4000, $0x38;
	[tilespmem:$0x10000] =	vst v63  }
0x1ef: {  	_ =	swait.ge [sflag:s6], $0x4000  }
0x1f0: {  	s30 =	sld [smem:$0x7EB]  }
0x1f1: {  	s31 =	sld [smem:$0x7FD];
	_ =	sdelay $0x1  }
0x1f2: {  	s1 =	sadd.s32 $0x1, s30  }
0x1f3: {  	p0 =	sne.s32 s1, s31  }
.Ltmp1:
0x1f4: {  	_ = 	snop;
	(pc) =	sbr.rel @p0 .LBB2_1-.Ltmp1, $3  }
0x1f5: {  	_ =	sdelay $0x1  }
0x1f6: {  	[sflag:s6] =	ssyncset.done $0x0  }
0x1f7: {  	[sflag:s6] =	ssyncadd.s32 $0xFFFFC000  }
0x1f8: {  	_ =	sfence.sel $0x180000  }
0x1f9: {  	[bflag:$0x0] =	sbarrier.arrive $0xFFFF  }
0x1fa: {  	_ =	strace $0x90000047  }
0x1fb: {  	s0 =	stileid.u32;
	[bflag:$0x2] =	sbarrier.arrive $0xFFFF  }
0x1fc: {  	p0 =	sne.s32 s0, $0x0;
	s0 =	rddreg [dreg:$0x1]  }
0x1fd: {  	s0 =	sadd.s32 @!p0 $0x100000, s0  }
0x1fe: {  	[sflag:s0] =	ssyncadd.tile.s32 @!p0 $0x1;
	_ =	shalt  }
.Lfunc_end2:
_tile_overlayer_lowered:
.L_overlay_start_2:
0x1ff: {  	(tag) =	ssettag $0x2  }
0x200: {  	s0 =	rddreg [dreg:$0x0];
	s2 =	stileid.u32  }
0x201: {  	s1 =	rddreg [dreg:$0x1];
	p0 =	sne.s32 s2, $0x0  }
0x202: {  	s3 =	rddreg [dreg:$0x2];
	[bflag:$0x3] =	sbarrier.arrive $0xFFFF;
	s2 =	simm.s32 @!p0 $0x1C01  }
0x203: {  	[timem:s3], [sflag:s2] =	dma.local @!p0 [hbm:s0], s1  }
0x204: {  	s0 =	simm.s32 @!p0 $0x1  }
0x205: {  	_ =	swait.ge @!p0 [sflag:s0], s1  }
0x206: {  	s1 =	ssub.s32 @!p0 $0x0, s1;
	[sflag:s0] =	ssyncset.done @!p0 $0x0  }
0x207: {  	[sflag:s0] =	ssyncadd.s32 @!p0 s1  }
0x208: {  	[bflag:$0x3] =	sbarrier.arrive $0xFFFF  }
0x209: {  	_ =	shalt  }

</sc_bundles>
